<compile_context>
chip_gen: v7x
topology: tpu7x:2x2x1
jax: 0.10.2.dev20260603
libtpu: 0.0.44.dev20260713+nightly
codegen_flags: <defaults>
</compile_context>

<pallas_src>
import functools
import numpy as np
import jax
import jax.numpy as jnp
from jax import lax
from jax.experimental import pallas as pl
from jax.experimental.pallas import tpu as pltpu
from jax.experimental.pallas import tpu_sc as plsc

D_MODEL = 256
N_ROWS = 16384
NW = 32
RPW = N_ROWS // NW
CHUNK = 128

_c = np.arange(128)
_FREQ = 1.0 / (10000.0 ** (2.0 * (_c // 2) / 128.0))
_PH = (_c % 2) * (np.pi / 2.0)
_PE = np.sin(np.arange(64)[:, None] * _FREQ[None, :] + _PH[None, :]).astype(np.float32)

_mesh = plsc.VectorSubcoreMesh(core_axis_name="c", subcore_axis_name="s")


@functools.partial(
    pl.kernel,
    mesh=_mesh,
    out_type=[jax.ShapeDtypeStruct((N_ROWS, D_MODEL), jnp.float32),
              jax.ShapeDtypeStruct((NW, D_MODEL), jnp.float32)],
    scratch_types=[
        pltpu.VMEM((256,), jnp.float32),
        pltpu.VMEM((RPW,), jnp.int32),
        pltpu.VMEM((RPW,), jnp.int32),
        pltpu.VMEM((RPW,), jnp.int32),
        pltpu.VMEM((RPW,), jnp.int32),
        pltpu.VMEM((RPW + 16,), jnp.float32),
        pltpu.VMEM((RPW + 16,), jnp.float32),
        pltpu.VMEM((CHUNK, 128), jnp.float32),
        pltpu.VMEM((CHUNK, 128), jnp.float32),
        pltpu.VMEM((CHUNK, 128), jnp.float32),
        pltpu.VMEM((CHUNK, 128), jnp.float32),
        pltpu.VMEM((CHUNK, D_MODEL), jnp.float32),
        pltpu.VMEM((1, D_MODEL), jnp.float32),
        pltpu.SemaphoreType.DMA,
    ],
)
def _sc_embed(g_hbm, r_hbm, t_hbm, q_hbm, pv_hbm, hp_hbm,
              gate_hbm, pe_hbm, roleb_hbm, pirow_hbm,
              out_hbm, psum_hbm,
              pirow_v, gb, rb, tb, qb, pvb, hpb,
              grow, trow, qrow, rrow, outbuf, psum_v, sem):
    wid = lax.axis_index("s") * 2 + lax.axis_index("c")
    base = wid * RPW

    pltpu.sync_copy(pirow_hbm, pirow_v)
    pltpu.sync_copy(g_hbm.at[pl.ds(base, RPW)], gb)
    pltpu.sync_copy(r_hbm.at[pl.ds(base, RPW)], rb)
    pltpu.sync_copy(t_hbm.at[pl.ds(base, RPW)], tb)
    pltpu.sync_copy(q_hbm.at[pl.ds(base, RPW)], qb)
    pltpu.sync_copy(pv_hbm.at[pl.ds(base, RPW)], pvb.at[pl.ds(0, RPW)])
    pltpu.sync_copy(hp_hbm.at[pl.ds(base, RPW)], hpb.at[pl.ds(0, RPW)])

    prow_k = [pirow_v[pl.ds(16 * k, 16)] for k in range(8)]
    irow_k = [pirow_v[pl.ds(128 + 16 * k, 16)] for k in range(8)]
    zero16 = jnp.zeros((16,), jnp.float32)

    acc = tuple([zero16] * 16)
    for c in range(RPW // CHUNK):
        o = c * CHUNK
        d1 = pltpu.async_copy(gate_hbm.at[gb.at[pl.ds(o, CHUNK)]], grow, sem)
        d2 = pltpu.async_copy(pe_hbm.at[tb.at[pl.ds(o, CHUNK)]], trow, sem)
        d3 = pltpu.async_copy(pe_hbm.at[qb.at[pl.ds(o, CHUNK)]], qrow, sem)
        d4 = pltpu.async_copy(roleb_hbm.at[rb.at[pl.ds(o, CHUNK)]], rrow, sem)
        d1.wait(); d2.wait(); d3.wait(); d4.wait()

        @plsc.parallel_loop(0, CHUNK, step=1, unroll=4)
        def rowloop(nloc):
            n = o + nloc
            pvf = jnp.full((16,), pvb[pl.ds(n, 16)][0], jnp.float32)
            hpf = jnp.full((16,), hpb[pl.ds(n, 16)][0], jnp.float32)
            for k in range(8):
                v = (grow[nloc, pl.ds(16 * k, 16)]
                     + trow[nloc, pl.ds(16 * k, 16)])
                outbuf[nloc, pl.ds(16 * k, 16)] = v
            for k in range(8):
                v = (rrow[nloc, pl.ds(16 * k, 16)]
                     + qrow[nloc, pl.ds(16 * k, 16)])
                if k >= 4:
                    v = v + pvf * prow_k[k]
                if k == 7:
                    v = v + hpf * irow_k[k]
                outbuf[nloc, pl.ds(128 + 16 * k, 16)] = v

        def sumbody(nloc, acc):
            return tuple(
                acc[k] + outbuf[nloc, pl.ds(16 * k, 16)] for k in range(16))

        acc = lax.fori_loop(0, CHUNK, sumbody, acc)
        pltpu.sync_copy(outbuf, out_hbm.at[pl.ds(base + o, CHUNK)])

    for k in range(16):
        psum_v[0, pl.ds(16 * k, 16)] = acc[k]
    pltpu.sync_copy(psum_v, psum_hbm.at[pl.ds(wid, 1)])


def kernel(gate_idx, role_idx, param_val, has_param, grid_positions,
           gate_table, role_table, W_param, b_param):
    roleb = jnp.zeros((4, 128), jnp.float32)
    roleb = roleb.at[:, 0:64].set(role_table)
    roleb = roleb.at[:, 64:127].set(jnp.broadcast_to(b_param[None, :], (4, 63)))
    pirow = jnp.zeros((256,), jnp.float32)
    pirow = pirow.at[64:127].set(W_param[0])
    pirow = pirow.at[255].set(1.0)

    node_embeddings, psum = _sc_embed(
        gate_idx.astype(jnp.int32),
        role_idx.astype(jnp.int32),
        grid_positions[:, 0].astype(jnp.int32),
        grid_positions[:, 1].astype(jnp.int32),
        param_val, has_param,
        gate_table, jnp.asarray(_PE), roleb, pirow)

    circuit_embedding = psum.sum(axis=0) * (1.0 / N_ROWS)
    return node_embeddings, circuit_embedding

# --- scband reference (transcript-rebuilt; emitter-appended) ---
"""Pipeline reference for scband-quantum-circuit-embedding-24189255811139 (READ-ONLY COPY).

The authoritative reference and input builder live on the scoring server;
editing this copy changes nothing except your own understanding.
"""

import jax, jax.numpy as jnp
import numpy as np

D_MODEL = 256
GATE_VOCAB = 64
N = 16384
GATE_DIM = D_MODEL // 2
ROLE_DIM = D_MODEL // 4
PARAM_DIM = D_MODEL // 4 - 1


def setup_inputs(seed: int = 0) -> dict:
    key = jax.random.key(seed)
    ks = jax.random.split(key, 8)
    gate_idx = jax.random.randint(ks[0], (N,), 0, GATE_VOCAB)
    role_idx = jax.random.randint(ks[1], (N,), 0, 4)
    param_val = jax.random.normal(ks[2], (N,), dtype=jnp.float32)
    has_param = jax.random.uniform(ks[3], (N,), dtype=jnp.float32)
    grid_positions = jax.random.randint(ks[4], (N, 2), 0, 64)
    gate_table = jax.random.normal(ks[5], (GATE_VOCAB, GATE_DIM), dtype=jnp.float32) * 0.02
    role_table = jax.random.normal(ks[6], (4, ROLE_DIM), dtype=jnp.float32) * 0.02
    W_param = jax.random.normal(ks[7], (1, PARAM_DIM), dtype=jnp.float32) * 0.02
    b_param = jnp.zeros((PARAM_DIM,), dtype=jnp.float32)
    return {
        'gate_idx': gate_idx,
        'role_idx': role_idx,
        'param_val': param_val,
        'has_param': has_param,
        'grid_positions': grid_positions,
        'gate_table': gate_table,
        'role_table': role_table,
        'W_param': W_param,
        'b_param': b_param,
    }


def _grid_pos_encoding(grid_positions):
    # Faithful port of RotaryPositionalEmbedding.apply_grid_positional_encoding.
    # Torch code writes time encoding into ALL interleaved dims (i in 0..time_dim-1
    # writes cols 2i, 2i+1 up to d_model-1), then overwrites cols [time_dim:] with
    # the qubit encoding. We reproduce the same final layout with in-order .at sets.
    t = grid_positions[:, 0].astype(jnp.float32)
    q = grid_positions[:, 1].astype(jnp.float32)
    n = grid_positions.shape[0]
    time_dim = D_MODEL // 2
    qubit_dim = D_MODEL - time_dim
    pe = jnp.zeros((n, D_MODEL), dtype=jnp.float32)
    it = jnp.arange(time_dim)
    freq_t = 1.0 / (10000.0 ** (2.0 * it / time_dim))
    pe = pe.at[:, 2 * it].set(jnp.sin(t[:, None] * freq_t[None, :]))
    pe = pe.at[:, 2 * it + 1].set(jnp.cos(t[:, None] * freq_t[None, :]))
    iq = jnp.arange(qubit_dim // 2)
    freq_q = 1.0 / (10000.0 ** (2.0 * iq / qubit_dim))
    pe = pe.at[:, time_dim + 2 * iq].set(jnp.sin(q[:, None] * freq_q[None, :]))
    cols = time_dim + 2 * iq + 1
    valid = cols < D_MODEL  # mirrors the bounds check in the torch loop
    cos_q = jnp.cos(q[:, None] * freq_q[None, :])
    pe = pe.at[:, cols].set(jnp.where(valid[None, :], cos_q, pe[:, cols]))
    return pe


def reference(gate_idx, role_idx, param_val, has_param, grid_positions, gate_table, role_table, W_param, b_param):
    # _embed_nodes, vectorized: gather gate / role embeddings, project param scalar
    gate_emb = jnp.take(gate_table, gate_idx, axis=0)            # [N, 128]
    role_emb = jnp.take(role_table, role_idx, axis=0)            # [N, 64]
    param_emb = param_val[:, None] @ W_param + b_param[None, :]  # [N, 63]
    indicator = has_param[:, None]                               # [N, 1]
    combined = jnp.concatenate([gate_emb, role_emb, param_emb, indicator], axis=-1)
    # total_dim == d_model -> dimension_adapter is Identity
    node_embeddings = combined + _grid_pos_encoding(grid_positions)
    circuit_embedding = jnp.mean(node_embeddings, axis=0)
    return node_embeddings, circuit_embedding

if __name__ == "__main__":
    import jax
    _d = setup_inputs()
    print(jax.jit(kernel)(*tuple(_d.values())))

</pallas_src>

<mosaic_0001>
#map = affine_map<(d0, d1) -> (0)>
#map1 = affine_map<(d0, d1) -> (0, 0)>
module attributes {stable_mosaic.version = 14 : i64} {
  func.func @_sc_embed(%arg0: i32, %arg1: i32, %arg2: memref<16384xi32, #tpu.memory_space<hbm>>, %arg3: memref<16384xi32, #tpu.memory_space<hbm>>, %arg4: memref<16384xi32, #tpu.memory_space<hbm>>, %arg5: memref<16384xi32, #tpu.memory_space<hbm>>, %arg6: memref<16384xf32, #tpu.memory_space<hbm>>, %arg7: memref<16384xf32, #tpu.memory_space<hbm>>, %arg8: memref<64x128xf32, #tpu.memory_space<hbm>>, %arg9: memref<64x128xf32, #tpu.memory_space<hbm>>, %arg10: memref<4x128xf32, #tpu.memory_space<hbm>>, %arg11: memref<256xf32, #tpu.memory_space<hbm>>, %arg12: memref<16384x256xf32, #tpu.memory_space<hbm>>, %arg13: memref<32x256xf32, #tpu.memory_space<hbm>>, %arg14: memref<256xf32, #tpu.memory_space<vmem>>, %arg15: memref<512xi32, #tpu.memory_space<vmem>>, %arg16: memref<512xi32, #tpu.memory_space<vmem>>, %arg17: memref<512xi32, #tpu.memory_space<vmem>>, %arg18: memref<512xi32, #tpu.memory_space<vmem>>, %arg19: memref<528xf32, #tpu.memory_space<vmem>>, %arg20: memref<528xf32, #tpu.memory_space<vmem>>, %arg21: memref<128x128xf32, #tpu.memory_space<vmem>>, %arg22: memref<128x128xf32, #tpu.memory_space<vmem>>, %arg23: memref<128x128xf32, #tpu.memory_space<vmem>>, %arg24: memref<128x128xf32, #tpu.memory_space<vmem>>, %arg25: memref<128x256xf32, #tpu.memory_space<vmem>>, %arg26: memref<1x256xf32, #tpu.memory_space<vmem>>, %arg27: memref<!tpu.dma_semaphore, #tpu.memory_space<semaphore_mem>>) attributes {dimension_semantics = [#tpu.dimension_semantics<core_parallel>, #tpu.dimension_semantics<subcore_parallel>], iteration_bounds = array<i64: 2, 16>, scalar_prefetch = 0 : i64, scratch_operands = 14 : i64, tpu.core_type = #tpu.core_type<sc_vector_subcore>, window_params = [{transform_indices = #map}, {transform_indices = #map}, {transform_indices = #map}, {transform_indices = #map}, {transform_indices = #map}, {transform_indices = #map}, {transform_indices = #map1}, {transform_indices = #map1}, {transform_indices = #map1}, {transform_indices = #map}, {transform_indices = #map1}, {transform_indices = #map1}]} {
    %mul3A = arith.constant 2 : i32
    %mul3A_0 = arith.muli %arg1, %mul3A : i32
    %add3A = arith.addi %mul3A_0, %arg0 : i32
    %mul3A_1 = arith.constant 512 : i32
    %mul3A_2 = arith.muli %add3A, %mul3A_1 : i32
    "tpu.region"() ({
      %run_scoped3A = tpu.sem_alloc : memref<!tpu.dma_semaphore, #tpu.memory_space<semaphore_mem>>
      tpu.enqueue_dma source(%arg11 : memref<256xf32, #tpu.memory_space<hbm>>) target(%arg14 : memref<256xf32, #tpu.memory_space<vmem>>) target_semaphore(%run_scoped3A : memref<!tpu.dma_semaphore, #tpu.memory_space<semaphore_mem>>)
      tpu.wait_dma2 semaphore(%run_scoped3A : memref<!tpu.dma_semaphore, #tpu.memory_space<semaphore_mem>>) src(%arg11 : memref<256xf32, #tpu.memory_space<hbm>>) dst(%arg14 : memref<256xf32, #tpu.memory_space<vmem>>)
      tpu.yield
    }) : () -> ()
    "tpu.region"() ({
      %run_scoped3A = tpu.sem_alloc : memref<!tpu.dma_semaphore, #tpu.memory_space<semaphore_mem>>
      %dma_start3A_346 = tpu.memref_slice %arg2[%mul3A_2] : memref<16384xi32, #tpu.memory_space<hbm>> -> memref<512xi32, #tpu.memory_space<hbm>>
      %dma_start3A_347 = tpu.memref_slice %arg2[%mul3A_2] : memref<16384xi32, #tpu.memory_space<hbm>> -> memref<512xi32, #tpu.memory_space<hbm>>
      tpu.enqueue_dma source(%dma_start3A_347 : memref<512xi32, #tpu.memory_space<hbm>>) target(%arg15 : memref<512xi32, #tpu.memory_space<vmem>>) target_semaphore(%run_scoped3A : memref<!tpu.dma_semaphore, #tpu.memory_space<semaphore_mem>>)
      %dma_wait3A_348 = tpu.memref_slice %arg2[%mul3A_2] : memref<16384xi32, #tpu.memory_space<hbm>> -> memref<512xi32, #tpu.memory_space<hbm>>
      %dma_wait3A_349 = tpu.memref_slice %arg2[%mul3A_2] : memref<16384xi32, #tpu.memory_space<hbm>> -> memref<512xi32, #tpu.memory_space<hbm>>
      tpu.wait_dma2 semaphore(%run_scoped3A : memref<!tpu.dma_semaphore, #tpu.memory_space<semaphore_mem>>) src(%dma_wait3A_349 : memref<512xi32, #tpu.memory_space<hbm>>) dst(%arg15 : memref<512xi32, #tpu.memory_space<vmem>>)
      tpu.yield
    }) : () -> ()
    "tpu.region"() ({
      %run_scoped3A = tpu.sem_alloc : memref<!tpu.dma_semaphore, #tpu.memory_space<semaphore_mem>>
      %dma_start3A_346 = tpu.memref_slice %arg3[%mul3A_2] : memref<16384xi32, #tpu.memory_space<hbm>> -> memref<512xi32, #tpu.memory_space<hbm>>
      %dma_start3A_347 = tpu.memref_slice %arg3[%mul3A_2] : memref<16384xi32, #tpu.memory_space<hbm>> -> memref<512xi32, #tpu.memory_space<hbm>>
      tpu.enqueue_dma source(%dma_start3A_347 : memref<512xi32, #tpu.memory_space<hbm>>) target(%arg16 : memref<512xi32, #tpu.memory_space<vmem>>) target_semaphore(%run_scoped3A : memref<!tpu.dma_semaphore, #tpu.memory_space<semaphore_mem>>)
      %dma_wait3A_348 = tpu.memref_slice %arg3[%mul3A_2] : memref<16384xi32, #tpu.memory_space<hbm>> -> memref<512xi32, #tpu.memory_space<hbm>>
      %dma_wait3A_349 = tpu.memref_slice %arg3[%mul3A_2] : memref<16384xi32, #tpu.memory_space<hbm>> -> memref<512xi32, #tpu.memory_space<hbm>>
      tpu.wait_dma2 semaphore(%run_scoped3A : memref<!tpu.dma_semaphore, #tpu.memory_space<semaphore_mem>>) src(%dma_wait3A_349 : memref<512xi32, #tpu.memory_space<hbm>>) dst(%arg16 : memref<512xi32, #tpu.memory_space<vmem>>)
      tpu.yield
    }) : () -> ()
    "tpu.region"() ({
      %run_scoped3A = tpu.sem_alloc : memref<!tpu.dma_semaphore, #tpu.memory_space<semaphore_mem>>
      %dma_start3A_346 = tpu.memref_slice %arg4[%mul3A_2] : memref<16384xi32, #tpu.memory_space<hbm>> -> memref<512xi32, #tpu.memory_space<hbm>>
      %dma_start3A_347 = tpu.memref_slice %arg4[%mul3A_2] : memref<16384xi32, #tpu.memory_space<hbm>> -> memref<512xi32, #tpu.memory_space<hbm>>
      tpu.enqueue_dma source(%dma_start3A_347 : memref<512xi32, #tpu.memory_space<hbm>>) target(%arg17 : memref<512xi32, #tpu.memory_space<vmem>>) target_semaphore(%run_scoped3A : memref<!tpu.dma_semaphore, #tpu.memory_space<semaphore_mem>>)
      %dma_wait3A_348 = tpu.memref_slice %arg4[%mul3A_2] : memref<16384xi32, #tpu.memory_space<hbm>> -> memref<512xi32, #tpu.memory_space<hbm>>
      %dma_wait3A_349 = tpu.memref_slice %arg4[%mul3A_2] : memref<16384xi32, #tpu.memory_space<hbm>> -> memref<512xi32, #tpu.memory_space<hbm>>
      tpu.wait_dma2 semaphore(%run_scoped3A : memref<!tpu.dma_semaphore, #tpu.memory_space<semaphore_mem>>) src(%dma_wait3A_349 : memref<512xi32, #tpu.memory_space<hbm>>) dst(%arg17 : memref<512xi32, #tpu.memory_space<vmem>>)
      tpu.yield
    }) : () -> ()
    "tpu.region"() ({
      %run_scoped3A = tpu.sem_alloc : memref<!tpu.dma_semaphore, #tpu.memory_space<semaphore_mem>>
      %dma_start3A_346 = tpu.memref_slice %arg5[%mul3A_2] : memref<16384xi32, #tpu.memory_space<hbm>> -> memref<512xi32, #tpu.memory_space<hbm>>
      %dma_start3A_347 = tpu.memref_slice %arg5[%mul3A_2] : memref<16384xi32, #tpu.memory_space<hbm>> -> memref<512xi32, #tpu.memory_space<hbm>>
      tpu.enqueue_dma source(%dma_start3A_347 : memref<512xi32, #tpu.memory_space<hbm>>) target(%arg18 : memref<512xi32, #tpu.memory_space<vmem>>) target_semaphore(%run_scoped3A : memref<!tpu.dma_semaphore, #tpu.memory_space<semaphore_mem>>)
      %dma_wait3A_348 = tpu.memref_slice %arg5[%mul3A_2] : memref<16384xi32, #tpu.memory_space<hbm>> -> memref<512xi32, #tpu.memory_space<hbm>>
      %dma_wait3A_349 = tpu.memref_slice %arg5[%mul3A_2] : memref<16384xi32, #tpu.memory_space<hbm>> -> memref<512xi32, #tpu.memory_space<hbm>>
      tpu.wait_dma2 semaphore(%run_scoped3A : memref<!tpu.dma_semaphore, #tpu.memory_space<semaphore_mem>>) src(%dma_wait3A_349 : memref<512xi32, #tpu.memory_space<hbm>>) dst(%arg18 : memref<512xi32, #tpu.memory_space<vmem>>)
      tpu.yield
    }) : () -> ()
    "tpu.region"() ({
      %run_scoped3A = tpu.sem_alloc : memref<!tpu.dma_semaphore, #tpu.memory_space<semaphore_mem>>
      %dma_start3A_346 = arith.constant 0 : i32
      %dma_start3A_347 = tpu.memref_slice %arg19[%dma_start3A_346] : memref<528xf32, #tpu.memory_space<vmem>> -> memref<512xf32, #tpu.memory_space<vmem>>
      %dma_start3A_348 = tpu.memref_slice %arg6[%mul3A_2] : memref<16384xf32, #tpu.memory_space<hbm>> -> memref<512xf32, #tpu.memory_space<hbm>>
      %dma_start3A_349 = arith.constant 0 : i32
      %dma_start3A_350 = tpu.memref_slice %arg19[%dma_start3A_349] : memref<528xf32, #tpu.memory_space<vmem>> -> memref<512xf32, #tpu.memory_space<vmem>>
      %dma_start3A_351 = tpu.memref_slice %arg6[%mul3A_2] : memref<16384xf32, #tpu.memory_space<hbm>> -> memref<512xf32, #tpu.memory_space<hbm>>
      tpu.enqueue_dma source(%dma_start3A_351 : memref<512xf32, #tpu.memory_space<hbm>>) target(%dma_start3A_350 : memref<512xf32, #tpu.memory_space<vmem>>) target_semaphore(%run_scoped3A : memref<!tpu.dma_semaphore, #tpu.memory_space<semaphore_mem>>)
      %dma_wait3A_352 = arith.constant 0 : i32
      %dma_wait3A_353 = tpu.memref_slice %arg19[%dma_wait3A_352] : memref<528xf32, #tpu.memory_space<vmem>> -> memref<512xf32, #tpu.memory_space<vmem>>
      %dma_wait3A_354 = tpu.memref_slice %arg6[%mul3A_2] : memref<16384xf32, #tpu.memory_space<hbm>> -> memref<512xf32, #tpu.memory_space<hbm>>
      %dma_wait3A_355 = arith.constant 0 : i32
      %dma_wait3A_356 = tpu.memref_slice %arg19[%dma_wait3A_355] : memref<528xf32, #tpu.memory_space<vmem>> -> memref<512xf32, #tpu.memory_space<vmem>>
      %dma_wait3A_357 = tpu.memref_slice %arg6[%mul3A_2] : memref<16384xf32, #tpu.memory_space<hbm>> -> memref<512xf32, #tpu.memory_space<hbm>>
      tpu.wait_dma2 semaphore(%run_scoped3A : memref<!tpu.dma_semaphore, #tpu.memory_space<semaphore_mem>>) src(%dma_wait3A_357 : memref<512xf32, #tpu.memory_space<hbm>>) dst(%dma_wait3A_356 : memref<512xf32, #tpu.memory_space<vmem>>)
      tpu.yield
    }) : () -> ()
    "tpu.region"() ({
      %run_scoped3A = tpu.sem_alloc : memref<!tpu.dma_semaphore, #tpu.memory_space<semaphore_mem>>
      %dma_start3A_346 = arith.constant 0 : i32
      %dma_start3A_347 = tpu.memref_slice %arg20[%dma_start3A_346] : memref<528xf32, #tpu.memory_space<vmem>> -> memref<512xf32, #tpu.memory_space<vmem>>
      %dma_start3A_348 = tpu.memref_slice %arg7[%mul3A_2] : memref<16384xf32, #tpu.memory_space<hbm>> -> memref<512xf32, #tpu.memory_space<hbm>>
      %dma_start3A_349 = arith.constant 0 : i32
      %dma_start3A_350 = tpu.memref_slice %arg20[%dma_start3A_349] : memref<528xf32, #tpu.memory_space<vmem>> -> memref<512xf32, #tpu.memory_space<vmem>>
      %dma_start3A_351 = tpu.memref_slice %arg7[%mul3A_2] : memref<16384xf32, #tpu.memory_space<hbm>> -> memref<512xf32, #tpu.memory_space<hbm>>
      tpu.enqueue_dma source(%dma_start3A_351 : memref<512xf32, #tpu.memory_space<hbm>>) target(%dma_start3A_350 : memref<512xf32, #tpu.memory_space<vmem>>) target_semaphore(%run_scoped3A : memref<!tpu.dma_semaphore, #tpu.memory_space<semaphore_mem>>)
      %dma_wait3A_352 = arith.constant 0 : i32
      %dma_wait3A_353 = tpu.memref_slice %arg20[%dma_wait3A_352] : memref<528xf32, #tpu.memory_space<vmem>> -> memref<512xf32, #tpu.memory_space<vmem>>
      %dma_wait3A_354 = tpu.memref_slice %arg7[%mul3A_2] : memref<16384xf32, #tpu.memory_space<hbm>> -> memref<512xf32, #tpu.memory_space<hbm>>
      %dma_wait3A_355 = arith.constant 0 : i32
      %dma_wait3A_356 = tpu.memref_slice %arg20[%dma_wait3A_355] : memref<528xf32, #tpu.memory_space<vmem>> -> memref<512xf32, #tpu.memory_space<vmem>>
      %dma_wait3A_357 = tpu.memref_slice %arg7[%mul3A_2] : memref<16384xf32, #tpu.memory_space<hbm>> -> memref<512xf32, #tpu.memory_space<hbm>>
      tpu.wait_dma2 semaphore(%run_scoped3A : memref<!tpu.dma_semaphore, #tpu.memory_space<semaphore_mem>>) src(%dma_wait3A_357 : memref<512xf32, #tpu.memory_space<hbm>>) dst(%dma_wait3A_356 : memref<512xf32, #tpu.memory_space<vmem>>)
      tpu.yield
    }) : () -> ()
    %get3A = arith.constant 0 : index
    %get3A_3 = tpu.vector_load %arg14[%get3A] {strides = array<i32>} : memref<256xf32, #tpu.memory_space<vmem>>, vector<16xf32>,
    %get3A_4 = vector.shape_cast %get3A_3 : vector<16xf32> to vector<16xf32>
    %get3A_5 = arith.constant 16 : index
    %get3A_6 = tpu.vector_load %arg14[%get3A_5] {strides = array<i32>} : memref<256xf32, #tpu.memory_space<vmem>>, vector<16xf32>,
    %get3A_7 = vector.shape_cast %get3A_6 : vector<16xf32> to vector<16xf32>
    %get3A_8 = arith.constant 32 : index
    %get3A_9 = tpu.vector_load %arg14[%get3A_8] {strides = array<i32>} : memref<256xf32, #tpu.memory_space<vmem>>, vector<16xf32>,
    %get3A_10 = vector.shape_cast %get3A_9 : vector<16xf32> to vector<16xf32>
    %get3A_11 = arith.constant 48 : index
    %get3A_12 = tpu.vector_load %arg14[%get3A_11] {strides = array<i32>} : memref<256xf32, #tpu.memory_space<vmem>>, vector<16xf32>,
    %get3A_13 = vector.shape_cast %get3A_12 : vector<16xf32> to vector<16xf32>
    %get3A_14 = arith.constant 64 : index
    %get3A_15 = tpu.vector_load %arg14[%get3A_14] {strides = array<i32>} : memref<256xf32, #tpu.memory_space<vmem>>, vector<16xf32>,
    %get3A_16 = vector.shape_cast %get3A_15 : vector<16xf32> to vector<16xf32>
    %get3A_17 = arith.constant 80 : index
    %get3A_18 = tpu.vector_load %arg14[%get3A_17] {strides = array<i32>} : memref<256xf32, #tpu.memory_space<vmem>>, vector<16xf32>,
    %get3A_19 = vector.shape_cast %get3A_18 : vector<16xf32> to vector<16xf32>
    %get3A_20 = arith.constant 96 : index
    %get3A_21 = tpu.vector_load %arg14[%get3A_20] {strides = array<i32>} : memref<256xf32, #tpu.memory_space<vmem>>, vector<16xf32>,
    %get3A_22 = vector.shape_cast %get3A_21 : vector<16xf32> to vector<16xf32>
    %get3A_23 = arith.constant 112 : index
    %get3A_24 = tpu.vector_load %arg14[%get3A_23] {strides = array<i32>} : memref<256xf32, #tpu.memory_space<vmem>>, vector<16xf32>,
    %get3A_25 = vector.shape_cast %get3A_24 : vector<16xf32> to vector<16xf32>
    %get3A_26 = arith.constant 128 : index
    %get3A_27 = tpu.vector_load %arg14[%get3A_26] {strides = array<i32>} : memref<256xf32, #tpu.memory_space<vmem>>, vector<16xf32>,
    %get3A_28 = vector.shape_cast %get3A_27 : vector<16xf32> to vector<16xf32>
    %get3A_29 = arith.constant 144 : index
    %get3A_30 = tpu.vector_load %arg14[%get3A_29] {strides = array<i32>} : memref<256xf32, #tpu.memory_space<vmem>>, vector<16xf32>,
    %get3A_31 = vector.shape_cast %get3A_30 : vector<16xf32> to vector<16xf32>
    %get3A_32 = arith.constant 160 : index
    %get3A_33 = tpu.vector_load %arg14[%get3A_32] {strides = array<i32>} : memref<256xf32, #tpu.memory_space<vmem>>, vector<16xf32>,
    %get3A_34 = vector.shape_cast %get3A_33 : vector<16xf32> to vector<16xf32>
    %get3A_35 = arith.constant 176 : index
    %get3A_36 = tpu.vector_load %arg14[%get3A_35] {strides = array<i32>} : memref<256xf32, #tpu.memory_space<vmem>>, vector<16xf32>,
    %get3A_37 = vector.shape_cast %get3A_36 : vector<16xf32> to vector<16xf32>
    %get3A_38 = arith.constant 192 : index
    %get3A_39 = tpu.vector_load %arg14[%get3A_38] {strides = array<i32>} : memref<256xf32, #tpu.memory_space<vmem>>, vector<16xf32>,
    %get3A_40 = vector.shape_cast %get3A_39 : vector<16xf32> to vector<16xf32>
    %get3A_41 = arith.constant 208 : index
    %get3A_42 = tpu.vector_load %arg14[%get3A_41] {strides = array<i32>} : memref<256xf32, #tpu.memory_space<vmem>>, vector<16xf32>,
    %get3A_43 = vector.shape_cast %get3A_42 : vector<16xf32> to vector<16xf32>
    %get3A_44 = arith.constant 224 : index
    %get3A_45 = tpu.vector_load %arg14[%get3A_44] {strides = array<i32>} : memref<256xf32, #tpu.memory_space<vmem>>, vector<16xf32>,
    %get3A_46 = vector.shape_cast %get3A_45 : vector<16xf32> to vector<16xf32>
    %get3A_47 = arith.constant 240 : index
    %get3A_48 = tpu.vector_load %arg14[%get3A_47] {strides = array<i32>} : memref<256xf32, #tpu.memory_space<vmem>>, vector<16xf32>,
    %get3A_49 = vector.shape_cast %get3A_48 : vector<16xf32> to vector<16xf32>
    %broadcast_in_dim3A = arith.constant 0.000000e+00 : f32
    %broadcast_in_dim3A_50 = vector.broadcast %broadcast_in_dim3A : f32 to vector<16xf32>
    %dma_start3A = arith.constant 0 : i32
    %dma_start3A_51 = tpu.memref_slice %arg15[%dma_start3A] : memref<512xi32, #tpu.memory_space<vmem>> -> memref<128xi32, #tpu.memory_space<vmem>>
    %dma_start3A_52 = arith.constant 0 : i32
    %dma_start3A_53 = arith.constant 0 : i32
    %dma_start3A_54 = tpu.memref_slice %arg8[%dma_start3A_52, %dma_start3A_53] : memref<64x128xf32, #tpu.memory_space<hbm>> -> memref<64x128xf32, #tpu.memory_space<hbm>>
    tpu.enqueue_indirect_dma source(%dma_start3A_54 : memref<64x128xf32, #tpu.memory_space<hbm>>) target(%arg21 : memref<128x128xf32, #tpu.memory_space<vmem>>) offsets(%dma_start3A_51 : memref<128xi32, #tpu.memory_space<vmem>>) semaphore(%arg27 : memref<!tpu.dma_semaphore, #tpu.memory_space<semaphore_mem>>)
    %dma_start3A_55 = arith.constant 0 : i32
    %dma_start3A_56 = tpu.memref_slice %arg17[%dma_start3A_55] : memref<512xi32, #tpu.memory_space<vmem>> -> memref<128xi32, #tpu.memory_space<vmem>>
    %dma_start3A_57 = arith.constant 0 : i32
    %dma_start3A_58 = arith.constant 0 : i32
    %dma_start3A_59 = tpu.memref_slice %arg9[%dma_start3A_57, %dma_start3A_58] : memref<64x128xf32, #tpu.memory_space<hbm>> -> memref<64x128xf32, #tpu.memory_space<hbm>>
    tpu.enqueue_indirect_dma source(%dma_start3A_59 : memref<64x128xf32, #tpu.memory_space<hbm>>) target(%arg22 : memref<128x128xf32, #tpu.memory_space<vmem>>) offsets(%dma_start3A_56 : memref<128xi32, #tpu.memory_space<vmem>>) semaphore(%arg27 : memref<!tpu.dma_semaphore, #tpu.memory_space<semaphore_mem>>)
    %dma_start3A_60 = arith.constant 0 : i32
    %dma_start3A_61 = tpu.memref_slice %arg18[%dma_start3A_60] : memref<512xi32, #tpu.memory_space<vmem>> -> memref<128xi32, #tpu.memory_space<vmem>>
    %dma_start3A_62 = arith.constant 0 : i32
    %dma_start3A_63 = arith.constant 0 : i32
    %dma_start3A_64 = tpu.memref_slice %arg9[%dma_start3A_62, %dma_start3A_63] : memref<64x128xf32, #tpu.memory_space<hbm>> -> memref<64x128xf32, #tpu.memory_space<hbm>>
    tpu.enqueue_indirect_dma source(%dma_start3A_64 : memref<64x128xf32, #tpu.memory_space<hbm>>) target(%arg23 : memref<128x128xf32, #tpu.memory_space<vmem>>) offsets(%dma_start3A_61 : memref<128xi32, #tpu.memory_space<vmem>>) semaphore(%arg27 : memref<!tpu.dma_semaphore, #tpu.memory_space<semaphore_mem>>)
    %dma_start3A_65 = arith.constant 0 : i32
    %dma_start3A_66 = tpu.memref_slice %arg16[%dma_start3A_65] : memref<512xi32, #tpu.memory_space<vmem>> -> memref<128xi32, #tpu.memory_space<vmem>>
    %dma_start3A_67 = arith.constant 0 : i32
    %dma_start3A_68 = arith.constant 0 : i32
    %dma_start3A_69 = tpu.memref_slice %arg10[%dma_start3A_67, %dma_start3A_68] : memref<4x128xf32, #tpu.memory_space<hbm>> -> memref<4x128xf32, #tpu.memory_space<hbm>>
    tpu.enqueue_indirect_dma source(%dma_start3A_69 : memref<4x128xf32, #tpu.memory_space<hbm>>) target(%arg24 : memref<128x128xf32, #tpu.memory_space<vmem>>) offsets(%dma_start3A_66 : memref<128xi32, #tpu.memory_space<vmem>>) semaphore(%arg27 : memref<!tpu.dma_semaphore, #tpu.memory_space<semaphore_mem>>)
    %dma_wait3A = arith.constant 0 : i32
    %dma_wait3A_70 = tpu.memref_slice %arg15[%dma_wait3A] : memref<512xi32, #tpu.memory_space<vmem>> -> memref<128xi32, #tpu.memory_space<vmem>>
    %dma_wait3A_71 = arith.constant 0 : i32
    %dma_wait3A_72 = arith.constant 0 : i32
    %dma_wait3A_73 = tpu.memref_slice %arg8[%dma_wait3A_71, %dma_wait3A_72] : memref<64x128xf32, #tpu.memory_space<hbm>> -> memref<64x128xf32, #tpu.memory_space<hbm>>
    tpu.wait_indirect_dma semaphore(%arg27 : memref<!tpu.dma_semaphore, #tpu.memory_space<semaphore_mem>>) src(%dma_wait3A_73 : memref<64x128xf32, #tpu.memory_space<hbm>>) dst(%arg21 : memref<128x128xf32, #tpu.memory_space<vmem>>)
    %dma_wait3A_74 = arith.constant 0 : i32
    %dma_wait3A_75 = tpu.memref_slice %arg17[%dma_wait3A_74] : memref<512xi32, #tpu.memory_space<vmem>> -> memref<128xi32, #tpu.memory_space<vmem>>
    %dma_wait3A_76 = arith.constant 0 : i32
    %dma_wait3A_77 = arith.constant 0 : i32
    %dma_wait3A_78 = tpu.memref_slice %arg9[%dma_wait3A_76, %dma_wait3A_77] : memref<64x128xf32, #tpu.memory_space<hbm>> -> memref<64x128xf32, #tpu.memory_space<hbm>>
    tpu.wait_indirect_dma semaphore(%arg27 : memref<!tpu.dma_semaphore, #tpu.memory_space<semaphore_mem>>) src(%dma_wait3A_78 : memref<64x128xf32, #tpu.memory_space<hbm>>) dst(%arg22 : memref<128x128xf32, #tpu.memory_space<vmem>>)
    %dma_wait3A_79 = arith.constant 0 : i32
    %dma_wait3A_80 = tpu.memref_slice %arg18[%dma_wait3A_79] : memref<512xi32, #tpu.memory_space<vmem>> -> memref<128xi32, #tpu.memory_space<vmem>>
    %dma_wait3A_81 = arith.constant 0 : i32
    %dma_wait3A_82 = arith.constant 0 : i32
    %dma_wait3A_83 = tpu.memref_slice %arg9[%dma_wait3A_81, %dma_wait3A_82] : memref<64x128xf32, #tpu.memory_space<hbm>> -> memref<64x128xf32, #tpu.memory_space<hbm>>
    tpu.wait_indirect_dma semaphore(%arg27 : memref<!tpu.dma_semaphore, #tpu.memory_space<semaphore_mem>>) src(%dma_wait3A_83 : memref<64x128xf32, #tpu.memory_space<hbm>>) dst(%arg23 : memref<128x128xf32, #tpu.memory_space<vmem>>)
    %dma_wait3A_84 = arith.constant 0 : i32
    %dma_wait3A_85 = tpu.memref_slice %arg16[%dma_wait3A_84] : memref<512xi32, #tpu.memory_space<vmem>> -> memref<128xi32, #tpu.memory_space<vmem>>
    %dma_wait3A_86 = arith.constant 0 : i32
    %dma_wait3A_87 = arith.constant 0 : i32
    %dma_wait3A_88 = tpu.memref_slice %arg10[%dma_wait3A_86, %dma_wait3A_87] : memref<4x128xf32, #tpu.memory_space<hbm>> -> memref<4x128xf32, #tpu.memory_space<hbm>>
    tpu.wait_indirect_dma semaphore(%arg27 : memref<!tpu.dma_semaphore, #tpu.memory_space<semaphore_mem>>) src(%dma_wait3A_88 : memref<4x128xf32, #tpu.memory_space<hbm>>) dst(%arg24 : memref<128x128xf32, #tpu.memory_space<vmem>>)
    %parallel_loop3A = arith.constant 0 : i32
    %parallel_loop3A_89 = arith.constant 128 : i32
    %parallel_loop3A_90 = arith.constant 1 : i32
    scf.for %parallel_loop3A_346 = %parallel_loop3A to %parallel_loop3A_89 step %parallel_loop3A_90  : i32 {
      %parallel_loop3A_347 = arith.constant 0 : i32
      %parallel_loop3A_348 = arith.addi %parallel_loop3A_347, %parallel_loop3A_346 : i32
      %parallel_loop3A_349 = arith.index_cast %parallel_loop3A_348 : i32 to index
      %parallel_loop3A_350 = tpu.vector_load %arg19[%parallel_loop3A_349] {strides = array<i32>} : memref<528xf32, #tpu.memory_space<vmem>>, vector<16xf32>,
      %parallel_loop3A_351 = vector.shape_cast %parallel_loop3A_350 : vector<16xf32> to vector<16xf32>
      %parallel_loop3A_352 = vector.extract_strided_slice %parallel_loop3A_351 {offsets = [0], sizes = [1], strides = [1]} : vector<16xf32> to vector<1xf32>
      %parallel_loop3A_353 = vector.extract %parallel_loop3A_352[0] : f32 from vector<1xf32>
      %parallel_loop3A_354 = vector.broadcast %parallel_loop3A_353 : f32 to vector<16xf32>
      %parallel_loop3A_355 = arith.index_cast %parallel_loop3A_348 : i32 to index
      %parallel_loop3A_356 = tpu.vector_load %arg20[%parallel_loop3A_355] {strides = array<i32>} : memref<528xf32, #tpu.memory_space<vmem>>, vector<16xf32>,
      %parallel_loop3A_357 = vector.shape_cast %parallel_loop3A_356 : vector<16xf32> to vector<16xf32>
      %parallel_loop3A_358 = vector.extract_strided_slice %parallel_loop3A_357 {offsets = [0], sizes = [1], strides = [1]} : vector<16xf32> to vector<1xf32>
      %parallel_loop3A_359 = vector.extract %parallel_loop3A_358[0] : f32 from vector<1xf32>
      %parallel_loop3A_360 = vector.broadcast %parallel_loop3A_359 : f32 to vector<16xf32>
      %parallel_loop3A_361 = arith.index_cast %parallel_loop3A_346 : i32 to index
      %parallel_loop3A_362 = arith.constant 0 : index
      %parallel_loop3A_363 = tpu.vector_load %arg21[%parallel_loop3A_361, %parallel_loop3A_362] {strides = array<i32>} : memref<128x128xf32, #tpu.memory_space<vmem>>, vector<1x16xf32>,
      %parallel_loop3A_364 = vector.shape_cast %parallel_loop3A_363 : vector<1x16xf32> to vector<16xf32>
      %parallel_loop3A_365 = arith.index_cast %parallel_loop3A_346 : i32 to index
      %parallel_loop3A_366 = arith.constant 0 : index
      %parallel_loop3A_367 = tpu.vector_load %arg22[%parallel_loop3A_365, %parallel_loop3A_366] {strides = array<i32>} : memref<128x128xf32, #tpu.memory_space<vmem>>, vector<1x16xf32>,
      %parallel_loop3A_368 = vector.shape_cast %parallel_loop3A_367 : vector<1x16xf32> to vector<16xf32>
      %parallel_loop3A_369 = arith.addf %parallel_loop3A_364, %parallel_loop3A_368 : vector<16xf32>
      %parallel_loop3A_370 = arith.index_cast %parallel_loop3A_346 : i32 to index
      %parallel_loop3A_371 = arith.constant 0 : index
      %parallel_loop3A_372 = tpu.vector_load %arg25[%parallel_loop3A_370, %parallel_loop3A_371] {strides = array<i32>} : memref<128x256xf32, #tpu.memory_space<vmem>>, vector<1x16xf32>,
      %parallel_loop3A_373 = vector.shape_cast %parallel_loop3A_372 : vector<1x16xf32> to vector<16xf32>
      %parallel_loop3A_374 = vector.shape_cast %parallel_loop3A_369 : vector<16xf32> to vector<1x16xf32>
      tpu.vector_store %arg25[%parallel_loop3A_370, %parallel_loop3A_371], %parallel_loop3A_374 {strides = array<i32>} : memref<128x256xf32, #tpu.memory_space<vmem>>, vector<1x16xf32>,
      %parallel_loop3A_375 = arith.index_cast %parallel_loop3A_346 : i32 to index
      %parallel_loop3A_376 = arith.constant 16 : index
      %parallel_loop3A_377 = tpu.vector_load %arg21[%parallel_loop3A_375, %parallel_loop3A_376] {strides = array<i32>} : memref<128x128xf32, #tpu.memory_space<vmem>>, vector<1x16xf32>,
      %parallel_loop3A_378 = vector.shape_cast %parallel_loop3A_377 : vector<1x16xf32> to vector<16xf32>
      %parallel_loop3A_379 = arith.index_cast %parallel_loop3A_346 : i32 to index
      %parallel_loop3A_380 = arith.constant 16 : index
      %parallel_loop3A_381 = tpu.vector_load %arg22[%parallel_loop3A_379, %parallel_loop3A_380] {strides = array<i32>} : memref<128x128xf32, #tpu.memory_space<vmem>>, vector<1x16xf32>,
      %parallel_loop3A_382 = vector.shape_cast %parallel_loop3A_381 : vector<1x16xf32> to vector<16xf32>
      %parallel_loop3A_383 = arith.addf %parallel_loop3A_378, %parallel_loop3A_382 : vector<16xf32>
      %parallel_loop3A_384 = arith.index_cast %parallel_loop3A_346 : i32 to index
      %parallel_loop3A_385 = arith.constant 16 : index
      %parallel_loop3A_386 = tpu.vector_load %arg25[%parallel_loop3A_384, %parallel_loop3A_385] {strides = array<i32>} : memref<128x256xf32, #tpu.memory_space<vmem>>, vector<1x16xf32>,
      %parallel_loop3A_387 = vector.shape_cast %parallel_loop3A_386 : vector<1x16xf32> to vector<16xf32>
      %parallel_loop3A_388 = vector.shape_cast %parallel_loop3A_383 : vector<16xf32> to vector<1x16xf32>
      tpu.vector_store %arg25[%parallel_loop3A_384, %parallel_loop3A_385], %parallel_loop3A_388 {strides = array<i32>} : memref<128x256xf32, #tpu.memory_space<vmem>>, vector<1x16xf32>,
      %parallel_loop3A_389 = arith.index_cast %parallel_loop3A_346 : i32 to index
      %parallel_loop3A_390 = arith.constant 32 : index
      %parallel_loop3A_391 = tpu.vector_load %arg21[%parallel_loop3A_389, %parallel_loop3A_390] {strides = array<i32>} : memref<128x128xf32, #tpu.memory_space<vmem>>, vector<1x16xf32>,
      %parallel_loop3A_392 = vector.shape_cast %parallel_loop3A_391 : vector<1x16xf32> to vector<16xf32>
      %parallel_loop3A_393 = arith.index_cast %parallel_loop3A_346 : i32 to index
      %parallel_loop3A_394 = arith.constant 32 : index
      %parallel_loop3A_395 = tpu.vector_load %arg22[%parallel_loop3A_393, %parallel_loop3A_394] {strides = array<i32>} : memref<128x128xf32, #tpu.memory_space<vmem>>, vector<1x16xf32>,
      %parallel_loop3A_396 = vector.shape_cast %parallel_loop3A_395 : vector<1x16xf32> to vector<16xf32>
      %parallel_loop3A_397 = arith.addf %parallel_loop3A_392, %parallel_loop3A_396 : vector<16xf32>
      %parallel_loop3A_398 = arith.index_cast %parallel_loop3A_346 : i32 to index
      %parallel_loop3A_399 = arith.constant 32 : index
      %parallel_loop3A_400 = tpu.vector_load %arg25[%parallel_loop3A_398, %parallel_loop3A_399] {strides = array<i32>} : memref<128x256xf32, #tpu.memory_space<vmem>>, vector<1x16xf32>,
      %parallel_loop3A_401 = vector.shape_cast %parallel_loop3A_400 : vector<1x16xf32> to vector<16xf32>
      %parallel_loop3A_402 = vector.shape_cast %parallel_loop3A_397 : vector<16xf32> to vector<1x16xf32>
      tpu.vector_store %arg25[%parallel_loop3A_398, %parallel_loop3A_399], %parallel_loop3A_402 {strides = array<i32>} : memref<128x256xf32, #tpu.memory_space<vmem>>, vector<1x16xf32>,
      %parallel_loop3A_403 = arith.index_cast %parallel_loop3A_346 : i32 to index
      %parallel_loop3A_404 = arith.constant 48 : index
      %parallel_loop3A_405 = tpu.vector_load %arg21[%parallel_loop3A_403, %parallel_loop3A_404] {strides = array<i32>} : memref<128x128xf32, #tpu.memory_space<vmem>>, vector<1x16xf32>,
      %parallel_loop3A_406 = vector.shape_cast %parallel_loop3A_405 : vector<1x16xf32> to vector<16xf32>
      %parallel_loop3A_407 = arith.index_cast %parallel_loop3A_346 : i32 to index
      %parallel_loop3A_408 = arith.constant 48 : index
      %parallel_loop3A_409 = tpu.vector_load %arg22[%parallel_loop3A_407, %parallel_loop3A_408] {strides = array<i32>} : memref<128x128xf32, #tpu.memory_space<vmem>>, vector<1x16xf32>,
      %parallel_loop3A_410 = vector.shape_cast %parallel_loop3A_409 : vector<1x16xf32> to vector<16xf32>
      %parallel_loop3A_411 = arith.addf %parallel_loop3A_406, %parallel_loop3A_410 : vector<16xf32>
      %parallel_loop3A_412 = arith.index_cast %parallel_loop3A_346 : i32 to index
      %parallel_loop3A_413 = arith.constant 48 : index
      %parallel_loop3A_414 = tpu.vector_load %arg25[%parallel_loop3A_412, %parallel_loop3A_413] {strides = array<i32>} : memref<128x256xf32, #tpu.memory_space<vmem>>, vector<1x16xf32>,
      %parallel_loop3A_415 = vector.shape_cast %parallel_loop3A_414 : vector<1x16xf32> to vector<16xf32>
      %parallel_loop3A_416 = vector.shape_cast %parallel_loop3A_411 : vector<16xf32> to vector<1x16xf32>
      tpu.vector_store %arg25[%parallel_loop3A_412, %parallel_loop3A_413], %parallel_loop3A_416 {strides = array<i32>} : memref<128x256xf32, #tpu.memory_space<vmem>>, vector<1x16xf32>,
      %parallel_loop3A_417 = arith.index_cast %parallel_loop3A_346 : i32 to index
      %parallel_loop3A_418 = arith.constant 64 : index
      %parallel_loop3A_419 = tpu.vector_load %arg21[%parallel_loop3A_417, %parallel_loop3A_418] {strides = array<i32>} : memref<128x128xf32, #tpu.memory_space<vmem>>, vector<1x16xf32>,
      %parallel_loop3A_420 = vector.shape_cast %parallel_loop3A_419 : vector<1x16xf32> to vector<16xf32>
      %parallel_loop3A_421 = arith.index_cast %parallel_loop3A_346 : i32 to index
      %parallel_loop3A_422 = arith.constant 64 : index
      %parallel_loop3A_423 = tpu.vector_load %arg22[%parallel_loop3A_421, %parallel_loop3A_422] {strides = array<i32>} : memref<128x128xf32, #tpu.memory_space<vmem>>, vector<1x16xf32>,
      %parallel_loop3A_424 = vector.shape_cast %parallel_loop3A_423 : vector<1x16xf32> to vector<16xf32>
      %parallel_loop3A_425 = arith.addf %parallel_loop3A_420, %parallel_loop3A_424 : vector<16xf32>
      %parallel_loop3A_426 = arith.index_cast %parallel_loop3A_346 : i32 to index
      %parallel_loop3A_427 = arith.constant 64 : index
      %parallel_loop3A_428 = tpu.vector_load %arg25[%parallel_loop3A_426, %parallel_loop3A_427] {strides = array<i32>} : memref<128x256xf32, #tpu.memory_space<vmem>>, vector<1x16xf32>,
      %parallel_loop3A_429 = vector.shape_cast %parallel_loop3A_428 : vector<1x16xf32> to vector<16xf32>
      %parallel_loop3A_430 = vector.shape_cast %parallel_loop3A_425 : vector<16xf32> to vector<1x16xf32>
      tpu.vector_store %arg25[%parallel_loop3A_426, %parallel_loop3A_427], %parallel_loop3A_430 {strides = array<i32>} : memref<128x256xf32, #tpu.memory_space<vmem>>, vector<1x16xf32>,
      %parallel_loop3A_431 = arith.index_cast %parallel_loop3A_346 : i32 to index
      %parallel_loop3A_432 = arith.constant 80 : index
      %parallel_loop3A_433 = tpu.vector_load %arg21[%parallel_loop3A_431, %parallel_loop3A_432] {strides = array<i32>} : memref<128x128xf32, #tpu.memory_space<vmem>>, vector<1x16xf32>,
      %parallel_loop3A_434 = vector.shape_cast %parallel_loop3A_433 : vector<1x16xf32> to vector<16xf32>
      %parallel_loop3A_435 = arith.index_cast %parallel_loop3A_346 : i32 to index
      %parallel_loop3A_436 = arith.constant 80 : index
      %parallel_loop3A_437 = tpu.vector_load %arg22[%parallel_loop3A_435, %parallel_loop3A_436] {strides = array<i32>} : memref<128x128xf32, #tpu.memory_space<vmem>>, vector<1x16xf32>,
      %parallel_loop3A_438 = vector.shape_cast %parallel_loop3A_437 : vector<1x16xf32> to vector<16xf32>
      %parallel_loop3A_439 = arith.addf %parallel_loop3A_434, %parallel_loop3A_438 : vector<16xf32>
      %parallel_loop3A_440 = arith.index_cast %parallel_loop3A_346 : i32 to index
      %parallel_loop3A_441 = arith.constant 80 : index
      %parallel_loop3A_442 = tpu.vector_load %arg25[%parallel_loop3A_440, %parallel_loop3A_441] {strides = array<i32>} : memref<128x256xf32, #tpu.memory_space<vmem>>, vector<1x16xf32>,
      %parallel_loop3A_443 = vector.shape_cast %parallel_loop3A_442 : vector<1x16xf32> to vector<16xf32>
      %parallel_loop3A_444 = vector.shape_cast %parallel_loop3A_439 : vector<16xf32> to vector<1x16xf32>
      tpu.vector_store %arg25[%parallel_loop3A_440, %parallel_loop3A_441], %parallel_loop3A_444 {strides = array<i32>} : memref<128x256xf32, #tpu.memory_space<vmem>>, vector<1x16xf32>,
      %parallel_loop3A_445 = arith.index_cast %parallel_loop3A_346 : i32 to index
      %parallel_loop3A_446 = arith.constant 96 : index
      %parallel_loop3A_447 = tpu.vector_load %arg21[%parallel_loop3A_445, %parallel_loop3A_446] {strides = array<i32>} : memref<128x128xf32, #tpu.memory_space<vmem>>, vector<1x16xf32>,
      %parallel_loop3A_448 = vector.shape_cast %parallel_loop3A_447 : vector<1x16xf32> to vector<16xf32>
      %parallel_loop3A_449 = arith.index_cast %parallel_loop3A_346 : i32 to index
      %parallel_loop3A_450 = arith.constant 96 : index
      %parallel_loop3A_451 = tpu.vector_load %arg22[%parallel_loop3A_449, %parallel_loop3A_450] {strides = array<i32>} : memref<128x128xf32, #tpu.memory_space<vmem>>, vector<1x16xf32>,
      %parallel_loop3A_452 = vector.shape_cast %parallel_loop3A_451 : vector<1x16xf32> to vector<16xf32>
      %parallel_loop3A_453 = arith.addf %parallel_loop3A_448, %parallel_loop3A_452 : vector<16xf32>
      %parallel_loop3A_454 = arith.index_cast %parallel_loop3A_346 : i32 to index
      %parallel_loop3A_455 = arith.constant 96 : index
      %parallel_loop3A_456 = tpu.vector_load %arg25[%parallel_loop3A_454, %parallel_loop3A_455] {strides = array<i32>} : memref<128x256xf32, #tpu.memory_space<vmem>>, vector<1x16xf32>,
      %parallel_loop3A_457 = vector.shape_cast %parallel_loop3A_456 : vector<1x16xf32> to vector<16xf32>
      %parallel_loop3A_458 = vector.shape_cast %parallel_loop3A_453 : vector<16xf32> to vector<1x16xf32>
      tpu.vector_store %arg25[%parallel_loop3A_454, %parallel_loop3A_455], %parallel_loop3A_458 {strides = array<i32>} : memref<128x256xf32, #tpu.memory_space<vmem>>, vector<1x16xf32>,
      %parallel_loop3A_459 = arith.index_cast %parallel_loop3A_346 : i32 to index
      %parallel_loop3A_460 = arith.constant 112 : index
      %parallel_loop3A_461 = tpu.vector_load %arg21[%parallel_loop3A_459, %parallel_loop3A_460] {strides = array<i32>} : memref<128x128xf32, #tpu.memory_space<vmem>>, vector<1x16xf32>,
      %parallel_loop3A_462 = vector.shape_cast %parallel_loop3A_461 : vector<1x16xf32> to vector<16xf32>
      %parallel_loop3A_463 = arith.index_cast %parallel_loop3A_346 : i32 to index
      %parallel_loop3A_464 = arith.constant 112 : index
      %parallel_loop3A_465 = tpu.vector_load %arg22[%parallel_loop3A_463, %parallel_loop3A_464] {strides = array<i32>} : memref<128x128xf32, #tpu.memory_space<vmem>>, vector<1x16xf32>,
      %parallel_loop3A_466 = vector.shape_cast %parallel_loop3A_465 : vector<1x16xf32> to vector<16xf32>
      %parallel_loop3A_467 = arith.addf %parallel_loop3A_462, %parallel_loop3A_466 : vector<16xf32>
      %parallel_loop3A_468 = arith.index_cast %parallel_loop3A_346 : i32 to index
      %parallel_loop3A_469 = arith.constant 112 : index
      %parallel_loop3A_470 = tpu.vector_load %arg25[%parallel_loop3A_468, %parallel_loop3A_469] {strides = array<i32>} : memref<128x256xf32, #tpu.memory_space<vmem>>, vector<1x16xf32>,
      %parallel_loop3A_471 = vector.shape_cast %parallel_loop3A_470 : vector<1x16xf32> to vector<16xf32>
      %parallel_loop3A_472 = vector.shape_cast %parallel_loop3A_467 : vector<16xf32> to vector<1x16xf32>
      tpu.vector_store %arg25[%parallel_loop3A_468, %parallel_loop3A_469], %parallel_loop3A_472 {strides = array<i32>} : memref<128x256xf32, #tpu.memory_space<vmem>>, vector<1x16xf32>,
      %parallel_loop3A_473 = arith.index_cast %parallel_loop3A_346 : i32 to index
      %parallel_loop3A_474 = arith.constant 0 : index
      %parallel_loop3A_475 = tpu.vector_load %arg24[%parallel_loop3A_473, %parallel_loop3A_474] {strides = array<i32>} : memref<128x128xf32, #tpu.memory_space<vmem>>, vector<1x16xf32>,
      %parallel_loop3A_476 = vector.shape_cast %parallel_loop3A_475 : vector<1x16xf32> to vector<16xf32>
      %parallel_loop3A_477 = arith.index_cast %parallel_loop3A_346 : i32 to index
      %parallel_loop3A_478 = arith.constant 0 : index
      %parallel_loop3A_479 = tpu.vector_load %arg23[%parallel_loop3A_477, %parallel_loop3A_478] {strides = array<i32>} : memref<128x128xf32, #tpu.memory_space<vmem>>, vector<1x16xf32>,
      %parallel_loop3A_480 = vector.shape_cast %parallel_loop3A_479 : vector<1x16xf32> to vector<16xf32>
      %parallel_loop3A_481 = arith.addf %parallel_loop3A_476, %parallel_loop3A_480 : vector<16xf32>
      %parallel_loop3A_482 = arith.index_cast %parallel_loop3A_346 : i32 to index
      %parallel_loop3A_483 = arith.constant 128 : index
      %parallel_loop3A_484 = tpu.vector_load %arg25[%parallel_loop3A_482, %parallel_loop3A_483] {strides = array<i32>} : memref<128x256xf32, #tpu.memory_space<vmem>>, vector<1x16xf32>,
      %parallel_loop3A_485 = vector.shape_cast %parallel_loop3A_484 : vector<1x16xf32> to vector<16xf32>
      %parallel_loop3A_486 = vector.shape_cast %parallel_loop3A_481 : vector<16xf32> to vector<1x16xf32>
      tpu.vector_store %arg25[%parallel_loop3A_482, %parallel_loop3A_483], %parallel_loop3A_486 {strides = array<i32>} : memref<128x256xf32, #tpu.memory_space<vmem>>, vector<1x16xf32>,
      %parallel_loop3A_487 = arith.index_cast %parallel_loop3A_346 : i32 to index
      %parallel_loop3A_488 = arith.constant 16 : index
      %parallel_loop3A_489 = tpu.vector_load %arg24[%parallel_loop3A_487, %parallel_loop3A_488] {strides = array<i32>} : memref<128x128xf32, #tpu.memory_space<vmem>>, vector<1x16xf32>,
      %parallel_loop3A_490 = vector.shape_cast %parallel_loop3A_489 : vector<1x16xf32> to vector<16xf32>
      %parallel_loop3A_491 = arith.index_cast %parallel_loop3A_346 : i32 to index
      %parallel_loop3A_492 = arith.constant 16 : index
      %parallel_loop3A_493 = tpu.vector_load %arg23[%parallel_loop3A_491, %parallel_loop3A_492] {strides = array<i32>} : memref<128x128xf32, #tpu.memory_space<vmem>>, vector<1x16xf32>,
      %parallel_loop3A_494 = vector.shape_cast %parallel_loop3A_493 : vector<1x16xf32> to vector<16xf32>
      %parallel_loop3A_495 = arith.addf %parallel_loop3A_490, %parallel_loop3A_494 : vector<16xf32>
      %parallel_loop3A_496 = arith.index_cast %parallel_loop3A_346 : i32 to index
      %parallel_loop3A_497 = arith.constant 144 : index
      %parallel_loop3A_498 = tpu.vector_load %arg25[%parallel_loop3A_496, %parallel_loop3A_497] {strides = array<i32>} : memref<128x256xf32, #tpu.memory_space<vmem>>, vector<1x16xf32>,
      %parallel_loop3A_499 = vector.shape_cast %parallel_loop3A_498 : vector<1x16xf32> to vector<16xf32>
      %parallel_loop3A_500 = vector.shape_cast %parallel_loop3A_495 : vector<16xf32> to vector<1x16xf32>
      tpu.vector_store %arg25[%parallel_loop3A_496, %parallel_loop3A_497], %parallel_loop3A_500 {strides = array<i32>} : memref<128x256xf32, #tpu.memory_space<vmem>>, vector<1x16xf32>,
      %parallel_loop3A_501 = arith.index_cast %parallel_loop3A_346 : i32 to index
      %parallel_loop3A_502 = arith.constant 32 : index
      %parallel_loop3A_503 = tpu.vector_load %arg24[%parallel_loop3A_501, %parallel_loop3A_502] {strides = array<i32>} : memref<128x128xf32, #tpu.memory_space<vmem>>, vector<1x16xf32>,
      %parallel_loop3A_504 = vector.shape_cast %parallel_loop3A_503 : vector<1x16xf32> to vector<16xf32>
      %parallel_loop3A_505 = arith.index_cast %parallel_loop3A_346 : i32 to index
      %parallel_loop3A_506 = arith.constant 32 : index
      %parallel_loop3A_507 = tpu.vector_load %arg23[%parallel_loop3A_505, %parallel_loop3A_506] {strides = array<i32>} : memref<128x128xf32, #tpu.memory_space<vmem>>, vector<1x16xf32>,
      %parallel_loop3A_508 = vector.shape_cast %parallel_loop3A_507 : vector<1x16xf32> to vector<16xf32>
      %parallel_loop3A_509 = arith.addf %parallel_loop3A_504, %parallel_loop3A_508 : vector<16xf32>
      %parallel_loop3A_510 = arith.index_cast %parallel_loop3A_346 : i32 to index
      %parallel_loop3A_511 = arith.constant 160 : index
      %parallel_loop3A_512 = tpu.vector_load %arg25[%parallel_loop3A_510, %parallel_loop3A_511] {strides = array<i32>} : memref<128x256xf32, #tpu.memory_space<vmem>>, vector<1x16xf32>,
      %parallel_loop3A_513 = vector.shape_cast %parallel_loop3A_512 : vector<1x16xf32> to vector<16xf32>
      %parallel_loop3A_514 = vector.shape_cast %parallel_loop3A_509 : vector<16xf32> to vector<1x16xf32>
      tpu.vector_store %arg25[%parallel_loop3A_510, %parallel_loop3A_511], %parallel_loop3A_514 {strides = array<i32>} : memref<128x256xf32, #tpu.memory_space<vmem>>, vector<1x16xf32>,
      %parallel_loop3A_515 = arith.index_cast %parallel_loop3A_346 : i32 to index
      %parallel_loop3A_516 = arith.constant 48 : index
      %parallel_loop3A_517 = tpu.vector_load %arg24[%parallel_loop3A_515, %parallel_loop3A_516] {strides = array<i32>} : memref<128x128xf32, #tpu.memory_space<vmem>>, vector<1x16xf32>,
      %parallel_loop3A_518 = vector.shape_cast %parallel_loop3A_517 : vector<1x16xf32> to vector<16xf32>
      %parallel_loop3A_519 = arith.index_cast %parallel_loop3A_346 : i32 to index
      %parallel_loop3A_520 = arith.constant 48 : index
      %parallel_loop3A_521 = tpu.vector_load %arg23[%parallel_loop3A_519, %parallel_loop3A_520] {strides = array<i32>} : memref<128x128xf32, #tpu.memory_space<vmem>>, vector<1x16xf32>,
      %parallel_loop3A_522 = vector.shape_cast %parallel_loop3A_521 : vector<1x16xf32> to vector<16xf32>
      %parallel_loop3A_523 = arith.addf %parallel_loop3A_518, %parallel_loop3A_522 : vector<16xf32>
      %parallel_loop3A_524 = arith.index_cast %parallel_loop3A_346 : i32 to index
      %parallel_loop3A_525 = arith.constant 176 : index
      %parallel_loop3A_526 = tpu.vector_load %arg25[%parallel_loop3A_524, %parallel_loop3A_525] {strides = array<i32>} : memref<128x256xf32, #tpu.memory_space<vmem>>, vector<1x16xf32>,
      %parallel_loop3A_527 = vector.shape_cast %parallel_loop3A_526 : vector<1x16xf32> to vector<16xf32>
      %parallel_loop3A_528 = vector.shape_cast %parallel_loop3A_523 : vector<16xf32> to vector<1x16xf32>
      tpu.vector_store %arg25[%parallel_loop3A_524, %parallel_loop3A_525], %parallel_loop3A_528 {strides = array<i32>} : memref<128x256xf32, #tpu.memory_space<vmem>>, vector<1x16xf32>,
      %parallel_loop3A_529 = arith.index_cast %parallel_loop3A_346 : i32 to index
      %parallel_loop3A_530 = arith.constant 64 : index
      %parallel_loop3A_531 = tpu.vector_load %arg24[%parallel_loop3A_529, %parallel_loop3A_530] {strides = array<i32>} : memref<128x128xf32, #tpu.memory_space<vmem>>, vector<1x16xf32>,
      %parallel_loop3A_532 = vector.shape_cast %parallel_loop3A_531 : vector<1x16xf32> to vector<16xf32>
      %parallel_loop3A_533 = arith.index_cast %parallel_loop3A_346 : i32 to index
      %parallel_loop3A_534 = arith.constant 64 : index
      %parallel_loop3A_535 = tpu.vector_load %arg23[%parallel_loop3A_533, %parallel_loop3A_534] {strides = array<i32>} : memref<128x128xf32, #tpu.memory_space<vmem>>, vector<1x16xf32>,
      %parallel_loop3A_536 = vector.shape_cast %parallel_loop3A_535 : vector<1x16xf32> to vector<16xf32>
      %parallel_loop3A_537 = arith.addf %parallel_loop3A_532, %parallel_loop3A_536 : vector<16xf32>
      %parallel_loop3A_538 = arith.mulf %parallel_loop3A_354, %get3A_16 : vector<16xf32>
      %parallel_loop3A_539 = arith.addf %parallel_loop3A_537, %parallel_loop3A_538 : vector<16xf32>
      %parallel_loop3A_540 = arith.index_cast %parallel_loop3A_346 : i32 to index
      %parallel_loop3A_541 = arith.constant 192 : index
      %parallel_loop3A_542 = tpu.vector_load %arg25[%parallel_loop3A_540, %parallel_loop3A_541] {strides = array<i32>} : memref<128x256xf32, #tpu.memory_space<vmem>>, vector<1x16xf32>,
      %parallel_loop3A_543 = vector.shape_cast %parallel_loop3A_542 : vector<1x16xf32> to vector<16xf32>
      %parallel_loop3A_544 = vector.shape_cast %parallel_loop3A_539 : vector<16xf32> to vector<1x16xf32>
      tpu.vector_store %arg25[%parallel_loop3A_540, %parallel_loop3A_541], %parallel_loop3A_544 {strides = array<i32>} : memref<128x256xf32, #tpu.memory_space<vmem>>, vector<1x16xf32>,
      %parallel_loop3A_545 = arith.index_cast %parallel_loop3A_346 : i32 to index
      %parallel_loop3A_546 = arith.constant 80 : index
      %parallel_loop3A_547 = tpu.vector_load %arg24[%parallel_loop3A_545, %parallel_loop3A_546] {strides = array<i32>} : memref<128x128xf32, #tpu.memory_space<vmem>>, vector<1x16xf32>,
      %parallel_loop3A_548 = vector.shape_cast %parallel_loop3A_547 : vector<1x16xf32> to vector<16xf32>
      %parallel_loop3A_549 = arith.index_cast %parallel_loop3A_346 : i32 to index
      %parallel_loop3A_550 = arith.constant 80 : index
      %parallel_loop3A_551 = tpu.vector_load %arg23[%parallel_loop3A_549, %parallel_loop3A_550] {strides = array<i32>} : memref<128x128xf32, #tpu.memory_space<vmem>>, vector<1x16xf32>,
      %parallel_loop3A_552 = vector.shape_cast %parallel_loop3A_551 : vector<1x16xf32> to vector<16xf32>
      %parallel_loop3A_553 = arith.addf %parallel_loop3A_548, %parallel_loop3A_552 : vector<16xf32>
      %parallel_loop3A_554 = arith.mulf %parallel_loop3A_354, %get3A_19 : vector<16xf32>
      %parallel_loop3A_555 = arith.addf %parallel_loop3A_553, %parallel_loop3A_554 : vector<16xf32>
      %parallel_loop3A_556 = arith.index_cast %parallel_loop3A_346 : i32 to index
      %parallel_loop3A_557 = arith.constant 208 : index
      %parallel_loop3A_558 = tpu.vector_load %arg25[%parallel_loop3A_556, %parallel_loop3A_557] {strides = array<i32>} : memref<128x256xf32, #tpu.memory_space<vmem>>, vector<1x16xf32>,
      %parallel_loop3A_559 = vector.shape_cast %parallel_loop3A_558 : vector<1x16xf32> to vector<16xf32>
      %parallel_loop3A_560 = vector.shape_cast %parallel_loop3A_555 : vector<16xf32> to vector<1x16xf32>
      tpu.vector_store %arg25[%parallel_loop3A_556, %parallel_loop3A_557], %parallel_loop3A_560 {strides = array<i32>} : memref<128x256xf32, #tpu.memory_space<vmem>>, vector<1x16xf32>,
      %parallel_loop3A_561 = arith.index_cast %parallel_loop3A_346 : i32 to index
      %parallel_loop3A_562 = arith.constant 96 : index
      %parallel_loop3A_563 = tpu.vector_load %arg24[%parallel_loop3A_561, %parallel_loop3A_562] {strides = array<i32>} : memref<128x128xf32, #tpu.memory_space<vmem>>, vector<1x16xf32>,
      %parallel_loop3A_564 = vector.shape_cast %parallel_loop3A_563 : vector<1x16xf32> to vector<16xf32>
      %parallel_loop3A_565 = arith.index_cast %parallel_loop3A_346 : i32 to index
      %parallel_loop3A_566 = arith.constant 96 : index
      %parallel_loop3A_567 = tpu.vector_load %arg23[%parallel_loop3A_565, %parallel_loop3A_566] {strides = array<i32>} : memref<128x128xf32, #tpu.memory_space<vmem>>, vector<1x16xf32>,
      %parallel_loop3A_568 = vector.shape_cast %parallel_loop3A_567 : vector<1x16xf32> to vector<16xf32>
      %parallel_loop3A_569 = arith.addf %parallel_loop3A_564, %parallel_loop3A_568 : vector<16xf32>
      %parallel_loop3A_570 = arith.mulf %parallel_loop3A_354, %get3A_22 : vector<16xf32>
      %parallel_loop3A_571 = arith.addf %parallel_loop3A_569, %parallel_loop3A_570 : vector<16xf32>
      %parallel_loop3A_572 = arith.index_cast %parallel_loop3A_346 : i32 to index
      %parallel_loop3A_573 = arith.constant 224 : index
      %parallel_loop3A_574 = tpu.vector_load %arg25[%parallel_loop3A_572, %parallel_loop3A_573] {strides = array<i32>} : memref<128x256xf32, #tpu.memory_space<vmem>>, vector<1x16xf32>,
      %parallel_loop3A_575 = vector.shape_cast %parallel_loop3A_574 : vector<1x16xf32> to vector<16xf32>
      %parallel_loop3A_576 = vector.shape_cast %parallel_loop3A_571 : vector<16xf32> to vector<1x16xf32>
      tpu.vector_store %arg25[%parallel_loop3A_572, %parallel_loop3A_573], %parallel_loop3A_576 {strides = array<i32>} : memref<128x256xf32, #tpu.memory_space<vmem>>, vector<1x16xf32>,
      %parallel_loop3A_577 = arith.index_cast %parallel_loop3A_346 : i32 to index
      %parallel_loop3A_578 = arith.constant 112 : index
      %parallel_loop3A_579 = tpu.vector_load %arg24[%parallel_loop3A_577, %parallel_loop3A_578] {strides = array<i32>} : memref<128x128xf32, #tpu.memory_space<vmem>>, vector<1x16xf32>,
      %parallel_loop3A_580 = vector.shape_cast %parallel_loop3A_579 : vector<1x16xf32> to vector<16xf32>
      %parallel_loop3A_581 = arith.index_cast %parallel_loop3A_346 : i32 to index
      %parallel_loop3A_582 = arith.constant 112 : index
      %parallel_loop3A_583 = tpu.vector_load %arg23[%parallel_loop3A_581, %parallel_loop3A_582] {strides = array<i32>} : memref<128x128xf32, #tpu.memory_space<vmem>>, vector<1x16xf32>,
      %parallel_loop3A_584 = vector.shape_cast %parallel_loop3A_583 : vector<1x16xf32> to vector<16xf32>
      %parallel_loop3A_585 = arith.addf %parallel_loop3A_580, %parallel_loop3A_584 : vector<16xf32>
      %parallel_loop3A_586 = arith.mulf %parallel_loop3A_354, %get3A_25 : vector<16xf32>
      %parallel_loop3A_587 = arith.addf %parallel_loop3A_585, %parallel_loop3A_586 : vector<16xf32>
      %parallel_loop3A_588 = arith.mulf %parallel_loop3A_360, %get3A_49 : vector<16xf32>
      %parallel_loop3A_589 = arith.addf %parallel_loop3A_587, %parallel_loop3A_588 : vector<16xf32>
      %parallel_loop3A_590 = arith.index_cast %parallel_loop3A_346 : i32 to index
      %parallel_loop3A_591 = arith.constant 240 : index
      %parallel_loop3A_592 = tpu.vector_load %arg25[%parallel_loop3A_590, %parallel_loop3A_591] {strides = array<i32>} : memref<128x256xf32, #tpu.memory_space<vmem>>, vector<1x16xf32>,
      %parallel_loop3A_593 = vector.shape_cast %parallel_loop3A_592 : vector<1x16xf32> to vector<16xf32>
      %parallel_loop3A_594 = vector.shape_cast %parallel_loop3A_589 : vector<16xf32> to vector<1x16xf32>
      tpu.vector_store %arg25[%parallel_loop3A_590, %parallel_loop3A_591], %parallel_loop3A_594 {strides = array<i32>} : memref<128x256xf32, #tpu.memory_space<vmem>>, vector<1x16xf32>,
    } {sc.loop_unroll_factor = 4 : i64, sc.parallel_access}
    %scan3A = arith.constant 0 : i32
    %scan3A_91 = arith.constant 128 : i32
    %scan3A_92 = arith.addi %scan3A, %scan3A_91 : i32
    %scan3A_93 = arith.constant 1 : i32
    %scan3A_94:16 = scf.for %scan3A_346 = %scan3A to %scan3A_92 step %scan3A_93 iter_args(%scan3A_347 = %broadcast_in_dim3A_50, %scan3A_348 = %broadcast_in_dim3A_50, %scan3A_349 = %broadcast_in_dim3A_50, %scan3A_350 = %broadcast_in_dim3A_50, %scan3A_351 = %broadcast_in_dim3A_50, %scan3A_352 = %broadcast_in_dim3A_50, %scan3A_353 = %broadcast_in_dim3A_50, %scan3A_354 = %broadcast_in_dim3A_50, %scan3A_355 = %broadcast_in_dim3A_50, %scan3A_356 = %broadcast_in_dim3A_50, %scan3A_357 = %broadcast_in_dim3A_50, %scan3A_358 = %broadcast_in_dim3A_50, %scan3A_359 = %broadcast_in_dim3A_50, %scan3A_360 = %broadcast_in_dim3A_50, %scan3A_361 = %broadcast_in_dim3A_50, %scan3A_362 = %broadcast_in_dim3A_50) -> (vector<16xf32>, vector<16xf32>, vector<16xf32>, vector<16xf32>, vector<16xf32>, vector<16xf32>, vector<16xf32>, vector<16xf32>, vector<16xf32>, vector<16xf32>, vector<16xf32>, vector<16xf32>, vector<16xf32>, vector<16xf32>, vector<16xf32>, vector<16xf32>)  : i32 {
      %get3A_363 = arith.index_cast %scan3A_346 : i32 to index
      %get3A_364 = arith.constant 0 : index
      %get3A_365 = tpu.vector_load %arg25[%get3A_363, %get3A_364] {strides = array<i32>} : memref<128x256xf32, #tpu.memory_space<vmem>>, vector<1x16xf32>,
      %get3A_366 = vector.shape_cast %get3A_365 : vector<1x16xf32> to vector<16xf32>
      %add3A_367 = arith.addf %scan3A_347, %get3A_366 : vector<16xf32>
      %get3A_368 = arith.index_cast %scan3A_346 : i32 to index
      %get3A_369 = arith.constant 16 : index
      %get3A_370 = tpu.vector_load %arg25[%get3A_368, %get3A_369] {strides = array<i32>} : memref<128x256xf32, #tpu.memory_space<vmem>>, vector<1x16xf32>,
      %get3A_371 = vector.shape_cast %get3A_370 : vector<1x16xf32> to vector<16xf32>
      %add3A_372 = arith.addf %scan3A_348, %get3A_371 : vector<16xf32>
      %get3A_373 = arith.index_cast %scan3A_346 : i32 to index
      %get3A_374 = arith.constant 32 : index
      %get3A_375 = tpu.vector_load %arg25[%get3A_373, %get3A_374] {strides = array<i32>} : memref<128x256xf32, #tpu.memory_space<vmem>>, vector<1x16xf32>,
      %get3A_376 = vector.shape_cast %get3A_375 : vector<1x16xf32> to vector<16xf32>
      %add3A_377 = arith.addf %scan3A_349, %get3A_376 : vector<16xf32>
      %get3A_378 = arith.index_cast %scan3A_346 : i32 to index
      %get3A_379 = arith.constant 48 : index
      %get3A_380 = tpu.vector_load %arg25[%get3A_378, %get3A_379] {strides = array<i32>} : memref<128x256xf32, #tpu.memory_space<vmem>>, vector<1x16xf32>,
      %get3A_381 = vector.shape_cast %get3A_380 : vector<1x16xf32> to vector<16xf32>
      %add3A_382 = arith.addf %scan3A_350, %get3A_381 : vector<16xf32>
      %get3A_383 = arith.index_cast %scan3A_346 : i32 to index
      %get3A_384 = arith.constant 64 : index
      %get3A_385 = tpu.vector_load %arg25[%get3A_383, %get3A_384] {strides = array<i32>} : memref<128x256xf32, #tpu.memory_space<vmem>>, vector<1x16xf32>,
      %get3A_386 = vector.shape_cast %get3A_385 : vector<1x16xf32> to vector<16xf32>
      %add3A_387 = arith.addf %scan3A_351, %get3A_386 : vector<16xf32>
      %get3A_388 = arith.index_cast %scan3A_346 : i32 to index
      %get3A_389 = arith.constant 80 : index
      %get3A_390 = tpu.vector_load %arg25[%get3A_388, %get3A_389] {strides = array<i32>} : memref<128x256xf32, #tpu.memory_space<vmem>>, vector<1x16xf32>,
      %get3A_391 = vector.shape_cast %get3A_390 : vector<1x16xf32> to vector<16xf32>
      %add3A_392 = arith.addf %scan3A_352, %get3A_391 : vector<16xf32>
      %get3A_393 = arith.index_cast %scan3A_346 : i32 to index
      %get3A_394 = arith.constant 96 : index
      %get3A_395 = tpu.vector_load %arg25[%get3A_393, %get3A_394] {strides = array<i32>} : memref<128x256xf32, #tpu.memory_space<vmem>>, vector<1x16xf32>,
      %get3A_396 = vector.shape_cast %get3A_395 : vector<1x16xf32> to vector<16xf32>
      %add3A_397 = arith.addf %scan3A_353, %get3A_396 : vector<16xf32>
      %get3A_398 = arith.index_cast %scan3A_346 : i32 to index
      %get3A_399 = arith.constant 112 : index
      %get3A_400 = tpu.vector_load %arg25[%get3A_398, %get3A_399] {strides = array<i32>} : memref<128x256xf32, #tpu.memory_space<vmem>>, vector<1x16xf32>,
      %get3A_401 = vector.shape_cast %get3A_400 : vector<1x16xf32> to vector<16xf32>
      %add3A_402 = arith.addf %scan3A_354, %get3A_401 : vector<16xf32>
      %get3A_403 = arith.index_cast %scan3A_346 : i32 to index
      %get3A_404 = arith.constant 128 : index
      %get3A_405 = tpu.vector_load %arg25[%get3A_403, %get3A_404] {strides = array<i32>} : memref<128x256xf32, #tpu.memory_space<vmem>>, vector<1x16xf32>,
      %get3A_406 = vector.shape_cast %get3A_405 : vector<1x16xf32> to vector<16xf32>
      %add3A_407 = arith.addf %scan3A_355, %get3A_406 : vector<16xf32>
      %get3A_408 = arith.index_cast %scan3A_346 : i32 to index
      %get3A_409 = arith.constant 144 : index
      %get3A_410 = tpu.vector_load %arg25[%get3A_408, %get3A_409] {strides = array<i32>} : memref<128x256xf32, #tpu.memory_space<vmem>>, vector<1x16xf32>,
      %get3A_411 = vector.shape_cast %get3A_410 : vector<1x16xf32> to vector<16xf32>
      %add3A_412 = arith.addf %scan3A_356, %get3A_411 : vector<16xf32>
      %get3A_413 = arith.index_cast %scan3A_346 : i32 to index
      %get3A_414 = arith.constant 160 : index
      %get3A_415 = tpu.vector_load %arg25[%get3A_413, %get3A_414] {strides = array<i32>} : memref<128x256xf32, #tpu.memory_space<vmem>>, vector<1x16xf32>,
      %get3A_416 = vector.shape_cast %get3A_415 : vector<1x16xf32> to vector<16xf32>
      %add3A_417 = arith.addf %scan3A_357, %get3A_416 : vector<16xf32>
      %get3A_418 = arith.index_cast %scan3A_346 : i32 to index
      %get3A_419 = arith.constant 176 : index
      %get3A_420 = tpu.vector_load %arg25[%get3A_418, %get3A_419] {strides = array<i32>} : memref<128x256xf32, #tpu.memory_space<vmem>>, vector<1x16xf32>,
      %get3A_421 = vector.shape_cast %get3A_420 : vector<1x16xf32> to vector<16xf32>
      %add3A_422 = arith.addf %scan3A_358, %get3A_421 : vector<16xf32>
      %get3A_423 = arith.index_cast %scan3A_346 : i32 to index
      %get3A_424 = arith.constant 192 : index
      %get3A_425 = tpu.vector_load %arg25[%get3A_423, %get3A_424] {strides = array<i32>} : memref<128x256xf32, #tpu.memory_space<vmem>>, vector<1x16xf32>,
      %get3A_426 = vector.shape_cast %get3A_425 : vector<1x16xf32> to vector<16xf32>
      %add3A_427 = arith.addf %scan3A_359, %get3A_426 : vector<16xf32>
      %get3A_428 = arith.index_cast %scan3A_346 : i32 to index
      %get3A_429 = arith.constant 208 : index
      %get3A_430 = tpu.vector_load %arg25[%get3A_428, %get3A_429] {strides = array<i32>} : memref<128x256xf32, #tpu.memory_space<vmem>>, vector<1x16xf32>,
      %get3A_431 = vector.shape_cast %get3A_430 : vector<1x16xf32> to vector<16xf32>
      %add3A_432 = arith.addf %scan3A_360, %get3A_431 : vector<16xf32>
      %get3A_433 = arith.index_cast %scan3A_346 : i32 to index
      %get3A_434 = arith.constant 224 : index
      %get3A_435 = tpu.vector_load %arg25[%get3A_433, %get3A_434] {strides = array<i32>} : memref<128x256xf32, #tpu.memory_space<vmem>>, vector<1x16xf32>,
      %get3A_436 = vector.shape_cast %get3A_435 : vector<1x16xf32> to vector<16xf32>
      %add3A_437 = arith.addf %scan3A_361, %get3A_436 : vector<16xf32>
      %get3A_438 = arith.index_cast %scan3A_346 : i32 to index
      %get3A_439 = arith.constant 240 : index
      %get3A_440 = tpu.vector_load %arg25[%get3A_438, %get3A_439] {strides = array<i32>} : memref<128x256xf32, #tpu.memory_space<vmem>>, vector<1x16xf32>,
      %get3A_441 = vector.shape_cast %get3A_440 : vector<1x16xf32> to vector<16xf32>
      %add3A_442 = arith.addf %scan3A_362, %get3A_441 : vector<16xf32>
      scf.yield %add3A_367, %add3A_372, %add3A_377, %add3A_382, %add3A_387, %add3A_392, %add3A_397, %add3A_402, %add3A_407, %add3A_412, %add3A_417, %add3A_422, %add3A_427, %add3A_432, %add3A_437, %add3A_442 : vector<16xf32>, vector<16xf32>, vector<16xf32>, vector<16xf32>, vector<16xf32>, vector<16xf32>, vector<16xf32>, vector<16xf32>, vector<16xf32>, vector<16xf32>, vector<16xf32>, vector<16xf32>, vector<16xf32>, vector<16xf32>, vector<16xf32>, vector<16xf32>
    }
    %scan3A_95 = arith.constant 128 : i32
    %add3A_96 = arith.constant 0 : i32
    %add3A_97 = arith.addi %mul3A_2, %add3A_96 : i32
    "tpu.region"() ({
      %run_scoped3A = tpu.sem_alloc : memref<!tpu.dma_semaphore, #tpu.memory_space<semaphore_mem>>
      %dma_start3A_346 = arith.constant 0 : i32
      %dma_start3A_347 = tpu.memref_slice %arg12[%add3A_97, %dma_start3A_346] : memref<16384x256xf32, #tpu.memory_space<hbm>> -> memref<128x256xf32, #tpu.memory_space<hbm>>
      %dma_start3A_348 = arith.constant 0 : i32
      %dma_start3A_349 = tpu.memref_slice %arg12[%add3A_97, %dma_start3A_348] : memref<16384x256xf32, #tpu.memory_space<hbm>> -> memref<128x256xf32, #tpu.memory_space<hbm>>
      tpu.enqueue_dma source(%arg25 : memref<128x256xf32, #tpu.memory_space<vmem>>) target(%dma_start3A_349 : memref<128x256xf32, #tpu.memory_space<hbm>>) target_semaphore(%run_scoped3A : memref<!tpu.dma_semaphore, #tpu.memory_space<semaphore_mem>>)
      %dma_wait3A_350 = arith.constant 0 : i32
      %dma_wait3A_351 = tpu.memref_slice %arg12[%add3A_97, %dma_wait3A_350] : memref<16384x256xf32, #tpu.memory_space<hbm>> -> memref<128x256xf32, #tpu.memory_space<hbm>>
      %dma_wait3A_352 = arith.constant 0 : i32
      %dma_wait3A_353 = tpu.memref_slice %arg12[%add3A_97, %dma_wait3A_352] : memref<16384x256xf32, #tpu.memory_space<hbm>> -> memref<128x256xf32, #tpu.memory_space<hbm>>
      tpu.wait_dma2 semaphore(%run_scoped3A : memref<!tpu.dma_semaphore, #tpu.memory_space<semaphore_mem>>) src(%arg25 : memref<128x256xf32, #tpu.memory_space<vmem>>) dst(%dma_wait3A_353 : memref<128x256xf32, #tpu.memory_space<hbm>>)
      tpu.yield
    }) : () -> ()
    %dma_start3A_98 = arith.constant 128 : i32
    %dma_start3A_99 = tpu.memref_slice %arg15[%dma_start3A_98] : memref<512xi32, #tpu.memory_space<vmem>> -> memref<128xi32, #tpu.memory_space<vmem>>
    %dma_start3A_100 = arith.constant 0 : i32
    %dma_start3A_101 = arith.constant 0 : i32
    %dma_start3A_102 = tpu.memref_slice %arg8[%dma_start3A_100, %dma_start3A_101] : memref<64x128xf32, #tpu.memory_space<hbm>> -> memref<64x128xf32, #tpu.memory_space<hbm>>
    tpu.enqueue_indirect_dma source(%dma_start3A_102 : memref<64x128xf32, #tpu.memory_space<hbm>>) target(%arg21 : memref<128x128xf32, #tpu.memory_space<vmem>>) offsets(%dma_start3A_99 : memref<128xi32, #tpu.memory_space<vmem>>) semaphore(%arg27 : memref<!tpu.dma_semaphore, #tpu.memory_space<semaphore_mem>>)
    %dma_start3A_103 = arith.constant 128 : i32
    %dma_start3A_104 = tpu.memref_slice %arg17[%dma_start3A_103] : memref<512xi32, #tpu.memory_space<vmem>> -> memref<128xi32, #tpu.memory_space<vmem>>
    %dma_start3A_105 = arith.constant 0 : i32
    %dma_start3A_106 = arith.constant 0 : i32
    %dma_start3A_107 = tpu.memref_slice %arg9[%dma_start3A_105, %dma_start3A_106] : memref<64x128xf32, #tpu.memory_space<hbm>> -> memref<64x128xf32, #tpu.memory_space<hbm>>
    tpu.enqueue_indirect_dma source(%dma_start3A_107 : memref<64x128xf32, #tpu.memory_space<hbm>>) target(%arg22 : memref<128x128xf32, #tpu.memory_space<vmem>>) offsets(%dma_start3A_104 : memref<128xi32, #tpu.memory_space<vmem>>) semaphore(%arg27 : memref<!tpu.dma_semaphore, #tpu.memory_space<semaphore_mem>>)
    %dma_start3A_108 = arith.constant 128 : i32
    %dma_start3A_109 = tpu.memref_slice %arg18[%dma_start3A_108] : memref<512xi32, #tpu.memory_space<vmem>> -> memref<128xi32, #tpu.memory_space<vmem>>
    %dma_start3A_110 = arith.constant 0 : i32
    %dma_start3A_111 = arith.constant 0 : i32
    %dma_start3A_112 = tpu.memref_slice %arg9[%dma_start3A_110, %dma_start3A_111] : memref<64x128xf32, #tpu.memory_space<hbm>> -> memref<64x128xf32, #tpu.memory_space<hbm>>
    tpu.enqueue_indirect_dma source(%dma_start3A_112 : memref<64x128xf32, #tpu.memory_space<hbm>>) target(%arg23 : memref<128x128xf32, #tpu.memory_space<vmem>>) offsets(%dma_start3A_109 : memref<128xi32, #tpu.memory_space<vmem>>) semaphore(%arg27 : memref<!tpu.dma_semaphore, #tpu.memory_space<semaphore_mem>>)
    %dma_start3A_113 = arith.constant 128 : i32
    %dma_start3A_114 = tpu.memref_slice %arg16[%dma_start3A_113] : memref<512xi32, #tpu.memory_space<vmem>> -> memref<128xi32, #tpu.memory_space<vmem>>
    %dma_start3A_115 = arith.constant 0 : i32
    %dma_start3A_116 = arith.constant 0 : i32
    %dma_start3A_117 = tpu.memref_slice %arg10[%dma_start3A_115, %dma_start3A_116] : memref<4x128xf32, #tpu.memory_space<hbm>> -> memref<4x128xf32, #tpu.memory_space<hbm>>
    tpu.enqueue_indirect_dma source(%dma_start3A_117 : memref<4x128xf32, #tpu.memory_space<hbm>>) target(%arg24 : memref<128x128xf32, #tpu.memory_space<vmem>>) offsets(%dma_start3A_114 : memref<128xi32, #tpu.memory_space<vmem>>) semaphore(%arg27 : memref<!tpu.dma_semaphore, #tpu.memory_space<semaphore_mem>>)
    %dma_wait3A_118 = arith.constant 128 : i32
    %dma_wait3A_119 = tpu.memref_slice %arg15[%dma_wait3A_118] : memref<512xi32, #tpu.memory_space<vmem>> -> memref<128xi32, #tpu.memory_space<vmem>>
    %dma_wait3A_120 = arith.constant 0 : i32
    %dma_wait3A_121 = arith.constant 0 : i32
    %dma_wait3A_122 = tpu.memref_slice %arg8[%dma_wait3A_120, %dma_wait3A_121] : memref<64x128xf32, #tpu.memory_space<hbm>> -> memref<64x128xf32, #tpu.memory_space<hbm>>
    tpu.wait_indirect_dma semaphore(%arg27 : memref<!tpu.dma_semaphore, #tpu.memory_space<semaphore_mem>>) src(%dma_wait3A_122 : memref<64x128xf32, #tpu.memory_space<hbm>>) dst(%arg21 : memref<128x128xf32, #tpu.memory_space<vmem>>)
    %dma_wait3A_123 = arith.constant 128 : i32
    %dma_wait3A_124 = tpu.memref_slice %arg17[%dma_wait3A_123] : memref<512xi32, #tpu.memory_space<vmem>> -> memref<128xi32, #tpu.memory_space<vmem>>
    %dma_wait3A_125 = arith.constant 0 : i32
    %dma_wait3A_126 = arith.constant 0 : i32
    %dma_wait3A_127 = tpu.memref_slice %arg9[%dma_wait3A_125, %dma_wait3A_126] : memref<64x128xf32, #tpu.memory_space<hbm>> -> memref<64x128xf32, #tpu.memory_space<hbm>>
    tpu.wait_indirect_dma semaphore(%arg27 : memref<!tpu.dma_semaphore, #tpu.memory_space<semaphore_mem>>) src(%dma_wait3A_127 : memref<64x128xf32, #tpu.memory_space<hbm>>) dst(%arg22 : memref<128x128xf32, #tpu.memory_space<vmem>>)
    %dma_wait3A_128 = arith.constant 128 : i32
    %dma_wait3A_129 = tpu.memref_slice %arg18[%dma_wait3A_128] : memref<512xi32, #tpu.memory_space<vmem>> -> memref<128xi32, #tpu.memory_space<vmem>>
    %dma_wait3A_130 = arith.constant 0 : i32
    %dma_wait3A_131 = arith.constant 0 : i32
    %dma_wait3A_132 = tpu.memref_slice %arg9[%dma_wait3A_130, %dma_wait3A_131] : memref<64x128xf32, #tpu.memory_space<hbm>> -> memref<64x128xf32, #tpu.memory_space<hbm>>
    tpu.wait_indirect_dma semaphore(%arg27 : memref<!tpu.dma_semaphore, #tpu.memory_space<semaphore_mem>>) src(%dma_wait3A_132 : memref<64x128xf32, #tpu.memory_space<hbm>>) dst(%arg23 : memref<128x128xf32, #tpu.memory_space<vmem>>)
    %dma_wait3A_133 = arith.constant 128 : i32
    %dma_wait3A_134 = tpu.memref_slice %arg16[%dma_wait3A_133] : memref<512xi32, #tpu.memory_space<vmem>> -> memref<128xi32, #tpu.memory_space<vmem>>
    %dma_wait3A_135 = arith.constant 0 : i32
    %dma_wait3A_136 = arith.constant 0 : i32
    %dma_wait3A_137 = tpu.memref_slice %arg10[%dma_wait3A_135, %dma_wait3A_136] : memref<4x128xf32, #tpu.memory_space<hbm>> -> memref<4x128xf32, #tpu.memory_space<hbm>>
    tpu.wait_indirect_dma semaphore(%arg27 : memref<!tpu.dma_semaphore, #tpu.memory_space<semaphore_mem>>) src(%dma_wait3A_137 : memref<4x128xf32, #tpu.memory_space<hbm>>) dst(%arg24 : memref<128x128xf32, #tpu.memory_space<vmem>>)
    %parallel_loop3A_138 = arith.constant 0 : i32
    %parallel_loop3A_139 = arith.constant 128 : i32
    %parallel_loop3A_140 = arith.constant 1 : i32
    scf.for %parallel_loop3A_346 = %parallel_loop3A_138 to %parallel_loop3A_139 step %parallel_loop3A_140  : i32 {
      %parallel_loop3A_347 = arith.constant 128 : i32
      %parallel_loop3A_348 = arith.addi %parallel_loop3A_347, %parallel_loop3A_346 : i32
      %parallel_loop3A_349 = arith.index_cast %parallel_loop3A_348 : i32 to index
      %parallel_loop3A_350 = tpu.vector_load %arg19[%parallel_loop3A_349] {strides = array<i32>} : memref<528xf32, #tpu.memory_space<vmem>>, vector<16xf32>,
      %parallel_loop3A_351 = vector.shape_cast %parallel_loop3A_350 : vector<16xf32> to vector<16xf32>
      %parallel_loop3A_352 = vector.extract_strided_slice %parallel_loop3A_351 {offsets = [0], sizes = [1], strides = [1]} : vector<16xf32> to vector<1xf32>
      %parallel_loop3A_353 = vector.extract %parallel_loop3A_352[0] : f32 from vector<1xf32>
      %parallel_loop3A_354 = vector.broadcast %parallel_loop3A_353 : f32 to vector<16xf32>
      %parallel_loop3A_355 = arith.index_cast %parallel_loop3A_348 : i32 to index
      %parallel_loop3A_356 = tpu.vector_load %arg20[%parallel_loop3A_355] {strides = array<i32>} : memref<528xf32, #tpu.memory_space<vmem>>, vector<16xf32>,
      %parallel_loop3A_357 = vector.shape_cast %parallel_loop3A_356 : vector<16xf32> to vector<16xf32>
      %parallel_loop3A_358 = vector.extract_strided_slice %parallel_loop3A_357 {offsets = [0], sizes = [1], strides = [1]} : vector<16xf32> to vector<1xf32>
      %parallel_loop3A_359 = vector.extract %parallel_loop3A_358[0] : f32 from vector<1xf32>
      %parallel_loop3A_360 = vector.broadcast %parallel_loop3A_359 : f32 to vector<16xf32>
      %parallel_loop3A_361 = arith.index_cast %parallel_loop3A_346 : i32 to index
      %parallel_loop3A_362 = arith.constant 0 : index
      %parallel_loop3A_363 = tpu.vector_load %arg21[%parallel_loop3A_361, %parallel_loop3A_362] {strides = array<i32>} : memref<128x128xf32, #tpu.memory_space<vmem>>, vector<1x16xf32>,
      %parallel_loop3A_364 = vector.shape_cast %parallel_loop3A_363 : vector<1x16xf32> to vector<16xf32>
      %parallel_loop3A_365 = arith.index_cast %parallel_loop3A_346 : i32 to index
      %parallel_loop3A_366 = arith.constant 0 : index
      %parallel_loop3A_367 = tpu.vector_load %arg22[%parallel_loop3A_365, %parallel_loop3A_366] {strides = array<i32>} : memref<128x128xf32, #tpu.memory_space<vmem>>, vector<1x16xf32>,
      %parallel_loop3A_368 = vector.shape_cast %parallel_loop3A_367 : vector<1x16xf32> to vector<16xf32>
      %parallel_loop3A_369 = arith.addf %parallel_loop3A_364, %parallel_loop3A_368 : vector<16xf32>
      %parallel_loop3A_370 = arith.index_cast %parallel_loop3A_346 : i32 to index
      %parallel_loop3A_371 = arith.constant 0 : index
      %parallel_loop3A_372 = tpu.vector_load %arg25[%parallel_loop3A_370, %parallel_loop3A_371] {strides = array<i32>} : memref<128x256xf32, #tpu.memory_space<vmem>>, vector<1x16xf32>,
      %parallel_loop3A_373 = vector.shape_cast %parallel_loop3A_372 : vector<1x16xf32> to vector<16xf32>
      %parallel_loop3A_374 = vector.shape_cast %parallel_loop3A_369 : vector<16xf32> to vector<1x16xf32>
      tpu.vector_store %arg25[%parallel_loop3A_370, %parallel_loop3A_371], %parallel_loop3A_374 {strides = array<i32>} : memref<128x256xf32, #tpu.memory_space<vmem>>, vector<1x16xf32>,
      %parallel_loop3A_375 = arith.index_cast %parallel_loop3A_346 : i32 to index
      %parallel_loop3A_376 = arith.constant 16 : index
      %parallel_loop3A_377 = tpu.vector_load %arg21[%parallel_loop3A_375, %parallel_loop3A_376] {strides = array<i32>} : memref<128x128xf32, #tpu.memory_space<vmem>>, vector<1x16xf32>,
      %parallel_loop3A_378 = vector.shape_cast %parallel_loop3A_377 : vector<1x16xf32> to vector<16xf32>
      %parallel_loop3A_379 = arith.index_cast %parallel_loop3A_346 : i32 to index
      %parallel_loop3A_380 = arith.constant 16 : index
      %parallel_loop3A_381 = tpu.vector_load %arg22[%parallel_loop3A_379, %parallel_loop3A_380] {strides = array<i32>} : memref<128x128xf32, #tpu.memory_space<vmem>>, vector<1x16xf32>,
      %parallel_loop3A_382 = vector.shape_cast %parallel_loop3A_381 : vector<1x16xf32> to vector<16xf32>
      %parallel_loop3A_383 = arith.addf %parallel_loop3A_378, %parallel_loop3A_382 : vector<16xf32>
      %parallel_loop3A_384 = arith.index_cast %parallel_loop3A_346 : i32 to index
      %parallel_loop3A_385 = arith.constant 16 : index
      %parallel_loop3A_386 = tpu.vector_load %arg25[%parallel_loop3A_384, %parallel_loop3A_385] {strides = array<i32>} : memref<128x256xf32, #tpu.memory_space<vmem>>, vector<1x16xf32>,
      %parallel_loop3A_387 = vector.shape_cast %parallel_loop3A_386 : vector<1x16xf32> to vector<16xf32>
      %parallel_loop3A_388 = vector.shape_cast %parallel_loop3A_383 : vector<16xf32> to vector<1x16xf32>
      tpu.vector_store %arg25[%parallel_loop3A_384, %parallel_loop3A_385], %parallel_loop3A_388 {strides = array<i32>} : memref<128x256xf32, #tpu.memory_space<vmem>>, vector<1x16xf32>,
      %parallel_loop3A_389 = arith.index_cast %parallel_loop3A_346 : i32 to index
      %parallel_loop3A_390 = arith.constant 32 : index
      %parallel_loop3A_391 = tpu.vector_load %arg21[%parallel_loop3A_389, %parallel_loop3A_390] {strides = array<i32>} : memref<128x128xf32, #tpu.memory_space<vmem>>, vector<1x16xf32>,
      %parallel_loop3A_392 = vector.shape_cast %parallel_loop3A_391 : vector<1x16xf32> to vector<16xf32>
      %parallel_loop3A_393 = arith.index_cast %parallel_loop3A_346 : i32 to index
      %parallel_loop3A_394 = arith.constant 32 : index
      %parallel_loop3A_395 = tpu.vector_load %arg22[%parallel_loop3A_393, %parallel_loop3A_394] {strides = array<i32>} : memref<128x128xf32, #tpu.memory_space<vmem>>, vector<1x16xf32>,
      %parallel_loop3A_396 = vector.shape_cast %parallel_loop3A_395 : vector<1x16xf32> to vector<16xf32>
      %parallel_loop3A_397 = arith.addf %parallel_loop3A_392, %parallel_loop3A_396 : vector<16xf32>
      %parallel_loop3A_398 = arith.index_cast %parallel_loop3A_346 : i32 to index
      %parallel_loop3A_399 = arith.constant 32 : index
      %parallel_loop3A_400 = tpu.vector_load %arg25[%parallel_loop3A_398, %parallel_loop3A_399] {strides = array<i32>} : memref<128x256xf32, #tpu.memory_space<vmem>>, vector<1x16xf32>,
      %parallel_loop3A_401 = vector.shape_cast %parallel_loop3A_400 : vector<1x16xf32> to vector<16xf32>
      %parallel_loop3A_402 = vector.shape_cast %parallel_loop3A_397 : vector<16xf32> to vector<1x16xf32>
      tpu.vector_store %arg25[%parallel_loop3A_398, %parallel_loop3A_399], %parallel_loop3A_402 {strides = array<i32>} : memref<128x256xf32, #tpu.memory_space<vmem>>, vector<1x16xf32>,
      %parallel_loop3A_403 = arith.index_cast %parallel_loop3A_346 : i32 to index
      %parallel_loop3A_404 = arith.constant 48 : index
      %parallel_loop3A_405 = tpu.vector_load %arg21[%parallel_loop3A_403, %parallel_loop3A_404] {strides = array<i32>} : memref<128x128xf32, #tpu.memory_space<vmem>>, vector<1x16xf32>,
      %parallel_loop3A_406 = vector.shape_cast %parallel_loop3A_405 : vector<1x16xf32> to vector<16xf32>
      %parallel_loop3A_407 = arith.index_cast %parallel_loop3A_346 : i32 to index
      %parallel_loop3A_408 = arith.constant 48 : index
      %parallel_loop3A_409 = tpu.vector_load %arg22[%parallel_loop3A_407, %parallel_loop3A_408] {strides = array<i32>} : memref<128x128xf32, #tpu.memory_space<vmem>>, vector<1x16xf32>,
      %parallel_loop3A_410 = vector.shape_cast %parallel_loop3A_409 : vector<1x16xf32> to vector<16xf32>
      %parallel_loop3A_411 = arith.addf %parallel_loop3A_406, %parallel_loop3A_410 : vector<16xf32>
      %parallel_loop3A_412 = arith.index_cast %parallel_loop3A_346 : i32 to index
      %parallel_loop3A_413 = arith.constant 48 : index
      %parallel_loop3A_414 = tpu.vector_load %arg25[%parallel_loop3A_412, %parallel_loop3A_413] {strides = array<i32>} : memref<128x256xf32, #tpu.memory_space<vmem>>, vector<1x16xf32>,
      %parallel_loop3A_415 = vector.shape_cast %parallel_loop3A_414 : vector<1x16xf32> to vector<16xf32>
      %parallel_loop3A_416 = vector.shape_cast %parallel_loop3A_411 : vector<16xf32> to vector<1x16xf32>
      tpu.vector_store %arg25[%parallel_loop3A_412, %parallel_loop3A_413], %parallel_loop3A_416 {strides = array<i32>} : memref<128x256xf32, #tpu.memory_space<vmem>>, vector<1x16xf32>,
      %parallel_loop3A_417 = arith.index_cast %parallel_loop3A_346 : i32 to index
      %parallel_loop3A_418 = arith.constant 64 : index
      %parallel_loop3A_419 = tpu.vector_load %arg21[%parallel_loop3A_417, %parallel_loop3A_418] {strides = array<i32>} : memref<128x128xf32, #tpu.memory_space<vmem>>, vector<1x16xf32>,
      %parallel_loop3A_420 = vector.shape_cast %parallel_loop3A_419 : vector<1x16xf32> to vector<16xf32>
      %parallel_loop3A_421 = arith.index_cast %parallel_loop3A_346 : i32 to index
      %parallel_loop3A_422 = arith.constant 64 : index
      %parallel_loop3A_423 = tpu.vector_load %arg22[%parallel_loop3A_421, %parallel_loop3A_422] {strides = array<i32>} : memref<128x128xf32, #tpu.memory_space<vmem>>, vector<1x16xf32>,
      %parallel_loop3A_424 = vector.shape_cast %parallel_loop3A_423 : vector<1x16xf32> to vector<16xf32>
      %parallel_loop3A_425 = arith.addf %parallel_loop3A_420, %parallel_loop3A_424 : vector<16xf32>
      %parallel_loop3A_426 = arith.index_cast %parallel_loop3A_346 : i32 to index
      %parallel_loop3A_427 = arith.constant 64 : index
      %parallel_loop3A_428 = tpu.vector_load %arg25[%parallel_loop3A_426, %parallel_loop3A_427] {strides = array<i32>} : memref<128x256xf32, #tpu.memory_space<vmem>>, vector<1x16xf32>,
      %parallel_loop3A_429 = vector.shape_cast %parallel_loop3A_428 : vector<1x16xf32> to vector<16xf32>
      %parallel_loop3A_430 = vector.shape_cast %parallel_loop3A_425 : vector<16xf32> to vector<1x16xf32>
      tpu.vector_store %arg25[%parallel_loop3A_426, %parallel_loop3A_427], %parallel_loop3A_430 {strides = array<i32>} : memref<128x256xf32, #tpu.memory_space<vmem>>, vector<1x16xf32>,
      %parallel_loop3A_431 = arith.index_cast %parallel_loop3A_346 : i32 to index
      %parallel_loop3A_432 = arith.constant 80 : index
      %parallel_loop3A_433 = tpu.vector_load %arg21[%parallel_loop3A_431, %parallel_loop3A_432] {strides = array<i32>} : memref<128x128xf32, #tpu.memory_space<vmem>>, vector<1x16xf32>,
      %parallel_loop3A_434 = vector.shape_cast %parallel_loop3A_433 : vector<1x16xf32> to vector<16xf32>
      %parallel_loop3A_435 = arith.index_cast %parallel_loop3A_346 : i32 to index
      %parallel_loop3A_436 = arith.constant 80 : index
      %parallel_loop3A_437 = tpu.vector_load %arg22[%parallel_loop3A_435, %parallel_loop3A_436] {strides = array<i32>} : memref<128x128xf32, #tpu.memory_space<vmem>>, vector<1x16xf32>,
      %parallel_loop3A_438 = vector.shape_cast %parallel_loop3A_437 : vector<1x16xf32> to vector<16xf32>
      %parallel_loop3A_439 = arith.addf %parallel_loop3A_434, %parallel_loop3A_438 : vector<16xf32>
      %parallel_loop3A_440 = arith.index_cast %parallel_loop3A_346 : i32 to index
      %parallel_loop3A_441 = arith.constant 80 : index
      %parallel_loop3A_442 = tpu.vector_load %arg25[%parallel_loop3A_440, %parallel_loop3A_441] {strides = array<i32>} : memref<128x256xf32, #tpu.memory_space<vmem>>, vector<1x16xf32>,
      %parallel_loop3A_443 = vector.shape_cast %parallel_loop3A_442 : vector<1x16xf32> to vector<16xf32>
      %parallel_loop3A_444 = vector.shape_cast %parallel_loop3A_439 : vector<16xf32> to vector<1x16xf32>
      tpu.vector_store %arg25[%parallel_loop3A_440, %parallel_loop3A_441], %parallel_loop3A_444 {strides = array<i32>} : memref<128x256xf32, #tpu.memory_space<vmem>>, vector<1x16xf32>,
      %parallel_loop3A_445 = arith.index_cast %parallel_loop3A_346 : i32 to index
      %parallel_loop3A_446 = arith.constant 96 : index
      %parallel_loop3A_447 = tpu.vector_load %arg21[%parallel_loop3A_445, %parallel_loop3A_446] {strides = array<i32>} : memref<128x128xf32, #tpu.memory_space<vmem>>, vector<1x16xf32>,
      %parallel_loop3A_448 = vector.shape_cast %parallel_loop3A_447 : vector<1x16xf32> to vector<16xf32>
      %parallel_loop3A_449 = arith.index_cast %parallel_loop3A_346 : i32 to index
      %parallel_loop3A_450 = arith.constant 96 : index
      %parallel_loop3A_451 = tpu.vector_load %arg22[%parallel_loop3A_449, %parallel_loop3A_450] {strides = array<i32>} : memref<128x128xf32, #tpu.memory_space<vmem>>, vector<1x16xf32>,
      %parallel_loop3A_452 = vector.shape_cast %parallel_loop3A_451 : vector<1x16xf32> to vector<16xf32>
      %parallel_loop3A_453 = arith.addf %parallel_loop3A_448, %parallel_loop3A_452 : vector<16xf32>
      %parallel_loop3A_454 = arith.index_cast %parallel_loop3A_346 : i32 to index
      %parallel_loop3A_455 = arith.constant 96 : index
      %parallel_loop3A_456 = tpu.vector_load %arg25[%parallel_loop3A_454, %parallel_loop3A_455] {strides = array<i32>} : memref<128x256xf32, #tpu.memory_space<vmem>>, vector<1x16xf32>,
      %parallel_loop3A_457 = vector.shape_cast %parallel_loop3A_456 : vector<1x16xf32> to vector<16xf32>
      %parallel_loop3A_458 = vector.shape_cast %parallel_loop3A_453 : vector<16xf32> to vector<1x16xf32>
      tpu.vector_store %arg25[%parallel_loop3A_454, %parallel_loop3A_455], %parallel_loop3A_458 {strides = array<i32>} : memref<128x256xf32, #tpu.memory_space<vmem>>, vector<1x16xf32>,
      %parallel_loop3A_459 = arith.index_cast %parallel_loop3A_346 : i32 to index
      %parallel_loop3A_460 = arith.constant 112 : index
      %parallel_loop3A_461 = tpu.vector_load %arg21[%parallel_loop3A_459, %parallel_loop3A_460] {strides = array<i32>} : memref<128x128xf32, #tpu.memory_space<vmem>>, vector<1x16xf32>,
      %parallel_loop3A_462 = vector.shape_cast %parallel_loop3A_461 : vector<1x16xf32> to vector<16xf32>
      %parallel_loop3A_463 = arith.index_cast %parallel_loop3A_346 : i32 to index
      %parallel_loop3A_464 = arith.constant 112 : index
      %parallel_loop3A_465 = tpu.vector_load %arg22[%parallel_loop3A_463, %parallel_loop3A_464] {strides = array<i32>} : memref<128x128xf32, #tpu.memory_space<vmem>>, vector<1x16xf32>,
      %parallel_loop3A_466 = vector.shape_cast %parallel_loop3A_465 : vector<1x16xf32> to vector<16xf32>
      %parallel_loop3A_467 = arith.addf %parallel_loop3A_462, %parallel_loop3A_466 : vector<16xf32>
      %parallel_loop3A_468 = arith.index_cast %parallel_loop3A_346 : i32 to index
      %parallel_loop3A_469 = arith.constant 112 : index
      %parallel_loop3A_470 = tpu.vector_load %arg25[%parallel_loop3A_468, %parallel_loop3A_469] {strides = array<i32>} : memref<128x256xf32, #tpu.memory_space<vmem>>, vector<1x16xf32>,
      %parallel_loop3A_471 = vector.shape_cast %parallel_loop3A_470 : vector<1x16xf32> to vector<16xf32>
      %parallel_loop3A_472 = vector.shape_cast %parallel_loop3A_467 : vector<16xf32> to vector<1x16xf32>
      tpu.vector_store %arg25[%parallel_loop3A_468, %parallel_loop3A_469], %parallel_loop3A_472 {strides = array<i32>} : memref<128x256xf32, #tpu.memory_space<vmem>>, vector<1x16xf32>,
      %parallel_loop3A_473 = arith.index_cast %parallel_loop3A_346 : i32 to index
      %parallel_loop3A_474 = arith.constant 0 : index
      %parallel_loop3A_475 = tpu.vector_load %arg24[%parallel_loop3A_473, %parallel_loop3A_474] {strides = array<i32>} : memref<128x128xf32, #tpu.memory_space<vmem>>, vector<1x16xf32>,
      %parallel_loop3A_476 = vector.shape_cast %parallel_loop3A_475 : vector<1x16xf32> to vector<16xf32>
      %parallel_loop3A_477 = arith.index_cast %parallel_loop3A_346 : i32 to index
      %parallel_loop3A_478 = arith.constant 0 : index
      %parallel_loop3A_479 = tpu.vector_load %arg23[%parallel_loop3A_477, %parallel_loop3A_478] {strides = array<i32>} : memref<128x128xf32, #tpu.memory_space<vmem>>, vector<1x16xf32>,
      %parallel_loop3A_480 = vector.shape_cast %parallel_loop3A_479 : vector<1x16xf32> to vector<16xf32>
      %parallel_loop3A_481 = arith.addf %parallel_loop3A_476, %parallel_loop3A_480 : vector<16xf32>
      %parallel_loop3A_482 = arith.index_cast %parallel_loop3A_346 : i32 to index
      %parallel_loop3A_483 = arith.constant 128 : index
      %parallel_loop3A_484 = tpu.vector_load %arg25[%parallel_loop3A_482, %parallel_loop3A_483] {strides = array<i32>} : memref<128x256xf32, #tpu.memory_space<vmem>>, vector<1x16xf32>,
      %parallel_loop3A_485 = vector.shape_cast %parallel_loop3A_484 : vector<1x16xf32> to vector<16xf32>
      %parallel_loop3A_486 = vector.shape_cast %parallel_loop3A_481 : vector<16xf32> to vector<1x16xf32>
      tpu.vector_store %arg25[%parallel_loop3A_482, %parallel_loop3A_483], %parallel_loop3A_486 {strides = array<i32>} : memref<128x256xf32, #tpu.memory_space<vmem>>, vector<1x16xf32>,
      %parallel_loop3A_487 = arith.index_cast %parallel_loop3A_346 : i32 to index
      %parallel_loop3A_488 = arith.constant 16 : index
      %parallel_loop3A_489 = tpu.vector_load %arg24[%parallel_loop3A_487, %parallel_loop3A_488] {strides = array<i32>} : memref<128x128xf32, #tpu.memory_space<vmem>>, vector<1x16xf32>,
      %parallel_loop3A_490 = vector.shape_cast %parallel_loop3A_489 : vector<1x16xf32> to vector<16xf32>
      %parallel_loop3A_491 = arith.index_cast %parallel_loop3A_346 : i32 to index
      %parallel_loop3A_492 = arith.constant 16 : index
      %parallel_loop3A_493 = tpu.vector_load %arg23[%parallel_loop3A_491, %parallel_loop3A_492] {strides = array<i32>} : memref<128x128xf32, #tpu.memory_space<vmem>>, vector<1x16xf32>,
      %parallel_loop3A_494 = vector.shape_cast %parallel_loop3A_493 : vector<1x16xf32> to vector<16xf32>
      %parallel_loop3A_495 = arith.addf %parallel_loop3A_490, %parallel_loop3A_494 : vector<16xf32>
      %parallel_loop3A_496 = arith.index_cast %parallel_loop3A_346 : i32 to index
      %parallel_loop3A_497 = arith.constant 144 : index
      %parallel_loop3A_498 = tpu.vector_load %arg25[%parallel_loop3A_496, %parallel_loop3A_497] {strides = array<i32>} : memref<128x256xf32, #tpu.memory_space<vmem>>, vector<1x16xf32>,
      %parallel_loop3A_499 = vector.shape_cast %parallel_loop3A_498 : vector<1x16xf32> to vector<16xf32>
      %parallel_loop3A_500 = vector.shape_cast %parallel_loop3A_495 : vector<16xf32> to vector<1x16xf32>
      tpu.vector_store %arg25[%parallel_loop3A_496, %parallel_loop3A_497], %parallel_loop3A_500 {strides = array<i32>} : memref<128x256xf32, #tpu.memory_space<vmem>>, vector<1x16xf32>,
      %parallel_loop3A_501 = arith.index_cast %parallel_loop3A_346 : i32 to index
      %parallel_loop3A_502 = arith.constant 32 : index
      %parallel_loop3A_503 = tpu.vector_load %arg24[%parallel_loop3A_501, %parallel_loop3A_502] {strides = array<i32>} : memref<128x128xf32, #tpu.memory_space<vmem>>, vector<1x16xf32>,
      %parallel_loop3A_504 = vector.shape_cast %parallel_loop3A_503 : vector<1x16xf32> to vector<16xf32>
      %parallel_loop3A_505 = arith.index_cast %parallel_loop3A_346 : i32 to index
      %parallel_loop3A_506 = arith.constant 32 : index
      %parallel_loop3A_507 = tpu.vector_load %arg23[%parallel_loop3A_505, %parallel_loop3A_506] {strides = array<i32>} : memref<128x128xf32, #tpu.memory_space<vmem>>, vector<1x16xf32>,
      %parallel_loop3A_508 = vector.shape_cast %parallel_loop3A_507 : vector<1x16xf32> to vector<16xf32>
      %parallel_loop3A_509 = arith.addf %parallel_loop3A_504, %parallel_loop3A_508 : vector<16xf32>
      %parallel_loop3A_510 = arith.index_cast %parallel_loop3A_346 : i32 to index
      %parallel_loop3A_511 = arith.constant 160 : index
      %parallel_loop3A_512 = tpu.vector_load %arg25[%parallel_loop3A_510, %parallel_loop3A_511] {strides = array<i32>} : memref<128x256xf32, #tpu.memory_space<vmem>>, vector<1x16xf32>,
      %parallel_loop3A_513 = vector.shape_cast %parallel_loop3A_512 : vector<1x16xf32> to vector<16xf32>
      %parallel_loop3A_514 = vector.shape_cast %parallel_loop3A_509 : vector<16xf32> to vector<1x16xf32>
      tpu.vector_store %arg25[%parallel_loop3A_510, %parallel_loop3A_511], %parallel_loop3A_514 {strides = array<i32>} : memref<128x256xf32, #tpu.memory_space<vmem>>, vector<1x16xf32>,
      %parallel_loop3A_515 = arith.index_cast %parallel_loop3A_346 : i32 to index
      %parallel_loop3A_516 = arith.constant 48 : index
      %parallel_loop3A_517 = tpu.vector_load %arg24[%parallel_loop3A_515, %parallel_loop3A_516] {strides = array<i32>} : memref<128x128xf32, #tpu.memory_space<vmem>>, vector<1x16xf32>,
      %parallel_loop3A_518 = vector.shape_cast %parallel_loop3A_517 : vector<1x16xf32> to vector<16xf32>
      %parallel_loop3A_519 = arith.index_cast %parallel_loop3A_346 : i32 to index
      %parallel_loop3A_520 = arith.constant 48 : index
      %parallel_loop3A_521 = tpu.vector_load %arg23[%parallel_loop3A_519, %parallel_loop3A_520] {strides = array<i32>} : memref<128x128xf32, #tpu.memory_space<vmem>>, vector<1x16xf32>,
      %parallel_loop3A_522 = vector.shape_cast %parallel_loop3A_521 : vector<1x16xf32> to vector<16xf32>
      %parallel_loop3A_523 = arith.addf %parallel_loop3A_518, %parallel_loop3A_522 : vector<16xf32>
      %parallel_loop3A_524 = arith.index_cast %parallel_loop3A_346 : i32 to index
      %parallel_loop3A_525 = arith.constant 176 : index
      %parallel_loop3A_526 = tpu.vector_load %arg25[%parallel_loop3A_524, %parallel_loop3A_525] {strides = array<i32>} : memref<128x256xf32, #tpu.memory_space<vmem>>, vector<1x16xf32>,
      %parallel_loop3A_527 = vector.shape_cast %parallel_loop3A_526 : vector<1x16xf32> to vector<16xf32>
      %parallel_loop3A_528 = vector.shape_cast %parallel_loop3A_523 : vector<16xf32> to vector<1x16xf32>
      tpu.vector_store %arg25[%parallel_loop3A_524, %parallel_loop3A_525], %parallel_loop3A_528 {strides = array<i32>} : memref<128x256xf32, #tpu.memory_space<vmem>>, vector<1x16xf32>,
      %parallel_loop3A_529 = arith.index_cast %parallel_loop3A_346 : i32 to index
      %parallel_loop3A_530 = arith.constant 64 : index
      %parallel_loop3A_531 = tpu.vector_load %arg24[%parallel_loop3A_529, %parallel_loop3A_530] {strides = array<i32>} : memref<128x128xf32, #tpu.memory_space<vmem>>, vector<1x16xf32>,
      %parallel_loop3A_532 = vector.shape_cast %parallel_loop3A_531 : vector<1x16xf32> to vector<16xf32>
      %parallel_loop3A_533 = arith.index_cast %parallel_loop3A_346 : i32 to index
      %parallel_loop3A_534 = arith.constant 64 : index
      %parallel_loop3A_535 = tpu.vector_load %arg23[%parallel_loop3A_533, %parallel_loop3A_534] {strides = array<i32>} : memref<128x128xf32, #tpu.memory_space<vmem>>, vector<1x16xf32>,
      %parallel_loop3A_536 = vector.shape_cast %parallel_loop3A_535 : vector<1x16xf32> to vector<16xf32>
      %parallel_loop3A_537 = arith.addf %parallel_loop3A_532, %parallel_loop3A_536 : vector<16xf32>
      %parallel_loop3A_538 = arith.mulf %parallel_loop3A_354, %get3A_16 : vector<16xf32>
      %parallel_loop3A_539 = arith.addf %parallel_loop3A_537, %parallel_loop3A_538 : vector<16xf32>
      %parallel_loop3A_540 = arith.index_cast %parallel_loop3A_346 : i32 to index
      %parallel_loop3A_541 = arith.constant 192 : index
      %parallel_loop3A_542 = tpu.vector_load %arg25[%parallel_loop3A_540, %parallel_loop3A_541] {strides = array<i32>} : memref<128x256xf32, #tpu.memory_space<vmem>>, vector<1x16xf32>,
      %parallel_loop3A_543 = vector.shape_cast %parallel_loop3A_542 : vector<1x16xf32> to vector<16xf32>
      %parallel_loop3A_544 = vector.shape_cast %parallel_loop3A_539 : vector<16xf32> to vector<1x16xf32>
      tpu.vector_store %arg25[%parallel_loop3A_540, %parallel_loop3A_541], %parallel_loop3A_544 {strides = array<i32>} : memref<128x256xf32, #tpu.memory_space<vmem>>, vector<1x16xf32>,
      %parallel_loop3A_545 = arith.index_cast %parallel_loop3A_346 : i32 to index
      %parallel_loop3A_546 = arith.constant 80 : index
      %parallel_loop3A_547 = tpu.vector_load %arg24[%parallel_loop3A_545, %parallel_loop3A_546] {strides = array<i32>} : memref<128x128xf32, #tpu.memory_space<vmem>>, vector<1x16xf32>,
      %parallel_loop3A_548 = vector.shape_cast %parallel_loop3A_547 : vector<1x16xf32> to vector<16xf32>
      %parallel_loop3A_549 = arith.index_cast %parallel_loop3A_346 : i32 to index
      %parallel_loop3A_550 = arith.constant 80 : index
      %parallel_loop3A_551 = tpu.vector_load %arg23[%parallel_loop3A_549, %parallel_loop3A_550] {strides = array<i32>} : memref<128x128xf32, #tpu.memory_space<vmem>>, vector<1x16xf32>,
      %parallel_loop3A_552 = vector.shape_cast %parallel_loop3A_551 : vector<1x16xf32> to vector<16xf32>
      %parallel_loop3A_553 = arith.addf %parallel_loop3A_548, %parallel_loop3A_552 : vector<16xf32>
      %parallel_loop3A_554 = arith.mulf %parallel_loop3A_354, %get3A_19 : vector<16xf32>
      %parallel_loop3A_555 = arith.addf %parallel_loop3A_553, %parallel_loop3A_554 : vector<16xf32>
      %parallel_loop3A_556 = arith.index_cast %parallel_loop3A_346 : i32 to index
      %parallel_loop3A_557 = arith.constant 208 : index
      %parallel_loop3A_558 = tpu.vector_load %arg25[%parallel_loop3A_556, %parallel_loop3A_557] {strides = array<i32>} : memref<128x256xf32, #tpu.memory_space<vmem>>, vector<1x16xf32>,
      %parallel_loop3A_559 = vector.shape_cast %parallel_loop3A_558 : vector<1x16xf32> to vector<16xf32>
      %parallel_loop3A_560 = vector.shape_cast %parallel_loop3A_555 : vector<16xf32> to vector<1x16xf32>
      tpu.vector_store %arg25[%parallel_loop3A_556, %parallel_loop3A_557], %parallel_loop3A_560 {strides = array<i32>} : memref<128x256xf32, #tpu.memory_space<vmem>>, vector<1x16xf32>,
      %parallel_loop3A_561 = arith.index_cast %parallel_loop3A_346 : i32 to index
      %parallel_loop3A_562 = arith.constant 96 : index
      %parallel_loop3A_563 = tpu.vector_load %arg24[%parallel_loop3A_561, %parallel_loop3A_562] {strides = array<i32>} : memref<128x128xf32, #tpu.memory_space<vmem>>, vector<1x16xf32>,
      %parallel_loop3A_564 = vector.shape_cast %parallel_loop3A_563 : vector<1x16xf32> to vector<16xf32>
      %parallel_loop3A_565 = arith.index_cast %parallel_loop3A_346 : i32 to index
      %parallel_loop3A_566 = arith.constant 96 : index
      %parallel_loop3A_567 = tpu.vector_load %arg23[%parallel_loop3A_565, %parallel_loop3A_566] {strides = array<i32>} : memref<128x128xf32, #tpu.memory_space<vmem>>, vector<1x16xf32>,
      %parallel_loop3A_568 = vector.shape_cast %parallel_loop3A_567 : vector<1x16xf32> to vector<16xf32>
      %parallel_loop3A_569 = arith.addf %parallel_loop3A_564, %parallel_loop3A_568 : vector<16xf32>
      %parallel_loop3A_570 = arith.mulf %parallel_loop3A_354, %get3A_22 : vector<16xf32>
      %parallel_loop3A_571 = arith.addf %parallel_loop3A_569, %parallel_loop3A_570 : vector<16xf32>
      %parallel_loop3A_572 = arith.index_cast %parallel_loop3A_346 : i32 to index
      %parallel_loop3A_573 = arith.constant 224 : index
      %parallel_loop3A_574 = tpu.vector_load %arg25[%parallel_loop3A_572, %parallel_loop3A_573] {strides = array<i32>} : memref<128x256xf32, #tpu.memory_space<vmem>>, vector<1x16xf32>,
      %parallel_loop3A_575 = vector.shape_cast %parallel_loop3A_574 : vector<1x16xf32> to vector<16xf32>
      %parallel_loop3A_576 = vector.shape_cast %parallel_loop3A_571 : vector<16xf32> to vector<1x16xf32>
      tpu.vector_store %arg25[%parallel_loop3A_572, %parallel_loop3A_573], %parallel_loop3A_576 {strides = array<i32>} : memref<128x256xf32, #tpu.memory_space<vmem>>, vector<1x16xf32>,
      %parallel_loop3A_577 = arith.index_cast %parallel_loop3A_346 : i32 to index
      %parallel_loop3A_578 = arith.constant 112 : index
      %parallel_loop3A_579 = tpu.vector_load %arg24[%parallel_loop3A_577, %parallel_loop3A_578] {strides = array<i32>} : memref<128x128xf32, #tpu.memory_space<vmem>>, vector<1x16xf32>,
      %parallel_loop3A_580 = vector.shape_cast %parallel_loop3A_579 : vector<1x16xf32> to vector<16xf32>
      %parallel_loop3A_581 = arith.index_cast %parallel_loop3A_346 : i32 to index
      %parallel_loop3A_582 = arith.constant 112 : index
      %parallel_loop3A_583 = tpu.vector_load %arg23[%parallel_loop3A_581, %parallel_loop3A_582] {strides = array<i32>} : memref<128x128xf32, #tpu.memory_space<vmem>>, vector<1x16xf32>,
      %parallel_loop3A_584 = vector.shape_cast %parallel_loop3A_583 : vector<1x16xf32> to vector<16xf32>
      %parallel_loop3A_585 = arith.addf %parallel_loop3A_580, %parallel_loop3A_584 : vector<16xf32>
      %parallel_loop3A_586 = arith.mulf %parallel_loop3A_354, %get3A_25 : vector<16xf32>
      %parallel_loop3A_587 = arith.addf %parallel_loop3A_585, %parallel_loop3A_586 : vector<16xf32>
      %parallel_loop3A_588 = arith.mulf %parallel_loop3A_360, %get3A_49 : vector<16xf32>
      %parallel_loop3A_589 = arith.addf %parallel_loop3A_587, %parallel_loop3A_588 : vector<16xf32>
      %parallel_loop3A_590 = arith.index_cast %parallel_loop3A_346 : i32 to index
      %parallel_loop3A_591 = arith.constant 240 : index
      %parallel_loop3A_592 = tpu.vector_load %arg25[%parallel_loop3A_590, %parallel_loop3A_591] {strides = array<i32>} : memref<128x256xf32, #tpu.memory_space<vmem>>, vector<1x16xf32>,
      %parallel_loop3A_593 = vector.shape_cast %parallel_loop3A_592 : vector<1x16xf32> to vector<16xf32>
      %parallel_loop3A_594 = vector.shape_cast %parallel_loop3A_589 : vector<16xf32> to vector<1x16xf32>
      tpu.vector_store %arg25[%parallel_loop3A_590, %parallel_loop3A_591], %parallel_loop3A_594 {strides = array<i32>} : memref<128x256xf32, #tpu.memory_space<vmem>>, vector<1x16xf32>,
    } {sc.loop_unroll_factor = 4 : i64, sc.parallel_access}
    %scan3A_141 = arith.constant 0 : i32
    %scan3A_142 = arith.constant 128 : i32
    %scan3A_143 = arith.addi %scan3A_141, %scan3A_142 : i32
    %scan3A_144 = arith.constant 1 : i32
    %scan3A_145:16 = scf.for %scan3A_346 = %scan3A_141 to %scan3A_143 step %scan3A_144 iter_args(%scan3A_347 = %scan3A_94#0, %scan3A_348 = %scan3A_94#1, %scan3A_349 = %scan3A_94#2, %scan3A_350 = %scan3A_94#3, %scan3A_351 = %scan3A_94#4, %scan3A_352 = %scan3A_94#5, %scan3A_353 = %scan3A_94#6, %scan3A_354 = %scan3A_94#7, %scan3A_355 = %scan3A_94#8, %scan3A_356 = %scan3A_94#9, %scan3A_357 = %scan3A_94#10, %scan3A_358 = %scan3A_94#11, %scan3A_359 = %scan3A_94#12, %scan3A_360 = %scan3A_94#13, %scan3A_361 = %scan3A_94#14, %scan3A_362 = %scan3A_94#15) -> (vector<16xf32>, vector<16xf32>, vector<16xf32>, vector<16xf32>, vector<16xf32>, vector<16xf32>, vector<16xf32>, vector<16xf32>, vector<16xf32>, vector<16xf32>, vector<16xf32>, vector<16xf32>, vector<16xf32>, vector<16xf32>, vector<16xf32>, vector<16xf32>)  : i32 {
      %get3A_363 = arith.index_cast %scan3A_346 : i32 to index
      %get3A_364 = arith.constant 0 : index
      %get3A_365 = tpu.vector_load %arg25[%get3A_363, %get3A_364] {strides = array<i32>} : memref<128x256xf32, #tpu.memory_space<vmem>>, vector<1x16xf32>,
      %get3A_366 = vector.shape_cast %get3A_365 : vector<1x16xf32> to vector<16xf32>
      %add3A_367 = arith.addf %scan3A_347, %get3A_366 : vector<16xf32>
      %get3A_368 = arith.index_cast %scan3A_346 : i32 to index
      %get3A_369 = arith.constant 16 : index
      %get3A_370 = tpu.vector_load %arg25[%get3A_368, %get3A_369] {strides = array<i32>} : memref<128x256xf32, #tpu.memory_space<vmem>>, vector<1x16xf32>,
      %get3A_371 = vector.shape_cast %get3A_370 : vector<1x16xf32> to vector<16xf32>
      %add3A_372 = arith.addf %scan3A_348, %get3A_371 : vector<16xf32>
      %get3A_373 = arith.index_cast %scan3A_346 : i32 to index
      %get3A_374 = arith.constant 32 : index
      %get3A_375 = tpu.vector_load %arg25[%get3A_373, %get3A_374] {strides = array<i32>} : memref<128x256xf32, #tpu.memory_space<vmem>>, vector<1x16xf32>,
      %get3A_376 = vector.shape_cast %get3A_375 : vector<1x16xf32> to vector<16xf32>
      %add3A_377 = arith.addf %scan3A_349, %get3A_376 : vector<16xf32>
      %get3A_378 = arith.index_cast %scan3A_346 : i32 to index
      %get3A_379 = arith.constant 48 : index
      %get3A_380 = tpu.vector_load %arg25[%get3A_378, %get3A_379] {strides = array<i32>} : memref<128x256xf32, #tpu.memory_space<vmem>>, vector<1x16xf32>,
      %get3A_381 = vector.shape_cast %get3A_380 : vector<1x16xf32> to vector<16xf32>
      %add3A_382 = arith.addf %scan3A_350, %get3A_381 : vector<16xf32>
      %get3A_383 = arith.index_cast %scan3A_346 : i32 to index
      %get3A_384 = arith.constant 64 : index
      %get3A_385 = tpu.vector_load %arg25[%get3A_383, %get3A_384] {strides = array<i32>} : memref<128x256xf32, #tpu.memory_space<vmem>>, vector<1x16xf32>,
      %get3A_386 = vector.shape_cast %get3A_385 : vector<1x16xf32> to vector<16xf32>
      %add3A_387 = arith.addf %scan3A_351, %get3A_386 : vector<16xf32>
      %get3A_388 = arith.index_cast %scan3A_346 : i32 to index
      %get3A_389 = arith.constant 80 : index
      %get3A_390 = tpu.vector_load %arg25[%get3A_388, %get3A_389] {strides = array<i32>} : memref<128x256xf32, #tpu.memory_space<vmem>>, vector<1x16xf32>,
      %get3A_391 = vector.shape_cast %get3A_390 : vector<1x16xf32> to vector<16xf32>
      %add3A_392 = arith.addf %scan3A_352, %get3A_391 : vector<16xf32>
      %get3A_393 = arith.index_cast %scan3A_346 : i32 to index
      %get3A_394 = arith.constant 96 : index
      %get3A_395 = tpu.vector_load %arg25[%get3A_393, %get3A_394] {strides = array<i32>} : memref<128x256xf32, #tpu.memory_space<vmem>>, vector<1x16xf32>,
      %get3A_396 = vector.shape_cast %get3A_395 : vector<1x16xf32> to vector<16xf32>
      %add3A_397 = arith.addf %scan3A_353, %get3A_396 : vector<16xf32>
      %get3A_398 = arith.index_cast %scan3A_346 : i32 to index
      %get3A_399 = arith.constant 112 : index
      %get3A_400 = tpu.vector_load %arg25[%get3A_398, %get3A_399] {strides = array<i32>} : memref<128x256xf32, #tpu.memory_space<vmem>>, vector<1x16xf32>,
      %get3A_401 = vector.shape_cast %get3A_400 : vector<1x16xf32> to vector<16xf32>
      %add3A_402 = arith.addf %scan3A_354, %get3A_401 : vector<16xf32>
      %get3A_403 = arith.index_cast %scan3A_346 : i32 to index
      %get3A_404 = arith.constant 128 : index
      %get3A_405 = tpu.vector_load %arg25[%get3A_403, %get3A_404] {strides = array<i32>} : memref<128x256xf32, #tpu.memory_space<vmem>>, vector<1x16xf32>,
      %get3A_406 = vector.shape_cast %get3A_405 : vector<1x16xf32> to vector<16xf32>
      %add3A_407 = arith.addf %scan3A_355, %get3A_406 : vector<16xf32>
      %get3A_408 = arith.index_cast %scan3A_346 : i32 to index
      %get3A_409 = arith.constant 144 : index
      %get3A_410 = tpu.vector_load %arg25[%get3A_408, %get3A_409] {strides = array<i32>} : memref<128x256xf32, #tpu.memory_space<vmem>>, vector<1x16xf32>,
      %get3A_411 = vector.shape_cast %get3A_410 : vector<1x16xf32> to vector<16xf32>
      %add3A_412 = arith.addf %scan3A_356, %get3A_411 : vector<16xf32>
      %get3A_413 = arith.index_cast %scan3A_346 : i32 to index
      %get3A_414 = arith.constant 160 : index
      %get3A_415 = tpu.vector_load %arg25[%get3A_413, %get3A_414] {strides = array<i32>} : memref<128x256xf32, #tpu.memory_space<vmem>>, vector<1x16xf32>,
      %get3A_416 = vector.shape_cast %get3A_415 : vector<1x16xf32> to vector<16xf32>
      %add3A_417 = arith.addf %scan3A_357, %get3A_416 : vector<16xf32>
      %get3A_418 = arith.index_cast %scan3A_346 : i32 to index
      %get3A_419 = arith.constant 176 : index
      %get3A_420 = tpu.vector_load %arg25[%get3A_418, %get3A_419] {strides = array<i32>} : memref<128x256xf32, #tpu.memory_space<vmem>>, vector<1x16xf32>,
      %get3A_421 = vector.shape_cast %get3A_420 : vector<1x16xf32> to vector<16xf32>
      %add3A_422 = arith.addf %scan3A_358, %get3A_421 : vector<16xf32>
      %get3A_423 = arith.index_cast %scan3A_346 : i32 to index
      %get3A_424 = arith.constant 192 : index
      %get3A_425 = tpu.vector_load %arg25[%get3A_423, %get3A_424] {strides = array<i32>} : memref<128x256xf32, #tpu.memory_space<vmem>>, vector<1x16xf32>,
      %get3A_426 = vector.shape_cast %get3A_425 : vector<1x16xf32> to vector<16xf32>
      %add3A_427 = arith.addf %scan3A_359, %get3A_426 : vector<16xf32>
      %get3A_428 = arith.index_cast %scan3A_346 : i32 to index
      %get3A_429 = arith.constant 208 : index
      %get3A_430 = tpu.vector_load %arg25[%get3A_428, %get3A_429] {strides = array<i32>} : memref<128x256xf32, #tpu.memory_space<vmem>>, vector<1x16xf32>,
      %get3A_431 = vector.shape_cast %get3A_430 : vector<1x16xf32> to vector<16xf32>
      %add3A_432 = arith.addf %scan3A_360, %get3A_431 : vector<16xf32>
      %get3A_433 = arith.index_cast %scan3A_346 : i32 to index
      %get3A_434 = arith.constant 224 : index
      %get3A_435 = tpu.vector_load %arg25[%get3A_433, %get3A_434] {strides = array<i32>} : memref<128x256xf32, #tpu.memory_space<vmem>>, vector<1x16xf32>,
      %get3A_436 = vector.shape_cast %get3A_435 : vector<1x16xf32> to vector<16xf32>
      %add3A_437 = arith.addf %scan3A_361, %get3A_436 : vector<16xf32>
      %get3A_438 = arith.index_cast %scan3A_346 : i32 to index
      %get3A_439 = arith.constant 240 : index
      %get3A_440 = tpu.vector_load %arg25[%get3A_438, %get3A_439] {strides = array<i32>} : memref<128x256xf32, #tpu.memory_space<vmem>>, vector<1x16xf32>,
      %get3A_441 = vector.shape_cast %get3A_440 : vector<1x16xf32> to vector<16xf32>
      %add3A_442 = arith.addf %scan3A_362, %get3A_441 : vector<16xf32>
      scf.yield %add3A_367, %add3A_372, %add3A_377, %add3A_382, %add3A_387, %add3A_392, %add3A_397, %add3A_402, %add3A_407, %add3A_412, %add3A_417, %add3A_422, %add3A_427, %add3A_432, %add3A_437, %add3A_442 : vector<16xf32>, vector<16xf32>, vector<16xf32>, vector<16xf32>, vector<16xf32>, vector<16xf32>, vector<16xf32>, vector<16xf32>, vector<16xf32>, vector<16xf32>, vector<16xf32>, vector<16xf32>, vector<16xf32>, vector<16xf32>, vector<16xf32>, vector<16xf32>
    }
    %scan3A_146 = arith.constant 128 : i32
    %add3A_147 = arith.constant 128 : i32
    %add3A_148 = arith.addi %mul3A_2, %add3A_147 : i32
    "tpu.region"() ({
      %run_scoped3A = tpu.sem_alloc : memref<!tpu.dma_semaphore, #tpu.memory_space<semaphore_mem>>
      %dma_start3A_346 = arith.constant 0 : i32
      %dma_start3A_347 = tpu.memref_slice %arg12[%add3A_148, %dma_start3A_346] : memref<16384x256xf32, #tpu.memory_space<hbm>> -> memref<128x256xf32, #tpu.memory_space<hbm>>
      %dma_start3A_348 = arith.constant 0 : i32
      %dma_start3A_349 = tpu.memref_slice %arg12[%add3A_148, %dma_start3A_348] : memref<16384x256xf32, #tpu.memory_space<hbm>> -> memref<128x256xf32, #tpu.memory_space<hbm>>
      tpu.enqueue_dma source(%arg25 : memref<128x256xf32, #tpu.memory_space<vmem>>) target(%dma_start3A_349 : memref<128x256xf32, #tpu.memory_space<hbm>>) target_semaphore(%run_scoped3A : memref<!tpu.dma_semaphore, #tpu.memory_space<semaphore_mem>>)
      %dma_wait3A_350 = arith.constant 0 : i32
      %dma_wait3A_351 = tpu.memref_slice %arg12[%add3A_148, %dma_wait3A_350] : memref<16384x256xf32, #tpu.memory_space<hbm>> -> memref<128x256xf32, #tpu.memory_space<hbm>>
      %dma_wait3A_352 = arith.constant 0 : i32
      %dma_wait3A_353 = tpu.memref_slice %arg12[%add3A_148, %dma_wait3A_352] : memref<16384x256xf32, #tpu.memory_space<hbm>> -> memref<128x256xf32, #tpu.memory_space<hbm>>
      tpu.wait_dma2 semaphore(%run_scoped3A : memref<!tpu.dma_semaphore, #tpu.memory_space<semaphore_mem>>) src(%arg25 : memref<128x256xf32, #tpu.memory_space<vmem>>) dst(%dma_wait3A_353 : memref<128x256xf32, #tpu.memory_space<hbm>>)
      tpu.yield
    }) : () -> ()
    %dma_start3A_149 = arith.constant 256 : i32
    %dma_start3A_150 = tpu.memref_slice %arg15[%dma_start3A_149] : memref<512xi32, #tpu.memory_space<vmem>> -> memref<128xi32, #tpu.memory_space<vmem>>
    %dma_start3A_151 = arith.constant 0 : i32
    %dma_start3A_152 = arith.constant 0 : i32
    %dma_start3A_153 = tpu.memref_slice %arg8[%dma_start3A_151, %dma_start3A_152] : memref<64x128xf32, #tpu.memory_space<hbm>> -> memref<64x128xf32, #tpu.memory_space<hbm>>
    tpu.enqueue_indirect_dma source(%dma_start3A_153 : memref<64x128xf32, #tpu.memory_space<hbm>>) target(%arg21 : memref<128x128xf32, #tpu.memory_space<vmem>>) offsets(%dma_start3A_150 : memref<128xi32, #tpu.memory_space<vmem>>) semaphore(%arg27 : memref<!tpu.dma_semaphore, #tpu.memory_space<semaphore_mem>>)
    %dma_start3A_154 = arith.constant 256 : i32
    %dma_start3A_155 = tpu.memref_slice %arg17[%dma_start3A_154] : memref<512xi32, #tpu.memory_space<vmem>> -> memref<128xi32, #tpu.memory_space<vmem>>
    %dma_start3A_156 = arith.constant 0 : i32
    %dma_start3A_157 = arith.constant 0 : i32
    %dma_start3A_158 = tpu.memref_slice %arg9[%dma_start3A_156, %dma_start3A_157] : memref<64x128xf32, #tpu.memory_space<hbm>> -> memref<64x128xf32, #tpu.memory_space<hbm>>
    tpu.enqueue_indirect_dma source(%dma_start3A_158 : memref<64x128xf32, #tpu.memory_space<hbm>>) target(%arg22 : memref<128x128xf32, #tpu.memory_space<vmem>>) offsets(%dma_start3A_155 : memref<128xi32, #tpu.memory_space<vmem>>) semaphore(%arg27 : memref<!tpu.dma_semaphore, #tpu.memory_space<semaphore_mem>>)
    %dma_start3A_159 = arith.constant 256 : i32
    %dma_start3A_160 = tpu.memref_slice %arg18[%dma_start3A_159] : memref<512xi32, #tpu.memory_space<vmem>> -> memref<128xi32, #tpu.memory_space<vmem>>
    %dma_start3A_161 = arith.constant 0 : i32
    %dma_start3A_162 = arith.constant 0 : i32
    %dma_start3A_163 = tpu.memref_slice %arg9[%dma_start3A_161, %dma_start3A_162] : memref<64x128xf32, #tpu.memory_space<hbm>> -> memref<64x128xf32, #tpu.memory_space<hbm>>
    tpu.enqueue_indirect_dma source(%dma_start3A_163 : memref<64x128xf32, #tpu.memory_space<hbm>>) target(%arg23 : memref<128x128xf32, #tpu.memory_space<vmem>>) offsets(%dma_start3A_160 : memref<128xi32, #tpu.memory_space<vmem>>) semaphore(%arg27 : memref<!tpu.dma_semaphore, #tpu.memory_space<semaphore_mem>>)
    %dma_start3A_164 = arith.constant 256 : i32
    %dma_start3A_165 = tpu.memref_slice %arg16[%dma_start3A_164] : memref<512xi32, #tpu.memory_space<vmem>> -> memref<128xi32, #tpu.memory_space<vmem>>
    %dma_start3A_166 = arith.constant 0 : i32
    %dma_start3A_167 = arith.constant 0 : i32
    %dma_start3A_168 = tpu.memref_slice %arg10[%dma_start3A_166, %dma_start3A_167] : memref<4x128xf32, #tpu.memory_space<hbm>> -> memref<4x128xf32, #tpu.memory_space<hbm>>
    tpu.enqueue_indirect_dma source(%dma_start3A_168 : memref<4x128xf32, #tpu.memory_space<hbm>>) target(%arg24 : memref<128x128xf32, #tpu.memory_space<vmem>>) offsets(%dma_start3A_165 : memref<128xi32, #tpu.memory_space<vmem>>) semaphore(%arg27 : memref<!tpu.dma_semaphore, #tpu.memory_space<semaphore_mem>>)
    %dma_wait3A_169 = arith.constant 256 : i32
    %dma_wait3A_170 = tpu.memref_slice %arg15[%dma_wait3A_169] : memref<512xi32, #tpu.memory_space<vmem>> -> memref<128xi32, #tpu.memory_space<vmem>>
    %dma_wait3A_171 = arith.constant 0 : i32
    %dma_wait3A_172 = arith.constant 0 : i32
    %dma_wait3A_173 = tpu.memref_slice %arg8[%dma_wait3A_171, %dma_wait3A_172] : memref<64x128xf32, #tpu.memory_space<hbm>> -> memref<64x128xf32, #tpu.memory_space<hbm>>
    tpu.wait_indirect_dma semaphore(%arg27 : memref<!tpu.dma_semaphore, #tpu.memory_space<semaphore_mem>>) src(%dma_wait3A_173 : memref<64x128xf32, #tpu.memory_space<hbm>>) dst(%arg21 : memref<128x128xf32, #tpu.memory_space<vmem>>)
    %dma_wait3A_174 = arith.constant 256 : i32
    %dma_wait3A_175 = tpu.memref_slice %arg17[%dma_wait3A_174] : memref<512xi32, #tpu.memory_space<vmem>> -> memref<128xi32, #tpu.memory_space<vmem>>
    %dma_wait3A_176 = arith.constant 0 : i32
    %dma_wait3A_177 = arith.constant 0 : i32
    %dma_wait3A_178 = tpu.memref_slice %arg9[%dma_wait3A_176, %dma_wait3A_177] : memref<64x128xf32, #tpu.memory_space<hbm>> -> memref<64x128xf32, #tpu.memory_space<hbm>>
    tpu.wait_indirect_dma semaphore(%arg27 : memref<!tpu.dma_semaphore, #tpu.memory_space<semaphore_mem>>) src(%dma_wait3A_178 : memref<64x128xf32, #tpu.memory_space<hbm>>) dst(%arg22 : memref<128x128xf32, #tpu.memory_space<vmem>>)
    %dma_wait3A_179 = arith.constant 256 : i32
    %dma_wait3A_180 = tpu.memref_slice %arg18[%dma_wait3A_179] : memref<512xi32, #tpu.memory_space<vmem>> -> memref<128xi32, #tpu.memory_space<vmem>>
    %dma_wait3A_181 = arith.constant 0 : i32
    %dma_wait3A_182 = arith.constant 0 : i32
    %dma_wait3A_183 = tpu.memref_slice %arg9[%dma_wait3A_181, %dma_wait3A_182] : memref<64x128xf32, #tpu.memory_space<hbm>> -> memref<64x128xf32, #tpu.memory_space<hbm>>
    tpu.wait_indirect_dma semaphore(%arg27 : memref<!tpu.dma_semaphore, #tpu.memory_space<semaphore_mem>>) src(%dma_wait3A_183 : memref<64x128xf32, #tpu.memory_space<hbm>>) dst(%arg23 : memref<128x128xf32, #tpu.memory_space<vmem>>)
    %dma_wait3A_184 = arith.constant 256 : i32
    %dma_wait3A_185 = tpu.memref_slice %arg16[%dma_wait3A_184] : memref<512xi32, #tpu.memory_space<vmem>> -> memref<128xi32, #tpu.memory_space<vmem>>
    %dma_wait3A_186 = arith.constant 0 : i32
    %dma_wait3A_187 = arith.constant 0 : i32
    %dma_wait3A_188 = tpu.memref_slice %arg10[%dma_wait3A_186, %dma_wait3A_187] : memref<4x128xf32, #tpu.memory_space<hbm>> -> memref<4x128xf32, #tpu.memory_space<hbm>>
    tpu.wait_indirect_dma semaphore(%arg27 : memref<!tpu.dma_semaphore, #tpu.memory_space<semaphore_mem>>) src(%dma_wait3A_188 : memref<4x128xf32, #tpu.memory_space<hbm>>) dst(%arg24 : memref<128x128xf32, #tpu.memory_space<vmem>>)
    %parallel_loop3A_189 = arith.constant 0 : i32
    %parallel_loop3A_190 = arith.constant 128 : i32
    %parallel_loop3A_191 = arith.constant 1 : i32
    scf.for %parallel_loop3A_346 = %parallel_loop3A_189 to %parallel_loop3A_190 step %parallel_loop3A_191  : i32 {
      %parallel_loop3A_347 = arith.constant 256 : i32
      %parallel_loop3A_348 = arith.addi %parallel_loop3A_347, %parallel_loop3A_346 : i32
      %parallel_loop3A_349 = arith.index_cast %parallel_loop3A_348 : i32 to index
      %parallel_loop3A_350 = tpu.vector_load %arg19[%parallel_loop3A_349] {strides = array<i32>} : memref<528xf32, #tpu.memory_space<vmem>>, vector<16xf32>,
      %parallel_loop3A_351 = vector.shape_cast %parallel_loop3A_350 : vector<16xf32> to vector<16xf32>
      %parallel_loop3A_352 = vector.extract_strided_slice %parallel_loop3A_351 {offsets = [0], sizes = [1], strides = [1]} : vector<16xf32> to vector<1xf32>
      %parallel_loop3A_353 = vector.extract %parallel_loop3A_352[0] : f32 from vector<1xf32>
      %parallel_loop3A_354 = vector.broadcast %parallel_loop3A_353 : f32 to vector<16xf32>
      %parallel_loop3A_355 = arith.index_cast %parallel_loop3A_348 : i32 to index
      %parallel_loop3A_356 = tpu.vector_load %arg20[%parallel_loop3A_355] {strides = array<i32>} : memref<528xf32, #tpu.memory_space<vmem>>, vector<16xf32>,
      %parallel_loop3A_357 = vector.shape_cast %parallel_loop3A_356 : vector<16xf32> to vector<16xf32>
      %parallel_loop3A_358 = vector.extract_strided_slice %parallel_loop3A_357 {offsets = [0], sizes = [1], strides = [1]} : vector<16xf32> to vector<1xf32>
      %parallel_loop3A_359 = vector.extract %parallel_loop3A_358[0] : f32 from vector<1xf32>
      %parallel_loop3A_360 = vector.broadcast %parallel_loop3A_359 : f32 to vector<16xf32>
      %parallel_loop3A_361 = arith.index_cast %parallel_loop3A_346 : i32 to index
      %parallel_loop3A_362 = arith.constant 0 : index
      %parallel_loop3A_363 = tpu.vector_load %arg21[%parallel_loop3A_361, %parallel_loop3A_362] {strides = array<i32>} : memref<128x128xf32, #tpu.memory_space<vmem>>, vector<1x16xf32>,
      %parallel_loop3A_364 = vector.shape_cast %parallel_loop3A_363 : vector<1x16xf32> to vector<16xf32>
      %parallel_loop3A_365 = arith.index_cast %parallel_loop3A_346 : i32 to index
      %parallel_loop3A_366 = arith.constant 0 : index
      %parallel_loop3A_367 = tpu.vector_load %arg22[%parallel_loop3A_365, %parallel_loop3A_366] {strides = array<i32>} : memref<128x128xf32, #tpu.memory_space<vmem>>, vector<1x16xf32>,
      %parallel_loop3A_368 = vector.shape_cast %parallel_loop3A_367 : vector<1x16xf32> to vector<16xf32>
      %parallel_loop3A_369 = arith.addf %parallel_loop3A_364, %parallel_loop3A_368 : vector<16xf32>
      %parallel_loop3A_370 = arith.index_cast %parallel_loop3A_346 : i32 to index
      %parallel_loop3A_371 = arith.constant 0 : index
      %parallel_loop3A_372 = tpu.vector_load %arg25[%parallel_loop3A_370, %parallel_loop3A_371] {strides = array<i32>} : memref<128x256xf32, #tpu.memory_space<vmem>>, vector<1x16xf32>,
      %parallel_loop3A_373 = vector.shape_cast %parallel_loop3A_372 : vector<1x16xf32> to vector<16xf32>
      %parallel_loop3A_374 = vector.shape_cast %parallel_loop3A_369 : vector<16xf32> to vector<1x16xf32>
      tpu.vector_store %arg25[%parallel_loop3A_370, %parallel_loop3A_371], %parallel_loop3A_374 {strides = array<i32>} : memref<128x256xf32, #tpu.memory_space<vmem>>, vector<1x16xf32>,
      %parallel_loop3A_375 = arith.index_cast %parallel_loop3A_346 : i32 to index
      %parallel_loop3A_376 = arith.constant 16 : index
      %parallel_loop3A_377 = tpu.vector_load %arg21[%parallel_loop3A_375, %parallel_loop3A_376] {strides = array<i32>} : memref<128x128xf32, #tpu.memory_space<vmem>>, vector<1x16xf32>,
      %parallel_loop3A_378 = vector.shape_cast %parallel_loop3A_377 : vector<1x16xf32> to vector<16xf32>
      %parallel_loop3A_379 = arith.index_cast %parallel_loop3A_346 : i32 to index
      %parallel_loop3A_380 = arith.constant 16 : index
      %parallel_loop3A_381 = tpu.vector_load %arg22[%parallel_loop3A_379, %parallel_loop3A_380] {strides = array<i32>} : memref<128x128xf32, #tpu.memory_space<vmem>>, vector<1x16xf32>,
      %parallel_loop3A_382 = vector.shape_cast %parallel_loop3A_381 : vector<1x16xf32> to vector<16xf32>
      %parallel_loop3A_383 = arith.addf %parallel_loop3A_378, %parallel_loop3A_382 : vector<16xf32>
      %parallel_loop3A_384 = arith.index_cast %parallel_loop3A_346 : i32 to index
      %parallel_loop3A_385 = arith.constant 16 : index
      %parallel_loop3A_386 = tpu.vector_load %arg25[%parallel_loop3A_384, %parallel_loop3A_385] {strides = array<i32>} : memref<128x256xf32, #tpu.memory_space<vmem>>, vector<1x16xf32>,
      %parallel_loop3A_387 = vector.shape_cast %parallel_loop3A_386 : vector<1x16xf32> to vector<16xf32>
      %parallel_loop3A_388 = vector.shape_cast %parallel_loop3A_383 : vector<16xf32> to vector<1x16xf32>
      tpu.vector_store %arg25[%parallel_loop3A_384, %parallel_loop3A_385], %parallel_loop3A_388 {strides = array<i32>} : memref<128x256xf32, #tpu.memory_space<vmem>>, vector<1x16xf32>,
      %parallel_loop3A_389 = arith.index_cast %parallel_loop3A_346 : i32 to index
      %parallel_loop3A_390 = arith.constant 32 : index
      %parallel_loop3A_391 = tpu.vector_load %arg21[%parallel_loop3A_389, %parallel_loop3A_390] {strides = array<i32>} : memref<128x128xf32, #tpu.memory_space<vmem>>, vector<1x16xf32>,
      %parallel_loop3A_392 = vector.shape_cast %parallel_loop3A_391 : vector<1x16xf32> to vector<16xf32>
      %parallel_loop3A_393 = arith.index_cast %parallel_loop3A_346 : i32 to index
      %parallel_loop3A_394 = arith.constant 32 : index
      %parallel_loop3A_395 = tpu.vector_load %arg22[%parallel_loop3A_393, %parallel_loop3A_394] {strides = array<i32>} : memref<128x128xf32, #tpu.memory_space<vmem>>, vector<1x16xf32>,
      %parallel_loop3A_396 = vector.shape_cast %parallel_loop3A_395 : vector<1x16xf32> to vector<16xf32>
      %parallel_loop3A_397 = arith.addf %parallel_loop3A_392, %parallel_loop3A_396 : vector<16xf32>
      %parallel_loop3A_398 = arith.index_cast %parallel_loop3A_346 : i32 to index
      %parallel_loop3A_399 = arith.constant 32 : index
      %parallel_loop3A_400 = tpu.vector_load %arg25[%parallel_loop3A_398, %parallel_loop3A_399] {strides = array<i32>} : memref<128x256xf32, #tpu.memory_space<vmem>>, vector<1x16xf32>,
      %parallel_loop3A_401 = vector.shape_cast %parallel_loop3A_400 : vector<1x16xf32> to vector<16xf32>
      %parallel_loop3A_402 = vector.shape_cast %parallel_loop3A_397 : vector<16xf32> to vector<1x16xf32>
      tpu.vector_store %arg25[%parallel_loop3A_398, %parallel_loop3A_399], %parallel_loop3A_402 {strides = array<i32>} : memref<128x256xf32, #tpu.memory_space<vmem>>, vector<1x16xf32>,
      %parallel_loop3A_403 = arith.index_cast %parallel_loop3A_346 : i32 to index
      %parallel_loop3A_404 = arith.constant 48 : index
      %parallel_loop3A_405 = tpu.vector_load %arg21[%parallel_loop3A_403, %parallel_loop3A_404] {strides = array<i32>} : memref<128x128xf32, #tpu.memory_space<vmem>>, vector<1x16xf32>,
      %parallel_loop3A_406 = vector.shape_cast %parallel_loop3A_405 : vector<1x16xf32> to vector<16xf32>
      %parallel_loop3A_407 = arith.index_cast %parallel_loop3A_346 : i32 to index
      %parallel_loop3A_408 = arith.constant 48 : index
      %parallel_loop3A_409 = tpu.vector_load %arg22[%parallel_loop3A_407, %parallel_loop3A_408] {strides = array<i32>} : memref<128x128xf32, #tpu.memory_space<vmem>>, vector<1x16xf32>,
      %parallel_loop3A_410 = vector.shape_cast %parallel_loop3A_409 : vector<1x16xf32> to vector<16xf32>
      %parallel_loop3A_411 = arith.addf %parallel_loop3A_406, %parallel_loop3A_410 : vector<16xf32>
      %parallel_loop3A_412 = arith.index_cast %parallel_loop3A_346 : i32 to index
      %parallel_loop3A_413 = arith.constant 48 : index
      %parallel_loop3A_414 = tpu.vector_load %arg25[%parallel_loop3A_412, %parallel_loop3A_413] {strides = array<i32>} : memref<128x256xf32, #tpu.memory_space<vmem>>, vector<1x16xf32>,
      %parallel_loop3A_415 = vector.shape_cast %parallel_loop3A_414 : vector<1x16xf32> to vector<16xf32>
      %parallel_loop3A_416 = vector.shape_cast %parallel_loop3A_411 : vector<16xf32> to vector<1x16xf32>
      tpu.vector_store %arg25[%parallel_loop3A_412, %parallel_loop3A_413], %parallel_loop3A_416 {strides = array<i32>} : memref<128x256xf32, #tpu.memory_space<vmem>>, vector<1x16xf32>,
      %parallel_loop3A_417 = arith.index_cast %parallel_loop3A_346 : i32 to index
      %parallel_loop3A_418 = arith.constant 64 : index
      %parallel_loop3A_419 = tpu.vector_load %arg21[%parallel_loop3A_417, %parallel_loop3A_418] {strides = array<i32>} : memref<128x128xf32, #tpu.memory_space<vmem>>, vector<1x16xf32>,
      %parallel_loop3A_420 = vector.shape_cast %parallel_loop3A_419 : vector<1x16xf32> to vector<16xf32>
      %parallel_loop3A_421 = arith.index_cast %parallel_loop3A_346 : i32 to index
      %parallel_loop3A_422 = arith.constant 64 : index
      %parallel_loop3A_423 = tpu.vector_load %arg22[%parallel_loop3A_421, %parallel_loop3A_422] {strides = array<i32>} : memref<128x128xf32, #tpu.memory_space<vmem>>, vector<1x16xf32>,
      %parallel_loop3A_424 = vector.shape_cast %parallel_loop3A_423 : vector<1x16xf32> to vector<16xf32>
      %parallel_loop3A_425 = arith.addf %parallel_loop3A_420, %parallel_loop3A_424 : vector<16xf32>
      %parallel_loop3A_426 = arith.index_cast %parallel_loop3A_346 : i32 to index
      %parallel_loop3A_427 = arith.constant 64 : index
      %parallel_loop3A_428 = tpu.vector_load %arg25[%parallel_loop3A_426, %parallel_loop3A_427] {strides = array<i32>} : memref<128x256xf32, #tpu.memory_space<vmem>>, vector<1x16xf32>,
      %parallel_loop3A_429 = vector.shape_cast %parallel_loop3A_428 : vector<1x16xf32> to vector<16xf32>
      %parallel_loop3A_430 = vector.shape_cast %parallel_loop3A_425 : vector<16xf32> to vector<1x16xf32>
      tpu.vector_store %arg25[%parallel_loop3A_426, %parallel_loop3A_427], %parallel_loop3A_430 {strides = array<i32>} : memref<128x256xf32, #tpu.memory_space<vmem>>, vector<1x16xf32>,
      %parallel_loop3A_431 = arith.index_cast %parallel_loop3A_346 : i32 to index
      %parallel_loop3A_432 = arith.constant 80 : index
      %parallel_loop3A_433 = tpu.vector_load %arg21[%parallel_loop3A_431, %parallel_loop3A_432] {strides = array<i32>} : memref<128x128xf32, #tpu.memory_space<vmem>>, vector<1x16xf32>,
      %parallel_loop3A_434 = vector.shape_cast %parallel_loop3A_433 : vector<1x16xf32> to vector<16xf32>
      %parallel_loop3A_435 = arith.index_cast %parallel_loop3A_346 : i32 to index
      %parallel_loop3A_436 = arith.constant 80 : index
      %parallel_loop3A_437 = tpu.vector_load %arg22[%parallel_loop3A_435, %parallel_loop3A_436] {strides = array<i32>} : memref<128x128xf32, #tpu.memory_space<vmem>>, vector<1x16xf32>,
      %parallel_loop3A_438 = vector.shape_cast %parallel_loop3A_437 : vector<1x16xf32> to vector<16xf32>
      %parallel_loop3A_439 = arith.addf %parallel_loop3A_434, %parallel_loop3A_438 : vector<16xf32>
      %parallel_loop3A_440 = arith.index_cast %parallel_loop3A_346 : i32 to index
      %parallel_loop3A_441 = arith.constant 80 : index
      %parallel_loop3A_442 = tpu.vector_load %arg25[%parallel_loop3A_440, %parallel_loop3A_441] {strides = array<i32>} : memref<128x256xf32, #tpu.memory_space<vmem>>, vector<1x16xf32>,
      %parallel_loop3A_443 = vector.shape_cast %parallel_loop3A_442 : vector<1x16xf32> to vector<16xf32>
      %parallel_loop3A_444 = vector.shape_cast %parallel_loop3A_439 : vector<16xf32> to vector<1x16xf32>
      tpu.vector_store %arg25[%parallel_loop3A_440, %parallel_loop3A_441], %parallel_loop3A_444 {strides = array<i32>} : memref<128x256xf32, #tpu.memory_space<vmem>>, vector<1x16xf32>,
      %parallel_loop3A_445 = arith.index_cast %parallel_loop3A_346 : i32 to index
      %parallel_loop3A_446 = arith.constant 96 : index
      %parallel_loop3A_447 = tpu.vector_load %arg21[%parallel_loop3A_445, %parallel_loop3A_446] {strides = array<i32>} : memref<128x128xf32, #tpu.memory_space<vmem>>, vector<1x16xf32>,
      %parallel_loop3A_448 = vector.shape_cast %parallel_loop3A_447 : vector<1x16xf32> to vector<16xf32>
      %parallel_loop3A_449 = arith.index_cast %parallel_loop3A_346 : i32 to index
      %parallel_loop3A_450 = arith.constant 96 : index
      %parallel_loop3A_451 = tpu.vector_load %arg22[%parallel_loop3A_449, %parallel_loop3A_450] {strides = array<i32>} : memref<128x128xf32, #tpu.memory_space<vmem>>, vector<1x16xf32>,
      %parallel_loop3A_452 = vector.shape_cast %parallel_loop3A_451 : vector<1x16xf32> to vector<16xf32>
      %parallel_loop3A_453 = arith.addf %parallel_loop3A_448, %parallel_loop3A_452 : vector<16xf32>
      %parallel_loop3A_454 = arith.index_cast %parallel_loop3A_346 : i32 to index
      %parallel_loop3A_455 = arith.constant 96 : index
      %parallel_loop3A_456 = tpu.vector_load %arg25[%parallel_loop3A_454, %parallel_loop3A_455] {strides = array<i32>} : memref<128x256xf32, #tpu.memory_space<vmem>>, vector<1x16xf32>,
      %parallel_loop3A_457 = vector.shape_cast %parallel_loop3A_456 : vector<1x16xf32> to vector<16xf32>
      %parallel_loop3A_458 = vector.shape_cast %parallel_loop3A_453 : vector<16xf32> to vector<1x16xf32>
      tpu.vector_store %arg25[%parallel_loop3A_454, %parallel_loop3A_455], %parallel_loop3A_458 {strides = array<i32>} : memref<128x256xf32, #tpu.memory_space<vmem>>, vector<1x16xf32>,
      %parallel_loop3A_459 = arith.index_cast %parallel_loop3A_346 : i32 to index
      %parallel_loop3A_460 = arith.constant 112 : index
      %parallel_loop3A_461 = tpu.vector_load %arg21[%parallel_loop3A_459, %parallel_loop3A_460] {strides = array<i32>} : memref<128x128xf32, #tpu.memory_space<vmem>>, vector<1x16xf32>,
      %parallel_loop3A_462 = vector.shape_cast %parallel_loop3A_461 : vector<1x16xf32> to vector<16xf32>
      %parallel_loop3A_463 = arith.index_cast %parallel_loop3A_346 : i32 to index
      %parallel_loop3A_464 = arith.constant 112 : index
      %parallel_loop3A_465 = tpu.vector_load %arg22[%parallel_loop3A_463, %parallel_loop3A_464] {strides = array<i32>} : memref<128x128xf32, #tpu.memory_space<vmem>>, vector<1x16xf32>,
      %parallel_loop3A_466 = vector.shape_cast %parallel_loop3A_465 : vector<1x16xf32> to vector<16xf32>
      %parallel_loop3A_467 = arith.addf %parallel_loop3A_462, %parallel_loop3A_466 : vector<16xf32>
      %parallel_loop3A_468 = arith.index_cast %parallel_loop3A_346 : i32 to index
      %parallel_loop3A_469 = arith.constant 112 : index
      %parallel_loop3A_470 = tpu.vector_load %arg25[%parallel_loop3A_468, %parallel_loop3A_469] {strides = array<i32>} : memref<128x256xf32, #tpu.memory_space<vmem>>, vector<1x16xf32>,
      %parallel_loop3A_471 = vector.shape_cast %parallel_loop3A_470 : vector<1x16xf32> to vector<16xf32>
      %parallel_loop3A_472 = vector.shape_cast %parallel_loop3A_467 : vector<16xf32> to vector<1x16xf32>
      tpu.vector_store %arg25[%parallel_loop3A_468, %parallel_loop3A_469], %parallel_loop3A_472 {strides = array<i32>} : memref<128x256xf32, #tpu.memory_space<vmem>>, vector<1x16xf32>,
      %parallel_loop3A_473 = arith.index_cast %parallel_loop3A_346 : i32 to index
      %parallel_loop3A_474 = arith.constant 0 : index
      %parallel_loop3A_475 = tpu.vector_load %arg24[%parallel_loop3A_473, %parallel_loop3A_474] {strides = array<i32>} : memref<128x128xf32, #tpu.memory_space<vmem>>, vector<1x16xf32>,
      %parallel_loop3A_476 = vector.shape_cast %parallel_loop3A_475 : vector<1x16xf32> to vector<16xf32>
      %parallel_loop3A_477 = arith.index_cast %parallel_loop3A_346 : i32 to index
      %parallel_loop3A_478 = arith.constant 0 : index
      %parallel_loop3A_479 = tpu.vector_load %arg23[%parallel_loop3A_477, %parallel_loop3A_478] {strides = array<i32>} : memref<128x128xf32, #tpu.memory_space<vmem>>, vector<1x16xf32>,
      %parallel_loop3A_480 = vector.shape_cast %parallel_loop3A_479 : vector<1x16xf32> to vector<16xf32>
      %parallel_loop3A_481 = arith.addf %parallel_loop3A_476, %parallel_loop3A_480 : vector<16xf32>
      %parallel_loop3A_482 = arith.index_cast %parallel_loop3A_346 : i32 to index
      %parallel_loop3A_483 = arith.constant 128 : index
      %parallel_loop3A_484 = tpu.vector_load %arg25[%parallel_loop3A_482, %parallel_loop3A_483] {strides = array<i32>} : memref<128x256xf32, #tpu.memory_space<vmem>>, vector<1x16xf32>,
      %parallel_loop3A_485 = vector.shape_cast %parallel_loop3A_484 : vector<1x16xf32> to vector<16xf32>
      %parallel_loop3A_486 = vector.shape_cast %parallel_loop3A_481 : vector<16xf32> to vector<1x16xf32>
      tpu.vector_store %arg25[%parallel_loop3A_482, %parallel_loop3A_483], %parallel_loop3A_486 {strides = array<i32>} : memref<128x256xf32, #tpu.memory_space<vmem>>, vector<1x16xf32>,
      %parallel_loop3A_487 = arith.index_cast %parallel_loop3A_346 : i32 to index
      %parallel_loop3A_488 = arith.constant 16 : index
      %parallel_loop3A_489 = tpu.vector_load %arg24[%parallel_loop3A_487, %parallel_loop3A_488] {strides = array<i32>} : memref<128x128xf32, #tpu.memory_space<vmem>>, vector<1x16xf32>,
      %parallel_loop3A_490 = vector.shape_cast %parallel_loop3A_489 : vector<1x16xf32> to vector<16xf32>
      %parallel_loop3A_491 = arith.index_cast %parallel_loop3A_346 : i32 to index
      %parallel_loop3A_492 = arith.constant 16 : index
      %parallel_loop3A_493 = tpu.vector_load %arg23[%parallel_loop3A_491, %parallel_loop3A_492] {strides = array<i32>} : memref<128x128xf32, #tpu.memory_space<vmem>>, vector<1x16xf32>,
      %parallel_loop3A_494 = vector.shape_cast %parallel_loop3A_493 : vector<1x16xf32> to vector<16xf32>
      %parallel_loop3A_495 = arith.addf %parallel_loop3A_490, %parallel_loop3A_494 : vector<16xf32>
      %parallel_loop3A_496 = arith.index_cast %parallel_loop3A_346 : i32 to index
      %parallel_loop3A_497 = arith.constant 144 : index
      %parallel_loop3A_498 = tpu.vector_load %arg25[%parallel_loop3A_496, %parallel_loop3A_497] {strides = array<i32>} : memref<128x256xf32, #tpu.memory_space<vmem>>, vector<1x16xf32>,
      %parallel_loop3A_499 = vector.shape_cast %parallel_loop3A_498 : vector<1x16xf32> to vector<16xf32>
      %parallel_loop3A_500 = vector.shape_cast %parallel_loop3A_495 : vector<16xf32> to vector<1x16xf32>
      tpu.vector_store %arg25[%parallel_loop3A_496, %parallel_loop3A_497], %parallel_loop3A_500 {strides = array<i32>} : memref<128x256xf32, #tpu.memory_space<vmem>>, vector<1x16xf32>,
      %parallel_loop3A_501 = arith.index_cast %parallel_loop3A_346 : i32 to index
      %parallel_loop3A_502 = arith.constant 32 : index
      %parallel_loop3A_503 = tpu.vector_load %arg24[%parallel_loop3A_501, %parallel_loop3A_502] {strides = array<i32>} : memref<128x128xf32, #tpu.memory_space<vmem>>, vector<1x16xf32>,
      %parallel_loop3A_504 = vector.shape_cast %parallel_loop3A_503 : vector<1x16xf32> to vector<16xf32>
      %parallel_loop3A_505 = arith.index_cast %parallel_loop3A_346 : i32 to index
      %parallel_loop3A_506 = arith.constant 32 : index
      %parallel_loop3A_507 = tpu.vector_load %arg23[%parallel_loop3A_505, %parallel_loop3A_506] {strides = array<i32>} : memref<128x128xf32, #tpu.memory_space<vmem>>, vector<1x16xf32>,
      %parallel_loop3A_508 = vector.shape_cast %parallel_loop3A_507 : vector<1x16xf32> to vector<16xf32>
      %parallel_loop3A_509 = arith.addf %parallel_loop3A_504, %parallel_loop3A_508 : vector<16xf32>
      %parallel_loop3A_510 = arith.index_cast %parallel_loop3A_346 : i32 to index
      %parallel_loop3A_511 = arith.constant 160 : index
      %parallel_loop3A_512 = tpu.vector_load %arg25[%parallel_loop3A_510, %parallel_loop3A_511] {strides = array<i32>} : memref<128x256xf32, #tpu.memory_space<vmem>>, vector<1x16xf32>,
      %parallel_loop3A_513 = vector.shape_cast %parallel_loop3A_512 : vector<1x16xf32> to vector<16xf32>
      %parallel_loop3A_514 = vector.shape_cast %parallel_loop3A_509 : vector<16xf32> to vector<1x16xf32>
      tpu.vector_store %arg25[%parallel_loop3A_510, %parallel_loop3A_511], %parallel_loop3A_514 {strides = array<i32>} : memref<128x256xf32, #tpu.memory_space<vmem>>, vector<1x16xf32>,
      %parallel_loop3A_515 = arith.index_cast %parallel_loop3A_346 : i32 to index
      %parallel_loop3A_516 = arith.constant 48 : index
      %parallel_loop3A_517 = tpu.vector_load %arg24[%parallel_loop3A_515, %parallel_loop3A_516] {strides = array<i32>} : memref<128x128xf32, #tpu.memory_space<vmem>>, vector<1x16xf32>,
      %parallel_loop3A_518 = vector.shape_cast %parallel_loop3A_517 : vector<1x16xf32> to vector<16xf32>
      %parallel_loop3A_519 = arith.index_cast %parallel_loop3A_346 : i32 to index
      %parallel_loop3A_520 = arith.constant 48 : index
      %parallel_loop3A_521 = tpu.vector_load %arg23[%parallel_loop3A_519, %parallel_loop3A_520] {strides = array<i32>} : memref<128x128xf32, #tpu.memory_space<vmem>>, vector<1x16xf32>,
      %parallel_loop3A_522 = vector.shape_cast %parallel_loop3A_521 : vector<1x16xf32> to vector<16xf32>
      %parallel_loop3A_523 = arith.addf %parallel_loop3A_518, %parallel_loop3A_522 : vector<16xf32>
      %parallel_loop3A_524 = arith.index_cast %parallel_loop3A_346 : i32 to index
      %parallel_loop3A_525 = arith.constant 176 : index
      %parallel_loop3A_526 = tpu.vector_load %arg25[%parallel_loop3A_524, %parallel_loop3A_525] {strides = array<i32>} : memref<128x256xf32, #tpu.memory_space<vmem>>, vector<1x16xf32>,
      %parallel_loop3A_527 = vector.shape_cast %parallel_loop3A_526 : vector<1x16xf32> to vector<16xf32>
      %parallel_loop3A_528 = vector.shape_cast %parallel_loop3A_523 : vector<16xf32> to vector<1x16xf32>
      tpu.vector_store %arg25[%parallel_loop3A_524, %parallel_loop3A_525], %parallel_loop3A_528 {strides = array<i32>} : memref<128x256xf32, #tpu.memory_space<vmem>>, vector<1x16xf32>,
      %parallel_loop3A_529 = arith.index_cast %parallel_loop3A_346 : i32 to index
      %parallel_loop3A_530 = arith.constant 64 : index
      %parallel_loop3A_531 = tpu.vector_load %arg24[%parallel_loop3A_529, %parallel_loop3A_530] {strides = array<i32>} : memref<128x128xf32, #tpu.memory_space<vmem>>, vector<1x16xf32>,
      %parallel_loop3A_532 = vector.shape_cast %parallel_loop3A_531 : vector<1x16xf32> to vector<16xf32>
      %parallel_loop3A_533 = arith.index_cast %parallel_loop3A_346 : i32 to index
      %parallel_loop3A_534 = arith.constant 64 : index
      %parallel_loop3A_535 = tpu.vector_load %arg23[%parallel_loop3A_533, %parallel_loop3A_534] {strides = array<i32>} : memref<128x128xf32, #tpu.memory_space<vmem>>, vector<1x16xf32>,
      %parallel_loop3A_536 = vector.shape_cast %parallel_loop3A_535 : vector<1x16xf32> to vector<16xf32>
      %parallel_loop3A_537 = arith.addf %parallel_loop3A_532, %parallel_loop3A_536 : vector<16xf32>
      %parallel_loop3A_538 = arith.mulf %parallel_loop3A_354, %get3A_16 : vector<16xf32>
      %parallel_loop3A_539 = arith.addf %parallel_loop3A_537, %parallel_loop3A_538 : vector<16xf32>
      %parallel_loop3A_540 = arith.index_cast %parallel_loop3A_346 : i32 to index
      %parallel_loop3A_541 = arith.constant 192 : index
      %parallel_loop3A_542 = tpu.vector_load %arg25[%parallel_loop3A_540, %parallel_loop3A_541] {strides = array<i32>} : memref<128x256xf32, #tpu.memory_space<vmem>>, vector<1x16xf32>,
      %parallel_loop3A_543 = vector.shape_cast %parallel_loop3A_542 : vector<1x16xf32> to vector<16xf32>
      %parallel_loop3A_544 = vector.shape_cast %parallel_loop3A_539 : vector<16xf32> to vector<1x16xf32>
      tpu.vector_store %arg25[%parallel_loop3A_540, %parallel_loop3A_541], %parallel_loop3A_544 {strides = array<i32>} : memref<128x256xf32, #tpu.memory_space<vmem>>, vector<1x16xf32>,
      %parallel_loop3A_545 = arith.index_cast %parallel_loop3A_346 : i32 to index
      %parallel_loop3A_546 = arith.constant 80 : index
      %parallel_loop3A_547 = tpu.vector_load %arg24[%parallel_loop3A_545, %parallel_loop3A_546] {strides = array<i32>} : memref<128x128xf32, #tpu.memory_space<vmem>>, vector<1x16xf32>,
      %parallel_loop3A_548 = vector.shape_cast %parallel_loop3A_547 : vector<1x16xf32> to vector<16xf32>
      %parallel_loop3A_549 = arith.index_cast %parallel_loop3A_346 : i32 to index
      %parallel_loop3A_550 = arith.constant 80 : index
      %parallel_loop3A_551 = tpu.vector_load %arg23[%parallel_loop3A_549, %parallel_loop3A_550] {strides = array<i32>} : memref<128x128xf32, #tpu.memory_space<vmem>>, vector<1x16xf32>,
      %parallel_loop3A_552 = vector.shape_cast %parallel_loop3A_551 : vector<1x16xf32> to vector<16xf32>
      %parallel_loop3A_553 = arith.addf %parallel_loop3A_548, %parallel_loop3A_552 : vector<16xf32>
      %parallel_loop3A_554 = arith.mulf %parallel_loop3A_354, %get3A_19 : vector<16xf32>
      %parallel_loop3A_555 = arith.addf %parallel_loop3A_553, %parallel_loop3A_554 : vector<16xf32>
      %parallel_loop3A_556 = arith.index_cast %parallel_loop3A_346 : i32 to index
      %parallel_loop3A_557 = arith.constant 208 : index
      %parallel_loop3A_558 = tpu.vector_load %arg25[%parallel_loop3A_556, %parallel_loop3A_557] {strides = array<i32>} : memref<128x256xf32, #tpu.memory_space<vmem>>, vector<1x16xf32>,
      %parallel_loop3A_559 = vector.shape_cast %parallel_loop3A_558 : vector<1x16xf32> to vector<16xf32>
      %parallel_loop3A_560 = vector.shape_cast %parallel_loop3A_555 : vector<16xf32> to vector<1x16xf32>
      tpu.vector_store %arg25[%parallel_loop3A_556, %parallel_loop3A_557], %parallel_loop3A_560 {strides = array<i32>} : memref<128x256xf32, #tpu.memory_space<vmem>>, vector<1x16xf32>,
      %parallel_loop3A_561 = arith.index_cast %parallel_loop3A_346 : i32 to index
      %parallel_loop3A_562 = arith.constant 96 : index
      %parallel_loop3A_563 = tpu.vector_load %arg24[%parallel_loop3A_561, %parallel_loop3A_562] {strides = array<i32>} : memref<128x128xf32, #tpu.memory_space<vmem>>, vector<1x16xf32>,
      %parallel_loop3A_564 = vector.shape_cast %parallel_loop3A_563 : vector<1x16xf32> to vector<16xf32>
      %parallel_loop3A_565 = arith.index_cast %parallel_loop3A_346 : i32 to index
      %parallel_loop3A_566 = arith.constant 96 : index
      %parallel_loop3A_567 = tpu.vector_load %arg23[%parallel_loop3A_565, %parallel_loop3A_566] {strides = array<i32>} : memref<128x128xf32, #tpu.memory_space<vmem>>, vector<1x16xf32>,
      %parallel_loop3A_568 = vector.shape_cast %parallel_loop3A_567 : vector<1x16xf32> to vector<16xf32>
      %parallel_loop3A_569 = arith.addf %parallel_loop3A_564, %parallel_loop3A_568 : vector<16xf32>
      %parallel_loop3A_570 = arith.mulf %parallel_loop3A_354, %get3A_22 : vector<16xf32>
      %parallel_loop3A_571 = arith.addf %parallel_loop3A_569, %parallel_loop3A_570 : vector<16xf32>
      %parallel_loop3A_572 = arith.index_cast %parallel_loop3A_346 : i32 to index
      %parallel_loop3A_573 = arith.constant 224 : index
      %parallel_loop3A_574 = tpu.vector_load %arg25[%parallel_loop3A_572, %parallel_loop3A_573] {strides = array<i32>} : memref<128x256xf32, #tpu.memory_space<vmem>>, vector<1x16xf32>,
      %parallel_loop3A_575 = vector.shape_cast %parallel_loop3A_574 : vector<1x16xf32> to vector<16xf32>
      %parallel_loop3A_576 = vector.shape_cast %parallel_loop3A_571 : vector<16xf32> to vector<1x16xf32>
      tpu.vector_store %arg25[%parallel_loop3A_572, %parallel_loop3A_573], %parallel_loop3A_576 {strides = array<i32>} : memref<128x256xf32, #tpu.memory_space<vmem>>, vector<1x16xf32>,
      %parallel_loop3A_577 = arith.index_cast %parallel_loop3A_346 : i32 to index
      %parallel_loop3A_578 = arith.constant 112 : index
      %parallel_loop3A_579 = tpu.vector_load %arg24[%parallel_loop3A_577, %parallel_loop3A_578] {strides = array<i32>} : memref<128x128xf32, #tpu.memory_space<vmem>>, vector<1x16xf32>,
      %parallel_loop3A_580 = vector.shape_cast %parallel_loop3A_579 : vector<1x16xf32> to vector<16xf32>
      %parallel_loop3A_581 = arith.index_cast %parallel_loop3A_346 : i32 to index
      %parallel_loop3A_582 = arith.constant 112 : index
      %parallel_loop3A_583 = tpu.vector_load %arg23[%parallel_loop3A_581, %parallel_loop3A_582] {strides = array<i32>} : memref<128x128xf32, #tpu.memory_space<vmem>>, vector<1x16xf32>,
      %parallel_loop3A_584 = vector.shape_cast %parallel_loop3A_583 : vector<1x16xf32> to vector<16xf32>
      %parallel_loop3A_585 = arith.addf %parallel_loop3A_580, %parallel_loop3A_584 : vector<16xf32>
      %parallel_loop3A_586 = arith.mulf %parallel_loop3A_354, %get3A_25 : vector<16xf32>
      %parallel_loop3A_587 = arith.addf %parallel_loop3A_585, %parallel_loop3A_586 : vector<16xf32>
      %parallel_loop3A_588 = arith.mulf %parallel_loop3A_360, %get3A_49 : vector<16xf32>
      %parallel_loop3A_589 = arith.addf %parallel_loop3A_587, %parallel_loop3A_588 : vector<16xf32>
      %parallel_loop3A_590 = arith.index_cast %parallel_loop3A_346 : i32 to index
      %parallel_loop3A_591 = arith.constant 240 : index
      %parallel_loop3A_592 = tpu.vector_load %arg25[%parallel_loop3A_590, %parallel_loop3A_591] {strides = array<i32>} : memref<128x256xf32, #tpu.memory_space<vmem>>, vector<1x16xf32>,
      %parallel_loop3A_593 = vector.shape_cast %parallel_loop3A_592 : vector<1x16xf32> to vector<16xf32>
      %parallel_loop3A_594 = vector.shape_cast %parallel_loop3A_589 : vector<16xf32> to vector<1x16xf32>
      tpu.vector_store %arg25[%parallel_loop3A_590, %parallel_loop3A_591], %parallel_loop3A_594 {strides = array<i32>} : memref<128x256xf32, #tpu.memory_space<vmem>>, vector<1x16xf32>,
    } {sc.loop_unroll_factor = 4 : i64, sc.parallel_access}
    %scan3A_192 = arith.constant 0 : i32
    %scan3A_193 = arith.constant 128 : i32
    %scan3A_194 = arith.addi %scan3A_192, %scan3A_193 : i32
    %scan3A_195 = arith.constant 1 : i32
    %scan3A_196:16 = scf.for %scan3A_346 = %scan3A_192 to %scan3A_194 step %scan3A_195 iter_args(%scan3A_347 = %scan3A_145#0, %scan3A_348 = %scan3A_145#1, %scan3A_349 = %scan3A_145#2, %scan3A_350 = %scan3A_145#3, %scan3A_351 = %scan3A_145#4, %scan3A_352 = %scan3A_145#5, %scan3A_353 = %scan3A_145#6, %scan3A_354 = %scan3A_145#7, %scan3A_355 = %scan3A_145#8, %scan3A_356 = %scan3A_145#9, %scan3A_357 = %scan3A_145#10, %scan3A_358 = %scan3A_145#11, %scan3A_359 = %scan3A_145#12, %scan3A_360 = %scan3A_145#13, %scan3A_361 = %scan3A_145#14, %scan3A_362 = %scan3A_145#15) -> (vector<16xf32>, vector<16xf32>, vector<16xf32>, vector<16xf32>, vector<16xf32>, vector<16xf32>, vector<16xf32>, vector<16xf32>, vector<16xf32>, vector<16xf32>, vector<16xf32>, vector<16xf32>, vector<16xf32>, vector<16xf32>, vector<16xf32>, vector<16xf32>)  : i32 {
      %get3A_363 = arith.index_cast %scan3A_346 : i32 to index
      %get3A_364 = arith.constant 0 : index
      %get3A_365 = tpu.vector_load %arg25[%get3A_363, %get3A_364] {strides = array<i32>} : memref<128x256xf32, #tpu.memory_space<vmem>>, vector<1x16xf32>,
      %get3A_366 = vector.shape_cast %get3A_365 : vector<1x16xf32> to vector<16xf32>
      %add3A_367 = arith.addf %scan3A_347, %get3A_366 : vector<16xf32>
      %get3A_368 = arith.index_cast %scan3A_346 : i32 to index
      %get3A_369 = arith.constant 16 : index
      %get3A_370 = tpu.vector_load %arg25[%get3A_368, %get3A_369] {strides = array<i32>} : memref<128x256xf32, #tpu.memory_space<vmem>>, vector<1x16xf32>,
      %get3A_371 = vector.shape_cast %get3A_370 : vector<1x16xf32> to vector<16xf32>
      %add3A_372 = arith.addf %scan3A_348, %get3A_371 : vector<16xf32>
      %get3A_373 = arith.index_cast %scan3A_346 : i32 to index
      %get3A_374 = arith.constant 32 : index
      %get3A_375 = tpu.vector_load %arg25[%get3A_373, %get3A_374] {strides = array<i32>} : memref<128x256xf32, #tpu.memory_space<vmem>>, vector<1x16xf32>,
      %get3A_376 = vector.shape_cast %get3A_375 : vector<1x16xf32> to vector<16xf32>
      %add3A_377 = arith.addf %scan3A_349, %get3A_376 : vector<16xf32>
      %get3A_378 = arith.index_cast %scan3A_346 : i32 to index
      %get3A_379 = arith.constant 48 : index
      %get3A_380 = tpu.vector_load %arg25[%get3A_378, %get3A_379] {strides = array<i32>} : memref<128x256xf32, #tpu.memory_space<vmem>>, vector<1x16xf32>,
      %get3A_381 = vector.shape_cast %get3A_380 : vector<1x16xf32> to vector<16xf32>
      %add3A_382 = arith.addf %scan3A_350, %get3A_381 : vector<16xf32>
      %get3A_383 = arith.index_cast %scan3A_346 : i32 to index
      %get3A_384 = arith.constant 64 : index
      %get3A_385 = tpu.vector_load %arg25[%get3A_383, %get3A_384] {strides = array<i32>} : memref<128x256xf32, #tpu.memory_space<vmem>>, vector<1x16xf32>,
      %get3A_386 = vector.shape_cast %get3A_385 : vector<1x16xf32> to vector<16xf32>
      %add3A_387 = arith.addf %scan3A_351, %get3A_386 : vector<16xf32>
      %get3A_388 = arith.index_cast %scan3A_346 : i32 to index
      %get3A_389 = arith.constant 80 : index
      %get3A_390 = tpu.vector_load %arg25[%get3A_388, %get3A_389] {strides = array<i32>} : memref<128x256xf32, #tpu.memory_space<vmem>>, vector<1x16xf32>,
      %get3A_391 = vector.shape_cast %get3A_390 : vector<1x16xf32> to vector<16xf32>
      %add3A_392 = arith.addf %scan3A_352, %get3A_391 : vector<16xf32>
      %get3A_393 = arith.index_cast %scan3A_346 : i32 to index
      %get3A_394 = arith.constant 96 : index
      %get3A_395 = tpu.vector_load %arg25[%get3A_393, %get3A_394] {strides = array<i32>} : memref<128x256xf32, #tpu.memory_space<vmem>>, vector<1x16xf32>,
      %get3A_396 = vector.shape_cast %get3A_395 : vector<1x16xf32> to vector<16xf32>
      %add3A_397 = arith.addf %scan3A_353, %get3A_396 : vector<16xf32>
      %get3A_398 = arith.index_cast %scan3A_346 : i32 to index
      %get3A_399 = arith.constant 112 : index
      %get3A_400 = tpu.vector_load %arg25[%get3A_398, %get3A_399] {strides = array<i32>} : memref<128x256xf32, #tpu.memory_space<vmem>>, vector<1x16xf32>,
      %get3A_401 = vector.shape_cast %get3A_400 : vector<1x16xf32> to vector<16xf32>
      %add3A_402 = arith.addf %scan3A_354, %get3A_401 : vector<16xf32>
      %get3A_403 = arith.index_cast %scan3A_346 : i32 to index
      %get3A_404 = arith.constant 128 : index
      %get3A_405 = tpu.vector_load %arg25[%get3A_403, %get3A_404] {strides = array<i32>} : memref<128x256xf32, #tpu.memory_space<vmem>>, vector<1x16xf32>,
      %get3A_406 = vector.shape_cast %get3A_405 : vector<1x16xf32> to vector<16xf32>
      %add3A_407 = arith.addf %scan3A_355, %get3A_406 : vector<16xf32>
      %get3A_408 = arith.index_cast %scan3A_346 : i32 to index
      %get3A_409 = arith.constant 144 : index
      %get3A_410 = tpu.vector_load %arg25[%get3A_408, %get3A_409] {strides = array<i32>} : memref<128x256xf32, #tpu.memory_space<vmem>>, vector<1x16xf32>,
      %get3A_411 = vector.shape_cast %get3A_410 : vector<1x16xf32> to vector<16xf32>
      %add3A_412 = arith.addf %scan3A_356, %get3A_411 : vector<16xf32>
      %get3A_413 = arith.index_cast %scan3A_346 : i32 to index
      %get3A_414 = arith.constant 160 : index
      %get3A_415 = tpu.vector_load %arg25[%get3A_413, %get3A_414] {strides = array<i32>} : memref<128x256xf32, #tpu.memory_space<vmem>>, vector<1x16xf32>,
      %get3A_416 = vector.shape_cast %get3A_415 : vector<1x16xf32> to vector<16xf32>
      %add3A_417 = arith.addf %scan3A_357, %get3A_416 : vector<16xf32>
      %get3A_418 = arith.index_cast %scan3A_346 : i32 to index
      %get3A_419 = arith.constant 176 : index
      %get3A_420 = tpu.vector_load %arg25[%get3A_418, %get3A_419] {strides = array<i32>} : memref<128x256xf32, #tpu.memory_space<vmem>>, vector<1x16xf32>,
      %get3A_421 = vector.shape_cast %get3A_420 : vector<1x16xf32> to vector<16xf32>
      %add3A_422 = arith.addf %scan3A_358, %get3A_421 : vector<16xf32>
      %get3A_423 = arith.index_cast %scan3A_346 : i32 to index
      %get3A_424 = arith.constant 192 : index
      %get3A_425 = tpu.vector_load %arg25[%get3A_423, %get3A_424] {strides = array<i32>} : memref<128x256xf32, #tpu.memory_space<vmem>>, vector<1x16xf32>,
      %get3A_426 = vector.shape_cast %get3A_425 : vector<1x16xf32> to vector<16xf32>
      %add3A_427 = arith.addf %scan3A_359, %get3A_426 : vector<16xf32>
      %get3A_428 = arith.index_cast %scan3A_346 : i32 to index
      %get3A_429 = arith.constant 208 : index
      %get3A_430 = tpu.vector_load %arg25[%get3A_428, %get3A_429] {strides = array<i32>} : memref<128x256xf32, #tpu.memory_space<vmem>>, vector<1x16xf32>,
      %get3A_431 = vector.shape_cast %get3A_430 : vector<1x16xf32> to vector<16xf32>
      %add3A_432 = arith.addf %scan3A_360, %get3A_431 : vector<16xf32>
      %get3A_433 = arith.index_cast %scan3A_346 : i32 to index
      %get3A_434 = arith.constant 224 : index
      %get3A_435 = tpu.vector_load %arg25[%get3A_433, %get3A_434] {strides = array<i32>} : memref<128x256xf32, #tpu.memory_space<vmem>>, vector<1x16xf32>,
      %get3A_436 = vector.shape_cast %get3A_435 : vector<1x16xf32> to vector<16xf32>
      %add3A_437 = arith.addf %scan3A_361, %get3A_436 : vector<16xf32>
      %get3A_438 = arith.index_cast %scan3A_346 : i32 to index
      %get3A_439 = arith.constant 240 : index
      %get3A_440 = tpu.vector_load %arg25[%get3A_438, %get3A_439] {strides = array<i32>} : memref<128x256xf32, #tpu.memory_space<vmem>>, vector<1x16xf32>,
      %get3A_441 = vector.shape_cast %get3A_440 : vector<1x16xf32> to vector<16xf32>
      %add3A_442 = arith.addf %scan3A_362, %get3A_441 : vector<16xf32>
      scf.yield %add3A_367, %add3A_372, %add3A_377, %add3A_382, %add3A_387, %add3A_392, %add3A_397, %add3A_402, %add3A_407, %add3A_412, %add3A_417, %add3A_422, %add3A_427, %add3A_432, %add3A_437, %add3A_442 : vector<16xf32>, vector<16xf32>, vector<16xf32>, vector<16xf32>, vector<16xf32>, vector<16xf32>, vector<16xf32>, vector<16xf32>, vector<16xf32>, vector<16xf32>, vector<16xf32>, vector<16xf32>, vector<16xf32>, vector<16xf32>, vector<16xf32>, vector<16xf32>
    }
    %scan3A_197 = arith.constant 128 : i32
    %add3A_198 = arith.constant 256 : i32
    %add3A_199 = arith.addi %mul3A_2, %add3A_198 : i32
    "tpu.region"() ({
      %run_scoped3A = tpu.sem_alloc : memref<!tpu.dma_semaphore, #tpu.memory_space<semaphore_mem>>
      %dma_start3A_346 = arith.constant 0 : i32
      %dma_start3A_347 = tpu.memref_slice %arg12[%add3A_199, %dma_start3A_346] : memref<16384x256xf32, #tpu.memory_space<hbm>> -> memref<128x256xf32, #tpu.memory_space<hbm>>
      %dma_start3A_348 = arith.constant 0 : i32
      %dma_start3A_349 = tpu.memref_slice %arg12[%add3A_199, %dma_start3A_348] : memref<16384x256xf32, #tpu.memory_space<hbm>> -> memref<128x256xf32, #tpu.memory_space<hbm>>
      tpu.enqueue_dma source(%arg25 : memref<128x256xf32, #tpu.memory_space<vmem>>) target(%dma_start3A_349 : memref<128x256xf32, #tpu.memory_space<hbm>>) target_semaphore(%run_scoped3A : memref<!tpu.dma_semaphore, #tpu.memory_space<semaphore_mem>>)
      %dma_wait3A_350 = arith.constant 0 : i32
      %dma_wait3A_351 = tpu.memref_slice %arg12[%add3A_199, %dma_wait3A_350] : memref<16384x256xf32, #tpu.memory_space<hbm>> -> memref<128x256xf32, #tpu.memory_space<hbm>>
      %dma_wait3A_352 = arith.constant 0 : i32
      %dma_wait3A_353 = tpu.memref_slice %arg12[%add3A_199, %dma_wait3A_352] : memref<16384x256xf32, #tpu.memory_space<hbm>> -> memref<128x256xf32, #tpu.memory_space<hbm>>
      tpu.wait_dma2 semaphore(%run_scoped3A : memref<!tpu.dma_semaphore, #tpu.memory_space<semaphore_mem>>) src(%arg25 : memref<128x256xf32, #tpu.memory_space<vmem>>) dst(%dma_wait3A_353 : memref<128x256xf32, #tpu.memory_space<hbm>>)
      tpu.yield
    }) : () -> ()
    %dma_start3A_200 = arith.constant 384 : i32
    %dma_start3A_201 = tpu.memref_slice %arg15[%dma_start3A_200] : memref<512xi32, #tpu.memory_space<vmem>> -> memref<128xi32, #tpu.memory_space<vmem>>
    %dma_start3A_202 = arith.constant 0 : i32
    %dma_start3A_203 = arith.constant 0 : i32
    %dma_start3A_204 = tpu.memref_slice %arg8[%dma_start3A_202, %dma_start3A_203] : memref<64x128xf32, #tpu.memory_space<hbm>> -> memref<64x128xf32, #tpu.memory_space<hbm>>
    tpu.enqueue_indirect_dma source(%dma_start3A_204 : memref<64x128xf32, #tpu.memory_space<hbm>>) target(%arg21 : memref<128x128xf32, #tpu.memory_space<vmem>>) offsets(%dma_start3A_201 : memref<128xi32, #tpu.memory_space<vmem>>) semaphore(%arg27 : memref<!tpu.dma_semaphore, #tpu.memory_space<semaphore_mem>>)
    %dma_start3A_205 = arith.constant 384 : i32
    %dma_start3A_206 = tpu.memref_slice %arg17[%dma_start3A_205] : memref<512xi32, #tpu.memory_space<vmem>> -> memref<128xi32, #tpu.memory_space<vmem>>
    %dma_start3A_207 = arith.constant 0 : i32
    %dma_start3A_208 = arith.constant 0 : i32
    %dma_start3A_209 = tpu.memref_slice %arg9[%dma_start3A_207, %dma_start3A_208] : memref<64x128xf32, #tpu.memory_space<hbm>> -> memref<64x128xf32, #tpu.memory_space<hbm>>
    tpu.enqueue_indirect_dma source(%dma_start3A_209 : memref<64x128xf32, #tpu.memory_space<hbm>>) target(%arg22 : memref<128x128xf32, #tpu.memory_space<vmem>>) offsets(%dma_start3A_206 : memref<128xi32, #tpu.memory_space<vmem>>) semaphore(%arg27 : memref<!tpu.dma_semaphore, #tpu.memory_space<semaphore_mem>>)
    %dma_start3A_210 = arith.constant 384 : i32
    %dma_start3A_211 = tpu.memref_slice %arg18[%dma_start3A_210] : memref<512xi32, #tpu.memory_space<vmem>> -> memref<128xi32, #tpu.memory_space<vmem>>
    %dma_start3A_212 = arith.constant 0 : i32
    %dma_start3A_213 = arith.constant 0 : i32
    %dma_start3A_214 = tpu.memref_slice %arg9[%dma_start3A_212, %dma_start3A_213] : memref<64x128xf32, #tpu.memory_space<hbm>> -> memref<64x128xf32, #tpu.memory_space<hbm>>
    tpu.enqueue_indirect_dma source(%dma_start3A_214 : memref<64x128xf32, #tpu.memory_space<hbm>>) target(%arg23 : memref<128x128xf32, #tpu.memory_space<vmem>>) offsets(%dma_start3A_211 : memref<128xi32, #tpu.memory_space<vmem>>) semaphore(%arg27 : memref<!tpu.dma_semaphore, #tpu.memory_space<semaphore_mem>>)
    %dma_start3A_215 = arith.constant 384 : i32
    %dma_start3A_216 = tpu.memref_slice %arg16[%dma_start3A_215] : memref<512xi32, #tpu.memory_space<vmem>> -> memref<128xi32, #tpu.memory_space<vmem>>
    %dma_start3A_217 = arith.constant 0 : i32
    %dma_start3A_218 = arith.constant 0 : i32
    %dma_start3A_219 = tpu.memref_slice %arg10[%dma_start3A_217, %dma_start3A_218] : memref<4x128xf32, #tpu.memory_space<hbm>> -> memref<4x128xf32, #tpu.memory_space<hbm>>
    tpu.enqueue_indirect_dma source(%dma_start3A_219 : memref<4x128xf32, #tpu.memory_space<hbm>>) target(%arg24 : memref<128x128xf32, #tpu.memory_space<vmem>>) offsets(%dma_start3A_216 : memref<128xi32, #tpu.memory_space<vmem>>) semaphore(%arg27 : memref<!tpu.dma_semaphore, #tpu.memory_space<semaphore_mem>>)
    %dma_wait3A_220 = arith.constant 384 : i32
    %dma_wait3A_221 = tpu.memref_slice %arg15[%dma_wait3A_220] : memref<512xi32, #tpu.memory_space<vmem>> -> memref<128xi32, #tpu.memory_space<vmem>>
    %dma_wait3A_222 = arith.constant 0 : i32
    %dma_wait3A_223 = arith.constant 0 : i32
    %dma_wait3A_224 = tpu.memref_slice %arg8[%dma_wait3A_222, %dma_wait3A_223] : memref<64x128xf32, #tpu.memory_space<hbm>> -> memref<64x128xf32, #tpu.memory_space<hbm>>
    tpu.wait_indirect_dma semaphore(%arg27 : memref<!tpu.dma_semaphore, #tpu.memory_space<semaphore_mem>>) src(%dma_wait3A_224 : memref<64x128xf32, #tpu.memory_space<hbm>>) dst(%arg21 : memref<128x128xf32, #tpu.memory_space<vmem>>)
    %dma_wait3A_225 = arith.constant 384 : i32
    %dma_wait3A_226 = tpu.memref_slice %arg17[%dma_wait3A_225] : memref<512xi32, #tpu.memory_space<vmem>> -> memref<128xi32, #tpu.memory_space<vmem>>
    %dma_wait3A_227 = arith.constant 0 : i32
    %dma_wait3A_228 = arith.constant 0 : i32
    %dma_wait3A_229 = tpu.memref_slice %arg9[%dma_wait3A_227, %dma_wait3A_228] : memref<64x128xf32, #tpu.memory_space<hbm>> -> memref<64x128xf32, #tpu.memory_space<hbm>>
    tpu.wait_indirect_dma semaphore(%arg27 : memref<!tpu.dma_semaphore, #tpu.memory_space<semaphore_mem>>) src(%dma_wait3A_229 : memref<64x128xf32, #tpu.memory_space<hbm>>) dst(%arg22 : memref<128x128xf32, #tpu.memory_space<vmem>>)
    %dma_wait3A_230 = arith.constant 384 : i32
    %dma_wait3A_231 = tpu.memref_slice %arg18[%dma_wait3A_230] : memref<512xi32, #tpu.memory_space<vmem>> -> memref<128xi32, #tpu.memory_space<vmem>>
    %dma_wait3A_232 = arith.constant 0 : i32
    %dma_wait3A_233 = arith.constant 0 : i32
    %dma_wait3A_234 = tpu.memref_slice %arg9[%dma_wait3A_232, %dma_wait3A_233] : memref<64x128xf32, #tpu.memory_space<hbm>> -> memref<64x128xf32, #tpu.memory_space<hbm>>
    tpu.wait_indirect_dma semaphore(%arg27 : memref<!tpu.dma_semaphore, #tpu.memory_space<semaphore_mem>>) src(%dma_wait3A_234 : memref<64x128xf32, #tpu.memory_space<hbm>>) dst(%arg23 : memref<128x128xf32, #tpu.memory_space<vmem>>)
    %dma_wait3A_235 = arith.constant 384 : i32
    %dma_wait3A_236 = tpu.memref_slice %arg16[%dma_wait3A_235] : memref<512xi32, #tpu.memory_space<vmem>> -> memref<128xi32, #tpu.memory_space<vmem>>
    %dma_wait3A_237 = arith.constant 0 : i32
    %dma_wait3A_238 = arith.constant 0 : i32
    %dma_wait3A_239 = tpu.memref_slice %arg10[%dma_wait3A_237, %dma_wait3A_238] : memref<4x128xf32, #tpu.memory_space<hbm>> -> memref<4x128xf32, #tpu.memory_space<hbm>>
    tpu.wait_indirect_dma semaphore(%arg27 : memref<!tpu.dma_semaphore, #tpu.memory_space<semaphore_mem>>) src(%dma_wait3A_239 : memref<4x128xf32, #tpu.memory_space<hbm>>) dst(%arg24 : memref<128x128xf32, #tpu.memory_space<vmem>>)
    %parallel_loop3A_240 = arith.constant 0 : i32
    %parallel_loop3A_241 = arith.constant 128 : i32
    %parallel_loop3A_242 = arith.constant 1 : i32
    scf.for %parallel_loop3A_346 = %parallel_loop3A_240 to %parallel_loop3A_241 step %parallel_loop3A_242  : i32 {
      %parallel_loop3A_347 = arith.constant 384 : i32
      %parallel_loop3A_348 = arith.addi %parallel_loop3A_347, %parallel_loop3A_346 : i32
      %parallel_loop3A_349 = arith.index_cast %parallel_loop3A_348 : i32 to index
      %parallel_loop3A_350 = tpu.vector_load %arg19[%parallel_loop3A_349] {strides = array<i32>} : memref<528xf32, #tpu.memory_space<vmem>>, vector<16xf32>,
      %parallel_loop3A_351 = vector.shape_cast %parallel_loop3A_350 : vector<16xf32> to vector<16xf32>
      %parallel_loop3A_352 = vector.extract_strided_slice %parallel_loop3A_351 {offsets = [0], sizes = [1], strides = [1]} : vector<16xf32> to vector<1xf32>
      %parallel_loop3A_353 = vector.extract %parallel_loop3A_352[0] : f32 from vector<1xf32>
      %parallel_loop3A_354 = vector.broadcast %parallel_loop3A_353 : f32 to vector<16xf32>
      %parallel_loop3A_355 = arith.index_cast %parallel_loop3A_348 : i32 to index
      %parallel_loop3A_356 = tpu.vector_load %arg20[%parallel_loop3A_355] {strides = array<i32>} : memref<528xf32, #tpu.memory_space<vmem>>, vector<16xf32>,
      %parallel_loop3A_357 = vector.shape_cast %parallel_loop3A_356 : vector<16xf32> to vector<16xf32>
      %parallel_loop3A_358 = vector.extract_strided_slice %parallel_loop3A_357 {offsets = [0], sizes = [1], strides = [1]} : vector<16xf32> to vector<1xf32>
      %parallel_loop3A_359 = vector.extract %parallel_loop3A_358[0] : f32 from vector<1xf32>
      %parallel_loop3A_360 = vector.broadcast %parallel_loop3A_359 : f32 to vector<16xf32>
      %parallel_loop3A_361 = arith.index_cast %parallel_loop3A_346 : i32 to index
      %parallel_loop3A_362 = arith.constant 0 : index
      %parallel_loop3A_363 = tpu.vector_load %arg21[%parallel_loop3A_361, %parallel_loop3A_362] {strides = array<i32>} : memref<128x128xf32, #tpu.memory_space<vmem>>, vector<1x16xf32>,
      %parallel_loop3A_364 = vector.shape_cast %parallel_loop3A_363 : vector<1x16xf32> to vector<16xf32>
      %parallel_loop3A_365 = arith.index_cast %parallel_loop3A_346 : i32 to index
      %parallel_loop3A_366 = arith.constant 0 : index
      %parallel_loop3A_367 = tpu.vector_load %arg22[%parallel_loop3A_365, %parallel_loop3A_366] {strides = array<i32>} : memref<128x128xf32, #tpu.memory_space<vmem>>, vector<1x16xf32>,
      %parallel_loop3A_368 = vector.shape_cast %parallel_loop3A_367 : vector<1x16xf32> to vector<16xf32>
      %parallel_loop3A_369 = arith.addf %parallel_loop3A_364, %parallel_loop3A_368 : vector<16xf32>
      %parallel_loop3A_370 = arith.index_cast %parallel_loop3A_346 : i32 to index
      %parallel_loop3A_371 = arith.constant 0 : index
      %parallel_loop3A_372 = tpu.vector_load %arg25[%parallel_loop3A_370, %parallel_loop3A_371] {strides = array<i32>} : memref<128x256xf32, #tpu.memory_space<vmem>>, vector<1x16xf32>,
      %parallel_loop3A_373 = vector.shape_cast %parallel_loop3A_372 : vector<1x16xf32> to vector<16xf32>
      %parallel_loop3A_374 = vector.shape_cast %parallel_loop3A_369 : vector<16xf32> to vector<1x16xf32>
      tpu.vector_store %arg25[%parallel_loop3A_370, %parallel_loop3A_371], %parallel_loop3A_374 {strides = array<i32>} : memref<128x256xf32, #tpu.memory_space<vmem>>, vector<1x16xf32>,
      %parallel_loop3A_375 = arith.index_cast %parallel_loop3A_346 : i32 to index
      %parallel_loop3A_376 = arith.constant 16 : index
      %parallel_loop3A_377 = tpu.vector_load %arg21[%parallel_loop3A_375, %parallel_loop3A_376] {strides = array<i32>} : memref<128x128xf32, #tpu.memory_space<vmem>>, vector<1x16xf32>,
      %parallel_loop3A_378 = vector.shape_cast %parallel_loop3A_377 : vector<1x16xf32> to vector<16xf32>
      %parallel_loop3A_379 = arith.index_cast %parallel_loop3A_346 : i32 to index
      %parallel_loop3A_380 = arith.constant 16 : index
      %parallel_loop3A_381 = tpu.vector_load %arg22[%parallel_loop3A_379, %parallel_loop3A_380] {strides = array<i32>} : memref<128x128xf32, #tpu.memory_space<vmem>>, vector<1x16xf32>,
      %parallel_loop3A_382 = vector.shape_cast %parallel_loop3A_381 : vector<1x16xf32> to vector<16xf32>
      %parallel_loop3A_383 = arith.addf %parallel_loop3A_378, %parallel_loop3A_382 : vector<16xf32>
      %parallel_loop3A_384 = arith.index_cast %parallel_loop3A_346 : i32 to index
      %parallel_loop3A_385 = arith.constant 16 : index
      %parallel_loop3A_386 = tpu.vector_load %arg25[%parallel_loop3A_384, %parallel_loop3A_385] {strides = array<i32>} : memref<128x256xf32, #tpu.memory_space<vmem>>, vector<1x16xf32>,
      %parallel_loop3A_387 = vector.shape_cast %parallel_loop3A_386 : vector<1x16xf32> to vector<16xf32>
      %parallel_loop3A_388 = vector.shape_cast %parallel_loop3A_383 : vector<16xf32> to vector<1x16xf32>
      tpu.vector_store %arg25[%parallel_loop3A_384, %parallel_loop3A_385], %parallel_loop3A_388 {strides = array<i32>} : memref<128x256xf32, #tpu.memory_space<vmem>>, vector<1x16xf32>,
      %parallel_loop3A_389 = arith.index_cast %parallel_loop3A_346 : i32 to index
      %parallel_loop3A_390 = arith.constant 32 : index
      %parallel_loop3A_391 = tpu.vector_load %arg21[%parallel_loop3A_389, %parallel_loop3A_390] {strides = array<i32>} : memref<128x128xf32, #tpu.memory_space<vmem>>, vector<1x16xf32>,
      %parallel_loop3A_392 = vector.shape_cast %parallel_loop3A_391 : vector<1x16xf32> to vector<16xf32>
      %parallel_loop3A_393 = arith.index_cast %parallel_loop3A_346 : i32 to index
      %parallel_loop3A_394 = arith.constant 32 : index
      %parallel_loop3A_395 = tpu.vector_load %arg22[%parallel_loop3A_393, %parallel_loop3A_394] {strides = array<i32>} : memref<128x128xf32, #tpu.memory_space<vmem>>, vector<1x16xf32>,
      %parallel_loop3A_396 = vector.shape_cast %parallel_loop3A_395 : vector<1x16xf32> to vector<16xf32>
      %parallel_loop3A_397 = arith.addf %parallel_loop3A_392, %parallel_loop3A_396 : vector<16xf32>
      %parallel_loop3A_398 = arith.index_cast %parallel_loop3A_346 : i32 to index
      %parallel_loop3A_399 = arith.constant 32 : index
      %parallel_loop3A_400 = tpu.vector_load %arg25[%parallel_loop3A_398, %parallel_loop3A_399] {strides = array<i32>} : memref<128x256xf32, #tpu.memory_space<vmem>>, vector<1x16xf32>,
      %parallel_loop3A_401 = vector.shape_cast %parallel_loop3A_400 : vector<1x16xf32> to vector<16xf32>
      %parallel_loop3A_402 = vector.shape_cast %parallel_loop3A_397 : vector<16xf32> to vector<1x16xf32>
      tpu.vector_store %arg25[%parallel_loop3A_398, %parallel_loop3A_399], %parallel_loop3A_402 {strides = array<i32>} : memref<128x256xf32, #tpu.memory_space<vmem>>, vector<1x16xf32>,
      %parallel_loop3A_403 = arith.index_cast %parallel_loop3A_346 : i32 to index
      %parallel_loop3A_404 = arith.constant 48 : index
      %parallel_loop3A_405 = tpu.vector_load %arg21[%parallel_loop3A_403, %parallel_loop3A_404] {strides = array<i32>} : memref<128x128xf32, #tpu.memory_space<vmem>>, vector<1x16xf32>,
      %parallel_loop3A_406 = vector.shape_cast %parallel_loop3A_405 : vector<1x16xf32> to vector<16xf32>
      %parallel_loop3A_407 = arith.index_cast %parallel_loop3A_346 : i32 to index
      %parallel_loop3A_408 = arith.constant 48 : index
      %parallel_loop3A_409 = tpu.vector_load %arg22[%parallel_loop3A_407, %parallel_loop3A_408] {strides = array<i32>} : memref<128x128xf32, #tpu.memory_space<vmem>>, vector<1x16xf32>,
      %parallel_loop3A_410 = vector.shape_cast %parallel_loop3A_409 : vector<1x16xf32> to vector<16xf32>
      %parallel_loop3A_411 = arith.addf %parallel_loop3A_406, %parallel_loop3A_410 : vector<16xf32>
      %parallel_loop3A_412 = arith.index_cast %parallel_loop3A_346 : i32 to index
      %parallel_loop3A_413 = arith.constant 48 : index
      %parallel_loop3A_414 = tpu.vector_load %arg25[%parallel_loop3A_412, %parallel_loop3A_413] {strides = array<i32>} : memref<128x256xf32, #tpu.memory_space<vmem>>, vector<1x16xf32>,
      %parallel_loop3A_415 = vector.shape_cast %parallel_loop3A_414 : vector<1x16xf32> to vector<16xf32>
      %parallel_loop3A_416 = vector.shape_cast %parallel_loop3A_411 : vector<16xf32> to vector<1x16xf32>
      tpu.vector_store %arg25[%parallel_loop3A_412, %parallel_loop3A_413], %parallel_loop3A_416 {strides = array<i32>} : memref<128x256xf32, #tpu.memory_space<vmem>>, vector<1x16xf32>,
      %parallel_loop3A_417 = arith.index_cast %parallel_loop3A_346 : i32 to index
      %parallel_loop3A_418 = arith.constant 64 : index
      %parallel_loop3A_419 = tpu.vector_load %arg21[%parallel_loop3A_417, %parallel_loop3A_418] {strides = array<i32>} : memref<128x128xf32, #tpu.memory_space<vmem>>, vector<1x16xf32>,
      %parallel_loop3A_420 = vector.shape_cast %parallel_loop3A_419 : vector<1x16xf32> to vector<16xf32>
      %parallel_loop3A_421 = arith.index_cast %parallel_loop3A_346 : i32 to index
      %parallel_loop3A_422 = arith.constant 64 : index
      %parallel_loop3A_423 = tpu.vector_load %arg22[%parallel_loop3A_421, %parallel_loop3A_422] {strides = array<i32>} : memref<128x128xf32, #tpu.memory_space<vmem>>, vector<1x16xf32>,
      %parallel_loop3A_424 = vector.shape_cast %parallel_loop3A_423 : vector<1x16xf32> to vector<16xf32>
      %parallel_loop3A_425 = arith.addf %parallel_loop3A_420, %parallel_loop3A_424 : vector<16xf32>
      %parallel_loop3A_426 = arith.index_cast %parallel_loop3A_346 : i32 to index
      %parallel_loop3A_427 = arith.constant 64 : index
      %parallel_loop3A_428 = tpu.vector_load %arg25[%parallel_loop3A_426, %parallel_loop3A_427] {strides = array<i32>} : memref<128x256xf32, #tpu.memory_space<vmem>>, vector<1x16xf32>,
      %parallel_loop3A_429 = vector.shape_cast %parallel_loop3A_428 : vector<1x16xf32> to vector<16xf32>
      %parallel_loop3A_430 = vector.shape_cast %parallel_loop3A_425 : vector<16xf32> to vector<1x16xf32>
      tpu.vector_store %arg25[%parallel_loop3A_426, %parallel_loop3A_427], %parallel_loop3A_430 {strides = array<i32>} : memref<128x256xf32, #tpu.memory_space<vmem>>, vector<1x16xf32>,
      %parallel_loop3A_431 = arith.index_cast %parallel_loop3A_346 : i32 to index
      %parallel_loop3A_432 = arith.constant 80 : index
      %parallel_loop3A_433 = tpu.vector_load %arg21[%parallel_loop3A_431, %parallel_loop3A_432] {strides = array<i32>} : memref<128x128xf32, #tpu.memory_space<vmem>>, vector<1x16xf32>,
      %parallel_loop3A_434 = vector.shape_cast %parallel_loop3A_433 : vector<1x16xf32> to vector<16xf32>
      %parallel_loop3A_435 = arith.index_cast %parallel_loop3A_346 : i32 to index
      %parallel_loop3A_436 = arith.constant 80 : index
      %parallel_loop3A_437 = tpu.vector_load %arg22[%parallel_loop3A_435, %parallel_loop3A_436] {strides = array<i32>} : memref<128x128xf32, #tpu.memory_space<vmem>>, vector<1x16xf32>,
      %parallel_loop3A_438 = vector.shape_cast %parallel_loop3A_437 : vector<1x16xf32> to vector<16xf32>
      %parallel_loop3A_439 = arith.addf %parallel_loop3A_434, %parallel_loop3A_438 : vector<16xf32>
      %parallel_loop3A_440 = arith.index_cast %parallel_loop3A_346 : i32 to index
      %parallel_loop3A_441 = arith.constant 80 : index
      %parallel_loop3A_442 = tpu.vector_load %arg25[%parallel_loop3A_440, %parallel_loop3A_441] {strides = array<i32>} : memref<128x256xf32, #tpu.memory_space<vmem>>, vector<1x16xf32>,
      %parallel_loop3A_443 = vector.shape_cast %parallel_loop3A_442 : vector<1x16xf32> to vector<16xf32>
      %parallel_loop3A_444 = vector.shape_cast %parallel_loop3A_439 : vector<16xf32> to vector<1x16xf32>
      tpu.vector_store %arg25[%parallel_loop3A_440, %parallel_loop3A_441], %parallel_loop3A_444 {strides = array<i32>} : memref<128x256xf32, #tpu.memory_space<vmem>>, vector<1x16xf32>,
      %parallel_loop3A_445 = arith.index_cast %parallel_loop3A_346 : i32 to index
      %parallel_loop3A_446 = arith.constant 96 : index
      %parallel_loop3A_447 = tpu.vector_load %arg21[%parallel_loop3A_445, %parallel_loop3A_446] {strides = array<i32>} : memref<128x128xf32, #tpu.memory_space<vmem>>, vector<1x16xf32>,
      %parallel_loop3A_448 = vector.shape_cast %parallel_loop3A_447 : vector<1x16xf32> to vector<16xf32>
      %parallel_loop3A_449 = arith.index_cast %parallel_loop3A_346 : i32 to index
      %parallel_loop3A_450 = arith.constant 96 : index
      %parallel_loop3A_451 = tpu.vector_load %arg22[%parallel_loop3A_449, %parallel_loop3A_450] {strides = array<i32>} : memref<128x128xf32, #tpu.memory_space<vmem>>, vector<1x16xf32>,
      %parallel_loop3A_452 = vector.shape_cast %parallel_loop3A_451 : vector<1x16xf32> to vector<16xf32>
      %parallel_loop3A_453 = arith.addf %parallel_loop3A_448, %parallel_loop3A_452 : vector<16xf32>
      %parallel_loop3A_454 = arith.index_cast %parallel_loop3A_346 : i32 to index
      %parallel_loop3A_455 = arith.constant 96 : index
      %parallel_loop3A_456 = tpu.vector_load %arg25[%parallel_loop3A_454, %parallel_loop3A_455] {strides = array<i32>} : memref<128x256xf32, #tpu.memory_space<vmem>>, vector<1x16xf32>,
      %parallel_loop3A_457 = vector.shape_cast %parallel_loop3A_456 : vector<1x16xf32> to vector<16xf32>
      %parallel_loop3A_458 = vector.shape_cast %parallel_loop3A_453 : vector<16xf32> to vector<1x16xf32>
      tpu.vector_store %arg25[%parallel_loop3A_454, %parallel_loop3A_455], %parallel_loop3A_458 {strides = array<i32>} : memref<128x256xf32, #tpu.memory_space<vmem>>, vector<1x16xf32>,
      %parallel_loop3A_459 = arith.index_cast %parallel_loop3A_346 : i32 to index
      %parallel_loop3A_460 = arith.constant 112 : index
      %parallel_loop3A_461 = tpu.vector_load %arg21[%parallel_loop3A_459, %parallel_loop3A_460] {strides = array<i32>} : memref<128x128xf32, #tpu.memory_space<vmem>>, vector<1x16xf32>,
      %parallel_loop3A_462 = vector.shape_cast %parallel_loop3A_461 : vector<1x16xf32> to vector<16xf32>
      %parallel_loop3A_463 = arith.index_cast %parallel_loop3A_346 : i32 to index
      %parallel_loop3A_464 = arith.constant 112 : index
      %parallel_loop3A_465 = tpu.vector_load %arg22[%parallel_loop3A_463, %parallel_loop3A_464] {strides = array<i32>} : memref<128x128xf32, #tpu.memory_space<vmem>>, vector<1x16xf32>,
      %parallel_loop3A_466 = vector.shape_cast %parallel_loop3A_465 : vector<1x16xf32> to vector<16xf32>
      %parallel_loop3A_467 = arith.addf %parallel_loop3A_462, %parallel_loop3A_466 : vector<16xf32>
      %parallel_loop3A_468 = arith.index_cast %parallel_loop3A_346 : i32 to index
      %parallel_loop3A_469 = arith.constant 112 : index
      %parallel_loop3A_470 = tpu.vector_load %arg25[%parallel_loop3A_468, %parallel_loop3A_469] {strides = array<i32>} : memref<128x256xf32, #tpu.memory_space<vmem>>, vector<1x16xf32>,
      %parallel_loop3A_471 = vector.shape_cast %parallel_loop3A_470 : vector<1x16xf32> to vector<16xf32>
      %parallel_loop3A_472 = vector.shape_cast %parallel_loop3A_467 : vector<16xf32> to vector<1x16xf32>
      tpu.vector_store %arg25[%parallel_loop3A_468, %parallel_loop3A_469], %parallel_loop3A_472 {strides = array<i32>} : memref<128x256xf32, #tpu.memory_space<vmem>>, vector<1x16xf32>,
      %parallel_loop3A_473 = arith.index_cast %parallel_loop3A_346 : i32 to index
      %parallel_loop3A_474 = arith.constant 0 : index
      %parallel_loop3A_475 = tpu.vector_load %arg24[%parallel_loop3A_473, %parallel_loop3A_474] {strides = array<i32>} : memref<128x128xf32, #tpu.memory_space<vmem>>, vector<1x16xf32>,
      %parallel_loop3A_476 = vector.shape_cast %parallel_loop3A_475 : vector<1x16xf32> to vector<16xf32>
      %parallel_loop3A_477 = arith.index_cast %parallel_loop3A_346 : i32 to index
      %parallel_loop3A_478 = arith.constant 0 : index
      %parallel_loop3A_479 = tpu.vector_load %arg23[%parallel_loop3A_477, %parallel_loop3A_478] {strides = array<i32>} : memref<128x128xf32, #tpu.memory_space<vmem>>, vector<1x16xf32>,
      %parallel_loop3A_480 = vector.shape_cast %parallel_loop3A_479 : vector<1x16xf32> to vector<16xf32>
      %parallel_loop3A_481 = arith.addf %parallel_loop3A_476, %parallel_loop3A_480 : vector<16xf32>
      %parallel_loop3A_482 = arith.index_cast %parallel_loop3A_346 : i32 to index
      %parallel_loop3A_483 = arith.constant 128 : index
      %parallel_loop3A_484 = tpu.vector_load %arg25[%parallel_loop3A_482, %parallel_loop3A_483] {strides = array<i32>} : memref<128x256xf32, #tpu.memory_space<vmem>>, vector<1x16xf32>,
      %parallel_loop3A_485 = vector.shape_cast %parallel_loop3A_484 : vector<1x16xf32> to vector<16xf32>
      %parallel_loop3A_486 = vector.shape_cast %parallel_loop3A_481 : vector<16xf32> to vector<1x16xf32>
      tpu.vector_store %arg25[%parallel_loop3A_482, %parallel_loop3A_483], %parallel_loop3A_486 {strides = array<i32>} : memref<128x256xf32, #tpu.memory_space<vmem>>, vector<1x16xf32>,
      %parallel_loop3A_487 = arith.index_cast %parallel_loop3A_346 : i32 to index
      %parallel_loop3A_488 = arith.constant 16 : index
      %parallel_loop3A_489 = tpu.vector_load %arg24[%parallel_loop3A_487, %parallel_loop3A_488] {strides = array<i32>} : memref<128x128xf32, #tpu.memory_space<vmem>>, vector<1x16xf32>,
      %parallel_loop3A_490 = vector.shape_cast %parallel_loop3A_489 : vector<1x16xf32> to vector<16xf32>
      %parallel_loop3A_491 = arith.index_cast %parallel_loop3A_346 : i32 to index
      %parallel_loop3A_492 = arith.constant 16 : index
      %parallel_loop3A_493 = tpu.vector_load %arg23[%parallel_loop3A_491, %parallel_loop3A_492] {strides = array<i32>} : memref<128x128xf32, #tpu.memory_space<vmem>>, vector<1x16xf32>,
      %parallel_loop3A_494 = vector.shape_cast %parallel_loop3A_493 : vector<1x16xf32> to vector<16xf32>
      %parallel_loop3A_495 = arith.addf %parallel_loop3A_490, %parallel_loop3A_494 : vector<16xf32>
      %parallel_loop3A_496 = arith.index_cast %parallel_loop3A_346 : i32 to index
      %parallel_loop3A_497 = arith.constant 144 : index
      %parallel_loop3A_498 = tpu.vector_load %arg25[%parallel_loop3A_496, %parallel_loop3A_497] {strides = array<i32>} : memref<128x256xf32, #tpu.memory_space<vmem>>, vector<1x16xf32>,
      %parallel_loop3A_499 = vector.shape_cast %parallel_loop3A_498 : vector<1x16xf32> to vector<16xf32>
      %parallel_loop3A_500 = vector.shape_cast %parallel_loop3A_495 : vector<16xf32> to vector<1x16xf32>
      tpu.vector_store %arg25[%parallel_loop3A_496, %parallel_loop3A_497], %parallel_loop3A_500 {strides = array<i32>} : memref<128x256xf32, #tpu.memory_space<vmem>>, vector<1x16xf32>,
      %parallel_loop3A_501 = arith.index_cast %parallel_loop3A_346 : i32 to index
      %parallel_loop3A_502 = arith.constant 32 : index
      %parallel_loop3A_503 = tpu.vector_load %arg24[%parallel_loop3A_501, %parallel_loop3A_502] {strides = array<i32>} : memref<128x128xf32, #tpu.memory_space<vmem>>, vector<1x16xf32>,
      %parallel_loop3A_504 = vector.shape_cast %parallel_loop3A_503 : vector<1x16xf32> to vector<16xf32>
      %parallel_loop3A_505 = arith.index_cast %parallel_loop3A_346 : i32 to index
      %parallel_loop3A_506 = arith.constant 32 : index
      %parallel_loop3A_507 = tpu.vector_load %arg23[%parallel_loop3A_505, %parallel_loop3A_506] {strides = array<i32>} : memref<128x128xf32, #tpu.memory_space<vmem>>, vector<1x16xf32>,
      %parallel_loop3A_508 = vector.shape_cast %parallel_loop3A_507 : vector<1x16xf32> to vector<16xf32>
      %parallel_loop3A_509 = arith.addf %parallel_loop3A_504, %parallel_loop3A_508 : vector<16xf32>
      %parallel_loop3A_510 = arith.index_cast %parallel_loop3A_346 : i32 to index
      %parallel_loop3A_511 = arith.constant 160 : index
      %parallel_loop3A_512 = tpu.vector_load %arg25[%parallel_loop3A_510, %parallel_loop3A_511] {strides = array<i32>} : memref<128x256xf32, #tpu.memory_space<vmem>>, vector<1x16xf32>,
      %parallel_loop3A_513 = vector.shape_cast %parallel_loop3A_512 : vector<1x16xf32> to vector<16xf32>
      %parallel_loop3A_514 = vector.shape_cast %parallel_loop3A_509 : vector<16xf32> to vector<1x16xf32>
      tpu.vector_store %arg25[%parallel_loop3A_510, %parallel_loop3A_511], %parallel_loop3A_514 {strides = array<i32>} : memref<128x256xf32, #tpu.memory_space<vmem>>, vector<1x16xf32>,
      %parallel_loop3A_515 = arith.index_cast %parallel_loop3A_346 : i32 to index
      %parallel_loop3A_516 = arith.constant 48 : index
      %parallel_loop3A_517 = tpu.vector_load %arg24[%parallel_loop3A_515, %parallel_loop3A_516] {strides = array<i32>} : memref<128x128xf32, #tpu.memory_space<vmem>>, vector<1x16xf32>,
      %parallel_loop3A_518 = vector.shape_cast %parallel_loop3A_517 : vector<1x16xf32> to vector<16xf32>
      %parallel_loop3A_519 = arith.index_cast %parallel_loop3A_346 : i32 to index
      %parallel_loop3A_520 = arith.constant 48 : index
      %parallel_loop3A_521 = tpu.vector_load %arg23[%parallel_loop3A_519, %parallel_loop3A_520] {strides = array<i32>} : memref<128x128xf32, #tpu.memory_space<vmem>>, vector<1x16xf32>,
      %parallel_loop3A_522 = vector.shape_cast %parallel_loop3A_521 : vector<1x16xf32> to vector<16xf32>
      %parallel_loop3A_523 = arith.addf %parallel_loop3A_518, %parallel_loop3A_522 : vector<16xf32>
      %parallel_loop3A_524 = arith.index_cast %parallel_loop3A_346 : i32 to index
      %parallel_loop3A_525 = arith.constant 176 : index
      %parallel_loop3A_526 = tpu.vector_load %arg25[%parallel_loop3A_524, %parallel_loop3A_525] {strides = array<i32>} : memref<128x256xf32, #tpu.memory_space<vmem>>, vector<1x16xf32>,
      %parallel_loop3A_527 = vector.shape_cast %parallel_loop3A_526 : vector<1x16xf32> to vector<16xf32>
      %parallel_loop3A_528 = vector.shape_cast %parallel_loop3A_523 : vector<16xf32> to vector<1x16xf32>
      tpu.vector_store %arg25[%parallel_loop3A_524, %parallel_loop3A_525], %parallel_loop3A_528 {strides = array<i32>} : memref<128x256xf32, #tpu.memory_space<vmem>>, vector<1x16xf32>,
      %parallel_loop3A_529 = arith.index_cast %parallel_loop3A_346 : i32 to index
      %parallel_loop3A_530 = arith.constant 64 : index
      %parallel_loop3A_531 = tpu.vector_load %arg24[%parallel_loop3A_529, %parallel_loop3A_530] {strides = array<i32>} : memref<128x128xf32, #tpu.memory_space<vmem>>, vector<1x16xf32>,
      %parallel_loop3A_532 = vector.shape_cast %parallel_loop3A_531 : vector<1x16xf32> to vector<16xf32>
      %parallel_loop3A_533 = arith.index_cast %parallel_loop3A_346 : i32 to index
      %parallel_loop3A_534 = arith.constant 64 : index
      %parallel_loop3A_535 = tpu.vector_load %arg23[%parallel_loop3A_533, %parallel_loop3A_534] {strides = array<i32>} : memref<128x128xf32, #tpu.memory_space<vmem>>, vector<1x16xf32>,
      %parallel_loop3A_536 = vector.shape_cast %parallel_loop3A_535 : vector<1x16xf32> to vector<16xf32>
      %parallel_loop3A_537 = arith.addf %parallel_loop3A_532, %parallel_loop3A_536 : vector<16xf32>
      %parallel_loop3A_538 = arith.mulf %parallel_loop3A_354, %get3A_16 : vector<16xf32>
      %parallel_loop3A_539 = arith.addf %parallel_loop3A_537, %parallel_loop3A_538 : vector<16xf32>
      %parallel_loop3A_540 = arith.index_cast %parallel_loop3A_346 : i32 to index
      %parallel_loop3A_541 = arith.constant 192 : index
      %parallel_loop3A_542 = tpu.vector_load %arg25[%parallel_loop3A_540, %parallel_loop3A_541] {strides = array<i32>} : memref<128x256xf32, #tpu.memory_space<vmem>>, vector<1x16xf32>,
      %parallel_loop3A_543 = vector.shape_cast %parallel_loop3A_542 : vector<1x16xf32> to vector<16xf32>
      %parallel_loop3A_544 = vector.shape_cast %parallel_loop3A_539 : vector<16xf32> to vector<1x16xf32>
      tpu.vector_store %arg25[%parallel_loop3A_540, %parallel_loop3A_541], %parallel_loop3A_544 {strides = array<i32>} : memref<128x256xf32, #tpu.memory_space<vmem>>, vector<1x16xf32>,
      %parallel_loop3A_545 = arith.index_cast %parallel_loop3A_346 : i32 to index
      %parallel_loop3A_546 = arith.constant 80 : index
      %parallel_loop3A_547 = tpu.vector_load %arg24[%parallel_loop3A_545, %parallel_loop3A_546] {strides = array<i32>} : memref<128x128xf32, #tpu.memory_space<vmem>>, vector<1x16xf32>,
      %parallel_loop3A_548 = vector.shape_cast %parallel_loop3A_547 : vector<1x16xf32> to vector<16xf32>
      %parallel_loop3A_549 = arith.index_cast %parallel_loop3A_346 : i32 to index
      %parallel_loop3A_550 = arith.constant 80 : index
      %parallel_loop3A_551 = tpu.vector_load %arg23[%parallel_loop3A_549, %parallel_loop3A_550] {strides = array<i32>} : memref<128x128xf32, #tpu.memory_space<vmem>>, vector<1x16xf32>,
      %parallel_loop3A_552 = vector.shape_cast %parallel_loop3A_551 : vector<1x16xf32> to vector<16xf32>
      %parallel_loop3A_553 = arith.addf %parallel_loop3A_548, %parallel_loop3A_552 : vector<16xf32>
      %parallel_loop3A_554 = arith.mulf %parallel_loop3A_354, %get3A_19 : vector<16xf32>
      %parallel_loop3A_555 = arith.addf %parallel_loop3A_553, %parallel_loop3A_554 : vector<16xf32>
      %parallel_loop3A_556 = arith.index_cast %parallel_loop3A_346 : i32 to index
      %parallel_loop3A_557 = arith.constant 208 : index
      %parallel_loop3A_558 = tpu.vector_load %arg25[%parallel_loop3A_556, %parallel_loop3A_557] {strides = array<i32>} : memref<128x256xf32, #tpu.memory_space<vmem>>, vector<1x16xf32>,
      %parallel_loop3A_559 = vector.shape_cast %parallel_loop3A_558 : vector<1x16xf32> to vector<16xf32>
      %parallel_loop3A_560 = vector.shape_cast %parallel_loop3A_555 : vector<16xf32> to vector<1x16xf32>
      tpu.vector_store %arg25[%parallel_loop3A_556, %parallel_loop3A_557], %parallel_loop3A_560 {strides = array<i32>} : memref<128x256xf32, #tpu.memory_space<vmem>>, vector<1x16xf32>,
      %parallel_loop3A_561 = arith.index_cast %parallel_loop3A_346 : i32 to index
      %parallel_loop3A_562 = arith.constant 96 : index
      %parallel_loop3A_563 = tpu.vector_load %arg24[%parallel_loop3A_561, %parallel_loop3A_562] {strides = array<i32>} : memref<128x128xf32, #tpu.memory_space<vmem>>, vector<1x16xf32>,
      %parallel_loop3A_564 = vector.shape_cast %parallel_loop3A_563 : vector<1x16xf32> to vector<16xf32>
      %parallel_loop3A_565 = arith.index_cast %parallel_loop3A_346 : i32 to index
      %parallel_loop3A_566 = arith.constant 96 : index
      %parallel_loop3A_567 = tpu.vector_load %arg23[%parallel_loop3A_565, %parallel_loop3A_566] {strides = array<i32>} : memref<128x128xf32, #tpu.memory_space<vmem>>, vector<1x16xf32>,
      %parallel_loop3A_568 = vector.shape_cast %parallel_loop3A_567 : vector<1x16xf32> to vector<16xf32>
      %parallel_loop3A_569 = arith.addf %parallel_loop3A_564, %parallel_loop3A_568 : vector<16xf32>
      %parallel_loop3A_570 = arith.mulf %parallel_loop3A_354, %get3A_22 : vector<16xf32>
      %parallel_loop3A_571 = arith.addf %parallel_loop3A_569, %parallel_loop3A_570 : vector<16xf32>
      %parallel_loop3A_572 = arith.index_cast %parallel_loop3A_346 : i32 to index
      %parallel_loop3A_573 = arith.constant 224 : index
      %parallel_loop3A_574 = tpu.vector_load %arg25[%parallel_loop3A_572, %parallel_loop3A_573] {strides = array<i32>} : memref<128x256xf32, #tpu.memory_space<vmem>>, vector<1x16xf32>,
      %parallel_loop3A_575 = vector.shape_cast %parallel_loop3A_574 : vector<1x16xf32> to vector<16xf32>
      %parallel_loop3A_576 = vector.shape_cast %parallel_loop3A_571 : vector<16xf32> to vector<1x16xf32>
      tpu.vector_store %arg25[%parallel_loop3A_572, %parallel_loop3A_573], %parallel_loop3A_576 {strides = array<i32>} : memref<128x256xf32, #tpu.memory_space<vmem>>, vector<1x16xf32>,
      %parallel_loop3A_577 = arith.index_cast %parallel_loop3A_346 : i32 to index
      %parallel_loop3A_578 = arith.constant 112 : index
      %parallel_loop3A_579 = tpu.vector_load %arg24[%parallel_loop3A_577, %parallel_loop3A_578] {strides = array<i32>} : memref<128x128xf32, #tpu.memory_space<vmem>>, vector<1x16xf32>,
      %parallel_loop3A_580 = vector.shape_cast %parallel_loop3A_579 : vector<1x16xf32> to vector<16xf32>
      %parallel_loop3A_581 = arith.index_cast %parallel_loop3A_346 : i32 to index
      %parallel_loop3A_582 = arith.constant 112 : index
      %parallel_loop3A_583 = tpu.vector_load %arg23[%parallel_loop3A_581, %parallel_loop3A_582] {strides = array<i32>} : memref<128x128xf32, #tpu.memory_space<vmem>>, vector<1x16xf32>,
      %parallel_loop3A_584 = vector.shape_cast %parallel_loop3A_583 : vector<1x16xf32> to vector<16xf32>
      %parallel_loop3A_585 = arith.addf %parallel_loop3A_580, %parallel_loop3A_584 : vector<16xf32>
      %parallel_loop3A_586 = arith.mulf %parallel_loop3A_354, %get3A_25 : vector<16xf32>
      %parallel_loop3A_587 = arith.addf %parallel_loop3A_585, %parallel_loop3A_586 : vector<16xf32>
      %parallel_loop3A_588 = arith.mulf %parallel_loop3A_360, %get3A_49 : vector<16xf32>
      %parallel_loop3A_589 = arith.addf %parallel_loop3A_587, %parallel_loop3A_588 : vector<16xf32>
      %parallel_loop3A_590 = arith.index_cast %parallel_loop3A_346 : i32 to index
      %parallel_loop3A_591 = arith.constant 240 : index
      %parallel_loop3A_592 = tpu.vector_load %arg25[%parallel_loop3A_590, %parallel_loop3A_591] {strides = array<i32>} : memref<128x256xf32, #tpu.memory_space<vmem>>, vector<1x16xf32>,
      %parallel_loop3A_593 = vector.shape_cast %parallel_loop3A_592 : vector<1x16xf32> to vector<16xf32>
      %parallel_loop3A_594 = vector.shape_cast %parallel_loop3A_589 : vector<16xf32> to vector<1x16xf32>
      tpu.vector_store %arg25[%parallel_loop3A_590, %parallel_loop3A_591], %parallel_loop3A_594 {strides = array<i32>} : memref<128x256xf32, #tpu.memory_space<vmem>>, vector<1x16xf32>,
    } {sc.loop_unroll_factor = 4 : i64, sc.parallel_access}
    %scan3A_243 = arith.constant 0 : i32
    %scan3A_244 = arith.constant 128 : i32
    %scan3A_245 = arith.addi %scan3A_243, %scan3A_244 : i32
    %scan3A_246 = arith.constant 1 : i32
    %scan3A_247:16 = scf.for %scan3A_346 = %scan3A_243 to %scan3A_245 step %scan3A_246 iter_args(%scan3A_347 = %scan3A_196#0, %scan3A_348 = %scan3A_196#1, %scan3A_349 = %scan3A_196#2, %scan3A_350 = %scan3A_196#3, %scan3A_351 = %scan3A_196#4, %scan3A_352 = %scan3A_196#5, %scan3A_353 = %scan3A_196#6, %scan3A_354 = %scan3A_196#7, %scan3A_355 = %scan3A_196#8, %scan3A_356 = %scan3A_196#9, %scan3A_357 = %scan3A_196#10, %scan3A_358 = %scan3A_196#11, %scan3A_359 = %scan3A_196#12, %scan3A_360 = %scan3A_196#13, %scan3A_361 = %scan3A_196#14, %scan3A_362 = %scan3A_196#15) -> (vector<16xf32>, vector<16xf32>, vector<16xf32>, vector<16xf32>, vector<16xf32>, vector<16xf32>, vector<16xf32>, vector<16xf32>, vector<16xf32>, vector<16xf32>, vector<16xf32>, vector<16xf32>, vector<16xf32>, vector<16xf32>, vector<16xf32>, vector<16xf32>)  : i32 {
      %get3A_363 = arith.index_cast %scan3A_346 : i32 to index
      %get3A_364 = arith.constant 0 : index
      %get3A_365 = tpu.vector_load %arg25[%get3A_363, %get3A_364] {strides = array<i32>} : memref<128x256xf32, #tpu.memory_space<vmem>>, vector<1x16xf32>,
      %get3A_366 = vector.shape_cast %get3A_365 : vector<1x16xf32> to vector<16xf32>
      %add3A_367 = arith.addf %scan3A_347, %get3A_366 : vector<16xf32>
      %get3A_368 = arith.index_cast %scan3A_346 : i32 to index
      %get3A_369 = arith.constant 16 : index
      %get3A_370 = tpu.vector_load %arg25[%get3A_368, %get3A_369] {strides = array<i32>} : memref<128x256xf32, #tpu.memory_space<vmem>>, vector<1x16xf32>,
      %get3A_371 = vector.shape_cast %get3A_370 : vector<1x16xf32> to vector<16xf32>
      %add3A_372 = arith.addf %scan3A_348, %get3A_371 : vector<16xf32>
      %get3A_373 = arith.index_cast %scan3A_346 : i32 to index
      %get3A_374 = arith.constant 32 : index
      %get3A_375 = tpu.vector_load %arg25[%get3A_373, %get3A_374] {strides = array<i32>} : memref<128x256xf32, #tpu.memory_space<vmem>>, vector<1x16xf32>,
      %get3A_376 = vector.shape_cast %get3A_375 : vector<1x16xf32> to vector<16xf32>
      %add3A_377 = arith.addf %scan3A_349, %get3A_376 : vector<16xf32>
      %get3A_378 = arith.index_cast %scan3A_346 : i32 to index
      %get3A_379 = arith.constant 48 : index
      %get3A_380 = tpu.vector_load %arg25[%get3A_378, %get3A_379] {strides = array<i32>} : memref<128x256xf32, #tpu.memory_space<vmem>>, vector<1x16xf32>,
      %get3A_381 = vector.shape_cast %get3A_380 : vector<1x16xf32> to vector<16xf32>
      %add3A_382 = arith.addf %scan3A_350, %get3A_381 : vector<16xf32>
      %get3A_383 = arith.index_cast %scan3A_346 : i32 to index
      %get3A_384 = arith.constant 64 : index
      %get3A_385 = tpu.vector_load %arg25[%get3A_383, %get3A_384] {strides = array<i32>} : memref<128x256xf32, #tpu.memory_space<vmem>>, vector<1x16xf32>,
      %get3A_386 = vector.shape_cast %get3A_385 : vector<1x16xf32> to vector<16xf32>
      %add3A_387 = arith.addf %scan3A_351, %get3A_386 : vector<16xf32>
      %get3A_388 = arith.index_cast %scan3A_346 : i32 to index
      %get3A_389 = arith.constant 80 : index
      %get3A_390 = tpu.vector_load %arg25[%get3A_388, %get3A_389] {strides = array<i32>} : memref<128x256xf32, #tpu.memory_space<vmem>>, vector<1x16xf32>,
      %get3A_391 = vector.shape_cast %get3A_390 : vector<1x16xf32> to vector<16xf32>
      %add3A_392 = arith.addf %scan3A_352, %get3A_391 : vector<16xf32>
      %get3A_393 = arith.index_cast %scan3A_346 : i32 to index
      %get3A_394 = arith.constant 96 : index
      %get3A_395 = tpu.vector_load %arg25[%get3A_393, %get3A_394] {strides = array<i32>} : memref<128x256xf32, #tpu.memory_space<vmem>>, vector<1x16xf32>,
      %get3A_396 = vector.shape_cast %get3A_395 : vector<1x16xf32> to vector<16xf32>
      %add3A_397 = arith.addf %scan3A_353, %get3A_396 : vector<16xf32>
      %get3A_398 = arith.index_cast %scan3A_346 : i32 to index
      %get3A_399 = arith.constant 112 : index
      %get3A_400 = tpu.vector_load %arg25[%get3A_398, %get3A_399] {strides = array<i32>} : memref<128x256xf32, #tpu.memory_space<vmem>>, vector<1x16xf32>,
      %get3A_401 = vector.shape_cast %get3A_400 : vector<1x16xf32> to vector<16xf32>
      %add3A_402 = arith.addf %scan3A_354, %get3A_401 : vector<16xf32>
      %get3A_403 = arith.index_cast %scan3A_346 : i32 to index
      %get3A_404 = arith.constant 128 : index
      %get3A_405 = tpu.vector_load %arg25[%get3A_403, %get3A_404] {strides = array<i32>} : memref<128x256xf32, #tpu.memory_space<vmem>>, vector<1x16xf32>,
      %get3A_406 = vector.shape_cast %get3A_405 : vector<1x16xf32> to vector<16xf32>
      %add3A_407 = arith.addf %scan3A_355, %get3A_406 : vector<16xf32>
      %get3A_408 = arith.index_cast %scan3A_346 : i32 to index
      %get3A_409 = arith.constant 144 : index
      %get3A_410 = tpu.vector_load %arg25[%get3A_408, %get3A_409] {strides = array<i32>} : memref<128x256xf32, #tpu.memory_space<vmem>>, vector<1x16xf32>,
      %get3A_411 = vector.shape_cast %get3A_410 : vector<1x16xf32> to vector<16xf32>
      %add3A_412 = arith.addf %scan3A_356, %get3A_411 : vector<16xf32>
      %get3A_413 = arith.index_cast %scan3A_346 : i32 to index
      %get3A_414 = arith.constant 160 : index
      %get3A_415 = tpu.vector_load %arg25[%get3A_413, %get3A_414] {strides = array<i32>} : memref<128x256xf32, #tpu.memory_space<vmem>>, vector<1x16xf32>,
      %get3A_416 = vector.shape_cast %get3A_415 : vector<1x16xf32> to vector<16xf32>
      %add3A_417 = arith.addf %scan3A_357, %get3A_416 : vector<16xf32>
      %get3A_418 = arith.index_cast %scan3A_346 : i32 to index
      %get3A_419 = arith.constant 176 : index
      %get3A_420 = tpu.vector_load %arg25[%get3A_418, %get3A_419] {strides = array<i32>} : memref<128x256xf32, #tpu.memory_space<vmem>>, vector<1x16xf32>,
      %get3A_421 = vector.shape_cast %get3A_420 : vector<1x16xf32> to vector<16xf32>
      %add3A_422 = arith.addf %scan3A_358, %get3A_421 : vector<16xf32>
      %get3A_423 = arith.index_cast %scan3A_346 : i32 to index
      %get3A_424 = arith.constant 192 : index
      %get3A_425 = tpu.vector_load %arg25[%get3A_423, %get3A_424] {strides = array<i32>} : memref<128x256xf32, #tpu.memory_space<vmem>>, vector<1x16xf32>,
      %get3A_426 = vector.shape_cast %get3A_425 : vector<1x16xf32> to vector<16xf32>
      %add3A_427 = arith.addf %scan3A_359, %get3A_426 : vector<16xf32>
      %get3A_428 = arith.index_cast %scan3A_346 : i32 to index
      %get3A_429 = arith.constant 208 : index
      %get3A_430 = tpu.vector_load %arg25[%get3A_428, %get3A_429] {strides = array<i32>} : memref<128x256xf32, #tpu.memory_space<vmem>>, vector<1x16xf32>,
      %get3A_431 = vector.shape_cast %get3A_430 : vector<1x16xf32> to vector<16xf32>
      %add3A_432 = arith.addf %scan3A_360, %get3A_431 : vector<16xf32>
      %get3A_433 = arith.index_cast %scan3A_346 : i32 to index
      %get3A_434 = arith.constant 224 : index
      %get3A_435 = tpu.vector_load %arg25[%get3A_433, %get3A_434] {strides = array<i32>} : memref<128x256xf32, #tpu.memory_space<vmem>>, vector<1x16xf32>,
      %get3A_436 = vector.shape_cast %get3A_435 : vector<1x16xf32> to vector<16xf32>
      %add3A_437 = arith.addf %scan3A_361, %get3A_436 : vector<16xf32>
      %get3A_438 = arith.index_cast %scan3A_346 : i32 to index
      %get3A_439 = arith.constant 240 : index
      %get3A_440 = tpu.vector_load %arg25[%get3A_438, %get3A_439] {strides = array<i32>} : memref<128x256xf32, #tpu.memory_space<vmem>>, vector<1x16xf32>,
      %get3A_441 = vector.shape_cast %get3A_440 : vector<1x16xf32> to vector<16xf32>
      %add3A_442 = arith.addf %scan3A_362, %get3A_441 : vector<16xf32>
      scf.yield %add3A_367, %add3A_372, %add3A_377, %add3A_382, %add3A_387, %add3A_392, %add3A_397, %add3A_402, %add3A_407, %add3A_412, %add3A_417, %add3A_422, %add3A_427, %add3A_432, %add3A_437, %add3A_442 : vector<16xf32>, vector<16xf32>, vector<16xf32>, vector<16xf32>, vector<16xf32>, vector<16xf32>, vector<16xf32>, vector<16xf32>, vector<16xf32>, vector<16xf32>, vector<16xf32>, vector<16xf32>, vector<16xf32>, vector<16xf32>, vector<16xf32>, vector<16xf32>
    }
    %scan3A_248 = arith.constant 128 : i32
    %add3A_249 = arith.constant 384 : i32
    %add3A_250 = arith.addi %mul3A_2, %add3A_249 : i32
    "tpu.region"() ({
      %run_scoped3A = tpu.sem_alloc : memref<!tpu.dma_semaphore, #tpu.memory_space<semaphore_mem>>
      %dma_start3A_346 = arith.constant 0 : i32
      %dma_start3A_347 = tpu.memref_slice %arg12[%add3A_250, %dma_start3A_346] : memref<16384x256xf32, #tpu.memory_space<hbm>> -> memref<128x256xf32, #tpu.memory_space<hbm>>
      %dma_start3A_348 = arith.constant 0 : i32
      %dma_start3A_349 = tpu.memref_slice %arg12[%add3A_250, %dma_start3A_348] : memref<16384x256xf32, #tpu.memory_space<hbm>> -> memref<128x256xf32, #tpu.memory_space<hbm>>
      tpu.enqueue_dma source(%arg25 : memref<128x256xf32, #tpu.memory_space<vmem>>) target(%dma_start3A_349 : memref<128x256xf32, #tpu.memory_space<hbm>>) target_semaphore(%run_scoped3A : memref<!tpu.dma_semaphore, #tpu.memory_space<semaphore_mem>>)
      %dma_wait3A_350 = arith.constant 0 : i32
      %dma_wait3A_351 = tpu.memref_slice %arg12[%add3A_250, %dma_wait3A_350] : memref<16384x256xf32, #tpu.memory_space<hbm>> -> memref<128x256xf32, #tpu.memory_space<hbm>>
      %dma_wait3A_352 = arith.constant 0 : i32
      %dma_wait3A_353 = tpu.memref_slice %arg12[%add3A_250, %dma_wait3A_352] : memref<16384x256xf32, #tpu.memory_space<hbm>> -> memref<128x256xf32, #tpu.memory_space<hbm>>
      tpu.wait_dma2 semaphore(%run_scoped3A : memref<!tpu.dma_semaphore, #tpu.memory_space<semaphore_mem>>) src(%arg25 : memref<128x256xf32, #tpu.memory_space<vmem>>) dst(%dma_wait3A_353 : memref<128x256xf32, #tpu.memory_space<hbm>>)
      tpu.yield
    }) : () -> ()
    %swap3A = arith.constant 0 : i32
    %swap3A_251 = arith.index_cast %swap3A : i32 to index
    %swap3A_252 = arith.constant 0 : index
    %swap3A_253 = tpu.vector_load %arg26[%swap3A_251, %swap3A_252] {strides = array<i32>} : memref<1x256xf32, #tpu.memory_space<vmem>>, vector<1x16xf32>,
    %swap3A_254 = vector.shape_cast %swap3A_253 : vector<1x16xf32> to vector<16xf32>
    %swap3A_255 = vector.shape_cast %scan3A_247#0 : vector<16xf32> to vector<1x16xf32>
    tpu.vector_store %arg26[%swap3A_251, %swap3A_252], %swap3A_255 {strides = array<i32>} : memref<1x256xf32, #tpu.memory_space<vmem>>, vector<1x16xf32>,
    %swap3A_256 = arith.constant 0 : i32
    %swap3A_257 = arith.index_cast %swap3A_256 : i32 to index
    %swap3A_258 = arith.constant 16 : index
    %swap3A_259 = tpu.vector_load %arg26[%swap3A_257, %swap3A_258] {strides = array<i32>} : memref<1x256xf32, #tpu.memory_space<vmem>>, vector<1x16xf32>,
    %swap3A_260 = vector.shape_cast %swap3A_259 : vector<1x16xf32> to vector<16xf32>
    %swap3A_261 = vector.shape_cast %scan3A_247#1 : vector<16xf32> to vector<1x16xf32>
    tpu.vector_store %arg26[%swap3A_257, %swap3A_258], %swap3A_261 {strides = array<i32>} : memref<1x256xf32, #tpu.memory_space<vmem>>, vector<1x16xf32>,
    %swap3A_262 = arith.constant 0 : i32
    %swap3A_263 = arith.index_cast %swap3A_262 : i32 to index
    %swap3A_264 = arith.constant 32 : index
    %swap3A_265 = tpu.vector_load %arg26[%swap3A_263, %swap3A_264] {strides = array<i32>} : memref<1x256xf32, #tpu.memory_space<vmem>>, vector<1x16xf32>,
    %swap3A_266 = vector.shape_cast %swap3A_265 : vector<1x16xf32> to vector<16xf32>
    %swap3A_267 = vector.shape_cast %scan3A_247#2 : vector<16xf32> to vector<1x16xf32>
    tpu.vector_store %arg26[%swap3A_263, %swap3A_264], %swap3A_267 {strides = array<i32>} : memref<1x256xf32, #tpu.memory_space<vmem>>, vector<1x16xf32>,
    %swap3A_268 = arith.constant 0 : i32
    %swap3A_269 = arith.index_cast %swap3A_268 : i32 to index
    %swap3A_270 = arith.constant 48 : index
    %swap3A_271 = tpu.vector_load %arg26[%swap3A_269, %swap3A_270] {strides = array<i32>} : memref<1x256xf32, #tpu.memory_space<vmem>>, vector<1x16xf32>,
    %swap3A_272 = vector.shape_cast %swap3A_271 : vector<1x16xf32> to vector<16xf32>
    %swap3A_273 = vector.shape_cast %scan3A_247#3 : vector<16xf32> to vector<1x16xf32>
    tpu.vector_store %arg26[%swap3A_269, %swap3A_270], %swap3A_273 {strides = array<i32>} : memref<1x256xf32, #tpu.memory_space<vmem>>, vector<1x16xf32>,
    %swap3A_274 = arith.constant 0 : i32
    %swap3A_275 = arith.index_cast %swap3A_274 : i32 to index
    %swap3A_276 = arith.constant 64 : index
    %swap3A_277 = tpu.vector_load %arg26[%swap3A_275, %swap3A_276] {strides = array<i32>} : memref<1x256xf32, #tpu.memory_space<vmem>>, vector<1x16xf32>,
    %swap3A_278 = vector.shape_cast %swap3A_277 : vector<1x16xf32> to vector<16xf32>
    %swap3A_279 = vector.shape_cast %scan3A_247#4 : vector<16xf32> to vector<1x16xf32>
    tpu.vector_store %arg26[%swap3A_275, %swap3A_276], %swap3A_279 {strides = array<i32>} : memref<1x256xf32, #tpu.memory_space<vmem>>, vector<1x16xf32>,
    %swap3A_280 = arith.constant 0 : i32
    %swap3A_281 = arith.index_cast %swap3A_280 : i32 to index
    %swap3A_282 = arith.constant 80 : index
    %swap3A_283 = tpu.vector_load %arg26[%swap3A_281, %swap3A_282] {strides = array<i32>} : memref<1x256xf32, #tpu.memory_space<vmem>>, vector<1x16xf32>,
    %swap3A_284 = vector.shape_cast %swap3A_283 : vector<1x16xf32> to vector<16xf32>
    %swap3A_285 = vector.shape_cast %scan3A_247#5 : vector<16xf32> to vector<1x16xf32>
    tpu.vector_store %arg26[%swap3A_281, %swap3A_282], %swap3A_285 {strides = array<i32>} : memref<1x256xf32, #tpu.memory_space<vmem>>, vector<1x16xf32>,
    %swap3A_286 = arith.constant 0 : i32
    %swap3A_287 = arith.index_cast %swap3A_286 : i32 to index
    %swap3A_288 = arith.constant 96 : index
    %swap3A_289 = tpu.vector_load %arg26[%swap3A_287, %swap3A_288] {strides = array<i32>} : memref<1x256xf32, #tpu.memory_space<vmem>>, vector<1x16xf32>,
    %swap3A_290 = vector.shape_cast %swap3A_289 : vector<1x16xf32> to vector<16xf32>
    %swap3A_291 = vector.shape_cast %scan3A_247#6 : vector<16xf32> to vector<1x16xf32>
    tpu.vector_store %arg26[%swap3A_287, %swap3A_288], %swap3A_291 {strides = array<i32>} : memref<1x256xf32, #tpu.memory_space<vmem>>, vector<1x16xf32>,
    %swap3A_292 = arith.constant 0 : i32
    %swap3A_293 = arith.index_cast %swap3A_292 : i32 to index
    %swap3A_294 = arith.constant 112 : index
    %swap3A_295 = tpu.vector_load %arg26[%swap3A_293, %swap3A_294] {strides = array<i32>} : memref<1x256xf32, #tpu.memory_space<vmem>>, vector<1x16xf32>,
    %swap3A_296 = vector.shape_cast %swap3A_295 : vector<1x16xf32> to vector<16xf32>
    %swap3A_297 = vector.shape_cast %scan3A_247#7 : vector<16xf32> to vector<1x16xf32>
    tpu.vector_store %arg26[%swap3A_293, %swap3A_294], %swap3A_297 {strides = array<i32>} : memref<1x256xf32, #tpu.memory_space<vmem>>, vector<1x16xf32>,
    %swap3A_298 = arith.constant 0 : i32
    %swap3A_299 = arith.index_cast %swap3A_298 : i32 to index
    %swap3A_300 = arith.constant 128 : index
    %swap3A_301 = tpu.vector_load %arg26[%swap3A_299, %swap3A_300] {strides = array<i32>} : memref<1x256xf32, #tpu.memory_space<vmem>>, vector<1x16xf32>,
    %swap3A_302 = vector.shape_cast %swap3A_301 : vector<1x16xf32> to vector<16xf32>
    %swap3A_303 = vector.shape_cast %scan3A_247#8 : vector<16xf32> to vector<1x16xf32>
    tpu.vector_store %arg26[%swap3A_299, %swap3A_300], %swap3A_303 {strides = array<i32>} : memref<1x256xf32, #tpu.memory_space<vmem>>, vector<1x16xf32>,
    %swap3A_304 = arith.constant 0 : i32
    %swap3A_305 = arith.index_cast %swap3A_304 : i32 to index
    %swap3A_306 = arith.constant 144 : index
    %swap3A_307 = tpu.vector_load %arg26[%swap3A_305, %swap3A_306] {strides = array<i32>} : memref<1x256xf32, #tpu.memory_space<vmem>>, vector<1x16xf32>,
    %swap3A_308 = vector.shape_cast %swap3A_307 : vector<1x16xf32> to vector<16xf32>
    %swap3A_309 = vector.shape_cast %scan3A_247#9 : vector<16xf32> to vector<1x16xf32>
    tpu.vector_store %arg26[%swap3A_305, %swap3A_306], %swap3A_309 {strides = array<i32>} : memref<1x256xf32, #tpu.memory_space<vmem>>, vector<1x16xf32>,
    %swap3A_310 = arith.constant 0 : i32
    %swap3A_311 = arith.index_cast %swap3A_310 : i32 to index
    %swap3A_312 = arith.constant 160 : index
    %swap3A_313 = tpu.vector_load %arg26[%swap3A_311, %swap3A_312] {strides = array<i32>} : memref<1x256xf32, #tpu.memory_space<vmem>>, vector<1x16xf32>,
    %swap3A_314 = vector.shape_cast %swap3A_313 : vector<1x16xf32> to vector<16xf32>
    %swap3A_315 = vector.shape_cast %scan3A_247#10 : vector<16xf32> to vector<1x16xf32>
    tpu.vector_store %arg26[%swap3A_311, %swap3A_312], %swap3A_315 {strides = array<i32>} : memref<1x256xf32, #tpu.memory_space<vmem>>, vector<1x16xf32>,
    %swap3A_316 = arith.constant 0 : i32
    %swap3A_317 = arith.index_cast %swap3A_316 : i32 to index
    %swap3A_318 = arith.constant 176 : index
    %swap3A_319 = tpu.vector_load %arg26[%swap3A_317, %swap3A_318] {strides = array<i32>} : memref<1x256xf32, #tpu.memory_space<vmem>>, vector<1x16xf32>,
    %swap3A_320 = vector.shape_cast %swap3A_319 : vector<1x16xf32> to vector<16xf32>
    %swap3A_321 = vector.shape_cast %scan3A_247#11 : vector<16xf32> to vector<1x16xf32>
    tpu.vector_store %arg26[%swap3A_317, %swap3A_318], %swap3A_321 {strides = array<i32>} : memref<1x256xf32, #tpu.memory_space<vmem>>, vector<1x16xf32>,
    %swap3A_322 = arith.constant 0 : i32
    %swap3A_323 = arith.index_cast %swap3A_322 : i32 to index
    %swap3A_324 = arith.constant 192 : index
    %swap3A_325 = tpu.vector_load %arg26[%swap3A_323, %swap3A_324] {strides = array<i32>} : memref<1x256xf32, #tpu.memory_space<vmem>>, vector<1x16xf32>,
    %swap3A_326 = vector.shape_cast %swap3A_325 : vector<1x16xf32> to vector<16xf32>
    %swap3A_327 = vector.shape_cast %scan3A_247#12 : vector<16xf32> to vector<1x16xf32>
    tpu.vector_store %arg26[%swap3A_323, %swap3A_324], %swap3A_327 {strides = array<i32>} : memref<1x256xf32, #tpu.memory_space<vmem>>, vector<1x16xf32>,
    %swap3A_328 = arith.constant 0 : i32
    %swap3A_329 = arith.index_cast %swap3A_328 : i32 to index
    %swap3A_330 = arith.constant 208 : index
    %swap3A_331 = tpu.vector_load %arg26[%swap3A_329, %swap3A_330] {strides = array<i32>} : memref<1x256xf32, #tpu.memory_space<vmem>>, vector<1x16xf32>,
    %swap3A_332 = vector.shape_cast %swap3A_331 : vector<1x16xf32> to vector<16xf32>
    %swap3A_333 = vector.shape_cast %scan3A_247#13 : vector<16xf32> to vector<1x16xf32>
    tpu.vector_store %arg26[%swap3A_329, %swap3A_330], %swap3A_333 {strides = array<i32>} : memref<1x256xf32, #tpu.memory_space<vmem>>, vector<1x16xf32>,
    %swap3A_334 = arith.constant 0 : i32
    %swap3A_335 = arith.index_cast %swap3A_334 : i32 to index
    %swap3A_336 = arith.constant 224 : index
    %swap3A_337 = tpu.vector_load %arg26[%swap3A_335, %swap3A_336] {strides = array<i32>} : memref<1x256xf32, #tpu.memory_space<vmem>>, vector<1x16xf32>,
    %swap3A_338 = vector.shape_cast %swap3A_337 : vector<1x16xf32> to vector<16xf32>
    %swap3A_339 = vector.shape_cast %scan3A_247#14 : vector<16xf32> to vector<1x16xf32>
    tpu.vector_store %arg26[%swap3A_335, %swap3A_336], %swap3A_339 {strides = array<i32>} : memref<1x256xf32, #tpu.memory_space<vmem>>, vector<1x16xf32>,
    %swap3A_340 = arith.constant 0 : i32
    %swap3A_341 = arith.index_cast %swap3A_340 : i32 to index
    %swap3A_342 = arith.constant 240 : index
    %swap3A_343 = tpu.vector_load %arg26[%swap3A_341, %swap3A_342] {strides = array<i32>} : memref<1x256xf32, #tpu.memory_space<vmem>>, vector<1x16xf32>,
    %swap3A_344 = vector.shape_cast %swap3A_343 : vector<1x16xf32> to vector<16xf32>
    %swap3A_345 = vector.shape_cast %scan3A_247#15 : vector<16xf32> to vector<1x16xf32>
    tpu.vector_store %arg26[%swap3A_341, %swap3A_342], %swap3A_345 {strides = array<i32>} : memref<1x256xf32, #tpu.memory_space<vmem>>, vector<1x16xf32>,
    "tpu.region"() ({
      %run_scoped3A = tpu.sem_alloc : memref<!tpu.dma_semaphore, #tpu.memory_space<semaphore_mem>>
      %dma_start3A_346 = arith.constant 0 : i32
      %dma_start3A_347 = tpu.memref_slice %arg13[%add3A, %dma_start3A_346] : memref<32x256xf32, #tpu.memory_space<hbm>> -> memref<1x256xf32, #tpu.memory_space<hbm>>
      %dma_start3A_348 = arith.constant 0 : i32
      %dma_start3A_349 = tpu.memref_slice %arg13[%add3A, %dma_start3A_348] : memref<32x256xf32, #tpu.memory_space<hbm>> -> memref<1x256xf32, #tpu.memory_space<hbm>>
      tpu.enqueue_dma source(%arg26 : memref<1x256xf32, #tpu.memory_space<vmem>>) target(%dma_start3A_349 : memref<1x256xf32, #tpu.memory_space<hbm>>) target_semaphore(%run_scoped3A : memref<!tpu.dma_semaphore, #tpu.memory_space<semaphore_mem>>)
      %dma_wait3A_350 = arith.constant 0 : i32
      %dma_wait3A_351 = tpu.memref_slice %arg13[%add3A, %dma_wait3A_350] : memref<32x256xf32, #tpu.memory_space<hbm>> -> memref<1x256xf32, #tpu.memory_space<hbm>>
      %dma_wait3A_352 = arith.constant 0 : i32
      %dma_wait3A_353 = tpu.memref_slice %arg13[%add3A, %dma_wait3A_352] : memref<32x256xf32, #tpu.memory_space<hbm>> -> memref<1x256xf32, #tpu.memory_space<hbm>>
      tpu.wait_dma2 semaphore(%run_scoped3A : memref<!tpu.dma_semaphore, #tpu.memory_space<semaphore_mem>>) src(%arg26 : memref<1x256xf32, #tpu.memory_space<vmem>>) dst(%dma_wait3A_353 : memref<1x256xf32, #tpu.memory_space<hbm>>)
      tpu.yield
    }) : () -> ()
    return
  }
}

</mosaic_0001>

<sc_bundles>
// kernel: kernel.3.cloned.1.call-start
scs
__scs_entry_jumppad:
0x0: {  	(pc) =	sbr.rel $0x88, $3  }
0x1: {  	(tag) =	ssettag $0x0;
	lr =	simm.s32 $0x1  }
0x2: {  	[smem:$0x3F98] =	sst lr;
	_ =	strace $0xD0000000  }
0x3: {  	_ = 	snop  }
0x4: {  	_ = 	snop  }
0x5: {  	_ = 	snop  }
0x6: {  	_ = 	snop  }
0x7: {  	_ = 	snop  }
__scs_overlays_trampoline_lowered:
0x8: {  	[smem:$0x3FA7] =	sst s0  }
0x9: {  	[smem:$0x3FA8] =	sst s1  }
0xa: {  	[smem:$0x3FA9] =	sst s2  }
0xb: {  	[smem:$0x3FAA] =	sst s3  }
0xc: {  	[smem:$0x3FAB] =	sst s4  }
0xd: {  	[smem:$0x3FAC] =	sst s5  }
0xe: {  	[smem:$0x3FAD] =	sst s6  }
0xf: {  	[smem:$0x3FAE] =	sst s7  }
0x10: {  	[smem:$0x3FAF] =	sst s8  }
0x11: {  	[smem:$0x3FB0] =	sst s9;
	s0 =	simm.s32 @!p0 $0x0  }
0x12: {  	s1 =	sld [smem:$0x3F96];
	s0 =	simm.s32 @p0 $0x1  }
0x13: {  	[smem:$0x3FB1] =	sst s0;
	s0 =	simm.s32 @!p1 $0x0  }
0x14: {  	s2 =	sld [smem:$0x3F95];
	s0 =	simm.s32 @p1 $0x1  }
0x15: {  	[smem:$0x3FB2] =	sst s0;
	s0 =	simm.s32 @!p2 $0x0  }
0x16: {  	s3 =	sld [smem:$0x3FDB];
	s0 =	simm.s32 @p2 $0x1  }
0x17: {  	s4 =	simm.s32 $0x1BF5;
	[smem:$0x3FB4] =	sst s0  }
0x18: {  	s0 =	sld [smem:$0x3F97];
	_ =	swait.ge [sflag:s4], $0x0  }
0x19: {  	s7 =	sld [smem:$0x3F98]  }
0x1a: {  	s8 =	sadd.s32 $0xFFFFE003, lr  }
0x1b: {  	s9 =	sadd.s32 $0xFFFFFEF7, lr;
	s5 =	simm.s32 $0xFFFFFFFF;
	p2 =	slt.u32 s8, $0xFFFFF086  }
0x1c: {  	p1 =	slt.u32 s9, $0xF7A;
	s5 =	simm.s32 @!p2 $0x0  }
0x1d: {  	s5 =	simm.s32 @p1 $0x1;
	p0 =	seq.s32 s7, s2  }
0x1e: {  	s7 =	smul.u32 @!p0 $0xF7A, s2;
	p2 =	seq.s32 @!p0 s5, $0x0  }
0x1f: {  	s9 =	smul.u32 $0xF7A, s1;
	s8 =	simm.s32 @!p0 $0x1BF5;
	p2 =	por !p2, p0  }
0x20: {  	[sflag:s8] =	ssyncset.s32 @!p0 $0xFFFFF086;
	s6 =	sadd.s32 @!p0 s3, s7;
	s7 =	simm.s32 @!p0 $0x108  }
0x21: {  	s3 =	sadd.s32 s3, s9;
	s6 =	sadd.s32 @!p0 $0x88, s6;
	s7 =	simm.s32 @p2 $0x1082  }
0x22: {  	[simem:s7], [sflag:s8] =	dma.local @!p0 [hbm:s6], $0xF7A  }
0x23: {  	s9 =	sor.u32 $0xD0000000, s2;
	s6 =	simm.s32 $0x108;
	_ =	swait.ge @!p0 [sflag:s8], $0x0  }
0x24: {  	s3 =	sadd.s32 $0x88, s3;
	s6 =	simm.s32 @!p1 $0x1082;
	[sflag:s4] =	ssyncset.s32 $0xFFFFF086  }
0x25: {  	[simem:s6], [sflag:s4] =	dma.local [hbm:s3], $0xF7A  }
0x26: {  	[smem:$0x3F98] =	sst s1;
	(tag) =	ssettag s2;
	_ =	strace s9  }
0x27: {  	s1 =	sld [smem:$0x3FA8]  }
0x28: {  	s2 =	sld [smem:$0x3FA9]  }
0x29: {  	s4 =	sld [smem:$0x3FAB]  }
0x2a: {  	p0 =	seq.s32 s5, $0x0;
	s5 =	sld [smem:$0x3FAC]  }
0x2b: {  	s6 =	sld [smem:$0x3FAD]  }
0x2c: {  	s7 =	sld [smem:$0x3FAE]  }
0x2d: {  	s3 =	simm.s32 $0x108;
	s8 =	sld [smem:$0x3FAF]  }
0x2e: {  	s3 =	simm.s32 @!p0 $0x1082;
	s9 =	sld [smem:$0x3FB0]  }
0x2f: {  	lr =	sadd.s32 s0, s3;
	s0 =	sld [smem:$0x3FA7]  }
0x30: {  	s3 =	sld [smem:$0x3FAA]  }
0x31: {  	[smem:$0x3FB3] =	sst s10  }
0x32: {  	s10 =	sld [smem:$0x3FB1];
	_ =	sdelay $0x3  }
0x33: {  	p0 =	seq.s32 s10, $0x1;
	s10 =	sld [smem:$0x3FB3];
	_ =	sdelay $0x3  }
0x34: {  	[smem:$0x3FB3] =	sst s10  }
0x35: {  	s10 =	sld [smem:$0x3FB2];
	_ =	sdelay $0x3  }
0x36: {  	p1 =	seq.s32 s10, $0x1;
	s10 =	sld [smem:$0x3FB3];
	_ =	sdelay $0x3  }
0x37: {  	[smem:$0x3FB3] =	sst s10  }
0x38: {  	s10 =	sld [smem:$0x3FB4]  }
0x39: {  	_ = 	snop;
	(pc) =	sbr.ind lr, $3  }
0x3a: {  	_ = 	snop  }
0x3b: {  	_ = 	snop  }
0x3c: {  	p2 =	seq.s32 s10, $0x1;
	s10 =	sld [smem:$0x3FB3]  }
0x3d: {  	_ =	shalt  }
0x3e: {  	_ =	shalt  }
0x3f: {  	_ =	shalt  }
0x40: {  	_ =	shalt  }
0x41: {  	_ =	shalt  }
0x42: {  	_ =	shalt  }
0x43: {  	_ =	shalt  }
0x44: {  	_ =	shalt  }
0x45: {  	_ =	shalt  }
0x46: {  	_ =	shalt  }
0x47: {  	_ =	shalt  }
0x48: {  	_ =	shalt  }
0x49: {  	_ =	shalt  }
0x4a: {  	_ =	shalt  }
0x4b: {  	_ =	shalt  }
0x4c: {  	_ =	shalt  }
0x4d: {  	_ =	shalt  }
0x4e: {  	_ =	shalt  }
0x4f: {  	_ =	shalt  }
0x50: {  	_ =	shalt  }
0x51: {  	_ =	shalt  }
0x52: {  	_ =	shalt  }
0x53: {  	_ =	shalt  }
0x54: {  	_ =	shalt  }
0x55: {  	_ =	shalt  }
0x56: {  	_ =	shalt  }
0x57: {  	_ =	shalt  }
0x58: {  	_ =	shalt  }
0x59: {  	_ =	shalt  }
0x5a: {  	_ =	shalt  }
0x5b: {  	_ =	shalt  }
0x5c: {  	_ =	shalt  }
0x5d: {  	_ =	shalt  }
0x5e: {  	_ =	shalt  }
0x5f: {  	_ =	shalt  }
0x60: {  	_ =	shalt  }
0x61: {  	_ =	shalt  }
0x62: {  	_ =	shalt  }
0x63: {  	_ =	shalt  }
0x64: {  	_ =	shalt  }
0x65: {  	_ =	shalt  }
0x66: {  	_ =	shalt  }
0x67: {  	_ =	shalt  }
0x68: {  	_ =	shalt  }
0x69: {  	_ =	shalt  }
0x6a: {  	_ =	shalt  }
0x6b: {  	_ =	shalt  }
0x6c: {  	_ =	shalt  }
0x6d: {  	_ =	shalt  }
0x6e: {  	_ =	shalt  }
0x6f: {  	_ =	shalt  }
0x70: {  	_ =	shalt  }
0x71: {  	_ =	shalt  }
0x72: {  	_ =	shalt  }
0x73: {  	_ =	shalt  }
0x74: {  	_ =	shalt  }
0x75: {  	_ =	shalt  }
0x76: {  	_ =	shalt  }
0x77: {  	_ =	shalt  }
0x78: {  	_ =	shalt  }
0x79: {  	_ =	shalt  }
0x7a: {  	_ =	shalt  }
0x7b: {  	_ =	shalt  }
0x7c: {  	_ =	shalt  }
0x7d: {  	_ =	shalt  }
0x7e: {  	_ =	shalt  }
0x7f: {  	_ =	shalt  }
0x80: {  	_ =	shalt  }
0x81: {  	_ =	shalt  }
0x82: {  	_ =	shalt  }
0x83: {  	_ =	shalt  }
0x84: {  	_ =	shalt  }
0x85: {  	_ =	shalt  }
0x86: {  	_ =	shalt  }
0x87: {  	_ =	shalt  }
.Lfunc_end0:
.L_simem_size_0:
called_computation_lowered:
.L_overlay_start_0:
0x88: {  	s2 =	sld [smem:$0x3FD9]  }
0x89: {  	s3 =	sld [smem:$0x3FFE];
	_ =	sdelay $0x1  }
0x8a: {  	s1 =	srdreg.scid  }
0x8b: {  	s0 =	sand.u32 $0x1, s1  }
0x8c: {  	s14 =	sshll.u32 s0, $0xA;
	s2 =	sadd.s32 s3, s2  }
0x8d: {  	s2 =	sadd.s32 s2, s14  }
0x8e: {  	[smem:$0x3FBF] =	sst s2  }
0x8f: {  	_ = 	snop  }
0x90: {  	s2 =	sld [smem:$0x3FC9]  }
0x91: {  	s15 =	sld [smem:$0x3FC8]  }
0x92: {  	s4 =	sld [smem:$0x3FD0]  }
0x93: {  	s5 =	sld [smem:$0x3FC7]  }
0x94: {  	s6 =	sld [smem:$0x3FC6]  }
0x95: {  	s8 =	simm.s32 $0xA;
	s9 =	simm.s32 $0x10;
	s7 =	sld [smem:$0x3FC4]  }
0x96: {  	[smem:s9], [sflag:s8] =	dma.local [hbm:s4], $0x1  }
0x97: {  	_ =	swait.eq [sflag:s8], $0x1  }
0x98: {  	[sflag:s8] =	ssyncset.done $0x0  }
0x99: {  	s16 =	sld [smem:$0x10];
	[sflag:s8] =	ssyncadd.s32 $0xFFFFFFFF  }
0x9a: {  	s17 =	sld [smem:$0x11];
	(tm) =	ssettm $0x1  }
0x9b: {  	s18 =	sld [smem:$0x3FFB];
	_ =	sdelay $0x3  }
0x9c: {  	_ =	strace s18  }
0x9d: {  	s9 =	sld [smem:$0x3FFC];
	_ =	sdelay $0x3  }
0x9e: {  	_ =	strace s9  }
0x9f: {  	s9 =	sld [smem:$0x3FFD];
	_ =	sdelay $0x3  }
0xa0: {  	_ =	strace s9  }
0xa1: {  	_ =	strace $0x8FFFFFFF  }
0xa2: {  	s19 =	sld [smem:$0x3FDB];
	_ =	sdelay $0x1  }
0xa3: {  	s10 =	simm.s32 $_scs_section_size  }
0xa4: {  	s11 =	simm.s32 $_size__tile_overlayer_lowered;
	s12 =	simm.s32 $_tile_overlayer_lowered  }
0xa5: {  	s22 =	simm.s32 $0x1BFF;
	s21 =	sshll.u32 s12, $0x1;
	s9 =	sadd.s32 s10, s19  }
0xa6: {  	s13 =	simm.s32 $0x0;
	s20 =	sshll.u32 s11, $0x1;
	s11 =	sadd.s32 s21, s9  }
0xa7: {  	[timem:s13], [sflag:s22] =	dma.local [hbm:s11], s20  }
0xa8: {  	_ =	swait.ge [sflag:s22], s20  }
0xa9: {  	s10 =	ssub.s32 $0x0, s20;
	[sflag:s22] =	ssyncset.done $0x0  }
0xaa: {  	[sflag:s22] =	ssyncadd.s32 s10;
	_ =	sdelay $0x1  }
0xab: {  	s23 =	simm.s32 $0x1B8B  }
0xac: {  	_ =	swait.ge [sflag:s23], $0x1  }
0xad: {  	[sflag:s23] =	ssyncset.done $0x0  }
0xae: {  	s25 =	simm.s32 $0x1B8E;
	s24 =	sld [smem:$0x3FFE];
	[sflag:s23] =	ssyncadd.s32 $0xFFFFFFFF  }
0xaf: {  	s26 =	simm.s32 $execute0_lowered;
	[smem:$0x3FD2] =	sst s25  }
0xb0: {  	s11 =	sshll.u32 s26, $0x1;
	_ =	strace $0x80000046;
	[dreg:$0x1] =	wrdreg $0xFFFFFFFF  }
0xb1: {  	s28 =	simm.s32 $_size_execute0_lowered;
	s9 =	sadd.s32 s9, s11;
	[dreg:$0x0] =	wrdreg $0x0  }
0xb2: {  	s11 =	sshll.u32 s28, $0x1;
	[dreg:$0x2] =	wrdreg s9  }
0xb3: {  	[dreg:$0x3] =	wrdreg s11  }
0xb4: {  	[dreg:$0x4] =	wrdreg $0xC0  }
0xb5: {  	_ =	task [dreg:s13], $0x5FFFF  }
0xb6: {  	[dreg:$0x1] =	wrdreg $0xFFFFFFFF  }
0xb7: {  	[dreg:$0x0] =	wrdreg $0x60  }
0xb8: {  	[dreg:$0x2] =	wrdreg s2  }
0xb9: {  	[dreg:$0x3] =	wrdreg s15  }
0xba: {  	[dreg:$0x4] =	wrdreg s24  }
0xbb: {  	[dreg:$0x5] =	wrdreg s5  }
0xbc: {  	[dreg:$0x6] =	wrdreg s6  }
0xbd: {  	[dreg:$0x7] =	wrdreg s7  }
0xbe: {  	[dreg:$0x8] =	wrdreg s17  }
0xbf: {  	[dreg:$0x9] =	wrdreg s16  }
0xc0: {  	[dreg:$0xa] =	wrdreg $0x9  }
0xc1: {  	_ =	task.clear_ibuf [dreg:s13], $0xBFFFF;
	_ =	strace $0x90000046  }
0xc2: {  	s29 =	simm.s32 $0x9;
	_ =	strace $0x80000048  }
0xc3: {  	_ =	swait.ge [sflag:s29], $0x1  }
0xc4: {  	[sflag:s29] =	ssyncadd.s32 $0xFFFFFFFF  }
0xc5: {  	_ =	strace $0x90000048  }
0xc6: {  	_ =	sfence  }
0xc7: {  	s30 =	sld [smem:$0x0];
	_ =	sdelay $0x2  }
0xc8: {  	s31 =	sshll.u32 s1, $0xD;
	s1 =	sshrl.u32 s1, $0x2  }
0xc9: {  	s3 =	sand.u32 $0x4000, s31;
	s1 =	sadd.s32 s1, s30  }
0xca: {  	s0 =	sor.u32 s3, s0;
	s1 =	sshll.u32 s1, $0x11  }
0xcb: {  	s0 =	sor.u32 s1, s0  }
0xcc: {  	s0 =	sadd.s32 $0x8F2B, s0  }
0xcd: {  	[sflag:s0] =	ssyncadd.remote.s32 $0x1  }
0xce: {  	_ =	sfence.sel $0xFFFF  }
0xcf: {  	[dreg:$0x0] =	wrdreg $0xFFFFFFFF;
	(pc) =	sbr.abs _section_cstart, $3  }
0xd0: {  	[dreg:$0x1] =	wrdreg $0xFFFFFFFF  }
0xd1: {  	_ =	task.clear_ibuf [dreg:s13], $0x2FFFF;
	_ =	strace $0x9FFFFFFF  }
0xd2: {  	(tm) =	ssettm $0x7FFFFFFF  }
0xd3: {  	_ =	shalt  }
tec
execute0_lowered:
.L_overlay_start_1:
0x0: {  	(tag) =	ssettag $0x1  }
0x1: {  	s0 =	rddreg [dreg:$0x0]  }
0x2: {  	s1 =	rddreg [dreg:$0x1]  }
0x3: {  	s2 =	rddreg [dreg:$0x2]  }
0x4: {  	s3 =	rddreg [dreg:$0x3]  }
0x5: {  	s4 =	rddreg [dreg:$0x4]  }
0x6: {  	s5 =	rddreg [dreg:$0x7]  }
0x7: {  	s11 =	simm.s32 $0x0;
	s8 =	stileid.u32;
	s15 =	srdreg.scid  }
0x8: {  	[smem:$0x7FF] =	sst s11;
	s6 =	sadd.s32 $0x1200, s2;
	s16 =	sshll.u32 s8, $0x1  }
0x9: {  	_ =	strace $0x80000047;
	[smem:$0x7F0] =	sst s6;
	s6 =	sand.u32 $0x1, s15  }
0xa: {  	s9 =	ssub.s32 $0x2, s6;
	s6 =	sor.u32 s6, s16  }
0xb: {  	s7 =	sadd.s32 $0x1000, s2;
	s10 =	sshll.u32 s6, $0x6  }
0xc: {  	s8 =	sshll.u32 s8, $0x6;
	[smem:$0x7F1] =	sst s7;
	s0 =	sadd.s32 s0, s10  }
0xd: {  	s17 =	sand.u32 $0x300, s8;
	s19 =	sadd.s32 s1, s10;
	[smem:$0x7F2] =	sst s0  }
0xe: {  	s7 =	sadd.s32 s17, s2;
	s2 =	sadd.s32 s2, s10;
	[smem:$0x7F3] =	sst s19  }
0xf: {  	s21 =	sadd.s32 s3, s10;
	[smem:$0x7F4] =	sst s2  }
0x10: {  	s22 =	sshll.u32 s6, $0xE;
	s24 =	sadd.s32 s4, s10;
	[smem:$0x7F6] =	sst s21  }
0x11: {  	s25 =	sadd.s32 s5, s22;
	[smem:$0x7F7] =	sst s24  }
0x12: {  	s18 =	sshrl.u32 s9, $0x1;
	s20 =	sadd.s32 $0x800, s2;
	[smem:$0x7FA] =	sst s25  }
0x13: {  	s23 =	sshll.u32 s6, $0x4;
	s28 =	sadd.s32 $0x1000, s25;
	[smem:$0x7F5] =	sst s20  }
0x14: {  	s8 =	ssub.s32 s9, s18;
	s29 =	sadd.s32 $0x2000, s25;
	[smem:$0x7F8] =	sst s28  }
0x15: {  	s26 =	sand.u32 $0x70, s23;
	s30 =	sadd.s32 $0x3000, s25;
	[smem:$0x7F9] =	sst s29  }
0x16: {  	s0 =	sadd.s32 s26, s7;
	s31 =	smax.u32 s8, $0x1;
	[smem:$0x7FB] =	sst s30  }
0x17: {  	s1 =	simm.s32 $0x2;
	s0 =	sadd.s32 $0x1600, s0;
	[smem:$0x7FD] =	sst s31  }
0x18: {  	s7 =	simm.s32 $0x80;
	s2 =	simm.s32 $0x0;
	[smem:$0x7FC] =	sst s0  }
.LBB2_1:
0x19: {  	[smem:$0x7EF] =	sst s2  }
0x1a: {  	s0 =	rddreg [dreg:$0x6]  }
0x1b: {  	[tilespmem:s11], [sflag:$0x2] =	stream.linear.gather [hbm4b:s0+s11], $0x100, $0x38;
	[tilespmem:$0x18F00] =	vst v63  }
0x1c: {  	_ =	swait.ge [sflag:s1], $0x100  }
0x1d: {  	s17 =	sld [smem:$0x7F2]  }
0x1e: {  	[sflag:s1] =	ssyncset.done $0x0  }
0x1f: {  	s18 =	simm.s32 $0x100;
	[sflag:s1] =	ssyncadd.s32 $0xFFFFFF00  }
0x20: {  	[tilespmem:s18], [sflag:$0x2] =	stream.linear.gather [hbm4b:s17+s11], $0x200, $0x38;
	[tilespmem:$0x18F00] =	vst v63  }
0x21: {  	_ =	swait.ge [sflag:s1], $0x200  }
0x22: {  	s19 =	sld [smem:$0x7F3]  }
0x23: {  	[sflag:s1] =	ssyncset.done $0x0  }
0x24: {  	s3 =	simm.s32 $0x300;
	[sflag:s1] =	ssyncadd.s32 $0xFFFFFE00  }
0x25: {  	[tilespmem:s3], [sflag:$0x2] =	stream.linear.gather [hbm4b:s19+s11], $0x200, $0x38;
	[tilespmem:$0x18F00] =	vst v63  }
0x26: {  	_ =	swait.ge [sflag:s1], $0x200  }
0x27: {  	s20 =	sld [smem:$0x7F5]  }
0x28: {  	[sflag:s1] =	ssyncset.done $0x0  }
0x29: {  	s4 =	simm.s32 $0x500;
	[sflag:s1] =	ssyncadd.s32 $0xFFFFFE00  }
0x2a: {  	[tilespmem:s4], [sflag:$0x2] =	stream.linear.gather [hbm4b:s20+s11], $0x200, $0x38;
	[tilespmem:$0x18F00] =	vst v63  }
0x2b: {  	_ =	swait.ge [sflag:s1], $0x200  }
0x2c: {  	s21 =	sld [smem:$0x7F4]  }
0x2d: {  	[sflag:s1] =	ssyncset.done $0x0  }
0x2e: {  	s5 =	simm.s32 $0x700;
	[sflag:s1] =	ssyncadd.s32 $0xFFFFFE00  }
0x2f: {  	[tilespmem:s5], [sflag:$0x2] =	stream.linear.gather [hbm4b:s21+s11], $0x200, $0x38;
	[tilespmem:$0x18F00] =	vst v63  }
0x30: {  	_ =	swait.ge [sflag:s1], $0x200  }
0x31: {  	s22 =	sld [smem:$0x7F6]  }
0x32: {  	[sflag:s1] =	ssyncset.done $0x0  }
0x33: {  	s6 =	simm.s32 $0x900;
	[sflag:s1] =	ssyncadd.s32 $0xFFFFFE00  }
0x34: {  	[tilespmem:s6], [sflag:$0x2] =	stream.linear.gather [hbm4b:s22+s11], $0x200, $0x38;
	[tilespmem:$0x18F00] =	vst v63  }
0x35: {  	_ =	swait.ge [sflag:s1], $0x200  }
0x36: {  	s23 =	sld [smem:$0x7F7]  }
0x37: {  	[sflag:s1] =	ssyncset.done $0x0  }
0x38: {  	s24 =	simm.s32 $0xB80;
	[sflag:s1] =	ssyncadd.s32 $0xFFFFFE00  }
0x39: {  	[tilespmem:s24], [sflag:$0x2] =	stream.linear.gather [hbm4b:s23+s11], $0x200, $0x38;
	[tilespmem:$0x18F00] =	vst v63  }
0x3a: {  	_ =	swait.ge [sflag:s1], $0x200  }
0x3b: {  	[sflag:s1] =	ssyncset.done $0x0  }
0x3c: {  	[sflag:s1] =	ssyncadd.s32 $0xFFFFFE00  }
0x3d: {  	v2 =	vld [tilespmem:$0x40]  }
0x3e: {  	v3 =	vld [tilespmem:$0x50]  }
0x3f: {  	s6 =	sld [smem:$0x7F0];
	v4 =	vld [tilespmem:$0x60]  }
0x40: {  	s26 =	simm.s32 $0xE00;
	v1 =	vld [tilespmem:$0x70];
	s25 =	rddreg [dreg:$0x5]  }
0x41: {  	v0 =	vld [tilespmem:$0xF0];
	[tilespmem:s26], [sflag:$0x1] =	stream.indirect.gather [hbm4b:s25+s7], $0x80, s18, s7, $0xb8  }
0x42: {  	s8 =	simm.s32 $0x4E00  }
0x43: {  	[tilespmem:s8], [sflag:$0x1] =	stream.indirect.gather [hbm4b:s6+s7], $0x80, s4, s7, $0xb8;
	[tilespmem:$0x18F00] =	vst v63  }
0x44: {  	s9 =	simm.s32 $0x8E00;
	s10 =	sld [smem:$0x7F1]  }
0x45: {  	[tilespmem:s9], [sflag:$0x1] =	stream.indirect.gather [hbm4b:s6+s7], $0x80, s5, s7, $0xb8;
	[tilespmem:$0x18F00] =	vst v63  }
0x46: {  	s12 =	simm.s32 $0xCE00;
	s13 =	simm.s32 $0x1  }
0x47: {  	[tilespmem:s12], [sflag:$0x1] =	stream.indirect.gather [hbm4b:s10+s7], $0x80, s3, s7, $0xb8;
	[tilespmem:$0x18F00] =	vst v63  }
0x48: {  	_ =	swait.ge [sflag:s13], $0x4000  }
0x49: {  	[sflag:s13] =	ssyncset.done $0x0  }
0x4a: {  	[sflag:s13] =	ssyncadd.s32 $0xFFFFC000  }
0x4b: {  	_ =	swait.ge [sflag:s13], $0x4000  }
0x4c: {  	[sflag:s13] =	ssyncset.done $0x0  }
0x4d: {  	[sflag:s13] =	ssyncadd.s32 $0xFFFFC000  }
0x4e: {  	_ =	swait.ge [sflag:s13], $0x4000  }
0x4f: {  	[sflag:s13] =	ssyncset.done $0x0  }
0x50: {  	[sflag:s13] =	ssyncadd.s32 $0xFFFFC000  }
0x51: {  	_ =	swait.ge [sflag:s13], $0x4000  }
0x52: {  	[sflag:s13] =	ssyncset.done $0x0  }
0x53: {  	s14 =	simm.s32 $0xF00;
	[sflag:s13] =	ssyncadd.s32 $0xFFFFC000  }
0x54: {  	s15 =	simm.s32 $0x4F00;
	v5 =	vld [tilespmem:s14+$0x80]  }
0x55: {  	v6 =	vld [tilespmem:s15+$0x80];
	_ =	sdelay $0x1  }
0x56: {  	v12 =	vld [tilespmem:s14+$0xFFFFFF00]  }
0x57: {  	s17 =	simm.s32 $0x902;
	v15 =	vld [tilespmem:s15+$0xFFFFFF00]  }
0x58: {  	s16 =	simm.s32 $0x180;
	s19 =	simm.s32 $0xB82;
	s18 =	sand.u32 $0x7800, s11;
	v9 =	vld.msk [tilespmem:s17+$0x1 ss:$0x0], $0xffff  }
0x59: {  	s1 =	sand.u32 $0x380, s16;
	s20 =	sadd.s32 $0x10E00, s18;
	v10 =	vld.msk [tilespmem:s19+$0x1 ss:$0x0], $0xffff;
	v5 =	vadd.f32 v6, v5  }
0x5a: {  	s1 =	sadd.s32 s1, s20;
	v16 =	vld [tilespmem:s15+$0xFFFFFF80]  }
0x5b: {  	v17 =	vld [tilespmem:s14+$0x0];
	[tilespmem:s1+$0x0] =	vst v5  }
0x5c: {  	v5 =	vld [tilespmem:s14+$0x90]  }
0x5d: {  	v11 =	vld [tilespmem:s15+$0x90]  }
0x5e: {  	v18 =	vld [tilespmem:s15+$0x0]  }
0x5f: {  	v7 =	vld.msk [tilespmem:s17+$0xFFFFFFFE ss:$0x0], $0xffff  }
0x60: {  	v8 =	vld.msk [tilespmem:s19+$0xFFFFFFFE ss:$0x0], $0xffff  }
0x61: {  	v13 =	vld.msk [tilespmem:s17+$0xFFFFFFFF ss:$0x0], $0xffff  }
0x62: {  	v6 =	vld [tilespmem:s14+$0xFFFFFF80];
	v5 =	vadd.f32 v11, v5  }
0x63: {  	v14 =	vld.msk [tilespmem:s17+$0x0 ss:$0x0], $0xffff  }
0x64: {  	s21 =	simm.s32 $0x0;
	v11 =	vld.msk [tilespmem:s19+$0xFFFFFFFF ss:$0x0], $0xffff;
	[tilespmem:s1+$0x10] =	vst v5  }
0x65: {  	s22 =	sand.u32 $0x200, s21;
	v5 =	vadd.f32 v15, v12;
	v15 =	vld [tilespmem:s14+$0xA0]  }
0x66: {  	s23 =	simm.s32 $0x80;
	s3 =	sadd.s32 s22, s20;
	v19 =	vld [tilespmem:s15+$0xA0]  }
0x67: {  	s4 =	sand.u32 $0x280, s23;
	v12 =	vld.msk [tilespmem:s19+$0x0 ss:$0x0], $0xffff;
	[tilespmem:s3+$0x0] =	vst v5;
	v5 =	vadd.f32 v16, v6  }
0x68: {  	s24 =	simm.s32 $0x100;
	s4 =	sadd.s32 s4, s20;
	v6 =	vld [tilespmem:s14+$0xFFFFFF10]  }
0x69: {  	s5 =	sand.u32 $0x300, s24;
	v16 =	vadd.f32 v18, v17;
	[tilespmem:s4+$0x0] =	vst v5;
	v5 =	vld [tilespmem:s15+$0xFFFFFF10]  }
0x6a: {  	s5 =	sadd.s32 s5, s20;
	v17 =	vld [tilespmem:s14+$0xFFFFFF90]  }
0x6b: {  	[tilespmem:s5+$0x0] =	vst v16;
	v16 =	vld [tilespmem:s15+$0xFFFFFF90];
	v15 =	vadd.f32 v19, v15  }
0x6c: {  	v18 =	vld [tilespmem:s14+$0x10]  }
0x6d: {  	v19 =	vld [tilespmem:s15+$0x10];
	[tilespmem:s1+$0x20] =	vst v15  }
0x6e: {  	v5 =	vadd.f32 v5, v6;
	v6 =	vld [tilespmem:s14+$0xB0]  }
0x6f: {  	v15 =	vld [tilespmem:s15+$0xB0]  }
0x70: {  	[tilespmem:s3+$0x10] =	vst v5;
	v5 =	vadd.f32 v16, v17  }
0x71: {  	v16 =	vld [tilespmem:s14+$0xFFFFFF20]  }
0x72: {  	v17 =	vld [tilespmem:s15+$0xFFFFFF20];
	[tilespmem:s4+$0x10] =	vst v5;
	v5 =	vadd.f32 v19, v18  }
0x73: {  	v18 =	vld [tilespmem:s14+$0xFFFFFFA0]  }
0x74: {  	v19 =	vld [tilespmem:s15+$0xFFFFFFA0];
	[tilespmem:s5+$0x10] =	vst v5;
	v5 =	vadd.f32 v15, v6  }
0x75: {  	v6 =	vld [tilespmem:s14+$0x20]  }
0x76: {  	v15 =	vld [tilespmem:s15+$0x20];
	[tilespmem:s1+$0x30] =	vst v5  }
0x77: {  	v5 =	vadd.f32 v17, v16;
	v16 =	vld [tilespmem:s14+$0xC0]  }
0x78: {  	v17 =	vld [tilespmem:s15+$0xC0]  }
0x79: {  	[tilespmem:s3+$0x20] =	vst v5;
	v5 =	vadd.f32 v19, v18  }
0x7a: {  	v18 =	vld [tilespmem:s14+$0xFFFFFF30]  }
0x7b: {  	v19 =	vld [tilespmem:s15+$0xFFFFFF30];
	[tilespmem:s4+$0x20] =	vst v5;
	v5 =	vadd.f32 v15, v6  }
0x7c: {  	v6 =	vld [tilespmem:s14+$0xFFFFFFB0]  }
0x7d: {  	v15 =	vld [tilespmem:s15+$0xFFFFFFB0];
	[tilespmem:s5+$0x20] =	vst v5;
	v5 =	vadd.f32 v17, v16  }
0x7e: {  	v16 =	vld [tilespmem:s14+$0x30]  }
0x7f: {  	v17 =	vld [tilespmem:s15+$0x30];
	[tilespmem:s1+$0x40] =	vst v5  }
0x80: {  	v5 =	vadd.f32 v19, v18;
	v18 =	vld [tilespmem:s14+$0xD0]  }
0x81: {  	v19 =	vld [tilespmem:s15+$0xD0]  }
0x82: {  	[tilespmem:s3+$0x30] =	vst v5;
	v5 =	vadd.f32 v15, v6  }
0x83: {  	v6 =	vld [tilespmem:s14+$0xFFFFFF40]  }
0x84: {  	v15 =	vld [tilespmem:s15+$0xFFFFFF40];
	[tilespmem:s4+$0x30] =	vst v5;
	v5 =	vadd.f32 v17, v16  }
0x85: {  	v16 =	vld [tilespmem:s14+$0xFFFFFFC0]  }
0x86: {  	v17 =	vld [tilespmem:s15+$0xFFFFFFC0];
	[tilespmem:s5+$0x30] =	vst v5;
	v5 =	vadd.f32 v19, v18  }
0x87: {  	v18 =	vld [tilespmem:s14+$0x40]  }
0x88: {  	v19 =	vld [tilespmem:s15+$0x40];
	[tilespmem:s1+$0x50] =	vst v5  }
0x89: {  	v5 =	vadd.f32 v15, v6;
	v6 =	vld [tilespmem:s14+$0xE0]  }
0x8a: {  	v15 =	vld [tilespmem:s15+$0xE0]  }
0x8b: {  	[tilespmem:s3+$0x40] =	vst v5;
	v5 =	vadd.f32 v17, v16  }
0x8c: {  	v16 =	vld [tilespmem:s14+$0xFFFFFF50]  }
0x8d: {  	v17 =	vld [tilespmem:s15+$0xFFFFFF50];
	[tilespmem:s4+$0x40] =	vst v5;
	v5 =	vadd.f32 v19, v18  }
0x8e: {  	v18 =	vld [tilespmem:s14+$0xFFFFFFD0]  }
0x8f: {  	v19 =	vld [tilespmem:s15+$0xFFFFFFD0];
	[tilespmem:s5+$0x40] =	vst v5;
	v5 =	vadd.f32 v15, v6  }
0x90: {  	v6 =	vld [tilespmem:s14+$0x50]  }
0x91: {  	v15 =	vld [tilespmem:s15+$0x50];
	[tilespmem:s1+$0x60] =	vst v5  }
0x92: {  	v5 =	vadd.f32 v17, v16;
	v16 =	vld [tilespmem:s14+$0xF0]  }
0x93: {  	v17 =	vld [tilespmem:s15+$0xF0]  }
0x94: {  	[tilespmem:s3+$0x50] =	vst v5;
	v5 =	vadd.f32 v19, v18  }
0x95: {  	v18 =	vld [tilespmem:s14+$0xFFFFFF60]  }
0x96: {  	v19 =	vld [tilespmem:s15+$0xFFFFFF60];
	[tilespmem:s4+$0x50] =	vst v5;
	v5 =	vadd.f32 v15, v6  }
0x97: {  	v6 =	vld [tilespmem:s14+$0xFFFFFFE0]  }
0x98: {  	v15 =	vld [tilespmem:s15+$0xFFFFFFE0];
	[tilespmem:s5+$0x50] =	vst v5;
	v5 =	vadd.f32 v17, v16  }
0x99: {  	v16 =	vld [tilespmem:s14+$0x60]  }
0x9a: {  	s7 =	simm.s32 $0xCF00;
	v17 =	vld [tilespmem:s15+$0x60];
	[tilespmem:s1+$0x70] =	vst v5  }
0x9b: {  	s1 =	simm.s32 $0x8F00;
	v5 =	vadd.f32 v19, v18;
	v18 =	vld [tilespmem:s7+$0x80]  }
0x9c: {  	v19 =	vld [tilespmem:s1+$0x80]  }
0x9d: {  	[tilespmem:s3+$0x60] =	vst v5;
	v5 =	vadd.f32 v15, v6  }
0x9e: {  	s25 =	sand.u32 $0x7, s11;
	v6 =	vld [tilespmem:s14+$0xFFFFFF70]  }
0x9f: {  	s6 =	sshll.u32 s25, $0x7;
	v15 =	vld [tilespmem:s15+$0xFFFFFF70];
	[tilespmem:s4+$0x60] =	vst v5;
	v5 =	vadd.f32 v17, v16  }
0xa0: {  	s6 =	sadd.s32 $0x0, s6;
	v16 =	vld [tilespmem:s14+$0xFFFFFFF0]  }
0xa1: {  	s12 =	sadd.s32 $0x180, s6;
	v17 =	vld [tilespmem:s15+$0xFFFFFFF0];
	[tilespmem:s5+$0x60] =	vst v5;
	v5 =	vadd.f32 v19, v18  }
0xa2: {  	s26 =	sor.u32 $0x400, s12;
	v18 =	vld [tilespmem:s14+$0x70]  }
0xa3: {  	v19 =	vld [tilespmem:s15+$0x70];
	[tilespmem:s26+$0x10E00] =	vst v5  }
0xa4: {  	v5 =	vadd.f32 v15, v6;
	v6 =	vld [tilespmem:s7+$0x90]  }
0xa5: {  	v15 =	vld [tilespmem:s1+$0x90]  }
0xa6: {  	[tilespmem:s3+$0x70] =	vst v5;
	v5 =	vadd.f32 v17, v16  }
0xa7: {  	v16 =	vld [tilespmem:s7+$0xFFFFFF00]  }
0xa8: {  	v17 =	vld [tilespmem:s1+$0xFFFFFF00];
	[tilespmem:s4+$0x70] =	vst v5;
	v5 =	vadd.f32 v19, v18  }
0xa9: {  	v18 =	vld [tilespmem:s7+$0xFFFFFF80]  }
0xaa: {  	p0 =	por $0x0, $0x0;
	s0 =	simm.s32 $0x1;
	v19 =	vld [tilespmem:s1+$0xFFFFFF80];
	[tilespmem:s5+$0x70] =	vst v5;
	v5 =	vadd.f32 v15, v6  }
0xab: {  	s0 =	simm.s32 @!p0 $0x0;
	s3 =	sor.u32 $0x410, s12;
	v6 =	vld [tilespmem:s7+$0x0]  }
0xac: {  	s0 =	sshll.u32 s0, $0x9;
	v15 =	vld [tilespmem:s1+$0x0];
	[tilespmem:s3+$0x10E00] =	vst v5  }
0xad: {  	s3 =	sadd.s32 $0x0, s0;
	v5 =	vadd.f32 v17, v16;
	v16 =	vld [tilespmem:s7+$0xA0]  }
0xae: {  	s4 =	sand.u32 $0x3, s11;
	s5 =	sor.u32 $0x400, s3;
	v17 =	vld [tilespmem:s1+$0xA0]  }
0xaf: {  	s11 =	sadd.s32 $0x80, s6;
	s0 =	sshll.u32 s4, $0x8;
	[tilespmem:s5+$0x10E00] =	vst v5;
	v5 =	vadd.f32 v19, v18  }
0xb0: {  	s6 =	sor.u32 $0x400, s11;
	s0 =	sadd.s32 $0x0, s0;
	v18 =	vld [tilespmem:s7+$0xFFFFFF10]  }
0xb1: {  	s13 =	sadd.s32 $0x100, s0;
	v19 =	vld [tilespmem:s1+$0xFFFFFF10];
	[tilespmem:s6+$0x10E00] =	vst v5;
	v5 =	vadd.f32 v15, v6  }
0xb2: {  	s0 =	sor.u32 $0x400, s13;
	v6 =	vld [tilespmem:s7+$0xFFFFFF90]  }
0xb3: {  	v15 =	vld [tilespmem:s1+$0xFFFFFF90];
	[tilespmem:s0+$0x10E00] =	vst v5;
	v5 =	vadd.f32 v17, v16  }
0xb4: {  	s8 =	sor.u32 $0x420, s12;
	v16 =	vld [tilespmem:s7+$0x10]  }
0xb5: {  	v17 =	vld [tilespmem:s1+$0x10];
	[tilespmem:s8+$0x10E00] =	vst v5  }
0xb6: {  	v5 =	vadd.f32 v19, v18;
	v18 =	vld [tilespmem:s7+$0xB0]  }
0xb7: {  	s9 =	sor.u32 $0x410, s3;
	v19 =	vld [tilespmem:s1+$0xB0]  }
0xb8: {  	[tilespmem:s9+$0x10E00] =	vst v5;
	v5 =	vadd.f32 v15, v6  }
0xb9: {  	s10 =	sor.u32 $0x410, s11;
	v6 =	vld [tilespmem:s7+$0xFFFFFF20]  }
0xba: {  	v15 =	vld [tilespmem:s1+$0xFFFFFF20];
	[tilespmem:s10+$0x10E00] =	vst v5;
	v5 =	vadd.f32 v17, v16  }
0xbb: {  	s14 =	sor.u32 $0x410, s13;
	v16 =	vld [tilespmem:s7+$0xFFFFFFA0]  }
0xbc: {  	v17 =	vld [tilespmem:s1+$0xFFFFFFA0];
	[tilespmem:s14+$0x10E00] =	vst v5;
	v5 =	vadd.f32 v19, v18  }
0xbd: {  	s15 =	sor.u32 $0x430, s12;
	v18 =	vld [tilespmem:s7+$0x20]  }
0xbe: {  	v19 =	vld [tilespmem:s1+$0x20];
	[tilespmem:s15+$0x10E00] =	vst v5  }
0xbf: {  	v5 =	vld [tilespmem:s7+$0xC0]  }
0xc0: {  	v6 =	vadd.f32 v15, v6;
	v15 =	vld [tilespmem:s1+$0xC0]  }
0xc1: {  	s16 =	sor.u32 $0x420, s3  }
0xc2: {  	[tilespmem:s16+$0x10E00] =	vst v6;
	v6 =	vadd.f32 v17, v16  }
0xc3: {  	s17 =	sor.u32 $0x420, s11;
	v16 =	vld [tilespmem:s7+$0xFFFFFF30]  }
0xc4: {  	v17 =	vld [tilespmem:s1+$0xFFFFFF30];
	[tilespmem:s17+$0x10E00] =	vst v6  }
0xc5: {  	v6 =	vadd.f32 v19, v18;
	v18 =	vld [tilespmem:s7+$0xFFFFFFB0];
	v5 =	vadd.f32 v15, v5;
	v15 =	vmul.f32 v9, v2  }
0xc6: {  	s18 =	sor.u32 $0x420, s13;
	v19 =	vld [tilespmem:s1+$0xFFFFFFB0]  }
0xc7: {  	[tilespmem:s18+$0x10E00] =	vst v6;
	v5 =	vadd.f32 v5, v15  }
0xc8: {  	s19 =	sor.u32 $0x440, s12;
	v6 =	vld [tilespmem:s7+$0x30]  }
0xc9: {  	v15 =	vld [tilespmem:s1+$0x30];
	v16 =	vadd.f32 v17, v16;
	[tilespmem:s19+$0x10E00] =	vst v5  }
0xca: {  	s20 =	sor.u32 $0x430, s3;
	v5 =	vld [tilespmem:s7+$0xD0]  }
0xcb: {  	[tilespmem:s20+$0x10E00] =	vst v16;
	v16 =	vadd.f32 v19, v18;
	v17 =	vld [tilespmem:s1+$0xD0]  }
0xcc: {  	s21 =	sor.u32 $0x430, s11;
	v18 =	vld [tilespmem:s7+$0xFFFFFF40]  }
0xcd: {  	[tilespmem:s21+$0x10E00] =	vst v16;
	v16 =	vld [tilespmem:s1+$0xFFFFFF40]  }
0xce: {  	v19 =	vld [tilespmem:s7+$0xFFFFFFC0]  }
0xcf: {  	v20 =	vld [tilespmem:s1+$0xFFFFFFC0]  }
0xd0: {  	v6 =	vadd.f32 v15, v6;
	v15 =	vmul.f32 v9, v3;
	v5 =	vadd.f32 v17, v5  }
0xd1: {  	s26 =	simm.s32 $0x1100;
	s22 =	sor.u32 $0x430, s13  }
0xd2: {  	v22 =	vld [tilespmem:s26+$0xFFFFFF00];
	[tilespmem:s22+$0x10E00] =	vst v6;
	v17 =	vmul.f32 v7, v2;
	v6 =	vadd.f32 v16, v18;
	v5 =	vadd.f32 v5, v15  }
0xd3: {  	s23 =	sor.u32 $0x450, s12;
	v29 =	vld [tilespmem:s26+$0xFFFFFF80]  }
0xd4: {  	v31 =	vld [tilespmem:s26+$0x0];
	v15 =	vmul.f32 v13, v2;
	v16 =	vadd.f32 v20, v19;
	v6 =	vadd.f32 v6, v17;
	[tilespmem:s23+$0x10E00] =	vst v5  }
0xd5: {  	s24 =	sor.u32 $0x440, s3;
	v5 =	vld [tilespmem:s7+$0xE0]  }
0xd6: {  	s20 =	simm.s32 $0x5100;
	[tilespmem:s24+$0x10E00] =	vst v6;
	v6 =	vadd.f32 v16, v15;
	v15 =	vld [tilespmem:s1+$0xE0]  }
0xd7: {  	v28 =	vld [tilespmem:s20+$0xFFFFFF00]  }
0xd8: {  	v30 =	vld [tilespmem:s20+$0xFFFFFF80]  }
0xd9: {  	s25 =	sor.u32 $0x440, s11;
	v16 =	vld [tilespmem:s20+$0x80]  }
0xda: {  	[tilespmem:s25+$0x10E00] =	vst v6;
	v6 =	vld [tilespmem:s26+$0x80]  }
0xdb: {  	v32 =	vld [tilespmem:s20+$0x0];
	v5 =	vadd.f32 v15, v5;
	v15 =	vmul.f32 v9, v4  }
0xdc: {  	v24 =	vld [tilespmem:s7+$0x40]  }
0xdd: {  	v25 =	vld [tilespmem:s1+$0x40];
	s23 =	simm.s32 $0xB86;
	s24 =	simm.s32 $0x400;
	v15 =	vadd.f32 v5, v15  }
0xde: {  	s10 =	sor.u32 $0x460, s12;
	s22 =	simm.s32 $0x380;
	v19 =	vld.msk [tilespmem:s23+$0xFFFFFFFE ss:$0x0], $0xffff;
	s14 =	sand.u32 $0x7800, s24  }
0xdf: {  	s21 =	simm.s32 $0x906;
	s16 =	sand.u32 $0x380, s22;
	v21 =	vld.msk [tilespmem:s23+$0xFFFFFFFF ss:$0x0], $0xffff;
	s15 =	sadd.s32 $0x10E00, s14;
	[tilespmem:s10+$0x10E00] =	vst v15;
	v15 =	vadd.f32 v16, v6  }
0xe0: {  	s2 =	sadd.s32 s16, s15;
	v5 =	vld.msk [tilespmem:s21+$0x1 ss:$0x0], $0xffff  }
0xe1: {  	v6 =	vld.msk [tilespmem:s23+$0x1 ss:$0x0], $0xffff;
	[tilespmem:s2+$0x0] =	vst v15  }
0xe2: {  	v15 =	vld [tilespmem:s26+$0x90]  }
0xe3: {  	v20 =	vld [tilespmem:s20+$0x90]  }
0xe4: {  	v26 =	vld [tilespmem:s7+$0xFFFFFF50]  }
0xe5: {  	s17 =	simm.s32 $0x200;
	v27 =	vld [tilespmem:s1+$0xFFFFFF50]  }
0xe6: {  	s4 =	sand.u32 $0x200, s17;
	v22 =	vadd.f32 v28, v22;
	v23 =	vld [tilespmem:s7+$0xFFFFFFD0]  }
0xe7: {  	s4 =	sadd.s32 s4, s15;
	v16 =	vld.msk [tilespmem:s21+$0xFFFFFFFE ss:$0x0], $0xffff  }
0xe8: {  	[tilespmem:s4+$0x0] =	vst v22;
	v22 =	vld.msk [tilespmem:s23+$0x0 ss:$0x0], $0xffff;
	v20 =	vadd.f32 v20, v15  }
0xe9: {  	v17 =	vld [tilespmem:s7+$0xF0]  }
0xea: {  	v29 =	vadd.f32 v30, v29;
	v30 =	vld [tilespmem:s26+$0xFFFFFF10];
	[tilespmem:s2+$0x10] =	vst v20  }
0xeb: {  	s18 =	simm.s32 $0x280;
	v28 =	vld [tilespmem:s26+$0xA0]  }
0xec: {  	s6 =	sand.u32 $0x280, s18;
	v33 =	vld [tilespmem:s20+$0xA0]  }
0xed: {  	s6 =	sadd.s32 s6, s15;
	v15 =	vld.msk [tilespmem:s21+$0xFFFFFFFF ss:$0x0], $0xffff  }
0xee: {  	s8 =	simm.s32 $0x300;
	[tilespmem:s6+$0x0] =	vst v29;
	v29 =	vld [tilespmem:s20+$0xFFFFFF10]  }
0xef: {  	s8 =	sand.u32 $0x300, s8;
	v31 =	vadd.f32 v32, v31;
	v48 =	vld [tilespmem:s26+$0xFFFFFF90]  }
0xf0: {  	s5 =	sadd.s32 s8, s15;
	v20 =	vld.msk [tilespmem:s21+$0x0 ss:$0x0], $0xffff  }
0xf1: {  	[tilespmem:s5+$0x0] =	vst v31;
	v31 =	vld [tilespmem:s20+$0xFFFFFF90];
	v28 =	vadd.f32 v33, v28  }
0xf2: {  	v49 =	vld [tilespmem:s26+$0x10]  }
0xf3: {  	v34 =	vld [tilespmem:s20+$0x10];
	[tilespmem:s2+$0x20] =	vst v28  }
0xf4: {  	v28 =	vadd.f32 v29, v30;
	v29 =	vld [tilespmem:s26+$0xB0]  }
0xf5: {  	v30 =	vld [tilespmem:s20+$0xB0]  }
0xf6: {  	v18 =	vld [tilespmem:s1+$0xF0];
	[tilespmem:s4+$0x10] =	vst v28;
	v28 =	vadd.f32 v31, v48  }
0xf7: {  	v50 =	vld [tilespmem:s26+$0xFFFFFF20]  }
0xf8: {  	v35 =	vld [tilespmem:s20+$0xFFFFFF20];
	[tilespmem:s6+$0x10] =	vst v28;
	v28 =	vadd.f32 v34, v49  }
0xf9: {  	v52 =	vmul.f32 v14, v2;
	v24 =	vadd.f32 v25, v24;
	v51 =	vld [tilespmem:s26+$0xFFFFFFA0]  }
0xfa: {  	v60 =	vmul.f32 v7, v3;
	v26 =	vadd.f32 v27, v26;
	v25 =	vld [tilespmem:s20+$0xFFFFFFA0];
	[tilespmem:s5+$0x10] =	vst v28;
	v28 =	vadd.f32 v30, v29  }
0xfb: {  	v24 =	vadd.f32 v24, v52;
	v29 =	vld [tilespmem:s26+$0x20]  }
0xfc: {  	s19 =	sor.u32 $0x440, s13;
	v26 =	vadd.f32 v26, v60;
	v30 =	vld [tilespmem:s20+$0x20];
	[tilespmem:s2+$0x30] =	vst v28  }
0xfd: {  	s25 =	sor.u32 $0x450, s3;
	[tilespmem:s19+$0x10E00] =	vst v24;
	v28 =	vadd.f32 v35, v50;
	v53 =	vld [tilespmem:s26+$0xC0]  }
0xfe: {  	[tilespmem:s25+$0x10E00] =	vst v26;
	v24 =	vld [tilespmem:s20+$0xC0]  }
0xff: {  	v39 =	vld [tilespmem:s1+$0xFFFFFF60];
	[tilespmem:s4+$0x20] =	vst v28;
	v25 =	vadd.f32 v25, v51  }
0x100: {  	v54 =	vld [tilespmem:s26+$0xFFFFFF30]  }
0x101: {  	v55 =	vld [tilespmem:s20+$0xFFFFFF30];
	[tilespmem:s6+$0x20] =	vst v25;
	v25 =	vadd.f32 v30, v29  }
0x102: {  	v29 =	vld [tilespmem:s26+$0xFFFFFFB0]  }
0x103: {  	v30 =	vld [tilespmem:s20+$0xFFFFFFB0];
	[tilespmem:s5+$0x20] =	vst v25;
	v24 =	vadd.f32 v24, v53  }
0x104: {  	v25 =	vld [tilespmem:s26+$0x30]  }
0x105: {  	v56 =	vld [tilespmem:s20+$0x30];
	[tilespmem:s2+$0x40] =	vst v24  }
0x106: {  	v24 =	vadd.f32 v55, v54;
	v57 =	vld [tilespmem:s26+$0xD0]  }
0x107: {  	v58 =	vld [tilespmem:s20+$0xD0]  }
0x108: {  	v31 =	vld [tilespmem:s1+$0xFFFFFFD0];
	[tilespmem:s4+$0x30] =	vst v24;
	v24 =	vadd.f32 v30, v29  }
0x109: {  	v30 =	vld [tilespmem:s26+$0xFFFFFF40]  }
0x10a: {  	v59 =	vld [tilespmem:s20+$0xFFFFFF40];
	[tilespmem:s6+$0x30] =	vst v24;
	v24 =	vadd.f32 v56, v25  }
0x10b: {  	v25 =	vld [tilespmem:s26+$0xFFFFFFC0]  }
0x10c: {  	v27 =	vld [tilespmem:s20+$0xFFFFFFC0];
	[tilespmem:s5+$0x30] =	vst v24;
	v24 =	vadd.f32 v58, v57  }
0x10d: {  	v61 =	vld [tilespmem:s26+$0x40]  }
0x10e: {  	v62 =	vld [tilespmem:s20+$0x40];
	[tilespmem:s2+$0x50] =	vst v24  }
0x10f: {  	v24 =	vadd.f32 v59, v30;
	v30 =	vld [tilespmem:s26+$0xE0]  }
0x110: {  	v26 =	vld [tilespmem:s20+$0xE0]  }
0x111: {  	v28 =	vld [tilespmem:s7+$0x50];
	[tilespmem:s4+$0x40] =	vst v24;
	v25 =	vadd.f32 v27, v25  }
0x112: {  	v27 =	vld [tilespmem:s26+$0xFFFFFF50]  }
0x113: {  	v63 =	vld [tilespmem:s20+$0xFFFFFF50];
	[tilespmem:s6+$0x40] =	vst v25;
	v25 =	vadd.f32 v62, v61  }
0x114: {  	v36 =	vld [tilespmem:s26+$0xFFFFFFD0]  }
0x115: {  	v37 =	vld [tilespmem:s20+$0xFFFFFFD0];
	[tilespmem:s5+$0x40] =	vst v25;
	v25 =	vadd.f32 v26, v30  }
0x116: {  	v26 =	vld [tilespmem:s26+$0x50]  }
0x117: {  	v30 =	vld [tilespmem:s20+$0x50];
	[tilespmem:s2+$0x60] =	vst v25  }
0x118: {  	v25 =	vadd.f32 v63, v27;
	v27 =	vld [tilespmem:s26+$0xF0]  }
0x119: {  	v38 =	vld [tilespmem:s20+$0xF0]  }
0x11a: {  	v29 =	vld [tilespmem:s1+$0x50];
	[tilespmem:s4+$0x50] =	vst v25;
	v25 =	vadd.f32 v37, v36  }
0x11b: {  	v40 =	vld [tilespmem:s26+$0xFFFFFF60]  }
0x11c: {  	v41 =	vld [tilespmem:s20+$0xFFFFFF60];
	[tilespmem:s6+$0x50] =	vst v25;
	v25 =	vadd.f32 v30, v26  }
0x11d: {  	v26 =	vld [tilespmem:s26+$0xFFFFFFE0]  }
0x11e: {  	v23 =	vadd.f32 v31, v23;
	v30 =	vmul.f32 v13, v3;
	v31 =	vld [tilespmem:s20+$0xFFFFFFE0];
	[tilespmem:s5+$0x50] =	vst v25;
	v25 =	vadd.f32 v38, v27  }
0x11f: {  	v27 =	vld [tilespmem:s26+$0x60]  }
0x120: {  	v23 =	vadd.f32 v23, v30;
	v30 =	vld [tilespmem:s20+$0x60];
	[tilespmem:s2+$0x70] =	vst v25;
	s2 =	simm.s32 $0xD100  }
0x121: {  	s9 =	sor.u32 $0x450, s11;
	s8 =	simm.s32 $0x9100;
	v25 =	vadd.f32 v41, v40;
	v42 =	vld [tilespmem:s2+$0x80]  }
0x122: {  	[tilespmem:s9+$0x10E00] =	vst v23;
	v23 =	vld [tilespmem:s8+$0x80]  }
0x123: {  	v24 =	vld [tilespmem:s7+$0xFFFFFF60];
	s9 =	simm.s32 $0x4;
	[tilespmem:s4+$0x60] =	vst v25;
	v25 =	vadd.f32 v31, v26  }
0x124: {  	s10 =	sand.u32 $0x7, s9;
	v31 =	vld [tilespmem:s26+$0xFFFFFF70]  }
0x125: {  	s10 =	sshll.u32 s10, $0x7;
	v43 =	vld [tilespmem:s20+$0xFFFFFF70];
	[tilespmem:s6+$0x60] =	vst v25;
	v25 =	vadd.f32 v30, v27  }
0x126: {  	s14 =	sadd.s32 $0x400, s10;
	v27 =	vld [tilespmem:s26+$0xFFFFFFF0]  }
0x127: {  	s16 =	sadd.s32 $0x180, s14;
	v30 =	vld [tilespmem:s20+$0xFFFFFFF0];
	[tilespmem:s5+$0x60] =	vst v25;
	v23 =	vadd.f32 v23, v42  }
0x128: {  	v25 =	vld [tilespmem:s26+$0x70];
	s26 =	sor.u32 $0x400, s16  }
0x129: {  	v44 =	vld [tilespmem:s20+$0x70];
	[tilespmem:s26+$0x10E00] =	vst v23  }
0x12a: {  	v23 =	vadd.f32 v43, v31;
	v31 =	vld [tilespmem:s2+$0x90]  }
0x12b: {  	v45 =	vld [tilespmem:s8+$0x90]  }
0x12c: {  	v26 =	vld [tilespmem:s7+$0xFFFFFFE0];
	[tilespmem:s4+$0x70] =	vst v23;
	v23 =	vadd.f32 v30, v27  }
0x12d: {  	v30 =	vld [tilespmem:s2+$0xFFFFFF00]  }
0x12e: {  	v46 =	vld [tilespmem:s8+$0xFFFFFF00];
	[tilespmem:s6+$0x70] =	vst v23;
	v23 =	vadd.f32 v44, v25  }
0x12f: {  	v25 =	vld [tilespmem:s2+$0xFFFFFF80]  }
0x130: {  	p0 =	por !p0, !p0;
	v47 =	vmul.f32 v14, v3;
	s0 =	simm.s32 $0x1;
	v28 =	vadd.f32 v29, v28;
	v29 =	vld [tilespmem:s8+$0xFFFFFF80];
	[tilespmem:s5+$0x70] =	vst v23;
	v23 =	vadd.f32 v45, v31  }
0x131: {  	s0 =	simm.s32 @!p0 $0x0;
	s10 =	sor.u32 $0x410, s16;
	v31 =	vld [tilespmem:s2+$0x0]  }
0x132: {  	s0 =	sshll.u32 s0, $0x9;
	v28 =	vadd.f32 v28, v47;
	v48 =	vld [tilespmem:s8+$0x0];
	[tilespmem:s10+$0x10E00] =	vst v23  }
0x133: {  	s15 =	sor.u32 $0x450, s13;
	s4 =	sadd.s32 $0x400, s0;
	s10 =	simm.s32 $0x2;
	v23 =	vadd.f32 v46, v30;
	v30 =	vld [tilespmem:s2+$0xA0]  }
0x134: {  	[tilespmem:s15+$0x10E00] =	vst v28;
	s18 =	sor.u32 $0x400, s4;
	s17 =	sand.u32 $0x3, s10;
	v28 =	vld [tilespmem:s8+$0xA0]  }
0x135: {  	v27 =	vld [tilespmem:s1+$0xFFFFFFE0];
	s0 =	sadd.s32 $0x80, s14;
	s19 =	sshll.u32 s17, $0x8;
	[tilespmem:s18+$0x10E00] =	vst v23;
	v23 =	vadd.f32 v29, v25  }
0x136: {  	s25 =	sor.u32 $0x400, s0;
	s5 =	sadd.s32 $0x400, s19;
	v29 =	vld [tilespmem:s2+$0xFFFFFF10]  }
0x137: {  	v49 =	vld [tilespmem:s8+$0xFFFFFF10];
	s5 =	sadd.s32 $0x100, s5;
	[tilespmem:s25+$0x10E00] =	vst v23;
	v23 =	vadd.f32 v48, v31  }
0x138: {  	s26 =	sor.u32 $0x400, s5;
	v31 =	vld [tilespmem:s2+$0xFFFFFF90]  }
0x139: {  	v50 =	vld [tilespmem:s8+$0xFFFFFF90];
	[tilespmem:s26+$0x10E00] =	vst v23;
	v23 =	vadd.f32 v28, v30  }
0x13a: {  	s14 =	sor.u32 $0x420, s16;
	v28 =	vld [tilespmem:s2+$0x10]  }
0x13b: {  	v30 =	vld [tilespmem:s8+$0x10];
	[tilespmem:s14+$0x10E00] =	vst v23  }
0x13c: {  	v23 =	vadd.f32 v49, v29;
	v29 =	vld [tilespmem:s2+$0xB0]  }
0x13d: {  	s15 =	sor.u32 $0x410, s4;
	v51 =	vld [tilespmem:s8+$0xB0]  }
0x13e: {  	v25 =	vld [tilespmem:s7+$0x60];
	[tilespmem:s15+$0x10E00] =	vst v23;
	v23 =	vadd.f32 v50, v31  }
0x13f: {  	s17 =	sor.u32 $0x410, s0;
	v52 =	vld [tilespmem:s2+$0xFFFFFF20]  }
0x140: {  	v53 =	vld [tilespmem:s8+$0xFFFFFF20];
	[tilespmem:s17+$0x10E00] =	vst v23;
	v23 =	vadd.f32 v30, v28  }
0x141: {  	s18 =	sor.u32 $0x410, s5;
	v28 =	vld [tilespmem:s2+$0xFFFFFFA0]  }
0x142: {  	v24 =	vadd.f32 v39, v24;
	v30 =	vmul.f32 v7, v4;
	v54 =	vld [tilespmem:s8+$0xFFFFFFA0];
	[tilespmem:s18+$0x10E00] =	vst v23;
	v23 =	vadd.f32 v51, v29  }
0x143: {  	s19 =	sor.u32 $0x430, s16;
	v29 =	vld [tilespmem:s2+$0x20]  }
0x144: {  	v24 =	vadd.f32 v24, v30;
	v30 =	vld [tilespmem:s8+$0x20];
	[tilespmem:s19+$0x10E00] =	vst v23  }
0x145: {  	s25 =	sor.u32 $0x460, s3;
	v23 =	vadd.f32 v53, v52;
	v55 =	vld [tilespmem:s2+$0xC0]  }
0x146: {  	s26 =	sor.u32 $0x420, s4;
	[tilespmem:s25+$0x10E00] =	vst v24;
	v24 =	vld [tilespmem:s8+$0xC0]  }
0x147: {  	v31 =	vld [tilespmem:s1+$0x60];
	[tilespmem:s26+$0x10E00] =	vst v23;
	v23 =	vadd.f32 v54, v28  }
0x148: {  	s14 =	sor.u32 $0x420, s0;
	v28 =	vld [tilespmem:s7+$0xFFFFFF70]  }
0x149: {  	v56 =	vld [tilespmem:s2+$0xFFFFFF30];
	[tilespmem:s14+$0x10E00] =	vst v23;
	v23 =	vadd.f32 v30, v29  }
0x14a: {  	v26 =	vadd.f32 v27, v26;
	s15 =	sor.u32 $0x420, s5;
	v57 =	vld [tilespmem:s8+$0xFFFFFF30];
	v29 =	vmul.f32 v13, v4  }
0x14b: {  	v27 =	vld [tilespmem:s2+$0xFFFFFFB0];
	[tilespmem:s15+$0x10E00] =	vst v23;
	v23 =	vadd.f32 v24, v55;
	v24 =	vmul.f32 v5, v2  }
0x14c: {  	v30 =	vld [tilespmem:s8+$0xFFFFFFB0];
	v26 =	vadd.f32 v26, v29  }
0x14d: {  	s17 =	sor.u32 $0x460, s11;
	v29 =	vld [tilespmem:s2+$0x30];
	v23 =	vadd.f32 v23, v24  }
0x14e: {  	s18 =	sor.u32 $0x440, s16;
	v58 =	vld [tilespmem:s8+$0x30];
	[tilespmem:s17+$0x10E00] =	vst v26  }
0x14f: {  	v24 =	vld [tilespmem:s1+$0xFFFFFF70];
	v26 =	vadd.f32 v57, v56;
	[tilespmem:s18+$0x10E00] =	vst v23  }
0x150: {  	v60 =	vmul.f32 v13, v1;
	s19 =	sor.u32 $0x430, s4;
	v13 =	vld [tilespmem:s2+$0xD0]  }
0x151: {  	v17 =	vadd.f32 v18, v17;
	v18 =	vmul.f32 v9, v1;
	v61 =	vmul.f32 v14, v4;
	[tilespmem:s19+$0x10E00] =	vst v26;
	v26 =	vld [tilespmem:s8+$0xD0]  }
0x152: {  	v59 =	vld [tilespmem:s7+$0xFFFFFFF0];
	v23 =	vmul.f32 v7, v1;
	v7 =	vmul.f32 v14, v1;
	v14 =	vadd.f32 v30, v27  }
0x153: {  	s25 =	sor.u32 $0x430, s0;
	v27 =	vmul.f32 v8, v0;
	v8 =	vmul.f32 v11, v0;
	v11 =	vld [tilespmem:s2+$0xFFFFFF40]  }
0x154: {  	v10 =	vmul.f32 v10, v0;
	[tilespmem:s25+$0x10E00] =	vst v14;
	v14 =	vadd.f32 v58, v29;
	v29 =	vld [tilespmem:s8+$0xFFFFFF40]  }
0x155: {  	v9 =	vmul.f32 v12, v0;
	v17 =	vadd.f32 v17, v18;
	v12 =	vadd.f32 v31, v25;
	s26 =	sor.u32 $0x430, s5;
	v25 =	vld [tilespmem:s2+$0xFFFFFFC0]  }
0x156: {  	[tilespmem:s26+$0x10E00] =	vst v14;
	v14 =	vld [tilespmem:s8+$0xFFFFFFC0];
	v13 =	vadd.f32 v26, v13;
	v26 =	vmul.f32 v5, v3  }
0x157: {  	v21 =	vmul.f32 v21, v0;
	v63 =	vadd.f32 v17, v10;
	v31 =	vadd.f32 v12, v61;
	v62 =	vld [tilespmem:s2+$0x40]  }
0x158: {  	v18 =	vmul.f32 v16, v3;
	s14 =	sor.u32 $0x460, s13;
	v24 =	vadd.f32 v24, v28;
	v36 =	vld [tilespmem:s8+$0x40];
	v26 =	vadd.f32 v13, v26  }
0x159: {  	v10 =	vmul.f32 v16, v1;
	[tilespmem:s14+$0x10E00] =	vst v31;
	s15 =	sor.u32 $0x450, s16;
	v30 =	vmul.f32 v16, v2;
	v17 =	vadd.f32 v29, v11;
	v29 =	vld [tilespmem:s1+$0xFFFFFFF0]  }
0x15a: {  	s28 =	simm.s32 $0x4;
	s31 =	simm.s32 $0x1300;
	v37 =	vmul.f32 v15, v2;
	v12 =	vmul.f32 v16, v4;
	v31 =	vld [tilespmem:s7+$0x70];
	s19 =	sor.u32 $0x450, s5;
	v24 =	vadd.f32 v24, v23;
	[tilespmem:s15+$0x10E00] =	vst v26  }
0x15b: {  	s29 =	sor.u32 $0x470, s11;
	s30 =	sor.u32 $0x450, s4;
	v38 =	vld [tilespmem:s1+$0x70];
	v16 =	vmul.f32 v15, v3;
	v28 =	vadd.f32 v17, v30;
	v14 =	vadd.f32 v14, v25;
	[dreg:$0x9] =	wrdreg s19  }
0x15c: {  	s6 =	sor.u32 $0x470, s3;
	s3 =	sor.u32 $0x440, s5;
	s18 =	sor.u32 $0x440, s4;
	v11 =	vmul.f32 v15, v1;
	v24 =	vadd.f32 v24, v27;
	v13 =	vmul.f32 v15, v4;
	v23 =	vld [tilespmem:s2+$0xE0]  }
0x15d: {  	s11 =	sor.u32 $0x460, s5;
	s14 =	sor.u32 $0x470, s5;
	s25 =	sor.u32 $0x470, s12;
	v30 =	vmul.f32 v20, v2;
	v33 =	vadd.f32 v36, v62;
	v37 =	vadd.f32 v14, v37;
	[tilespmem:s18+$0x10E00] =	vst v28;
	v25 =	vld [tilespmem:s8+$0xE0]  }
0x15e: {  	s17 =	sor.u32 $0x470, s13;
	s13 =	simm.s32 $0x9100;
	s26 =	sor.u32 $0x440, s0;
	v15 =	vmul.f32 v20, v4;
	v17 =	vmul.f32 v20, v3;
	[tilespmem:s25+$0x10E00] =	vst v63;
	v27 =	vadd.f32 v29, v59;
	v26 =	vld [tilespmem:s2+$0xFFFFFF50]  }
0x15f: {  	s7 =	sor.u32 $0x460, s0;
	s5 =	sor.u32 $0x470, s4;
	s1 =	simm.s32 $0xD100;
	v20 =	vmul.f32 v20, v1;
	v14 =	vmul.f32 v19, v0;
	v29 =	vadd.f32 v33, v30;
	v28 =	vld [tilespmem:s8+$0xFFFFFF50];
	[tilespmem:s26+$0x10E00] =	vst v37  }
0x160: {  	s15 =	sor.u32 $0x460, s4;
	s4 =	sor.u32 $0x450, s0;
	s19 =	sor.u32 $0x470, s0;
	v19 =	vmul.f32 v22, v0;
	[tilespmem:s6+$0x10E00] =	vst v24;
	v30 =	vld [tilespmem:s2+$0xFFFFFFD0];
	v24 =	vadd.f32 v27, v60;
	v27 =	vadd.f32 v38, v31  }
.LBB2_2:
0x161: {  	v22 =	vld [tilespmem:s31+$0x80];
	s20 =	sadd.s32 $0x200, s20  }
0x162: {  	[tilespmem:s3+$0x10E00] =	vst v29;
	v29 =	vld [tilespmem:s20+$0x80]  }
0x163: {  	v27 =	vadd.f32 v27, v7;
	v7 =	vmovc v20;
	v20 =	vld [tilespmem:s31+$0xFFFFFF00];
	v23 =	vadd.f32 v25, v23;
	v25 =	vmul.f32 v5, v4  }
0x164: {  	v24 =	vadd.f32 v24, v8;
	v8 =	vmov v21;
	v21 =	vld [tilespmem:s20+$0xFFFFFF00]  }
0x165: {  	s21 =	sadd.s32 $0x4, s21;
	v26 =	vadd.f32 v28, v26;
	v23 =	vadd.f32 v23, v25;
	v25 =	vld [tilespmem:s31+$0xFFFFFF80]  }
0x166: {  	s12 =	sor.u32 $0x460, s16;
	s24 =	sadd.s32 $0x400, s24;
	[tilespmem:s29+$0x10E00] =	vst v24;
	v24 =	vadd.f32 v27, v9;
	v9 =	vmov v19;
	v19 =	vld.msk [tilespmem:s21+$0x1 ss:$0x0], $0xffff  }
0x167: {  	s22 =	sadd.s32 $0x200, s22;
	s6 =	sand.u32 $0x7800, s24;
	v18 =	vadd.f32 v26, v18;
	v26 =	vld [tilespmem:s20+$0xFFFFFF80];
	[tilespmem:s12+$0x10E00] =	vst v23  }
0x168: {  	s26 =	sand.u32 $0x380, s22;
	s6 =	sadd.s32 $0x10E00, s6;
	v22 =	vadd.f32 v29, v22;
	v23 =	vld [tilespmem:s2+$0xF0]  }
0x169: {  	s23 =	sadd.s32 $0x4, s23;
	s25 =	sadd.s32 s26, s6;
	[tilespmem:s30+$0x10E00] =	vst v18;
	v18 =	vld [tilespmem:s8+$0xF0]  }
0x16a: {  	v20 =	vadd.f32 v21, v20;
	v21 =	vld.msk [tilespmem:s23+$0x1 ss:$0x0], $0xffff;
	[tilespmem:s25+$0x0] =	vst v22  }
0x16b: {  	v22 =	vld [tilespmem:s31+$0x90]  }
0x16c: {  	[tilespmem:s17+$0x10E00] =	vst v24;
	v24 =	vld [tilespmem:s20+$0x90]  }
0x16d: {  	v32 =	vld.msk [tilespmem:s23+$0xFFFFFFFF ss:$0x0], $0xffff  }
0x16e: {  	s18 =	sadd.s32 $0xFFFFFE80, s22;
	v27 =	vld [tilespmem:s31+$0x0];
	v18 =	vadd.f32 v18, v23;
	v23 =	vmul.f32 v5, v1  }
0x16f: {  	[dreg:$0xa] =	wrdreg s5;
	s5 =	sand.u32 $0x200, s18;
	v28 =	vld.msk [tilespmem:s21+$0xFFFFFFFE ss:$0x0], $0xffff  }
0x170: {  	s26 =	sadd.s32 s5, s6;
	v5 =	vmov v19;
	v19 =	vld [tilespmem:s20+$0x0];
	v18 =	vadd.f32 v18, v23;
	v23 =	vmul.f32 v6, v0  }
0x171: {  	v6 =	vmov v21;
	v21 =	vld.msk [tilespmem:s23+$0xFFFFFFFE ss:$0x0], $0xffff;
	[tilespmem:s26+$0x0] =	vst v20;
	v20 =	vadd.f32 v24, v22  }
0x172: {  	v34 =	vld.msk [tilespmem:s23+$0x0 ss:$0x0], $0xffff;
	v18 =	vadd.f32 v18, v23  }
0x173: {  	s16 =	sor.u32 $0x470, s16;
	v22 =	vld.msk [tilespmem:s21+$0xFFFFFFFF ss:$0x0], $0xffff;
	[tilespmem:s25+$0x10] =	vst v20  }
0x174: {  	v35 =	vld [tilespmem:s31+$0xFFFFFF10];
	[tilespmem:s16+$0x10E00] =	vst v18  }
0x175: {  	[dreg:$0x19] =	wrdreg s11;
	s10 =	sadd.s32 $0x2, s10;
	s12 =	sadd.s32 $0xFFFFFF00, s22;
	v19 =	vadd.f32 v19, v27;
	v27 =	vld [tilespmem:s31+$0xA0]  }
0x176: {  	p0 =	por !p0, !p0;
	s11 =	sand.u32 $0x3, s10;
	s12 =	sand.u32 $0x280, s12;
	v24 =	vadd.f32 v26, v25;
	v33 =	vld [tilespmem:s20+$0xA0]  }
0x177: {  	s0 =	simm.s32 $0x1;
	s3 =	sshll.u32 s11, $0x8;
	s11 =	sadd.s32 s12, s6;
	v37 =	vld [tilespmem:s20+$0xFFFFFF10]  }
0x178: {  	s0 =	simm.s32 @!p0 $0x0;
	s17 =	sadd.s32 $0xFFFFFF80, s22;
	v20 =	vld.msk [tilespmem:s21+$0x0 ss:$0x0], $0xffff;
	[tilespmem:s11+$0x0] =	vst v24  }
0x179: {  	s0 =	sshll.u32 s0, $0x9;
	s18 =	sand.u32 $0x300, s17;
	v38 =	vld [tilespmem:s31+$0xFFFFFF90]  }
0x17a: {  	s12 =	sadd.s32 s0, s24;
	s0 =	sadd.s32 s18, s6;
	v40 =	vld [tilespmem:s20+$0xFFFFFF90]  }
0x17b: {  	v63 =	vld [tilespmem:s8+$0xFFFFFFD0];
	[tilespmem:s0+$0x0] =	vst v19;
	v33 =	vadd.f32 v33, v27  }
0x17c: {  	v58 =	vld [tilespmem:s31+$0x10]  }
0x17d: {  	v41 =	vld [tilespmem:s20+$0x10];
	v59 =	vadd.f32 v37, v35;
	[tilespmem:s25+$0x20] =	vst v33  }
0x17e: {  	v60 =	vld [tilespmem:s31+$0xB0]  }
0x17f: {  	[tilespmem:s26+$0x10] =	vst v59;
	v61 =	vld [tilespmem:s20+$0xB0]  }
0x180: {  	v62 =	vadd.f32 v40, v38;
	v44 =	vld [tilespmem:s31+$0xFFFFFF20]  }
0x181: {  	v45 =	vld [tilespmem:s20+$0xFFFFFF20]  }
0x182: {  	v27 =	vmul.f32 v21, v0;
	v21 =	vmul.f32 v32, v0;
	[tilespmem:s11+$0x10] =	vst v62;
	v32 =	vadd.f32 v41, v58  }
0x183: {  	v46 =	vld [tilespmem:s20+$0xFFFFFFA0]  }
0x184: {  	v33 =	vld [tilespmem:s31+$0xFFFFFFA0];
	[tilespmem:s0+$0x10] =	vst v32;
	v47 =	vadd.f32 v61, v60  }
0x185: {  	v48 =	vld [tilespmem:s31+$0x20]  }
0x186: {  	v30 =	vadd.f32 v63, v30;
	v49 =	vld [tilespmem:s20+$0x20];
	v50 =	vadd.f32 v45, v44;
	[tilespmem:s25+$0x30] =	vst v47  }
0x187: {  	v51 =	vld [tilespmem:s31+$0xC0]  }
0x188: {  	v30 =	vadd.f32 v30, v16;
	[tilespmem:s26+$0x20] =	vst v50;
	v52 =	vld [tilespmem:s20+$0xC0]  }
0x189: {  	v53 =	vadd.f32 v46, v33;
	v55 =	vld [tilespmem:s31+$0xFFFFFF30]  }
0x18a: {  	[tilespmem:s4+$0x10E00] =	vst v30;
	v30 =	vld [tilespmem:s20+$0xFFFFFF30]  }
0x18b: {  	v54 =	vld [tilespmem:s2+$0x50];
	[tilespmem:s11+$0x20] =	vst v53;
	v56 =	vadd.f32 v49, v48  }
0x18c: {  	v57 =	vld [tilespmem:s31+$0xFFFFFFB0]  }
0x18d: {  	v58 =	vld [tilespmem:s20+$0xFFFFFFB0];
	[tilespmem:s0+$0x20] =	vst v56;
	v59 =	vadd.f32 v52, v51  }
0x18e: {  	v60 =	vld [tilespmem:s31+$0x30]  }
0x18f: {  	v61 =	vld [tilespmem:s20+$0x30];
	v30 =	vadd.f32 v30, v55;
	[tilespmem:s25+$0x40] =	vst v59  }
0x190: {  	v32 =	vld [tilespmem:s31+$0xD0]  }
0x191: {  	s3 =	sadd.s32 s24, s3;
	[tilespmem:s26+$0x30] =	vst v30;
	v62 =	vld [tilespmem:s20+$0xD0]  }
0x192: {  	s18 =	sadd.s32 $0x100, s3;
	s5 =	sor.u32 $0x400, s12;
	v30 =	vadd.f32 v58, v57;
	v44 =	vld [tilespmem:s31+$0xFFFFFF40]  }
0x193: {  	s6 =	sor.u32 $0x400, s18;
	[smem:$0x7E6] =	sst s5;
	v45 =	vld [tilespmem:s20+$0xFFFFFF40]  }
0x194: {  	s17 =	sor.u32 $0x410, s18;
	[smem:$0x7E8] =	sst s6;
	v63 =	vld [tilespmem:s8+$0x50];
	[tilespmem:s11+$0x30] =	vst v30;
	v30 =	vadd.f32 v61, v60  }
0x195: {  	[smem:$0x7EA] =	sst s17;
	s5 =	sor.u32 $0x410, s12;
	v46 =	vld [tilespmem:s31+$0xFFFFFFC0]  }
0x196: {  	s6 =	sor.u32 $0x420, s12;
	[smem:$0x7E9] =	sst s5;
	v47 =	vld [tilespmem:s20+$0xFFFFFFC0];
	[tilespmem:s0+$0x30] =	vst v30;
	v30 =	vadd.f32 v62, v32  }
0x197: {  	s17 =	sor.u32 $0x420, s18;
	[smem:$0x7EB] =	sst s6;
	v48 =	vld [tilespmem:s31+$0x40]  }
0x198: {  	[smem:$0x7ED] =	sst s17;
	s5 =	sor.u32 $0x430, s12;
	v49 =	vld [tilespmem:s20+$0x40];
	[tilespmem:s25+$0x50] =	vst v30;
	v30 =	vadd.f32 v45, v44  }
0x199: {  	s3 =	sor.u32 $0x440, s18;
	s17 =	sor.u32 $0x440, s12;
	[smem:$0x7EE] =	sst s5;
	v50 =	vld [tilespmem:s31+$0xE0]  }
0x19a: {  	s29 =	sor.u32 $0x470, s18;
	s6 =	sor.u32 $0x430, s18;
	[dreg:$0x11] =	wrdreg s17;
	v33 =	vadd.f32 v63, v54;
	v51 =	vld [tilespmem:s20+$0xE0];
	[tilespmem:s26+$0x40] =	vst v30  }
0x19b: {  	s5 =	sor.u32 $0x450, s18;
	s17 =	sor.u32 $0x460, s18;
	s18 =	smov.u32 s14;
	v30 =	vadd.f32 v47, v46;
	v53 =	vld [tilespmem:s31+$0xFFFFFF50]  }
0x19c: {  	[smem:$0x7E7] =	sst s18;
	v33 =	vadd.f32 v33, v17;
	v54 =	vld [tilespmem:s20+$0xFFFFFF50]  }
0x19d: {  	s18 =	rddreg [dreg:$0x9];
	v52 =	vld [tilespmem:s2+$0xFFFFFF60];
	[tilespmem:s11+$0x40] =	vst v30;
	v30 =	vadd.f32 v49, v48  }
0x19e: {  	[tilespmem:s18+$0x10E00] =	vst v33;
	v55 =	vld [tilespmem:s31+$0xFFFFFFD0]  }
0x19f: {  	v56 =	vld [tilespmem:s20+$0xFFFFFFD0];
	[tilespmem:s0+$0x40] =	vst v30;
	v30 =	vadd.f32 v51, v50  }
0x1a0: {  	v57 =	vld [tilespmem:s31+$0x50]  }
0x1a1: {  	v58 =	vld [tilespmem:s20+$0x50];
	[tilespmem:s25+$0x60] =	vst v30;
	v30 =	vadd.f32 v54, v53  }
0x1a2: {  	v59 =	vld [tilespmem:s31+$0xF0]  }
0x1a3: {  	v60 =	vld [tilespmem:s20+$0xF0];
	[tilespmem:s26+$0x50] =	vst v30  }
0x1a4: {  	v30 =	vadd.f32 v56, v55;
	v61 =	vld [tilespmem:s8+$0xFFFFFF60]  }
0x1a5: {  	v62 =	vld [tilespmem:s31+$0xFFFFFF60]  }
0x1a6: {  	v63 =	vld [tilespmem:s20+$0xFFFFFF60];
	[tilespmem:s11+$0x50] =	vst v30;
	v30 =	vadd.f32 v58, v57  }
0x1a7: {  	v41 =	vld [tilespmem:s31+$0xFFFFFFE0]  }
0x1a8: {  	v42 =	vld [tilespmem:s20+$0xFFFFFFE0];
	[tilespmem:s0+$0x50] =	vst v30;
	v30 =	vadd.f32 v60, v59  }
0x1a9: {  	v43 =	vld [tilespmem:s31+$0x60]  }
0x1aa: {  	v31 =	vmul.f32 v28, v4;
	s2 =	sadd.s32 $0x200, s2;
	v44 =	vld [tilespmem:s20+$0x60];
	v32 =	vadd.f32 v61, v52;
	[tilespmem:s25+$0x70] =	vst v30  }
0x1ab: {  	s8 =	sadd.s32 $0x200, s8;
	v30 =	vadd.f32 v63, v62;
	v45 =	vld [tilespmem:s2+$0x80]  }
0x1ac: {  	v32 =	vadd.f32 v32, v12;
	v12 =	vmov v31;
	v31 =	vld [tilespmem:s8+$0x80]  }
0x1ad: {  	s9 =	sadd.s32 $0x4, s9;
	v46 =	vld [tilespmem:s1+$0xFFFFFFE0];
	[tilespmem:s26+$0x60] =	vst v30;
	v30 =	vadd.f32 v42, v41  }
0x1ae: {  	s25 =	sand.u32 $0x7, s9;
	v47 =	vld [tilespmem:s31+$0xFFFFFF70];
	[tilespmem:s15+$0x10E00] =	vst v32  }
0x1af: {  	s4 =	sshll.u32 s25, $0x7;
	[tilespmem:s11+$0x60] =	vst v30;
	v30 =	vadd.f32 v44, v43;
	v32 =	vld [tilespmem:s20+$0xFFFFFF70]  }
0x1b0: {  	[smem:$0x7EC] =	sst s17;
	s17 =	smov.u32 s29;
	s4 =	sadd.s32 s4, s24;
	v48 =	vld [tilespmem:s31+$0xFFFFFFF0]  }
0x1b1: {  	s29 =	smov.u32 s19;
	s19 =	smov.u32 s5;
	s16 =	sadd.s32 $0x180, s4;
	v49 =	vld [tilespmem:s20+$0xFFFFFFF0];
	[tilespmem:s0+$0x60] =	vst v30;
	v30 =	vadd.f32 v31, v45  }
0x1b2: {  	[dreg:$0x9] =	wrdreg s19;
	s19 =	sadd.s32 $0x80, s4;
	s4 =	sor.u32 $0x400, s16;
	v31 =	vld [tilespmem:s31+$0x70]  }
0x1b3: {  	v50 =	vld [tilespmem:s20+$0x70];
	[tilespmem:s4+$0x10E00] =	vst v30  }
0x1b4: {  	v30 =	vadd.f32 v32, v47;
	v51 =	vld [tilespmem:s2+$0x90]  }
0x1b5: {  	v52 =	vld [tilespmem:s8+$0x90]  }
0x1b6: {  	v53 =	vld [tilespmem:s13+$0xFFFFFFE0];
	[tilespmem:s26+$0x70] =	vst v30;
	v30 =	vadd.f32 v49, v48  }
0x1b7: {  	v54 =	vld [tilespmem:s2+$0xFFFFFF00]  }
0x1b8: {  	v55 =	vld [tilespmem:s8+$0xFFFFFF00];
	[tilespmem:s11+$0x70] =	vst v30;
	v30 =	vadd.f32 v50, v31  }
0x1b9: {  	v31 =	vld [tilespmem:s2+$0xFFFFFF80]  }
0x1ba: {  	v56 =	vld [tilespmem:s8+$0xFFFFFF80];
	[tilespmem:s0+$0x70] =	vst v30;
	v30 =	vadd.f32 v52, v51  }
0x1bb: {  	s26 =	sor.u32 $0x410, s16;
	v57 =	vld [tilespmem:s2+$0x0]  }
0x1bc: {  	v29 =	vmul.f32 v22, v4;
	v33 =	vadd.f32 v53, v46;
	s11 =	sld [smem:$0x7E6];
	v58 =	vld [tilespmem:s8+$0x0];
	[tilespmem:s26+$0x10E00] =	vst v30  }
0x1bd: {  	v30 =	vadd.f32 v55, v54;
	v59 =	vld [tilespmem:s2+$0xA0]  }
0x1be: {  	[dreg:$0x1a] =	wrdreg s6;
	s6 =	sor.u32 $0x460, s12;
	v33 =	vadd.f32 v33, v13;
	v13 =	vmov v29;
	v29 =	vld [tilespmem:s8+$0xA0]  }
0x1bf: {  	s18 =	smov.u32 s6;
	s14 =	sor.u32 $0x400, s19;
	s15 =	sor.u32 $0x460, s19;
	[tilespmem:s11+$0x10E00] =	vst v30;
	v30 =	vadd.f32 v56, v31;
	v31 =	vld [tilespmem:s1+$0x60]  }
0x1c0: {  	[tilespmem:s7+$0x10E00] =	vst v33;
	s7 =	smov.u32 s15;
	s15 =	smov.u32 s18;
	s18 =	sld [smem:$0x7E8];
	v60 =	vld [tilespmem:s2+$0xFFFFFF10]  }
0x1c1: {  	v61 =	vld [tilespmem:s8+$0xFFFFFF10];
	[tilespmem:s14+$0x10E00] =	vst v30;
	v30 =	vadd.f32 v58, v57  }
0x1c2: {  	v62 =	vld [tilespmem:s2+$0xFFFFFF90]  }
0x1c3: {  	v63 =	vld [tilespmem:s8+$0xFFFFFF90];
	[tilespmem:s18+$0x10E00] =	vst v30  }
0x1c4: {  	v29 =	vadd.f32 v29, v59;
	v30 =	vld [tilespmem:s2+$0x10]  }
0x1c5: {  	s26 =	sor.u32 $0x420, s16;
	s11 =	sld [smem:$0x7E9];
	v40 =	vld [tilespmem:s8+$0x10]  }
0x1c6: {  	v43 =	vld [tilespmem:s13+$0x60];
	[tilespmem:s26+$0x10E00] =	vst v29;
	v29 =	vadd.f32 v61, v60  }
0x1c7: {  	v41 =	vld [tilespmem:s2+$0xB0]  }
0x1c8: {  	s30 =	sor.u32 $0x450, s12;
	s12 =	sor.u32 $0x470, s12;
	v42 =	vld [tilespmem:s8+$0xB0];
	[tilespmem:s11+$0x10E00] =	vst v29;
	v29 =	vadd.f32 v63, v62  }
0x1c9: {  	[dreg:$0x18] =	wrdreg s12;
	s12 =	sor.u32 $0x410, s19;
	v44 =	vld [tilespmem:s2+$0xFFFFFF20]  }
0x1ca: {  	v45 =	vld [tilespmem:s8+$0xFFFFFF20];
	[tilespmem:s12+$0x10E00] =	vst v29;
	s12 =	sld [smem:$0x7EA]  }
0x1cb: {  	v29 =	vadd.f32 v40, v30  }
0x1cc: {  	v30 =	vld [tilespmem:s2+$0xFFFFFFA0]  }
0x1cd: {  	v26 =	vmul.f32 v28, v1;
	v46 =	vld [tilespmem:s8+$0xFFFFFFA0];
	[tilespmem:s12+$0x10E00] =	vst v29;
	v29 =	vadd.f32 v42, v41  }
0x1ce: {  	v23 =	vmul.f32 v28, v2;
	v18 =	vmul.f32 v28, v3;
	s18 =	sor.u32 $0x430, s16;
	s26 =	sld [smem:$0x7EB];
	v47 =	vld [tilespmem:s2+$0x20]  }
0x1cf: {  	v28 =	vmul.f32 v20, v4;
	v31 =	vadd.f32 v43, v31;
	v48 =	vld [tilespmem:s8+$0x20];
	[tilespmem:s18+$0x10E00] =	vst v29;
	v29 =	vadd.f32 v45, v44  }
0x1d0: {  	v49 =	vld [tilespmem:s2+$0xC0]  }
0x1d1: {  	v31 =	vadd.f32 v31, v15;
	v15 =	vmov v28;
	v28 =	vld [tilespmem:s8+$0xC0];
	[tilespmem:s26+$0x10E00] =	vst v29  }
0x1d2: {  	s11 =	rddreg [dreg:$0x19];
	v29 =	vadd.f32 v46, v30;
	v30 =	vld [tilespmem:s1+$0xFFFFFF70]  }
0x1d3: {  	s25 =	sor.u32 $0x420, s19;
	[tilespmem:s11+$0x10E00] =	vst v31;
	s18 =	sld [smem:$0x7ED];
	v50 =	vld [tilespmem:s2+$0xFFFFFF30]  }
0x1d4: {  	v31 =	vld [tilespmem:s8+$0xFFFFFF30];
	[tilespmem:s25+$0x10E00] =	vst v29;
	v29 =	vadd.f32 v48, v47  }
0x1d5: {  	v51 =	vld [tilespmem:s2+$0xFFFFFFB0]  }
0x1d6: {  	v52 =	vld [tilespmem:s8+$0xFFFFFFB0];
	[tilespmem:s18+$0x10E00] =	vst v29;
	v28 =	vadd.f32 v28, v49;
	v29 =	vmul.f32 v5, v2  }
0x1d7: {  	v53 =	vld [tilespmem:s2+$0x30]  }
0x1d8: {  	v54 =	vld [tilespmem:s8+$0x30];
	v28 =	vadd.f32 v28, v29  }
0x1d9: {  	s26 =	sld [smem:$0x7EE];
	s25 =	sor.u32 $0x440, s16;
	v29 =	vadd.f32 v31, v50;
	v31 =	vld [tilespmem:s13+$0xFFFFFF70]  }
0x1da: {  	[tilespmem:s25+$0x10E00] =	vst v28;
	v28 =	vld [tilespmem:s1+$0xFFFFFFF0]  }
0x1db: {  	v55 =	vld [tilespmem:s2+$0xD0]  }
0x1dc: {  	[tilespmem:s26+$0x10E00] =	vst v29;
	v29 =	vadd.f32 v52, v51;
	v56 =	vld [tilespmem:s8+$0xD0]  }
0x1dd: {  	s5 =	sor.u32 $0x430, s19;
	v57 =	vld [tilespmem:s2+$0xFFFFFF40]  }
0x1de: {  	v58 =	vld [tilespmem:s8+$0xFFFFFF40];
	[tilespmem:s5+$0x10E00] =	vst v29;
	v29 =	vadd.f32 v54, v53;
	v30 =	vadd.f32 v31, v30  }
0x1df: {  	s5 =	rddreg [dreg:$0x1a];
	v31 =	vld [tilespmem:s2+$0xFFFFFFC0]  }
0x1e0: {  	[tilespmem:s5+$0x10E00] =	vst v29;
	v29 =	vld [tilespmem:s8+$0xFFFFFFC0];
	v30 =	vadd.f32 v30, v10  }
0x1e1: {  	v59 =	vmul.f32 v5, v3;
	s12 =	sld [smem:$0x7EC];
	v10 =	vmov v26;
	v26 =	vld [tilespmem:s2+$0x40];
	v32 =	vadd.f32 v56, v55  }
0x1e2: {  	v60 =	vld [tilespmem:s8+$0x40];
	v30 =	vadd.f32 v30, v14  }
0x1e3: {  	v61 =	vld [tilespmem:s13+$0xFFFFFFF0];
	v14 =	vmov v27;
	v27 =	vadd.f32 v58, v57;
	v32 =	vadd.f32 v32, v59  }
0x1e4: {  	s28 =	sadd.s32 $0x4, s28;
	s11 =	smov.u32 s12;
	s12 =	sor.u32 $0x450, s16;
	v62 =	vld [tilespmem:s1+$0x70]  }
0x1e5: {  	p1 =	slt.u32 s28, $0x7C;
	v25 =	vmul.f32 v22, v2;
	s18 =	rddreg [dreg:$0xa];
	v27 =	vadd.f32 v27, v23;
	v29 =	vadd.f32 v29, v31;
	v31 =	vld [tilespmem:s13+$0x70];
	[tilespmem:s12+$0x10E00] =	vst v32  }
.Ltmp0:
0x1e6: {  	v36 =	vmul.f32 v22, v3;
	s26 =	rddreg [dreg:$0x11];
	[tilespmem:s18+$0x10E00] =	vst v30;
	v23 =	vld [tilespmem:s2+$0xE0];
	(pc) =	sbr.rel @p1 .LBB2_2-.Ltmp0, $4  }
0x1e7: {  	v24 =	vmul.f32 v20, v2;
	s6 =	sor.u32 $0x440, s19;
	[tilespmem:s26+$0x10E00] =	vst v27;
	v27 =	vadd.f32 v29, v25;
	v29 =	vadd.f32 v60, v26;
	v25 =	vld [tilespmem:s8+$0xE0]  }
0x1e8: {  	v22 =	vmul.f32 v22, v1;
	v39 =	vmul.f32 v20, v3;
	s31 =	sadd.s32 $0x200, s31;
	s14 =	smov.u32 s17;
	s17 =	sld [smem:$0x7E7];
	v63 =	vadd.f32 v61, v28;
	v26 =	vld [tilespmem:s2+$0xFFFFFF50]  }
0x1e9: {  	v19 =	vmul.f32 v34, v0;
	v20 =	vmul.f32 v20, v1;
	s4 =	sor.u32 $0x450, s19;
	s19 =	sor.u32 $0x470, s19;
	s25 =	rddreg [dreg:$0x18];
	v28 =	vld [tilespmem:s8+$0xFFFFFF50];
	[tilespmem:s6+$0x10E00] =	vst v27;
	v29 =	vadd.f32 v29, v24  }
0x1ea: {  	v16 =	vmovc v36;
	v17 =	vmovc v39;
	s5 =	smov.u32 s25;
	s1 =	smov.u32 s2;
	s13 =	smov.u32 s8;
	v24 =	vadd.f32 v63, v11;
	v11 =	vmov v22;
	v30 =	vld [tilespmem:s2+$0xFFFFFFD0];
	v27 =	vadd.f32 v31, v62  }
0x1eb: {  	[tilespmem:s3+$0x10E00] =	vst v29;
	v22 =	vld [tilespmem:s8+$0xFFFFFFD0]  }
0x1ec: {  	v29 =	vld [tilespmem:s2+$0x50]  }
0x1ed: {  	v31 =	vld [tilespmem:s8+$0x50]  }
0x1ee: {  	v26 =	vadd.f32 v28, v26;
	_ =	sdelay $0x1  }
0x1ef: {  	v18 =	vadd.f32 v26, v18;
	v22 =	vadd.f32 v22, v30;
	_ =	sdelay $0x1  }
0x1f0: {  	v41 =	vadd.f32 v31, v29;
	[tilespmem:s30+$0x10E00] =	vst v18;
	v16 =	vadd.f32 v22, v16  }
0x1f1: {  	v42 =	vld [tilespmem:s2+$0xFFFFFF60]  }
0x1f2: {  	v43 =	vadd.f32 v41, v17;
	v44 =	vld [tilespmem:s8+$0xFFFFFF60];
	[tilespmem:s4+$0x10E00] =	vst v16  }
0x1f3: {  	v45 =	vld [tilespmem:s1+$0xFFFFFFE0];
	s0 =	rddreg [dreg:$0x9]  }
0x1f4: {  	v46 =	vld [tilespmem:s13+$0xFFFFFFE0];
	[tilespmem:s0+$0x10E00] =	vst v43  }
0x1f5: {  	v47 =	vmul.f32 v5, v4;
	v23 =	vadd.f32 v25, v23;
	v48 =	vld [tilespmem:s1+$0x60]  }
0x1f6: {  	v49 =	vld [tilespmem:s13+$0x60]  }
0x1f7: {  	v23 =	vadd.f32 v23, v47;
	v17 =	vadd.f32 v44, v42  }
0x1f8: {  	s30 =	sor.u32 $0x460, s16  }
0x1f9: {  	[tilespmem:s30+$0x10E00] =	vst v23;
	v12 =	vadd.f32 v17, v12;
	v16 =	vadd.f32 v46, v45  }
0x1fa: {  	v50 =	vld [tilespmem:s2+$0xF0]  }
0x1fb: {  	v51 =	vld [tilespmem:s8+$0xF0];
	[tilespmem:s15+$0x10E00] =	vst v12;
	v52 =	vadd.f32 v16, v13;
	v53 =	vadd.f32 v49, v48  }
0x1fc: {  	v54 =	vld [tilespmem:s1+$0xFFFFFF70]  }
0x1fd: {  	v56 =	vld [tilespmem:s13+$0xFFFFFF70];
	[tilespmem:s7+$0x10E00] =	vst v52;
	v55 =	vadd.f32 v53, v15  }
0x1fe: {  	v57 =	vld [tilespmem:s1+$0xFFFFFFF0]  }
0x1ff: {  	v58 =	vld [tilespmem:s13+$0xFFFFFFF0];
	[tilespmem:s11+$0x10E00] =	vst v55  }
0x200: {  	v59 =	vld [tilespmem:s1+$0x70]  }
0x201: {  	v60 =	vld [tilespmem:s13+$0x70]  }
0x202: {  	v7 =	vadd.f32 v27, v7  }
0x203: {  	v5 =	vmul.f32 v5, v1;
	v8 =	vadd.f32 v24, v8;
	v17 =	vadd.f32 v51, v50  }
0x204: {  	v7 =	vadd.f32 v7, v9;
	v61 =	vadd.f32 v56, v54  }
0x205: {  	v6 =	vmul.f32 v6, v0;
	v5 =	vadd.f32 v17, v5;
	v12 =	vadd.f32 v58, v57  }
0x206: {  	v9 =	vadd.f32 v61, v10;
	v62 =	vadd.f32 v60, v59  }
0x207: {  	p1 =	por $0x1, $0x1;
	[tilespmem:s29+$0x10E00] =	vst v8;
	v5 =	vadd.f32 v5, v6;
	v6 =	vadd.f32 v12, v11  }
.Ltmp1:
0x208: {  	s31 =	sor.u32 $0x470, s16;
	[tilespmem:s17+$0x10E00] =	vst v7;
	v7 =	vadd.f32 v9, v14;
	v63 =	vadd.f32 v62, v20;
	(pc) =	sbr.rel @!p1 .LBB2_4-.Ltmp1, $4  }
0x209: {  	[tilespmem:s31+$0x10E00] =	vst v5;
	v5 =	vadd.f32 v6, v21  }
0x20a: {  	[tilespmem:s5+$0x10E00] =	vst v7;
	v6 =	vadd.f32 v63, v19  }
0x20b: {  	s10 =	simm.s32 $0x0;
	s3 =	simm.s32 $0x100;
	[tilespmem:s19+$0x10E00] =	vst v5  }
0x20c: {  	p0 =	por $0x0, $0x0;
	s4 =	sand.u32 $0x380, s10;
	s0 =	sand.u32 $0x7800, s10;
	v5 =	vimm.f32 $0.0e+00;
	[tilespmem:s14+$0x10E00] =	vst v6  }
0x20d: {  	s2 =	sor.u32 s4, s0  }
0x20e: {  	s1 =	sadd.s32 $0x10E00, s2;
	v6 =	vld [tilespmem:s2+$0x10E00]  }
0x20f: {  	v7 =	vld [tilespmem:s1+$0x470]  }
0x210: {  	v8 =	vld [tilespmem:s1+$0x10]  }
0x211: {  	v11 =	vld [tilespmem:s1+$0x20]  }
0x212: {  	v12 =	vld [tilespmem:s1+$0x30]  }
0x213: {  	v13 =	vld [tilespmem:s1+$0x40]  }
0x214: {  	v15 =	vld [tilespmem:s1+$0x50]  }
0x215: {  	v17 =	vld [tilespmem:s1+$0x60]  }
0x216: {  	v18 =	vld [tilespmem:s1+$0x70]  }
0x217: {  	v19 =	vld [tilespmem:s1+$0x400];
	v9 =	vadd.f32 v6, v5  }
0x218: {  	p2 =	por $0x1, $0x1;
	v14 =	vadd.f32 v7, v5;
	v10 =	vadd.f32 v8, v5  }
.Ltmp2:
0x219: {  	v26 =	vld [tilespmem:s1+$0x410];
	v6 =	vadd.f32 v11, v5;
	v16 =	vadd.f32 v12, v5;
	(pc) =	sbr.rel @!p2 .LBB2_6-.Ltmp2, $4  }
0x21a: {  	v24 =	vld [tilespmem:s1+$0x420];
	v7 =	vadd.f32 v13, v5;
	v8 =	vadd.f32 v15, v5  }
0x21b: {  	s5 =	sand.u32 $0x7800, s3;
	v23 =	vimm.f32 $0.0e+00;
	v27 =	vld [tilespmem:s1+$0x430];
	v20 =	vadd.f32 v17, v5;
	v21 =	vadd.f32 v18, v5  }
0x21c: {  	s3 =	simm.s32 $0x200;
	p1 =	por $0x1, $0x1;
	s2 =	simm.s32 $0x80;
	v29 =	vld [tilespmem:s1+$0x440];
	v22 =	vadd.f32 v19, v5;
	v15 =	vimm.f32 $0.0e+00;
	v13 =	vimm.f32 $0.0e+00  }
0x21d: {  	s6 =	simm.s32 $0x2;
	s7 =	simm.s32 $0x80;
	s4 =	sand.u32 $0x380, s2;
	v30 =	vld [tilespmem:s1+$0x450];
	v17 =	vimm.f32 $0.0e+00;
	v19 =	vimm.f32 $0.0e+00;
	v18 =	vimm.f32 $0.0e+00  }
.LBB2_7:
0x21e: {  	p2 =	sne.s32 s3, $0x7F00;
	s4 =	sor.u32 s4, s5;
	v15 =	vadd.f32 v26, v15;
	v11 =	vld [tilespmem:s1+$0x460]  }
0x21f: {  	s1 =	sadd.s32 $0x10E00, s4;
	v12 =	vld [tilespmem:s4+$0x10E00];
	v13 =	vadd.f32 v24, v13  }
0x220: {  	v24 =	vld [tilespmem:s1+$0x470];
	v17 =	vadd.f32 v27, v17  }
0x221: {  	v25 =	vld [tilespmem:s1+$0x10];
	v19 =	vadd.f32 v29, v19  }
0x222: {  	v26 =	vld [tilespmem:s1+$0x20];
	v18 =	vadd.f32 v30, v18  }
0x223: {  	v27 =	vld [tilespmem:s1+$0x30];
	v23 =	vadd.f32 v11, v23  }
0x224: {  	v9 =	vadd.f32 v12, v9;
	v11 =	vld [tilespmem:s1+$0x40]  }
0x225: {  	v12 =	vld [tilespmem:s1+$0x50];
	v14 =	vadd.f32 v24, v14  }
0x226: {  	v10 =	vadd.f32 v25, v10;
	v25 =	vld [tilespmem:s1+$0x60]  }
0x227: {  	v6 =	vadd.f32 v26, v6;
	v28 =	vld [tilespmem:s1+$0x70]  }
0x228: {  	v16 =	vadd.f32 v27, v16;
	v30 =	vld [tilespmem:s1+$0x400]  }
.Ltmp3:
0x229: {  	v7 =	vadd.f32 v11, v7;
	v26 =	vld [tilespmem:s1+$0x410];
	(pc) =	sbr.rel @p2 .LBB2_7-.Ltmp3, $4  }
0x22a: {  	v8 =	vadd.f32 v12, v8;
	v24 =	vld [tilespmem:s1+$0x420]  }
0x22b: {  	v20 =	vadd.f32 v25, v20;
	v27 =	vld [tilespmem:s1+$0x430]  }
0x22c: {  	s2 =	sadd.s32 $0x80, s2;
	v21 =	vadd.f32 v28, v21;
	v29 =	vld [tilespmem:s1+$0x440]  }
0x22d: {  	s5 =	sand.u32 $0x7800, s3;
	s3 =	sadd.s32 $0x100, s3;
	s4 =	sand.u32 $0x380, s2;
	v22 =	vadd.f32 v30, v22;
	v30 =	vld [tilespmem:s1+$0x450]  }
.LBB2_8:
0x22e: {  	s2 =	sor.u32 s4, s5;
	v50 =	vld @p1 [tilespmem:s1+$0x460]  }
0x22f: {  	s20 =	sadd.s32 $0x10E00, s2;
	v48 =	vld [tilespmem:s2+$0x10E00]  }
0x230: {  	v49 =	vld [tilespmem:s20+$0x470]  }
0x231: {  	v47 =	vld [tilespmem:s20+$0x10]  }
0x232: {  	v44 =	vld [tilespmem:s20+$0x20]  }
0x233: {  	v45 =	vld [tilespmem:s20+$0x30]  }
0x234: {  	v43 =	vld [tilespmem:s20+$0x40]  }
0x235: {  	v41 =	vld [tilespmem:s20+$0x50]  }
0x236: {  	v42 =	vld [tilespmem:s20+$0x60]  }
0x237: {  	v38 =	vld [tilespmem:s20+$0x70]  }
0x238: {  	v36 =	vld [tilespmem:s20+$0x400]  }
0x239: {  	v34 =	vld [tilespmem:s20+$0x410]  }
0x23a: {  	v33 =	vld [tilespmem:s20+$0x420]  }
0x23b: {  	s21 =	sld [smem:$0x7FA];
	v32 =	vld [tilespmem:s20+$0x430]  }
0x23c: {  	v31 =	vld [tilespmem:s20+$0x440]  }
0x23d: {  	s22 =	simm.s32 $0x10E00;
	v25 =	vld [tilespmem:s20+$0x450]  }
0x23e: {  	v28 =	vld [tilespmem:s20+$0x460];
	[hbm4b:s21+s10] =	stream.linear.scatter [tilespmem:s22], [sflag:$0x2], $0x8000, $0x38  }
0x23f: {  	_ =	swait.ge [sflag:s6], $0x8000  }
0x240: {  	[sflag:s6] =	ssyncset.done $0x0  }
0x241: {  	s25 =	sld [smem:$0x7F0];
	[sflag:s6] =	ssyncadd.s32 $0xFFFF8000  }
0x242: {  	s24 =	simm.s32 $0xE00;
	s21 =	simm.s32 $0x180;
	s23 =	rddreg [dreg:$0x5]  }
0x243: {  	[tilespmem:s24], [sflag:$0x1] =	stream.indirect.gather [hbm4b:s23+s7], $0x80, s21, s7, $0xb8;
	[tilespmem:$0x18F00] =	vst v63  }
0x244: {  	s26 =	simm.s32 $0x4E00;
	s3 =	simm.s32 $0x580  }
0x245: {  	[tilespmem:s26], [sflag:$0x1] =	stream.indirect.gather [hbm4b:s25+s7], $0x80, s3, s7, $0xb8;
	[tilespmem:$0x18F00] =	vst v63  }
0x246: {  	s4 =	simm.s32 $0x780;
	s5 =	sld [smem:$0x7F1];
	s3 =	simm.s32 $0x8E00  }
0x247: {  	[tilespmem:s3], [sflag:$0x1] =	stream.indirect.gather [hbm4b:s25+s7], $0x80, s4, s7, $0xb8;
	[tilespmem:$0x18F00] =	vst v63  }
0x248: {  	s8 =	simm.s32 $0x380;
	s9 =	simm.s32 $0x1;
	s6 =	simm.s32 $0xCE00  }
0x249: {  	[tilespmem:s6], [sflag:$0x1] =	stream.indirect.gather [hbm4b:s5+s7], $0x80, s8, s7, $0xb8;
	[tilespmem:$0x18F00] =	vst v63  }
0x24a: {  	_ =	swait.ge [sflag:s9], $0x4000  }
0x24b: {  	[sflag:s9] =	ssyncset.done $0x0  }
0x24c: {  	[sflag:s9] =	ssyncadd.s32 $0xFFFFC000  }
0x24d: {  	_ =	swait.ge [sflag:s9], $0x4000  }
0x24e: {  	[sflag:s9] =	ssyncset.done $0x0  }
0x24f: {  	[sflag:s9] =	ssyncadd.s32 $0xFFFFC000  }
0x250: {  	_ =	swait.ge [sflag:s9], $0x4000  }
0x251: {  	[sflag:s9] =	ssyncset.done $0x0  }
0x252: {  	[sflag:s9] =	ssyncadd.s32 $0xFFFFC000  }
0x253: {  	_ =	swait.ge [sflag:s9], $0x4000  }
0x254: {  	[sflag:s9] =	ssyncset.done $0x0  }
0x255: {  	s11 =	simm.s32 $0xF00;
	[sflag:s9] =	ssyncadd.s32 $0xFFFFC000  }
0x256: {  	s22 =	simm.s32 $0x4F00;
	v11 =	vld [tilespmem:s11+$0x80]  }
0x257: {  	v12 =	vld [tilespmem:s22+$0x80];
	_ =	sdelay $0x1  }
0x258: {  	v40 =	vld [tilespmem:s11+$0xFFFFFF00]  }
0x259: {  	v52 =	vld [tilespmem:s22+$0xFFFFFF00]  }
0x25a: {  	v53 =	vld [tilespmem:s11+$0xFFFFFF80]  }
0x25b: {  	s12 =	sadd.s32 $0x10E00, s0;
	s13 =	sand.u32 $0x380, s21;
	s23 =	simm.s32 $0x983;
	v54 =	vld [tilespmem:s22+$0xFFFFFF80];
	v35 =	vadd.f32 v12, v11  }
0x25c: {  	s2 =	simm.s32 $0xC03;
	s14 =	sadd.s32 s13, s12;
	v12 =	vld.msk [tilespmem:s23+$0x0 ss:$0x0], $0xffff  }
0x25d: {  	v11 =	vld.msk [tilespmem:s2+$0x0 ss:$0x0], $0xffff;
	[tilespmem:s14+$0x0] =	vst v35  }
0x25e: {  	v35 =	vld [tilespmem:s11+$0x90]  }
0x25f: {  	v39 =	vld [tilespmem:s22+$0x90]  }
0x260: {  	v55 =	vld [tilespmem:s11+$0x0]  }
0x261: {  	v56 =	vld [tilespmem:s22+$0x0]  }
0x262: {  	s15 =	simm.s32 $0x0;
	v51 =	vld.msk [tilespmem:s23+$0xFFFFFFFD ss:$0x0], $0xffff  }
0x263: {  	s0 =	sand.u32 $0x200, s15;
	v37 =	vld.msk [tilespmem:s2+$0xFFFFFFFD ss:$0x0], $0xffff;
	v40 =	vadd.f32 v52, v40  }
0x264: {  	s0 =	sadd.s32 s0, s12;
	v46 =	vld.msk [tilespmem:s23+$0xFFFFFFFE ss:$0x0], $0xffff;
	v57 =	vadd.f32 v39, v35  }
0x265: {  	[tilespmem:s0+$0x0] =	vst v40;
	v40 =	vld.msk [tilespmem:s23+$0xFFFFFFFF ss:$0x0], $0xffff  }
0x266: {  	v53 =	vadd.f32 v54, v53;
	v54 =	vld [tilespmem:s11+$0xFFFFFF10];
	[tilespmem:s14+$0x10] =	vst v57  }
0x267: {  	v52 =	vld [tilespmem:s11+$0xA0]  }
0x268: {  	s16 =	simm.s32 $0x80;
	v57 =	vld [tilespmem:s22+$0xA0]  }
0x269: {  	s3 =	sand.u32 $0x280, s16;
	v62 =	vld [tilespmem:s22+$0xFFFFFF10]  }
0x26a: {  	s17 =	simm.s32 $0x100;
	s3 =	sadd.s32 s3, s12;
	v39 =	vld.msk [tilespmem:s2+$0xFFFFFFFE ss:$0x0], $0xffff  }
0x26b: {  	s6 =	sand.u32 $0x300, s17;
	v61 =	vadd.f32 v56, v55;
	v35 =	vld.msk [tilespmem:s2+$0xFFFFFFFF ss:$0x0], $0xffff;
	[tilespmem:s3+$0x0] =	vst v53  }
0x26c: {  	s4 =	sadd.s32 s6, s12;
	v63 =	vld [tilespmem:s11+$0xFFFFFF90]  }
0x26d: {  	[tilespmem:s4+$0x0] =	vst v61;
	v60 =	vld [tilespmem:s22+$0xFFFFFF90];
	v52 =	vadd.f32 v57, v52  }
0x26e: {  	v61 =	vld [tilespmem:s11+$0x10]  }
0x26f: {  	v58 =	vld [tilespmem:s22+$0x10];
	[tilespmem:s14+$0x20] =	vst v52  }
0x270: {  	v62 =	vadd.f32 v62, v54;
	v54 =	vld [tilespmem:s11+$0xB0]  }
0x271: {  	v55 =	vld [tilespmem:s22+$0xB0]  }
0x272: {  	[tilespmem:s0+$0x10] =	vst v62;
	v63 =	vadd.f32 v60, v63  }
0x273: {  	v53 =	vld [tilespmem:s11+$0xFFFFFF20]  }
0x274: {  	v60 =	vld [tilespmem:s22+$0xFFFFFF20];
	v61 =	vadd.f32 v58, v61;
	[tilespmem:s3+$0x10] =	vst v63  }
0x275: {  	v62 =	vld [tilespmem:s11+$0xFFFFFFA0]  }
0x276: {  	[tilespmem:s4+$0x10] =	vst v61;
	v63 =	vld [tilespmem:s22+$0xFFFFFFA0];
	v59 =	vadd.f32 v55, v54  }
0x277: {  	v54 =	vld [tilespmem:s11+$0x20]  }
0x278: {  	v55 =	vld [tilespmem:s22+$0x20];
	[tilespmem:s14+$0x30] =	vst v59  }
0x279: {  	v60 =	vadd.f32 v60, v53;
	v53 =	vld [tilespmem:s11+$0xC0]  }
0x27a: {  	v61 =	vld [tilespmem:s22+$0xC0]  }
0x27b: {  	[tilespmem:s0+$0x20] =	vst v60;
	v62 =	vadd.f32 v63, v62  }
0x27c: {  	v57 =	vld [tilespmem:s11+$0xFFFFFF30]  }
0x27d: {  	v63 =	vld [tilespmem:s22+$0xFFFFFF30];
	[tilespmem:s3+$0x20] =	vst v62;
	v60 =	vadd.f32 v55, v54  }
0x27e: {  	v54 =	vld [tilespmem:s11+$0xFFFFFFB0]  }
0x27f: {  	v55 =	vld [tilespmem:s22+$0xFFFFFFB0];
	[tilespmem:s4+$0x20] =	vst v60;
	v61 =	vadd.f32 v61, v53  }
0x280: {  	v53 =	vld [tilespmem:s11+$0x30]  }
0x281: {  	v62 =	vld [tilespmem:s22+$0x30];
	[tilespmem:s14+$0x40] =	vst v61  }
0x282: {  	v63 =	vadd.f32 v63, v57;
	v57 =	vld [tilespmem:s11+$0xD0]  }
0x283: {  	v60 =	vld [tilespmem:s22+$0xD0]  }
0x284: {  	[tilespmem:s0+$0x30] =	vst v63;
	v61 =	vadd.f32 v55, v54  }
0x285: {  	v54 =	vld [tilespmem:s11+$0xFFFFFF40]  }
0x286: {  	v55 =	vld [tilespmem:s22+$0xFFFFFF40];
	[tilespmem:s3+$0x30] =	vst v61;
	v62 =	vadd.f32 v62, v53  }
0x287: {  	v53 =	vld [tilespmem:s11+$0xFFFFFFC0]  }
0x288: {  	v63 =	vld [tilespmem:s22+$0xFFFFFFC0];
	[tilespmem:s4+$0x30] =	vst v62;
	v60 =	vadd.f32 v60, v57  }
0x289: {  	v57 =	vld [tilespmem:s11+$0x40]  }
0x28a: {  	v61 =	vld [tilespmem:s22+$0x40];
	[tilespmem:s14+$0x50] =	vst v60  }
0x28b: {  	v62 =	vadd.f32 v55, v54;
	v54 =	vld [tilespmem:s11+$0xE0]  }
0x28c: {  	v55 =	vld [tilespmem:s22+$0xE0]  }
0x28d: {  	[tilespmem:s0+$0x40] =	vst v62;
	v63 =	vadd.f32 v63, v53  }
0x28e: {  	v53 =	vld [tilespmem:s11+$0xFFFFFF50]  }
0x28f: {  	v60 =	vld [tilespmem:s22+$0xFFFFFF50];
	[tilespmem:s3+$0x40] =	vst v63;
	v61 =	vadd.f32 v61, v57  }
0x290: {  	v62 =	vld [tilespmem:s11+$0xFFFFFFD0]  }
0x291: {  	v63 =	vld [tilespmem:s22+$0xFFFFFFD0];
	[tilespmem:s4+$0x40] =	vst v61;
	v59 =	vadd.f32 v55, v54  }
0x292: {  	v54 =	vld [tilespmem:s11+$0x50]  }
0x293: {  	v55 =	vld [tilespmem:s22+$0x50];
	[tilespmem:s14+$0x60] =	vst v59  }
0x294: {  	v60 =	vadd.f32 v60, v53;
	v53 =	vld [tilespmem:s11+$0xF0]  }
0x295: {  	v61 =	vld [tilespmem:s22+$0xF0]  }
0x296: {  	[tilespmem:s0+$0x50] =	vst v60;
	v62 =	vadd.f32 v63, v62  }
0x297: {  	v57 =	vld [tilespmem:s11+$0xFFFFFF60]  }
0x298: {  	v63 =	vld [tilespmem:s22+$0xFFFFFF60];
	[tilespmem:s3+$0x50] =	vst v62;
	v60 =	vadd.f32 v55, v54  }
0x299: {  	v54 =	vld [tilespmem:s11+$0xFFFFFFE0]  }
0x29a: {  	v55 =	vld [tilespmem:s22+$0xFFFFFFE0];
	[tilespmem:s4+$0x50] =	vst v60;
	v61 =	vadd.f32 v61, v53  }
0x29b: {  	v53 =	vld [tilespmem:s11+$0x60]  }
0x29c: {  	s8 =	simm.s32 $0xCF00;
	v62 =	vld [tilespmem:s22+$0x60];
	[tilespmem:s14+$0x70] =	vst v61  }
0x29d: {  	s9 =	simm.s32 $0x8F00;
	v63 =	vadd.f32 v63, v57;
	v57 =	vld [tilespmem:s8+$0x80]  }
0x29e: {  	v60 =	vld [tilespmem:s9+$0x80]  }
0x29f: {  	[tilespmem:s0+$0x60] =	vst v63;
	v61 =	vadd.f32 v55, v54  }
0x2a0: {  	s18 =	sand.u32 $0x7, s10;
	v54 =	vld [tilespmem:s11+$0xFFFFFF70]  }
0x2a1: {  	s5 =	sshll.u32 s18, $0x7;
	v55 =	vld [tilespmem:s22+$0xFFFFFF70];
	[tilespmem:s3+$0x60] =	vst v61;
	v62 =	vadd.f32 v62, v53  }
0x2a2: {  	s5 =	sadd.s32 $0x0, s5;
	v53 =	vld [tilespmem:s11+$0xFFFFFFF0]  }
0x2a3: {  	s29 =	sadd.s32 $0x180, s5;
	v63 =	vld [tilespmem:s22+$0xFFFFFFF0];
	[tilespmem:s4+$0x60] =	vst v62;
	v60 =	vadd.f32 v60, v57  }
0x2a4: {  	s19 =	sor.u32 $0x400, s29;
	v57 =	vld [tilespmem:s11+$0x70]  }
0x2a5: {  	v61 =	vld [tilespmem:s22+$0x70];
	[tilespmem:s19+$0x10E00] =	vst v60  }
0x2a6: {  	v62 =	vadd.f32 v55, v54;
	v54 =	vld [tilespmem:s8+$0x90]  }
0x2a7: {  	v55 =	vld [tilespmem:s9+$0x90]  }
0x2a8: {  	[tilespmem:s0+$0x70] =	vst v62;
	v63 =	vadd.f32 v63, v53  }
0x2a9: {  	v53 =	vld [tilespmem:s8+$0xFFFFFF00]  }
0x2aa: {  	v60 =	vld [tilespmem:s9+$0xFFFFFF00];
	[tilespmem:s3+$0x70] =	vst v63;
	v61 =	vadd.f32 v61, v57  }
0x2ab: {  	v62 =	vld [tilespmem:s8+$0xFFFFFF80]  }
0x2ac: {  	s0 =	simm.s32 $0x1;
	v63 =	vld [tilespmem:s9+$0xFFFFFF80];
	[tilespmem:s4+$0x70] =	vst v61;
	v59 =	vadd.f32 v55, v54  }
0x2ad: {  	s20 =	sor.u32 $0x410, s29;
	s0 =	simm.s32 @!p0 $0x0;
	v54 =	vld [tilespmem:s8+$0x0]  }
0x2ae: {  	s0 =	sshll.u32 s0, $0x9;
	v55 =	vld [tilespmem:s9+$0x0];
	[tilespmem:s20+$0x10E00] =	vst v59  }
0x2af: {  	s0 =	sadd.s32 $0x0, s0;
	v60 =	vadd.f32 v60, v53;
	v53 =	vld [tilespmem:s8+$0xA0]  }
0x2b0: {  	s24 =	sand.u32 $0x3, s10;
	s25 =	sor.u32 $0x400, s0;
	v56 =	vld [tilespmem:s9+$0xA0]  }
0x2b1: {  	s26 =	sshll.u32 s24, $0x8;
	s1 =	sadd.s32 $0x80, s5;
	[tilespmem:s25+$0x10E00] =	vst v60;
	v61 =	vadd.f32 v63, v62  }
0x2b2: {  	s5 =	sor.u32 $0x400, s1;
	s4 =	sadd.s32 $0x0, s26;
	v62 =	vld [tilespmem:s8+$0xFFFFFF10]  }
0x2b3: {  	s4 =	sadd.s32 $0x100, s4;
	v63 =	vld [tilespmem:s9+$0xFFFFFF10];
	[tilespmem:s5+$0x10E00] =	vst v61;
	v60 =	vadd.f32 v55, v54  }
0x2b4: {  	s3 =	sor.u32 $0x400, s4;
	v54 =	vld [tilespmem:s8+$0xFFFFFF90]  }
0x2b5: {  	v55 =	vld [tilespmem:s9+$0xFFFFFF90];
	[tilespmem:s3+$0x10E00] =	vst v60;
	v61 =	vadd.f32 v56, v53  }
0x2b6: {  	s6 =	sor.u32 $0x420, s29;
	v53 =	vld [tilespmem:s8+$0x10]  }
0x2b7: {  	v56 =	vld [tilespmem:s9+$0x10];
	[tilespmem:s6+$0x10E00] =	vst v61  }
0x2b8: {  	v62 =	vadd.f32 v63, v62;
	v63 =	vld [tilespmem:s8+$0xB0]  }
0x2b9: {  	s7 =	sor.u32 $0x410, s0;
	v60 =	vld [tilespmem:s9+$0xB0]  }
0x2ba: {  	[tilespmem:s7+$0x10E00] =	vst v62;
	v61 =	vadd.f32 v55, v54  }
0x2bb: {  	s10 =	sor.u32 $0x410, s1;
	v54 =	vld [tilespmem:s8+$0xFFFFFF20]  }
0x2bc: {  	v55 =	vld [tilespmem:s9+$0xFFFFFF20];
	[tilespmem:s10+$0x10E00] =	vst v61;
	v62 =	vadd.f32 v56, v53  }
0x2bd: {  	s11 =	sor.u32 $0x410, s4;
	v53 =	vld [tilespmem:s8+$0xFFFFFFA0]  }
0x2be: {  	v56 =	vld [tilespmem:s9+$0xFFFFFFA0];
	[tilespmem:s11+$0x10E00] =	vst v62;
	v63 =	vadd.f32 v60, v63  }
0x2bf: {  	s12 =	sor.u32 $0x430, s29;
	v60 =	vld [tilespmem:s8+$0x20]  }
0x2c0: {  	v61 =	vld [tilespmem:s9+$0x20];
	[tilespmem:s12+$0x10E00] =	vst v63  }
0x2c1: {  	v52 =	vld [tilespmem:s8+$0xC0]  }
0x2c2: {  	v54 =	vadd.f32 v55, v54;
	v62 =	vld [tilespmem:s9+$0xC0]  }
0x2c3: {  	s13 =	sor.u32 $0x420, s0  }
0x2c4: {  	[tilespmem:s13+$0x10E00] =	vst v54  }
0x2c5: {  	v53 =	vadd.f32 v56, v53;
	v54 =	vld [tilespmem:s8+$0xFFFFFF30]  }
0x2c6: {  	s14 =	sor.u32 $0x420, s1;
	v56 =	vld [tilespmem:s9+$0xFFFFFF30]  }
0x2c7: {  	[tilespmem:s14+$0x10E00] =	vst v53;
	v63 =	vadd.f32 v61, v60;
	v60 =	vmul.f32 v12, v2;
	v52 =	vadd.f32 v62, v52  }
0x2c8: {  	s15 =	sor.u32 $0x420, s4;
	v61 =	vld [tilespmem:s8+$0xFFFFFFB0]  }
0x2c9: {  	v26 =	vadd.f32 @p1 v26, v15;
	[tilespmem:s15+$0x10E00] =	vst v63;
	v62 =	vld [tilespmem:s9+$0xFFFFFFB0];
	v15 =	vadd.f32 v52, v60  }
0x2ca: {  	v27 =	vadd.f32 @p1 v27, v17;
	s16 =	sor.u32 $0x440, s29;
	v53 =	vld [tilespmem:s8+$0x30]  }
0x2cb: {  	v29 =	vadd.f32 @p1 v29, v19;
	v17 =	vadd.f32 v56, v54;
	v19 =	vld [tilespmem:s9+$0x30];
	[tilespmem:s16+$0x10E00] =	vst v15  }
0x2cc: {  	v24 =	vadd.f32 @p1 v24, v13;
	s17 =	sor.u32 $0x430, s0;
	v63 =	vld [tilespmem:s8+$0xD0]  }
0x2cd: {  	v13 =	vadd.f32 v48, v9;
	v14 =	vadd.f32 v49, v14;
	[tilespmem:s17+$0x10E00] =	vst v17;
	v9 =	vld [tilespmem:s9+$0xD0]  }
0x2ce: {  	v49 =	vld [tilespmem:s8+$0xFFFFFF40];
	v15 =	vadd.f32 v47, v10;
	v10 =	vadd.f32 v62, v61  }
0x2cf: {  	v30 =	vadd.f32 @p1 v30, v18;
	s18 =	sor.u32 $0x430, s1;
	v17 =	vadd.f32 v44, v6;
	v6 =	vld [tilespmem:s9+$0xFFFFFF40]  }
0x2d0: {  	v26 =	vpsel p1, v26, v5;
	v18 =	vadd.f32 v43, v7;
	v7 =	vadd.f32 v19, v53;
	[tilespmem:s18+$0x10E00] =	vst v10  }
0x2d1: {  	v24 =	vpsel p1, v24, v5;
	v23 =	vadd.f32 @p1 v50, v23;
	s19 =	sor.u32 $0x430, s4;
	v19 =	vadd.f32 v41, v8;
	v8 =	vld [tilespmem:s8+$0xFFFFFFC0]  }
0x2d2: {  	v16 =	vadd.f32 v45, v16;
	[tilespmem:s19+$0x10E00] =	vst v7;
	v10 =	vmul.f32 v12, v3;
	v7 =	vld [tilespmem:s9+$0xFFFFFFC0];
	v9 =	vadd.f32 v9, v63  }
0x2d3: {  	v29 =	vpsel p1, v29, v5;
	v20 =	vadd.f32 v42, v20;
	v21 =	vadd.f32 v38, v21;
	v52 =	vld [tilespmem:s8+$0x40]  }
0x2d4: {  	v53 =	vmul.f32 v51, v2;
	v55 =	vadd.f32 v6, v49;
	v54 =	vld [tilespmem:s9+$0x40];
	v9 =	vadd.f32 v9, v10  }
0x2d5: {  	v57 =	vpsel p1, v23, v5;
	s20 =	sor.u32 $0x450, s29;
	v56 =	vpsel p1, v30, v5;
	v30 =	vmul.f32 v46, v4  }
0x2d6: {  	v6 =	vadd.f32 v34, v26;
	v26 =	vmul.f32 v40, v2;
	v23 =	vadd.f32 v55, v53;
	[tilespmem:s20+$0x10E00] =	vst v9  }
0x2d7: {  	s24 =	sor.u32 $0x440, s0;
	v10 =	vpsel p1, v27, v5;
	v8 =	vadd.f32 v7, v8;
	v9 =	vmul.f32 v46, v2;
	v58 =	vld [tilespmem:s8+$0xE0]  }
0x2d8: {  	v34 =	vmul.f32 v40, v3;
	v63 =	vmul.f32 v12, v4;
	[tilespmem:s24+$0x10E00] =	vst v23;
	v7 =	vadd.f32 v32, v10;
	v10 =	vld [tilespmem:s9+$0xE0]  }
0x2d9: {  	v23 =	vmul.f32 v51, v1;
	v60 =	vld [tilespmem:s8+$0xFFFFFF50];
	v59 =	vadd.f32 v54, v52;
	v9 =	vadd.f32 v8, v9  }
0x2da: {  	s28 =	simm.s32 $0x0;
	s31 =	sor.u32 $0x460, s1;
	s26 =	sor.u32 $0x440, s1;
	v5 =	vadd.f32 v33, v24;
	v27 =	vmul.f32 v51, v4;
	v33 =	vmul.f32 v46, v3;
	v61 =	vld [tilespmem:s9+$0xFFFFFF50]  }
0x2db: {  	s25 =	sor.u32 $0x440, s4;
	s30 =	sor.u32 $0x450, s4;
	s3 =	sor.u32 $0x450, s0;
	v24 =	vmul.f32 v46, v1;
	v8 =	vadd.f32 v31, v29;
	v29 =	vadd.f32 v59, v26;
	[tilespmem:s26+$0x10E00] =	vst v9  }
0x2dc: {  	v22 =	vadd.f32 v36, v22;
	s7 =	simm.s32 $0x8F00;
	s6 =	sor.u32 $0x470, s0;
	s10 =	sor.u32 $0x470, s1;
	v32 =	vmul.f32 v51, v3;
	v26 =	vmul.f32 v37, v0;
	v36 =	vld [tilespmem:s8+$0xFFFFFFD0]  }
0x2dd: {  	s13 =	simm.s32 $0x0;
	s14 =	sor.u32 $0x460, s4;
	s4 =	sor.u32 $0x470, s4;
	v31 =	vmul.f32 v40, v4;
	v9 =	vadd.f32 v25, v56;
	[tilespmem:s25+$0x10E00] =	vst v29;
	v37 =	vld [tilespmem:s9+$0xFFFFFFD0];
	v62 =	vadd.f32 v10, v58  }
0x2de: {  	s15 =	sor.u32 $0x460, s0;
	s17 =	simm.s32 $0x0;
	s16 =	simm.s32 $0x1100;
	v25 =	vmul.f32 v39, v0;
	v29 =	vmul.f32 v35, v0;
	v38 =	vld [tilespmem:s8+$0x50];
	v10 =	vadd.f32 v28, v57  }
0x2df: {  	s18 =	simm.s32 $0x0;
	s26 =	sor.u32 $0x450, s1;
	s1 =	simm.s32 $0xCF00;
	v39 =	vld [tilespmem:s9+$0x50];
	v28 =	vmul.f32 v40, v1;
	v40 =	vadd.f32 v61, v60;
	v35 =	vadd.f32 v62, v63  }
.LBB2_9:
0x2e0: {  	v41 =	vld [tilespmem:s16+$0x80];
	s0 =	sor.u32 $0x460, s29;
	s22 =	sadd.s32 $0x200, s22  }
0x2e1: {  	v42 =	vld [tilespmem:s22+$0x80];
	[tilespmem:s0+$0x10E00] =	vst v35  }
0x2e2: {  	v32 =	vadd.f32 v40, v32;
	v35 =	vld [tilespmem:s8+$0xF0]  }
0x2e3: {  	s23 =	sadd.s32 $0x4, s23;
	v47 =	vld [tilespmem:s9+$0xF0]  }
0x2e4: {  	v54 =	vmul.f32 v12, v1;
	v12 =	vld.msk [tilespmem:s23+$0x0 ss:$0x0], $0xffff;
	[tilespmem:s3+$0x10E00] =	vst v32;
	v36 =	vadd.f32 v37, v36  }
0x2e5: {  	v48 =	vld [tilespmem:s16+$0xFFFFFF00]  }
0x2e6: {  	s18 =	sadd.s32 $0x400, s18;
	v49 =	vld [tilespmem:s22+$0xFFFFFF00];
	v45 =	vadd.f32 v36, v33  }
0x2e7: {  	s21 =	sadd.s32 $0x200, s21;
	s2 =	sadd.s32 $0x4, s2;
	s24 =	sand.u32 $0x7800, s18;
	v59 =	vld.msk [tilespmem:s23+$0xFFFFFFFD ss:$0x0], $0xffff  }
0x2e8: {  	[dreg:$0xb] =	wrdreg s4;
	s5 =	sand.u32 $0x380, s21;
	s4 =	sadd.s32 $0x10E00, s24;
	v46 =	vadd.f32 v39, v38;
	v60 =	vld.msk [tilespmem:s2+$0xFFFFFFFD ss:$0x0], $0xffff;
	v53 =	vadd.f32 v42, v41;
	[tilespmem:s26+$0x10E00] =	vst v45  }
0x2e9: {  	s26 =	sadd.s32 s5, s4;
	v51 =	vld [tilespmem:s16+$0xFFFFFF80]  }
0x2ea: {  	v50 =	vadd.f32 v46, v34;
	v52 =	vld [tilespmem:s22+$0xFFFFFF80];
	[tilespmem:s26+$0x0] =	vst v53  }
0x2eb: {  	v56 =	vld [tilespmem:s16+$0x90]  }
0x2ec: {  	v35 =	vadd.f32 v47, v35;
	[tilespmem:s30+$0x10E00] =	vst v50;
	v57 =	vld [tilespmem:s22+$0x90]  }
0x2ed: {  	v32 =	vld [tilespmem:s16+$0x0]  }
0x2ee: {  	v55 =	vmul.f32 v11, v0;
	v35 =	vadd.f32 v35, v54;
	v58 =	vld [tilespmem:s22+$0x0]  }
0x2ef: {  	v61 =	vld.msk [tilespmem:s23+$0xFFFFFFFE ss:$0x0], $0xffff  }
0x2f0: {  	v44 =	vld.msk [tilespmem:s2+$0xFFFFFFFE ss:$0x0], $0xffff;
	v35 =	vadd.f32 v35, v55  }
0x2f1: {  	s24 =	sor.u32 $0x470, s29;
	v63 =	vld.msk [tilespmem:s2+$0xFFFFFFFF ss:$0x0], $0xffff;
	v62 =	vadd.f32 v57, v56  }
0x2f2: {  	s25 =	sadd.s32 $0xFFFFFE80, s21;
	v11 =	vld.msk [tilespmem:s2+$0x0 ss:$0x0], $0xffff;
	[tilespmem:s24+$0x10E00] =	vst v35  }
0x2f3: {  	[dreg:$0x12] =	wrdreg s10;
	s10 =	sand.u32 $0x200, s25;
	v37 =	vadd.f32 v49, v48;
	v45 =	vld.msk [tilespmem:s23+$0xFFFFFFFF ss:$0x0], $0xffff;
	[tilespmem:s26+$0x10] =	vst v62  }
0x2f4: {  	[smem:$0x7E0] =	sst s6;
	s12 =	sadd.s32 $0xFFFFFF00, s21;
	s6 =	sadd.s32 s10, s4;
	v46 =	vld [tilespmem:s16+$0xA0]  }
0x2f5: {  	s17 =	sadd.s32 $0x2, s17;
	s19 =	sand.u32 $0x280, s12;
	[tilespmem:s6+$0x0] =	vst v37;
	v33 =	vadd.f32 v52, v51;
	v48 =	vld [tilespmem:s22+$0xA0]  }
0x2f6: {  	s20 =	sand.u32 $0x3, s17;
	s11 =	sadd.s32 $0xFFFFFF80, s21;
	s25 =	sadd.s32 s19, s4;
	v49 =	vld [tilespmem:s16+$0xFFFFFF10]  }
0x2f7: {  	s0 =	sshll.u32 s20, $0x8;
	s20 =	sand.u32 $0x300, s11;
	v50 =	vld [tilespmem:s22+$0xFFFFFF10];
	v56 =	vadd.f32 v58, v32;
	[tilespmem:s25+$0x0] =	vst v33  }
0x2f8: {  	s10 =	sadd.s32 s20, s4;
	v47 =	vmul.f32 v59, v4;
	v42 =	vmul.f32 v59, v1;
	v52 =	vld [tilespmem:s16+$0xFFFFFF90]  }
0x2f9: {  	v43 =	vmul.f32 v60, v0;
	v35 =	vmul.f32 v59, v2;
	[tilespmem:s10+$0x0] =	vst v56;
	v53 =	vld [tilespmem:s22+$0xFFFFFF90]  }
0x2fa: {  	v40 =	vmul.f32 v44, v0;
	v37 =	vmul.f32 v45, v2;
	v54 =	vld [tilespmem:s16+$0x10];
	v57 =	vadd.f32 v48, v46  }
0x2fb: {  	v34 =	vmul.f32 v45, v3;
	v44 =	vmul.f32 v45, v4;
	v58 =	vld [tilespmem:s22+$0x10]  }
0x2fc: {  	v39 =	vmul.f32 v45, v1;
	v45 =	vld [tilespmem:s8+$0xFFFFFF60];
	v32 =	vmul.f32 v59, v3;
	v59 =	vadd.f32 v50, v49;
	[tilespmem:s26+$0x20] =	vst v57  }
0x2fd: {  	v36 =	vmul.f32 v61, v2;
	v51 =	vmul.f32 v61, v4;
	v60 =	vld [tilespmem:s16+$0xB0]  }
0x2fe: {  	v41 =	vmul.f32 v61, v1;
	v33 =	vmul.f32 v61, v3;
	[tilespmem:s6+$0x10] =	vst v59;
	v61 =	vadd.f32 v53, v52;
	v62 =	vld [tilespmem:s22+$0xB0]  }
0x2ff: {  	v38 =	vmul.f32 v63, v0;
	v63 =	vld [tilespmem:s16+$0xFFFFFF20]  }
0x300: {  	v46 =	vadd.f32 v58, v54;
	[tilespmem:s25+$0x10] =	vst v61;
	v57 =	vld [tilespmem:s22+$0xFFFFFF20]  }
0x301: {  	v48 =	vld [tilespmem:s16+$0xFFFFFFA0]  }
0x302: {  	v58 =	vld [tilespmem:s22+$0xFFFFFFA0];
	[tilespmem:s10+$0x10] =	vst v46  }
0x303: {  	v46 =	vld [tilespmem:s16+$0x20];
	v49 =	vadd.f32 v62, v60  }
0x304: {  	v59 =	vld [tilespmem:s22+$0x20]  }
0x305: {  	v52 =	vadd.f32 v57, v63;
	v60 =	vld [tilespmem:s9+$0xFFFFFF60];
	[tilespmem:s26+$0x30] =	vst v49  }
0x306: {  	v61 =	vld [tilespmem:s16+$0xC0]  }
0x307: {  	v48 =	vadd.f32 v58, v48;
	[tilespmem:s6+$0x20] =	vst v52;
	v62 =	vld [tilespmem:s22+$0xC0]  }
0x308: {  	v63 =	vld [tilespmem:s16+$0xFFFFFF30]  }
0x309: {  	v46 =	vadd.f32 v59, v46;
	[tilespmem:s25+$0x20] =	vst v48;
	v55 =	vld [tilespmem:s22+$0xFFFFFF30]  }
0x30a: {  	v48 =	vld [tilespmem:s16+$0xFFFFFFB0]  }
0x30b: {  	v56 =	vld [tilespmem:s22+$0xFFFFFFB0];
	[tilespmem:s10+$0x20] =	vst v46;
	v45 =	vadd.f32 v60, v45  }
0x30c: {  	v46 =	vld [tilespmem:s16+$0x30];
	v57 =	vadd.f32 v62, v61  }
0x30d: {  	v58 =	vld [tilespmem:s22+$0x30];
	v45 =	vadd.f32 v45, v27  }
0x30e: {  	v50 =	vld [tilespmem:s8+$0xFFFFFFE0];
	v59 =	vadd.f32 v55, v63;
	[tilespmem:s26+$0x40] =	vst v57  }
0x30f: {  	[tilespmem:s15+$0x10E00] =	vst v45;
	v60 =	vld [tilespmem:s16+$0xD0]  }
0x310: {  	v61 =	vadd.f32 v56, v48;
	[tilespmem:s6+$0x30] =	vst v59;
	v62 =	vld [tilespmem:s22+$0xD0]  }
0x311: {  	v63 =	vld [tilespmem:s16+$0xFFFFFF40]  }
0x312: {  	v55 =	vadd.f32 v58, v46;
	[tilespmem:s25+$0x30] =	vst v61;
	v52 =	vld [tilespmem:s22+$0xFFFFFF40]  }
0x313: {  	v56 =	vld [tilespmem:s16+$0xFFFFFFC0]  }
0x314: {  	[tilespmem:s10+$0x30] =	vst v55;
	v57 =	vld [tilespmem:s22+$0xFFFFFFC0]  }
0x315: {  	v45 =	vld [tilespmem:s16+$0x40];
	v48 =	vadd.f32 v62, v60  }
0x316: {  	v58 =	vld [tilespmem:s22+$0x40]  }
0x317: {  	v59 =	vld [tilespmem:s9+$0xFFFFFFE0];
	v49 =	vadd.f32 v52, v63;
	[tilespmem:s26+$0x50] =	vst v48  }
0x318: {  	v60 =	vld [tilespmem:s16+$0xE0]  }
0x319: {  	v46 =	vadd.f32 v57, v56;
	[tilespmem:s6+$0x40] =	vst v49;
	v61 =	vld [tilespmem:s22+$0xE0]  }
0x31a: {  	v49 =	vld [tilespmem:s16+$0xFFFFFF50]  }
0x31b: {  	v45 =	vadd.f32 v58, v45;
	[tilespmem:s25+$0x40] =	vst v46;
	v62 =	vld [tilespmem:s22+$0xFFFFFF50]  }
0x31c: {  	v46 =	vld [tilespmem:s16+$0xFFFFFFD0]  }
0x31d: {  	[tilespmem:s10+$0x40] =	vst v45;
	v63 =	vld [tilespmem:s22+$0xFFFFFFD0]  }
0x31e: {  	v27 =	vmov v47;
	v45 =	vld [tilespmem:s16+$0x50];
	v47 =	vadd.f32 v61, v60  }
0x31f: {  	v48 =	vadd.f32 v59, v50;
	v56 =	vld [tilespmem:s22+$0x50]  }
0x320: {  	v49 =	vadd.f32 v62, v49;
	[tilespmem:s26+$0x60] =	vst v47;
	v47 =	vld [tilespmem:s8+$0x60]  }
0x321: {  	v48 =	vadd.f32 v48, v30;
	v57 =	vld [tilespmem:s16+$0xF0]  }
0x322: {  	v46 =	vadd.f32 v63, v46;
	[tilespmem:s6+$0x50] =	vst v49;
	v58 =	vld [tilespmem:s22+$0xF0]  }
0x323: {  	[tilespmem:s31+$0x10E00] =	vst v48;
	v49 =	vld [tilespmem:s16+$0xFFFFFF60]  }
0x324: {  	v45 =	vadd.f32 v56, v45;
	[tilespmem:s25+$0x50] =	vst v46;
	v59 =	vld [tilespmem:s22+$0xFFFFFF60]  }
0x325: {  	v46 =	vld [tilespmem:s16+$0xFFFFFFE0]  }
0x326: {  	[tilespmem:s10+$0x50] =	vst v45;
	v60 =	vld [tilespmem:s22+$0xFFFFFFE0]  }
0x327: {  	p0 =	por !p0, !p0;
	s3 =	simm.s32 $0x1;
	v45 =	vld [tilespmem:s16+$0x60];
	v48 =	vadd.f32 v58, v57  }
0x328: {  	s3 =	simm.s32 @!p0 $0x0;
	v61 =	vld [tilespmem:s22+$0x60]  }
0x329: {  	s3 =	sshll.u32 s3, $0x9;
	s8 =	sadd.s32 $0x200, s8;
	v62 =	vld [tilespmem:s9+$0x60];
	v49 =	vadd.f32 v59, v49;
	[tilespmem:s26+$0x70] =	vst v48  }
0x32a: {  	s11 =	sadd.s32 s3, s18;
	s9 =	sadd.s32 $0x200, s9;
	v63 =	vld [tilespmem:s8+$0x80]  }
0x32b: {  	s28 =	sadd.s32 $0x4, s28;
	s0 =	sadd.s32 s18, s0;
	s12 =	sor.u32 $0x410, s11;
	v46 =	vadd.f32 v60, v46;
	[tilespmem:s6+$0x60] =	vst v49;
	v56 =	vld [tilespmem:s9+$0x80]  }
0x32c: {  	s5 =	sadd.s32 $0x100, s0;
	[smem:$0x7DF] =	sst s12;
	s12 =	sor.u32 $0x430, s11;
	v57 =	vld [tilespmem:s16+$0xFFFFFF70]  }
0x32d: {  	s4 =	sor.u32 $0x430, s5;
	[smem:$0x7E5] =	sst s12;
	s12 =	sand.u32 $0x7, s28;
	v45 =	vadd.f32 v61, v45;
	[tilespmem:s25+$0x60] =	vst v46;
	v58 =	vld [tilespmem:s22+$0xFFFFFF70]  }
0x32e: {  	[dreg:$0x1e] =	wrdreg s4;
	s4 =	sshll.u32 s12, $0x7;
	v46 =	vld [tilespmem:s16+$0xFFFFFFF0]  }
0x32f: {  	s4 =	sadd.s32 s18, s4;
	[tilespmem:s10+$0x60] =	vst v45;
	v59 =	vld [tilespmem:s22+$0xFFFFFFF0]  }
0x330: {  	s29 =	sadd.s32 $0x180, s4;
	v45 =	vld [tilespmem:s16+$0x70];
	v49 =	vadd.f32 v56, v63  }
0x331: {  	s26 =	sor.u32 $0x400, s29;
	v60 =	vld [tilespmem:s22+$0x70]  }
0x332: {  	v47 =	vadd.f32 v62, v47;
	v62 =	vld [tilespmem:s1+$0xFFFFFF70];
	v61 =	vadd.f32 v58, v57;
	[tilespmem:s26+$0x10E00] =	vst v49  }
0x333: {  	v63 =	vld [tilespmem:s8+$0x90]  }
0x334: {  	v46 =	vadd.f32 v59, v46;
	[tilespmem:s6+$0x70] =	vst v61;
	v54 =	vld [tilespmem:s9+$0x90]  }
0x335: {  	v47 =	vadd.f32 v47, v31;
	v55 =	vld [tilespmem:s8+$0xFFFFFF00]  }
0x336: {  	s20 =	sor.u32 $0x420, s11;
	v31 =	vmov v44;
	v44 =	vadd.f32 v60, v45;
	[tilespmem:s25+$0x70] =	vst v46;
	v50 =	vld [tilespmem:s9+$0xFFFFFF00]  }
0x337: {  	[smem:$0x7E3] =	sst s20;
	s19 =	sor.u32 $0x410, s5;
	[tilespmem:s14+$0x10E00] =	vst v47;
	v56 =	vld [tilespmem:s8+$0xFFFFFF80]  }
0x338: {  	[smem:$0x7E2] =	sst s19;
	s19 =	sor.u32 $0x440, s11;
	[tilespmem:s10+$0x70] =	vst v44;
	v46 =	vld [tilespmem:s9+$0xFFFFFF80]  }
0x339: {  	[dreg:$0x15] =	wrdreg s19;
	s19 =	sor.u32 $0x460, s5;
	v44 =	vld [tilespmem:s8+$0x0];
	v47 =	vadd.f32 v54, v63  }
0x33a: {  	s0 =	sor.u32 $0x400, s5;
	s14 =	smov.u32 s19;
	s19 =	sor.u32 $0x410, s29;
	v57 =	vld [tilespmem:s9+$0x0]  }
0x33b: {  	s20 =	sor.u32 $0x440, s5;
	s30 =	sor.u32 $0x450, s5;
	[smem:$0x7DE] =	sst s0;
	v58 =	vld [tilespmem:s7+$0xFFFFFF70];
	v48 =	vadd.f32 v50, v55;
	[tilespmem:s19+$0x10E00] =	vst v47  }
0x33c: {  	s0 =	sor.u32 $0x400, s11;
	s24 =	sor.u32 $0x420, s5;
	s5 =	sor.u32 $0x470, s5;
	v59 =	vld [tilespmem:s8+$0xA0]  }
0x33d: {  	[dreg:$0x1b] =	wrdreg s5;
	s5 =	sadd.s32 $0x80, s4;
	v45 =	vadd.f32 v46, v56;
	[tilespmem:s0+$0x10E00] =	vst v48;
	v60 =	vld [tilespmem:s9+$0xA0]  }
0x33e: {  	s12 =	sor.u32 $0x400, s5;
	v48 =	vld [tilespmem:s8+$0xFFFFFF10]  }
0x33f: {  	s25 =	sld [smem:$0x7DE];
	[tilespmem:s12+$0x10E00] =	vst v45;
	v61 =	vld [tilespmem:s9+$0xFFFFFF10]  }
0x340: {  	v44 =	vadd.f32 v57, v44;
	v45 =	vld [tilespmem:s8+$0xFFFFFF90]  }
0x341: {  	v47 =	vadd.f32 v58, v62;
	v62 =	vld [tilespmem:s9+$0xFFFFFF90]  }
0x342: {  	[tilespmem:s25+$0x10E00] =	vst v44  }
0x343: {  	v44 =	vld [tilespmem:s8+$0x10];
	v46 =	vadd.f32 v60, v59  }
0x344: {  	s3 =	sor.u32 $0x450, s11;
	s6 =	sor.u32 $0x420, s29;
	s10 =	sld [smem:$0x7DF];
	v63 =	vld [tilespmem:s9+$0x10]  }
0x345: {  	[smem:$0x7E4] =	sst s24;
	s24 =	sor.u32 $0x460, s11;
	s11 =	sor.u32 $0x470, s11;
	v54 =	vld [tilespmem:s1+$0xFFFFFFF0];
	v48 =	vadd.f32 v61, v48;
	[tilespmem:s6+$0x10E00] =	vst v46  }
0x346: {  	[smem:$0x7E1] =	sst s11;
	v47 =	vadd.f32 v47, v23;
	v45 =	vadd.f32 v62, v45;
	v55 =	vld [tilespmem:s8+$0xB0]  }
0x347: {  	s11 =	sor.u32 $0x410, s5;
	s12 =	sld [smem:$0x7E0];
	[tilespmem:s10+$0x10E00] =	vst v48;
	v56 =	vld [tilespmem:s9+$0xB0]  }
0x348: {  	v53 =	vadd.f32 v47, v26;
	[tilespmem:s11+$0x10E00] =	vst v45;
	v57 =	vld [tilespmem:s8+$0xFFFFFF20]  }
0x349: {  	s25 =	sld [smem:$0x7E2];
	v58 =	vld [tilespmem:s8+$0xFFFFFFA0]  }
0x34a: {  	v23 =	vmov v42;
	v42 =	vadd.f32 v63, v44;
	[tilespmem:s12+$0x10E00] =	vst v53;
	v45 =	vld [tilespmem:s9+$0xFFFFFFA0]  }
0x34b: {  	v46 =	vld [tilespmem:s9+$0xFFFFFF20]  }
0x34c: {  	v26 =	vmov v43;
	[tilespmem:s25+$0x10E00] =	vst v42;
	v43 =	vadd.f32 v56, v55  }
0x34d: {  	s10 =	sor.u32 $0x430, s29;
	v42 =	vld [tilespmem:s8+$0x20]  }
0x34e: {  	v59 =	vld [tilespmem:s9+$0x20];
	[tilespmem:s10+$0x10E00] =	vst v43  }
0x34f: {  	s11 =	sld [smem:$0x7E3];
	v44 =	vadd.f32 v45, v58;
	v61 =	vld [tilespmem:s8+$0xC0]  }
0x350: {  	s4 =	sor.u32 $0x420, s5;
	v46 =	vadd.f32 v46, v57;
	v62 =	vld [tilespmem:s9+$0xC0]  }
0x351: {  	v60 =	vld [tilespmem:s7+$0xFFFFFFF0];
	[tilespmem:s4+$0x10E00] =	vst v44  }
0x352: {  	s12 =	sld [smem:$0x7E4];
	[tilespmem:s11+$0x10E00] =	vst v46;
	v44 =	vld [tilespmem:s8+$0xFFFFFFB0]  }
0x353: {  	v42 =	vadd.f32 v59, v42;
	v46 =	vld [tilespmem:s8+$0xFFFFFF30]  }
0x354: {  	v63 =	vld [tilespmem:s9+$0xFFFFFF30]  }
0x355: {  	s19 =	sld [smem:$0x7E1];
	v53 =	vmul.f32 v12, v2;
	[tilespmem:s12+$0x10E00] =	vst v42;
	v52 =	vld [tilespmem:s9+$0xFFFFFFB0];
	v45 =	vadd.f32 v62, v61  }
0x356: {  	v42 =	vld [tilespmem:s8+$0x30]  }
0x357: {  	v43 =	vadd.f32 v60, v54;
	v54 =	vld [tilespmem:s9+$0x30];
	v45 =	vadd.f32 v45, v53  }
0x358: {  	s6 =	smov.u32 s19;
	s19 =	sor.u32 $0x440, s29;
	s25 =	sld [smem:$0x7E5];
	v55 =	vld [tilespmem:s1+$0x70]  }
0x359: {  	v56 =	vld [tilespmem:s7+$0x70];
	v46 =	vadd.f32 v63, v46;
	[tilespmem:s19+$0x10E00] =	vst v45  }
0x35a: {  	[dreg:$0xe] =	wrdreg s20;
	v58 =	vld [tilespmem:s8+$0xD0]  }
0x35b: {  	s20 =	sor.u32 $0x430, s5;
	s15 =	smov.u32 s24;
	s24 =	sor.u32 $0x440, s5;
	[tilespmem:s25+$0x10E00] =	vst v46;
	v60 =	vld [tilespmem:s9+$0xD0]  }
0x35c: {  	s31 =	sor.u32 $0x460, s5;
	s26 =	sor.u32 $0x450, s5;
	s5 =	sor.u32 $0x470, s5;
	v43 =	vadd.f32 v43, v24;
	v59 =	vadd.f32 v54, v42;
	v61 =	vld [tilespmem:s8+$0xFFFFFF40]  }
0x35d: {  	s10 =	smov.u32 s5;
	s5 =	rddreg [dreg:$0x1e];
	v57 =	vadd.f32 v52, v44;
	v62 =	vld [tilespmem:s9+$0xFFFFFF40]  }
0x35e: {  	v43 =	vadd.f32 v43, v25;
	[tilespmem:s5+$0x10E00] =	vst v59  }
0x35f: {  	s4 =	rddreg [dreg:$0x12];
	[tilespmem:s20+$0x10E00] =	vst v57;
	v50 =	vld [tilespmem:s8+$0x40]  }
0x360: {  	v30 =	vmovc v51;
	v51 =	vmul.f32 v12, v3;
	v24 =	vmov v41;
	[tilespmem:s4+$0x10E00] =	vst v43;
	v52 =	vld [tilespmem:s9+$0x40];
	v41 =	vadd.f32 v60, v58  }
0x361: {  	v63 =	vadd.f32 v56, v55;
	v48 =	vld [tilespmem:s8+$0xFFFFFFC0]  }
0x362: {  	v49 =	vld [tilespmem:s9+$0xFFFFFFC0];
	v53 =	vadd.f32 v62, v61;
	v41 =	vadd.f32 v41, v51  }
0x363: {  	s11 =	sor.u32 $0x450, s29  }
0x364: {  	v25 =	vmov v40;
	v40 =	vadd.f32 v63, v28;
	v35 =	vadd.f32 v53, v35;
	[tilespmem:s11+$0x10E00] =	vst v41  }
0x365: {  	s20 =	rddreg [dreg:$0x15];
	v57 =	vadd.f32 v52, v50;
	v55 =	vld [tilespmem:s8+$0xE0]  }
0x366: {  	v40 =	vadd.f32 v40, v29;
	[tilespmem:s20+$0x10E00] =	vst v35;
	v58 =	vld [tilespmem:s9+$0xE0]  }
0x367: {  	s13 =	sadd.s32 $0x4, s13;
	s12 =	rddreg [dreg:$0xb];
	v54 =	vadd.f32 v49, v48;
	v61 =	vadd.f32 v57, v37;
	v59 =	vld [tilespmem:s8+$0xFFFFFF50]  }
0x368: {  	p1 =	slt.u32 s13, $0x7C;
	s25 =	rddreg [dreg:$0xe];
	[tilespmem:s12+$0x10E00] =	vst v40;
	v60 =	vld [tilespmem:s9+$0xFFFFFF50]  }
.Ltmp4:
0x369: {  	v56 =	vadd.f32 v54, v36;
	[tilespmem:s25+$0x10E00] =	vst v61;
	(pc) =	sbr.rel @p1 .LBB2_9-.Ltmp4, $4  }
0x36a: {  	v29 =	vmov v38;
	v38 =	vld [tilespmem:s8+$0x50]  }
0x36b: {  	v28 =	vmov v39;
	v63 =	vmul.f32 v12, v4;
	[tilespmem:s24+$0x10E00] =	vst v56;
	v39 =	vld [tilespmem:s9+$0x50];
	v62 =	vadd.f32 v58, v55  }
0x36c: {  	s16 =	sadd.s32 $0x200, s16;
	s19 =	rddreg [dreg:$0x1b];
	v36 =	vld [tilespmem:s8+$0xFFFFFFD0]  }
0x36d: {  	s1 =	smov.u32 s8;
	s7 =	smov.u32 s9;
	s4 =	smov.u32 s19;
	v37 =	vld [tilespmem:s9+$0xFFFFFFD0];
	v40 =	vadd.f32 v60, v59;
	v35 =	vadd.f32 v62, v63  }
0x36e: {  	_ =	sdelay $0x3  }
0x36f: {  	v32 =	vadd.f32 v40, v32;
	v36 =	vadd.f32 v37, v36;
	_ =	sdelay $0x1  }
0x370: {  	v50 =	vadd.f32 v39, v38;
	[tilespmem:s3+$0x10E00] =	vst v32;
	v49 =	vadd.f32 v36, v33  }
0x371: {  	v51 =	vld [tilespmem:s8+$0xFFFFFF60]  }
0x372: {  	v52 =	vadd.f32 v50, v34;
	v53 =	vld [tilespmem:s9+$0xFFFFFF60];
	[tilespmem:s26+$0x10E00] =	vst v49  }
0x373: {  	v54 =	vld [tilespmem:s8+$0xFFFFFFE0]  }
0x374: {  	[tilespmem:s30+$0x10E00] =	vst v52;
	v55 =	vld [tilespmem:s9+$0xFFFFFFE0]  }
0x375: {  	v56 =	vld [tilespmem:s8+$0x60]  }
0x376: {  	v57 =	vld [tilespmem:s9+$0x60]  }
0x377: {  	v33 =	vadd.f32 v53, v51  }
0x378: {  	s0 =	sor.u32 $0x460, s29  }
0x379: {  	[tilespmem:s0+$0x10E00] =	vst v35;
	v27 =	vadd.f32 v33, v27;
	v32 =	vadd.f32 v55, v54  }
0x37a: {  	v58 =	vld [tilespmem:s8+$0xF0]  }
0x37b: {  	v59 =	vld [tilespmem:s9+$0xF0];
	[tilespmem:s15+$0x10E00] =	vst v27;
	v27 =	vadd.f32 v32, v30;
	v30 =	vadd.f32 v57, v56  }
0x37c: {  	v60 =	vld [tilespmem:s1+$0xFFFFFF70]  }
0x37d: {  	[tilespmem:s31+$0x10E00] =	vst v27;
	v27 =	vadd.f32 v30, v31;
	v30 =	vld [tilespmem:s7+$0xFFFFFF70]  }
0x37e: {  	v31 =	vld [tilespmem:s1+$0xFFFFFFF0]  }
0x37f: {  	[tilespmem:s14+$0x10E00] =	vst v27;
	v27 =	vld [tilespmem:s7+$0xFFFFFFF0]  }
0x380: {  	v61 =	vld [tilespmem:s1+$0x70]  }
0x381: {  	v62 =	vld [tilespmem:s7+$0x70];
	_ =	sdelay $0x1  }
0x382: {  	v12 =	vmul.f32 v12, v1;
	v33 =	vadd.f32 v59, v58  }
0x383: {  	v30 =	vadd.f32 v30, v60  }
0x384: {  	v11 =	vmul.f32 v11, v0;
	v12 =	vadd.f32 v33, v12;
	v27 =	vadd.f32 v27, v31  }
0x385: {  	v23 =	vadd.f32 v30, v23;
	v30 =	vadd.f32 v62, v61  }
0x386: {  	v11 =	vadd.f32 v12, v11;
	v12 =	vadd.f32 v27, v24  }
0x387: {  	s29 =	sor.u32 $0x470, s29;
	v23 =	vadd.f32 v23, v26;
	v24 =	vadd.f32 v30, v28  }
0x388: {  	[tilespmem:s29+$0x10E00] =	vst v11;
	v11 =	vadd.f32 v12, v25  }
0x389: {  	s30 =	simm.s32 $0x0;
	[tilespmem:s6+$0x10E00] =	vst v23;
	v12 =	vadd.f32 v24, v29  }
0x38a: {  	s31 =	sand.u32 $0x7800, s30;
	s1 =	sand.u32 $0x380, s30;
	[tilespmem:s10+$0x10E00] =	vst v11  }
0x38b: {  	s1 =	sor.u32 s1, s31;
	[tilespmem:s4+$0x10E00] =	vst v12  }
0x38c: {  	s0 =	sadd.s32 $0x10E00, s1;
	v11 =	vld [tilespmem:s1+$0x10E00]  }
0x38d: {  	v12 =	vld [tilespmem:s0+$0x470]  }
0x38e: {  	v23 =	vld [tilespmem:s0+$0x10]  }
0x38f: {  	v24 =	vld [tilespmem:s0+$0x20]  }
0x390: {  	v25 =	vld [tilespmem:s0+$0x30]  }
0x391: {  	v26 =	vld [tilespmem:s0+$0x40]  }
0x392: {  	v28 =	vld [tilespmem:s0+$0x50]  }
0x393: {  	v29 =	vld [tilespmem:s0+$0x60]  }
0x394: {  	v31 =	vld [tilespmem:s0+$0x70]  }
0x395: {  	v63 =	vld [tilespmem:s0+$0x400]  }
0x396: {  	v30 =	vld [tilespmem:s0+$0x410];
	v13 =	vadd.f32 v11, v13;
	v14 =	vadd.f32 v12, v14  }
0x397: {  	v15 =	vadd.f32 v23, v15;
	v17 =	vadd.f32 v24, v17;
	v24 =	vld [tilespmem:s0+$0x420]  }
0x398: {  	v27 =	vld [tilespmem:s0+$0x430];
	v16 =	vadd.f32 v25, v16;
	v18 =	vadd.f32 v26, v18  }
0x399: {  	s2 =	simm.s32 $0x100;
	s1 =	simm.s32 $0x80;
	v19 =	vadd.f32 v28, v19;
	v20 =	vadd.f32 v29, v20;
	v29 =	vld [tilespmem:s0+$0x440]  }
0x39a: {  	s3 =	sand.u32 $0x7800, s2;
	s2 =	simm.s32 $0x200;
	s4 =	sand.u32 $0x380, s1;
	v21 =	vadd.f32 v31, v21;
	v23 =	vadd.f32 v63, v22;
	v22 =	vld [tilespmem:s0+$0x450]  }
.LBB2_11:
0x39b: {  	p0 =	sne.s32 s2, $0x7F00;
	s3 =	sor.u32 s4, s3;
	v6 =	vadd.f32 v30, v6;
	v11 =	vld [tilespmem:s0+$0x460]  }
0x39c: {  	s0 =	sadd.s32 $0x10E00, s3;
	v12 =	vld [tilespmem:s3+$0x10E00];
	v5 =	vadd.f32 v24, v5  }
0x39d: {  	v24 =	vld [tilespmem:s0+$0x470];
	v7 =	vadd.f32 v27, v7  }
0x39e: {  	v25 =	vld [tilespmem:s0+$0x10];
	v8 =	vadd.f32 v29, v8  }
0x39f: {  	v26 =	vld [tilespmem:s0+$0x20];
	v9 =	vadd.f32 v22, v9  }
0x3a0: {  	v22 =	vld [tilespmem:s0+$0x30];
	v10 =	vadd.f32 v11, v10  }
0x3a1: {  	v13 =	vadd.f32 v12, v13;
	v11 =	vld [tilespmem:s0+$0x40]  }
0x3a2: {  	v12 =	vld [tilespmem:s0+$0x50];
	v14 =	vadd.f32 v24, v14  }
0x3a3: {  	v15 =	vadd.f32 v25, v15;
	v25 =	vld [tilespmem:s0+$0x60]  }
0x3a4: {  	v17 =	vadd.f32 v26, v17;
	v26 =	vld [tilespmem:s0+$0x70]  }
0x3a5: {  	v16 =	vadd.f32 v22, v16;
	v22 =	vld [tilespmem:s0+$0x400]  }
.Ltmp5:
0x3a6: {  	v18 =	vadd.f32 v11, v18;
	v30 =	vld [tilespmem:s0+$0x410];
	(pc) =	sbr.rel @p0 .LBB2_11-.Ltmp5, $4  }
0x3a7: {  	v19 =	vadd.f32 v12, v19;
	v24 =	vld [tilespmem:s0+$0x420]  }
0x3a8: {  	v20 =	vadd.f32 v25, v20;
	v27 =	vld [tilespmem:s0+$0x430]  }
0x3a9: {  	s1 =	sadd.s32 $0x80, s1;
	v21 =	vadd.f32 v26, v21;
	v29 =	vld [tilespmem:s0+$0x440]  }
0x3aa: {  	s3 =	sand.u32 $0x7800, s2;
	s4 =	sand.u32 $0x380, s1;
	s2 =	sadd.s32 $0x100, s2;
	v23 =	vadd.f32 v22, v23;
	v22 =	vld [tilespmem:s0+$0x450]  }
0x3ab: {  	s1 =	sor.u32 s4, s3;
	v46 =	vld [tilespmem:s0+$0x460]  }
0x3ac: {  	s20 =	sadd.s32 $0x10E00, s1;
	v43 =	vld [tilespmem:s1+$0x10E00]  }
0x3ad: {  	v44 =	vld [tilespmem:s20+$0x470]  }
0x3ae: {  	v42 =	vld [tilespmem:s20+$0x10]  }
0x3af: {  	v40 =	vld [tilespmem:s20+$0x20]  }
0x3b0: {  	v41 =	vld [tilespmem:s20+$0x30]  }
0x3b1: {  	v39 =	vld [tilespmem:s20+$0x40]  }
0x3b2: {  	v37 =	vld [tilespmem:s20+$0x50]  }
0x3b3: {  	v38 =	vld [tilespmem:s20+$0x60]  }
0x3b4: {  	v34 =	vld [tilespmem:s20+$0x70]  }
0x3b5: {  	v35 =	vld [tilespmem:s20+$0x400]  }
0x3b6: {  	v33 =	vld [tilespmem:s20+$0x410]  }
0x3b7: {  	v32 =	vld [tilespmem:s20+$0x420]  }
0x3b8: {  	s21 =	sld [smem:$0x7F8];
	v31 =	vld [tilespmem:s20+$0x430]  }
0x3b9: {  	v26 =	vld [tilespmem:s20+$0x440]  }
0x3ba: {  	s7 =	simm.s32 $0x0;
	s22 =	simm.s32 $0x10E00;
	s23 =	simm.s32 $0x2;
	v25 =	vld [tilespmem:s20+$0x450]  }
0x3bb: {  	v28 =	vld [tilespmem:s20+$0x460];
	[hbm4b:s21+s7] =	stream.linear.scatter [tilespmem:s22], [sflag:$0x2], $0x8000, $0x38  }
0x3bc: {  	_ =	swait.ge [sflag:s23], $0x8000  }
0x3bd: {  	[sflag:s23] =	ssyncset.done $0x0  }
0x3be: {  	s24 =	simm.s32 $0x80;
	s26 =	sld [smem:$0x7F0];
	[sflag:s23] =	ssyncadd.s32 $0xFFFF8000  }
0x3bf: {  	s2 =	simm.s32 $0xE00;
	s25 =	simm.s32 $0x200;
	s0 =	rddreg [dreg:$0x5]  }
0x3c0: {  	[tilespmem:s2], [sflag:$0x1] =	stream.indirect.gather [hbm4b:s0+s24], $0x80, s25, s24, $0xb8;
	[tilespmem:$0x18F00] =	vst v63  }
0x3c1: {  	s3 =	simm.s32 $0x4E00;
	s4 =	simm.s32 $0x600  }
0x3c2: {  	[tilespmem:s3], [sflag:$0x1] =	stream.indirect.gather [hbm4b:s26+s24], $0x80, s4, s24, $0xb8;
	[tilespmem:$0x18F00] =	vst v63  }
0x3c3: {  	s5 =	simm.s32 $0x8E00;
	s6 =	simm.s32 $0x800;
	s8 =	sld [smem:$0x7F1]  }
0x3c4: {  	[tilespmem:s5], [sflag:$0x1] =	stream.indirect.gather [hbm4b:s26+s24], $0x80, s6, s24, $0xb8;
	[tilespmem:$0x18F00] =	vst v63  }
0x3c5: {  	s9 =	simm.s32 $0xCE00;
	s10 =	simm.s32 $0x400;
	s11 =	simm.s32 $0x1  }
0x3c6: {  	[tilespmem:s9], [sflag:$0x1] =	stream.indirect.gather [hbm4b:s8+s24], $0x80, s10, s24, $0xb8;
	[tilespmem:$0x18F00] =	vst v63  }
0x3c7: {  	_ =	swait.ge [sflag:s11], $0x4000  }
0x3c8: {  	[sflag:s11] =	ssyncset.done $0x0  }
0x3c9: {  	[sflag:s11] =	ssyncadd.s32 $0xFFFFC000  }
0x3ca: {  	_ =	swait.ge [sflag:s11], $0x4000  }
0x3cb: {  	[sflag:s11] =	ssyncset.done $0x0  }
0x3cc: {  	[sflag:s11] =	ssyncadd.s32 $0xFFFFC000  }
0x3cd: {  	_ =	swait.ge [sflag:s11], $0x4000  }
0x3ce: {  	[sflag:s11] =	ssyncset.done $0x0  }
0x3cf: {  	[sflag:s11] =	ssyncadd.s32 $0xFFFFC000  }
0x3d0: {  	_ =	swait.ge [sflag:s11], $0x4000  }
0x3d1: {  	[sflag:s11] =	ssyncset.done $0x0  }
0x3d2: {  	s12 =	simm.s32 $0xF00;
	[sflag:s11] =	ssyncadd.s32 $0xFFFFC000  }
0x3d3: {  	s21 =	simm.s32 $0x4F00;
	v11 =	vld [tilespmem:s12+$0x80]  }
0x3d4: {  	v12 =	vld [tilespmem:s21+$0x80];
	_ =	sdelay $0x1  }
0x3d5: {  	v48 =	vld [tilespmem:s12+$0xFFFFFF00]  }
0x3d6: {  	s13 =	sand.u32 $0x7800, s7;
	v51 =	vld [tilespmem:s21+$0xFFFFFF00]  }
0x3d7: {  	s22 =	simm.s32 $0x180;
	v52 =	vld [tilespmem:s12+$0xFFFFFF80];
	[smem:$0x7DD] =	sst s13  }
0x3d8: {  	s14 =	sadd.s32 $0x10E00, s13;
	s15 =	sand.u32 $0x380, s22;
	s2 =	simm.s32 $0xA03;
	v53 =	vld [tilespmem:s21+$0xFFFFFF80];
	v36 =	vadd.f32 v12, v11  }
0x3d9: {  	s23 =	simm.s32 $0xC83;
	s5 =	sadd.s32 s15, s14;
	v12 =	vld.msk [tilespmem:s2+$0x0 ss:$0x0], $0xffff  }
0x3da: {  	v11 =	vld.msk [tilespmem:s23+$0x0 ss:$0x0], $0xffff;
	[tilespmem:s5+$0x0] =	vst v36  }
0x3db: {  	v36 =	vld [tilespmem:s12+$0x90]  }
0x3dc: {  	v47 =	vld [tilespmem:s21+$0x90]  }
0x3dd: {  	v54 =	vld [tilespmem:s12+$0x0]  }
0x3de: {  	v55 =	vld [tilespmem:s21+$0x0]  }
0x3df: {  	s16 =	simm.s32 $0x0;
	v50 =	vld.msk [tilespmem:s2+$0xFFFFFFFD ss:$0x0], $0xffff  }
0x3e0: {  	s1 =	sand.u32 $0x200, s16;
	v45 =	vld.msk [tilespmem:s23+$0xFFFFFFFD ss:$0x0], $0xffff;
	v48 =	vadd.f32 v51, v48  }
0x3e1: {  	s1 =	sadd.s32 s1, s14;
	v49 =	vld.msk [tilespmem:s2+$0xFFFFFFFE ss:$0x0], $0xffff;
	v56 =	vadd.f32 v47, v36  }
0x3e2: {  	[tilespmem:s1+$0x0] =	vst v48;
	v48 =	vld.msk [tilespmem:s2+$0xFFFFFFFF ss:$0x0], $0xffff  }
0x3e3: {  	v52 =	vadd.f32 v53, v52;
	v53 =	vld [tilespmem:s12+$0xFFFFFF10];
	[tilespmem:s5+$0x10] =	vst v56  }
0x3e4: {  	v63 =	vld [tilespmem:s12+$0xA0]  }
0x3e5: {  	s17 =	simm.s32 $0x80;
	v56 =	vld [tilespmem:s21+$0xA0]  }
0x3e6: {  	s3 =	sand.u32 $0x280, s17;
	v60 =	vld [tilespmem:s21+$0xFFFFFF10]  }
0x3e7: {  	s3 =	sadd.s32 s3, s14;
	s6 =	simm.s32 $0x100;
	v47 =	vld.msk [tilespmem:s23+$0xFFFFFFFE ss:$0x0], $0xffff  }
0x3e8: {  	s6 =	sand.u32 $0x300, s6;
	v59 =	vadd.f32 v55, v54;
	v36 =	vld.msk [tilespmem:s23+$0xFFFFFFFF ss:$0x0], $0xffff;
	[tilespmem:s3+$0x0] =	vst v52  }
0x3e9: {  	s4 =	sadd.s32 s6, s14;
	v61 =	vld [tilespmem:s12+$0xFFFFFF90]  }
0x3ea: {  	[tilespmem:s4+$0x0] =	vst v59;
	v62 =	vld [tilespmem:s21+$0xFFFFFF90];
	v51 =	vadd.f32 v56, v63  }
0x3eb: {  	v57 =	vld [tilespmem:s21+$0x10]  }
0x3ec: {  	v63 =	vld [tilespmem:s12+$0x10];
	[tilespmem:s5+$0x20] =	vst v51  }
0x3ed: {  	v58 =	vadd.f32 v60, v53;
	v53 =	vld [tilespmem:s12+$0xB0]  }
0x3ee: {  	v54 =	vld [tilespmem:s21+$0xB0]  }
0x3ef: {  	[tilespmem:s1+$0x10] =	vst v58;
	v59 =	vadd.f32 v62, v61  }
0x3f0: {  	v52 =	vld [tilespmem:s12+$0xFFFFFF20]  }
0x3f1: {  	v60 =	vld [tilespmem:s21+$0xFFFFFF20];
	[tilespmem:s3+$0x10] =	vst v59;
	v61 =	vadd.f32 v57, v63  }
0x3f2: {  	v62 =	vld [tilespmem:s12+$0xFFFFFFA0]  }
0x3f3: {  	v63 =	vld [tilespmem:s21+$0xFFFFFFA0];
	[tilespmem:s4+$0x10] =	vst v61;
	v58 =	vadd.f32 v54, v53  }
0x3f4: {  	v53 =	vld [tilespmem:s12+$0x20]  }
0x3f5: {  	v54 =	vld [tilespmem:s21+$0x20];
	[tilespmem:s5+$0x30] =	vst v58  }
0x3f6: {  	v59 =	vadd.f32 v60, v52;
	v52 =	vld [tilespmem:s12+$0xC0]  }
0x3f7: {  	v60 =	vld [tilespmem:s21+$0xC0]  }
0x3f8: {  	[tilespmem:s1+$0x20] =	vst v59;
	v61 =	vadd.f32 v63, v62  }
0x3f9: {  	v62 =	vld [tilespmem:s12+$0xFFFFFF30]  }
0x3fa: {  	v63 =	vld [tilespmem:s21+$0xFFFFFF30];
	[tilespmem:s3+$0x20] =	vst v61;
	v58 =	vadd.f32 v54, v53  }
0x3fb: {  	v53 =	vld [tilespmem:s12+$0xFFFFFFB0]  }
0x3fc: {  	v54 =	vld [tilespmem:s21+$0xFFFFFFB0];
	[tilespmem:s4+$0x20] =	vst v58;
	v59 =	vadd.f32 v60, v52  }
0x3fd: {  	v52 =	vld [tilespmem:s12+$0x30]  }
0x3fe: {  	v60 =	vld [tilespmem:s21+$0x30];
	[tilespmem:s5+$0x40] =	vst v59  }
0x3ff: {  	v61 =	vadd.f32 v63, v62;
	v62 =	vld [tilespmem:s12+$0xD0]  }
0x400: {  	v63 =	vld [tilespmem:s21+$0xD0]  }
0x401: {  	[tilespmem:s1+$0x30] =	vst v61;
	v58 =	vadd.f32 v54, v53  }
0x402: {  	v53 =	vld [tilespmem:s12+$0xFFFFFF40]  }
0x403: {  	v54 =	vld [tilespmem:s21+$0xFFFFFF40];
	[tilespmem:s3+$0x30] =	vst v58;
	v59 =	vadd.f32 v60, v52  }
0x404: {  	v52 =	vld [tilespmem:s12+$0xFFFFFFC0]  }
0x405: {  	v60 =	vld [tilespmem:s21+$0xFFFFFFC0];
	[tilespmem:s4+$0x30] =	vst v59;
	v61 =	vadd.f32 v63, v62  }
0x406: {  	v62 =	vld [tilespmem:s12+$0x40]  }
0x407: {  	v63 =	vld [tilespmem:s21+$0x40];
	[tilespmem:s5+$0x50] =	vst v61  }
0x408: {  	v58 =	vadd.f32 v54, v53;
	v53 =	vld [tilespmem:s12+$0xE0]  }
0x409: {  	v54 =	vld [tilespmem:s21+$0xE0]  }
0x40a: {  	[tilespmem:s1+$0x40] =	vst v58;
	v59 =	vadd.f32 v60, v52  }
0x40b: {  	v52 =	vld [tilespmem:s12+$0xFFFFFF50]  }
0x40c: {  	v60 =	vld [tilespmem:s21+$0xFFFFFF50];
	[tilespmem:s3+$0x40] =	vst v59;
	v61 =	vadd.f32 v63, v62  }
0x40d: {  	v62 =	vld [tilespmem:s12+$0xFFFFFFD0]  }
0x40e: {  	v63 =	vld [tilespmem:s21+$0xFFFFFFD0];
	[tilespmem:s4+$0x40] =	vst v61;
	v58 =	vadd.f32 v54, v53  }
0x40f: {  	v53 =	vld [tilespmem:s12+$0x50]  }
0x410: {  	v54 =	vld [tilespmem:s21+$0x50];
	[tilespmem:s5+$0x60] =	vst v58  }
0x411: {  	v59 =	vadd.f32 v60, v52;
	v52 =	vld [tilespmem:s12+$0xF0]  }
0x412: {  	v60 =	vld [tilespmem:s21+$0xF0]  }
0x413: {  	[tilespmem:s1+$0x50] =	vst v59;
	v61 =	vadd.f32 v63, v62  }
0x414: {  	v62 =	vld [tilespmem:s12+$0xFFFFFF60]  }
0x415: {  	v63 =	vld [tilespmem:s21+$0xFFFFFF60];
	[tilespmem:s3+$0x50] =	vst v61;
	v58 =	vadd.f32 v54, v53  }
0x416: {  	v53 =	vld [tilespmem:s12+$0xFFFFFFE0]  }
0x417: {  	v54 =	vld [tilespmem:s21+$0xFFFFFFE0];
	[tilespmem:s4+$0x50] =	vst v58;
	v59 =	vadd.f32 v60, v52  }
0x418: {  	v52 =	vld [tilespmem:s12+$0x60]  }
0x419: {  	s8 =	simm.s32 $0xCF00;
	v60 =	vld [tilespmem:s21+$0x60];
	[tilespmem:s5+$0x70] =	vst v59  }
0x41a: {  	s9 =	simm.s32 $0x8F00;
	v61 =	vadd.f32 v63, v62;
	v62 =	vld [tilespmem:s8+$0x80]  }
0x41b: {  	v63 =	vld [tilespmem:s9+$0x80]  }
0x41c: {  	[tilespmem:s1+$0x60] =	vst v61;
	v58 =	vadd.f32 v54, v53  }
0x41d: {  	s18 =	sand.u32 $0x7, s7;
	v53 =	vld [tilespmem:s12+$0xFFFFFF70]  }
0x41e: {  	v54 =	vld [tilespmem:s21+$0xFFFFFF70];
	s5 =	sshll.u32 s18, $0x7;
	[tilespmem:s3+$0x60] =	vst v58;
	v59 =	vadd.f32 v60, v52  }
0x41f: {  	s5 =	sadd.s32 $0x0, s5;
	v52 =	vld [tilespmem:s12+$0xFFFFFFF0]  }
0x420: {  	s29 =	sadd.s32 $0x180, s5;
	v60 =	vld [tilespmem:s21+$0xFFFFFFF0];
	[tilespmem:s4+$0x60] =	vst v59;
	v61 =	vadd.f32 v63, v62  }
0x421: {  	s19 =	sor.u32 $0x400, s29;
	v62 =	vld [tilespmem:s12+$0x70]  }
0x422: {  	v63 =	vld [tilespmem:s21+$0x70];
	[tilespmem:s19+$0x10E00] =	vst v61  }
0x423: {  	v58 =	vadd.f32 v54, v53;
	v53 =	vld [tilespmem:s8+$0x90]  }
0x424: {  	v54 =	vld [tilespmem:s9+$0x90]  }
0x425: {  	[tilespmem:s1+$0x70] =	vst v58;
	v59 =	vadd.f32 v60, v52  }
0x426: {  	v52 =	vld [tilespmem:s8+$0xFFFFFF00]  }
0x427: {  	v60 =	vld [tilespmem:s9+$0xFFFFFF00];
	[tilespmem:s3+$0x70] =	vst v59;
	v61 =	vadd.f32 v63, v62  }
0x428: {  	v62 =	vld [tilespmem:s8+$0xFFFFFF80]  }
0x429: {  	p0 =	por $0x0, $0x0;
	s0 =	simm.s32 $0x1;
	v63 =	vld [tilespmem:s9+$0xFFFFFF80];
	[tilespmem:s4+$0x70] =	vst v61;
	v58 =	vadd.f32 v54, v53  }
0x42a: {  	s0 =	simm.s32 @!p0 $0x0;
	s20 =	sor.u32 $0x410, s29;
	v53 =	vld [tilespmem:s8+$0x0]  }
0x42b: {  	s0 =	sshll.u32 s0, $0x9;
	v54 =	vld [tilespmem:s9+$0x0];
	[tilespmem:s20+$0x10E00] =	vst v58  }
0x42c: {  	s0 =	sadd.s32 $0x0, s0;
	v59 =	vadd.f32 v60, v52;
	v52 =	vld [tilespmem:s8+$0xA0]  }
0x42d: {  	s25 =	sor.u32 $0x400, s0;
	s24 =	sand.u32 $0x3, s7;
	v60 =	vld [tilespmem:s9+$0xA0]  }
0x42e: {  	s26 =	sshll.u32 s24, $0x8;
	s1 =	sadd.s32 $0x80, s5;
	[tilespmem:s25+$0x10E00] =	vst v59;
	v61 =	vadd.f32 v63, v62  }
0x42f: {  	s5 =	sor.u32 $0x400, s1;
	s4 =	sadd.s32 $0x0, s26;
	v62 =	vld [tilespmem:s8+$0xFFFFFF10]  }
0x430: {  	s4 =	sadd.s32 $0x100, s4;
	v63 =	vld [tilespmem:s9+$0xFFFFFF10];
	[tilespmem:s5+$0x10E00] =	vst v61;
	v59 =	vadd.f32 v54, v53  }
0x431: {  	s3 =	sor.u32 $0x400, s4;
	v53 =	vld [tilespmem:s8+$0xFFFFFF90]  }
0x432: {  	v54 =	vld [tilespmem:s9+$0xFFFFFF90];
	[tilespmem:s3+$0x10E00] =	vst v59;
	v60 =	vadd.f32 v60, v52  }
0x433: {  	s6 =	sor.u32 $0x420, s29;
	v52 =	vld [tilespmem:s8+$0x10]  }
0x434: {  	v55 =	vld [tilespmem:s9+$0x10];
	[tilespmem:s6+$0x10E00] =	vst v60  }
0x435: {  	v61 =	vadd.f32 v63, v62;
	v62 =	vld [tilespmem:s8+$0xB0]  }
0x436: {  	s7 =	sor.u32 $0x410, s0;
	v63 =	vld [tilespmem:s9+$0xB0]  }
0x437: {  	[tilespmem:s7+$0x10E00] =	vst v61;
	v60 =	vadd.f32 v54, v53  }
0x438: {  	s10 =	sor.u32 $0x410, s1;
	v53 =	vld [tilespmem:s8+$0xFFFFFF20]  }
0x439: {  	v54 =	vld [tilespmem:s9+$0xFFFFFF20];
	[tilespmem:s10+$0x10E00] =	vst v60;
	v61 =	vadd.f32 v55, v52  }
0x43a: {  	s11 =	sor.u32 $0x410, s4;
	v52 =	vld [tilespmem:s8+$0xFFFFFFA0]  }
0x43b: {  	v55 =	vld [tilespmem:s9+$0xFFFFFFA0];
	[tilespmem:s11+$0x10E00] =	vst v61;
	v62 =	vadd.f32 v63, v62  }
0x43c: {  	s12 =	sor.u32 $0x430, s29;
	v63 =	vld [tilespmem:s8+$0x20]  }
0x43d: {  	v60 =	vld [tilespmem:s9+$0x20];
	[tilespmem:s12+$0x10E00] =	vst v62  }
0x43e: {  	v51 =	vld [tilespmem:s8+$0xC0]  }
0x43f: {  	v53 =	vadd.f32 v54, v53;
	v61 =	vld [tilespmem:s9+$0xC0]  }
0x440: {  	s13 =	sor.u32 $0x420, s0  }
0x441: {  	[tilespmem:s13+$0x10E00] =	vst v53  }
0x442: {  	v52 =	vadd.f32 v55, v52;
	v53 =	vld [tilespmem:s8+$0xFFFFFF30]  }
0x443: {  	s14 =	sor.u32 $0x420, s1;
	v55 =	vld [tilespmem:s9+$0xFFFFFF30]  }
0x444: {  	[tilespmem:s14+$0x10E00] =	vst v52;
	v62 =	vadd.f32 v60, v63;
	v63 =	vmul.f32 v12, v2;
	v51 =	vadd.f32 v61, v51  }
0x445: {  	s15 =	sor.u32 $0x420, s4;
	v60 =	vld [tilespmem:s8+$0xFFFFFFB0]  }
0x446: {  	[tilespmem:s15+$0x10E00] =	vst v62;
	v61 =	vld [tilespmem:s9+$0xFFFFFFB0];
	v51 =	vadd.f32 v51, v63  }
0x447: {  	s16 =	sor.u32 $0x440, s29;
	v62 =	vld [tilespmem:s8+$0x30]  }
0x448: {  	v6 =	vadd.f32 v30, v6;
	v30 =	vadd.f32 v55, v53;
	v63 =	vld [tilespmem:s9+$0x30];
	[tilespmem:s16+$0x10E00] =	vst v51  }
0x449: {  	v5 =	vadd.f32 v24, v5;
	v7 =	vadd.f32 v27, v7;
	s17 =	sor.u32 $0x430, s0;
	v24 =	vld [tilespmem:s8+$0xD0]  }
0x44a: {  	v8 =	vadd.f32 v29, v8;
	v9 =	vadd.f32 v22, v9;
	[tilespmem:s17+$0x10E00] =	vst v30;
	v22 =	vld [tilespmem:s9+$0xD0]  }
0x44b: {  	v10 =	vadd.f32 v46, v10;
	v29 =	vld [tilespmem:s8+$0xFFFFFF40];
	v27 =	vadd.f32 v61, v60  }
0x44c: {  	v13 =	vadd.f32 v43, v13;
	v14 =	vadd.f32 v44, v14;
	s18 =	sor.u32 $0x430, s1;
	v30 =	vld [tilespmem:s9+$0xFFFFFF40]  }
0x44d: {  	v15 =	vadd.f32 v42, v15;
	[tilespmem:s18+$0x10E00] =	vst v27;
	v27 =	vadd.f32 v63, v62  }
0x44e: {  	v17 =	vadd.f32 v40, v17;
	v16 =	vadd.f32 v41, v16;
	s19 =	sor.u32 $0x430, s4;
	v53 =	vld [tilespmem:s8+$0xFFFFFFC0]  }
0x44f: {  	v18 =	vadd.f32 v39, v18;
	[tilespmem:s19+$0x10E00] =	vst v27;
	v27 =	vld [tilespmem:s9+$0xFFFFFFC0];
	v22 =	vadd.f32 v22, v24;
	v24 =	vmul.f32 v12, v3  }
0x450: {  	v6 =	vadd.f32 v33, v6;
	v5 =	vadd.f32 v32, v5;
	v54 =	vld [tilespmem:s8+$0x40]  }
0x451: {  	v55 =	vmul.f32 v50, v2;
	v29 =	vadd.f32 v30, v29;
	v56 =	vld [tilespmem:s9+$0x40];
	v24 =	vadd.f32 v22, v24  }
0x452: {  	v7 =	vadd.f32 v31, v7;
	s20 =	sor.u32 $0x450, s29;
	v22 =	vadd.f32 v34, v21  }
0x453: {  	v21 =	vadd.f32 v35, v23;
	v23 =	vadd.f32 v29, v55;
	[tilespmem:s20+$0x10E00] =	vst v24  }
0x454: {  	v8 =	vadd.f32 v26, v8;
	s24 =	sor.u32 $0x440, s0;
	v24 =	vmul.f32 v49, v2;
	v29 =	vadd.f32 v27, v53;
	v57 =	vld [tilespmem:s8+$0xE0]  }
0x455: {  	v9 =	vadd.f32 v25, v9;
	v32 =	vmul.f32 v50, v3;
	v33 =	vmul.f32 v49, v3;
	[tilespmem:s24+$0x10E00] =	vst v23;
	v31 =	vld [tilespmem:s9+$0xE0]  }
0x456: {  	v58 =	vmul.f32 v48, v2;
	v59 =	vadd.f32 v56, v54;
	v60 =	vld [tilespmem:s8+$0xFFFFFF50];
	v29 =	vadd.f32 v29, v24  }
0x457: {  	s28 =	simm.s32 $0x0;
	v10 =	vadd.f32 v28, v10;
	v26 =	vmul.f32 v45, v0;
	v28 =	vmul.f32 v48, v1;
	s31 =	sor.u32 $0x460, s1;
	s26 =	sor.u32 $0x440, s1;
	v61 =	vld [tilespmem:s9+$0xFFFFFF50]  }
0x458: {  	v25 =	vmul.f32 v47, v0;
	s25 =	sor.u32 $0x440, s4;
	s30 =	sor.u32 $0x450, s4;
	s3 =	sor.u32 $0x450, s0;
	v30 =	vmul.f32 v49, v4;
	[tilespmem:s26+$0x10E00] =	vst v29;
	v29 =	vadd.f32 v59, v58  }
0x459: {  	v19 =	vadd.f32 v37, v19;
	s7 =	simm.s32 $0x8F00;
	s6 =	sor.u32 $0x470, s0;
	s10 =	sor.u32 $0x470, s1;
	v63 =	vmul.f32 v12, v4;
	v34 =	vmul.f32 v48, v3;
	v35 =	vld [tilespmem:s8+$0xFFFFFFD0]  }
0x45a: {  	s13 =	simm.s32 $0x0;
	s14 =	sor.u32 $0x460, s4;
	s4 =	sor.u32 $0x470, s4;
	v27 =	vmul.f32 v50, v4;
	v23 =	vmul.f32 v50, v1;
	v37 =	vld [tilespmem:s9+$0xFFFFFFD0];
	[tilespmem:s25+$0x10E00] =	vst v29;
	v62 =	vadd.f32 v31, v57  }
0x45b: {  	v20 =	vadd.f32 v38, v20;
	s15 =	sor.u32 $0x460, s0;
	s17 =	simm.s32 $0x0;
	s16 =	simm.s32 $0x1100;
	v24 =	vmul.f32 v49, v1;
	v31 =	vmul.f32 v48, v4;
	v38 =	vld [tilespmem:s8+$0x50]  }
0x45c: {  	s18 =	simm.s32 $0x0;
	s26 =	sor.u32 $0x450, s1;
	s1 =	simm.s32 $0xCF00;
	v29 =	vmul.f32 v36, v0;
	v40 =	vadd.f32 v61, v60;
	v39 =	vld [tilespmem:s9+$0x50];
	v36 =	vadd.f32 v62, v63  }
.LBB2_13:
0x45d: {  	v41 =	vld [tilespmem:s16+$0x80];
	s0 =	sor.u32 $0x460, s29;
	s21 =	sadd.s32 $0x200, s21  }
0x45e: {  	v42 =	vld [tilespmem:s21+$0x80];
	[tilespmem:s0+$0x10E00] =	vst v36  }
0x45f: {  	v32 =	vadd.f32 v40, v32;
	v36 =	vld [tilespmem:s8+$0xF0]  }
0x460: {  	s2 =	sadd.s32 $0x4, s2;
	v47 =	vld [tilespmem:s9+$0xF0]  }
0x461: {  	v54 =	vmul.f32 v12, v1;
	v12 =	vld.msk [tilespmem:s2+$0x0 ss:$0x0], $0xffff;
	[tilespmem:s3+$0x10E00] =	vst v32;
	v35 =	vadd.f32 v37, v35  }
0x462: {  	v48 =	vld [tilespmem:s16+$0xFFFFFF00]  }
0x463: {  	s18 =	sadd.s32 $0x400, s18;
	v49 =	vld [tilespmem:s21+$0xFFFFFF00];
	v45 =	vadd.f32 v35, v33  }
0x464: {  	s22 =	sadd.s32 $0x200, s22;
	s23 =	sadd.s32 $0x4, s23;
	s24 =	sand.u32 $0x7800, s18;
	v59 =	vld.msk [tilespmem:s2+$0xFFFFFFFD ss:$0x0], $0xffff  }
0x465: {  	[dreg:$0xc] =	wrdreg s4;
	s5 =	sand.u32 $0x380, s22;
	s4 =	sadd.s32 $0x10E00, s24;
	v46 =	vadd.f32 v39, v38;
	v60 =	vld.msk [tilespmem:s23+$0xFFFFFFFD ss:$0x0], $0xffff;
	v53 =	vadd.f32 v42, v41;
	[tilespmem:s26+$0x10E00] =	vst v45  }
0x466: {  	s26 =	sadd.s32 s5, s4;
	v51 =	vld [tilespmem:s16+$0xFFFFFF80]  }
0x467: {  	v50 =	vadd.f32 v46, v34;
	v52 =	vld [tilespmem:s21+$0xFFFFFF80];
	[tilespmem:s26+$0x0] =	vst v53  }
0x468: {  	v56 =	vld [tilespmem:s16+$0x90]  }
0x469: {  	v35 =	vadd.f32 v47, v36;
	[tilespmem:s30+$0x10E00] =	vst v50;
	v57 =	vld [tilespmem:s21+$0x90]  }
0x46a: {  	v32 =	vld [tilespmem:s16+$0x0]  }
0x46b: {  	v55 =	vmul.f32 v11, v0;
	v35 =	vadd.f32 v35, v54;
	v58 =	vld [tilespmem:s21+$0x0]  }
0x46c: {  	v61 =	vld.msk [tilespmem:s2+$0xFFFFFFFE ss:$0x0], $0xffff  }
0x46d: {  	v44 =	vld.msk [tilespmem:s23+$0xFFFFFFFE ss:$0x0], $0xffff;
	v35 =	vadd.f32 v35, v55  }
0x46e: {  	s24 =	sor.u32 $0x470, s29;
	v63 =	vld.msk [tilespmem:s23+$0xFFFFFFFF ss:$0x0], $0xffff;
	v62 =	vadd.f32 v57, v56  }
0x46f: {  	s25 =	sadd.s32 $0xFFFFFE80, s22;
	v11 =	vld.msk [tilespmem:s23+$0x0 ss:$0x0], $0xffff;
	[tilespmem:s24+$0x10E00] =	vst v35  }
0x470: {  	[dreg:$0x13] =	wrdreg s10;
	s10 =	sand.u32 $0x200, s25;
	v37 =	vadd.f32 v49, v48;
	v45 =	vld.msk [tilespmem:s2+$0xFFFFFFFF ss:$0x0], $0xffff;
	[tilespmem:s26+$0x10] =	vst v62  }
0x471: {  	[smem:$0x7D7] =	sst s6;
	s12 =	sadd.s32 $0xFFFFFF00, s22;
	s6 =	sadd.s32 s10, s4;
	v46 =	vld [tilespmem:s16+$0xA0]  }
0x472: {  	s17 =	sadd.s32 $0x2, s17;
	s19 =	sand.u32 $0x280, s12;
	[tilespmem:s6+$0x0] =	vst v37;
	v33 =	vadd.f32 v52, v51;
	v48 =	vld [tilespmem:s21+$0xA0]  }
0x473: {  	s20 =	sand.u32 $0x3, s17;
	s11 =	sadd.s32 $0xFFFFFF80, s22;
	s25 =	sadd.s32 s19, s4;
	v49 =	vld [tilespmem:s16+$0xFFFFFF10]  }
0x474: {  	s0 =	sshll.u32 s20, $0x8;
	s20 =	sand.u32 $0x300, s11;
	v50 =	vld [tilespmem:s21+$0xFFFFFF10];
	v56 =	vadd.f32 v58, v32;
	[tilespmem:s25+$0x0] =	vst v33  }
0x475: {  	s10 =	sadd.s32 s20, s4;
	v47 =	vmul.f32 v59, v4;
	v42 =	vmul.f32 v59, v1;
	v52 =	vld [tilespmem:s16+$0xFFFFFF90]  }
0x476: {  	v43 =	vmul.f32 v60, v0;
	v35 =	vmul.f32 v59, v2;
	[tilespmem:s10+$0x0] =	vst v56;
	v53 =	vld [tilespmem:s21+$0xFFFFFF90]  }
0x477: {  	v40 =	vmul.f32 v44, v0;
	v37 =	vmul.f32 v45, v2;
	v54 =	vld [tilespmem:s16+$0x10];
	v57 =	vadd.f32 v48, v46  }
0x478: {  	v34 =	vmul.f32 v45, v3;
	v44 =	vmul.f32 v45, v4;
	v58 =	vld [tilespmem:s21+$0x10]  }
0x479: {  	v39 =	vmul.f32 v45, v1;
	v45 =	vld [tilespmem:s8+$0xFFFFFF60];
	v32 =	vmul.f32 v59, v3;
	v59 =	vadd.f32 v50, v49;
	[tilespmem:s26+$0x20] =	vst v57  }
0x47a: {  	v36 =	vmul.f32 v61, v2;
	v51 =	vmul.f32 v61, v4;
	v60 =	vld [tilespmem:s16+$0xB0]  }
0x47b: {  	v41 =	vmul.f32 v61, v1;
	v33 =	vmul.f32 v61, v3;
	[tilespmem:s6+$0x10] =	vst v59;
	v61 =	vadd.f32 v53, v52;
	v62 =	vld [tilespmem:s21+$0xB0]  }
0x47c: {  	v38 =	vmul.f32 v63, v0;
	v63 =	vld [tilespmem:s16+$0xFFFFFF20]  }
0x47d: {  	v46 =	vadd.f32 v58, v54;
	[tilespmem:s25+$0x10] =	vst v61;
	v57 =	vld [tilespmem:s21+$0xFFFFFF20]  }
0x47e: {  	v48 =	vld [tilespmem:s16+$0xFFFFFFA0]  }
0x47f: {  	v58 =	vld [tilespmem:s21+$0xFFFFFFA0];
	[tilespmem:s10+$0x10] =	vst v46  }
0x480: {  	v46 =	vld [tilespmem:s16+$0x20];
	v49 =	vadd.f32 v62, v60  }
0x481: {  	v59 =	vld [tilespmem:s21+$0x20]  }
0x482: {  	v52 =	vadd.f32 v57, v63;
	v60 =	vld [tilespmem:s9+$0xFFFFFF60];
	[tilespmem:s26+$0x30] =	vst v49  }
0x483: {  	v61 =	vld [tilespmem:s16+$0xC0]  }
0x484: {  	v48 =	vadd.f32 v58, v48;
	[tilespmem:s6+$0x20] =	vst v52;
	v62 =	vld [tilespmem:s21+$0xC0]  }
0x485: {  	v63 =	vld [tilespmem:s16+$0xFFFFFF30]  }
0x486: {  	v46 =	vadd.f32 v59, v46;
	[tilespmem:s25+$0x20] =	vst v48;
	v55 =	vld [tilespmem:s21+$0xFFFFFF30]  }
0x487: {  	v48 =	vld [tilespmem:s16+$0xFFFFFFB0]  }
0x488: {  	v56 =	vld [tilespmem:s21+$0xFFFFFFB0];
	[tilespmem:s10+$0x20] =	vst v46;
	v45 =	vadd.f32 v60, v45  }
0x489: {  	v46 =	vld [tilespmem:s16+$0x30];
	v57 =	vadd.f32 v62, v61  }
0x48a: {  	v58 =	vld [tilespmem:s21+$0x30];
	v45 =	vadd.f32 v45, v27  }
0x48b: {  	v50 =	vld [tilespmem:s8+$0xFFFFFFE0];
	v59 =	vadd.f32 v55, v63;
	[tilespmem:s26+$0x40] =	vst v57  }
0x48c: {  	[tilespmem:s15+$0x10E00] =	vst v45;
	v60 =	vld [tilespmem:s16+$0xD0]  }
0x48d: {  	v61 =	vadd.f32 v56, v48;
	[tilespmem:s6+$0x30] =	vst v59;
	v62 =	vld [tilespmem:s21+$0xD0]  }
0x48e: {  	v63 =	vld [tilespmem:s16+$0xFFFFFF40]  }
0x48f: {  	v56 =	vadd.f32 v58, v46;
	[tilespmem:s25+$0x30] =	vst v61;
	v52 =	vld [tilespmem:s21+$0xFFFFFF40]  }
0x490: {  	v57 =	vld [tilespmem:s16+$0xFFFFFFC0]  }
0x491: {  	[tilespmem:s10+$0x30] =	vst v56;
	v58 =	vld [tilespmem:s21+$0xFFFFFFC0]  }
0x492: {  	v45 =	vld [tilespmem:s16+$0x40];
	v48 =	vadd.f32 v62, v60  }
0x493: {  	v59 =	vld [tilespmem:s21+$0x40]  }
0x494: {  	v49 =	vadd.f32 v52, v63;
	v60 =	vld [tilespmem:s9+$0xFFFFFFE0];
	[tilespmem:s26+$0x50] =	vst v48  }
0x495: {  	v61 =	vld [tilespmem:s16+$0xE0]  }
0x496: {  	v46 =	vadd.f32 v58, v57;
	[tilespmem:s6+$0x40] =	vst v49;
	v62 =	vld [tilespmem:s21+$0xE0]  }
0x497: {  	v49 =	vld [tilespmem:s16+$0xFFFFFF50]  }
0x498: {  	v45 =	vadd.f32 v59, v45;
	[tilespmem:s25+$0x40] =	vst v46;
	v63 =	vld [tilespmem:s21+$0xFFFFFF50]  }
0x499: {  	v46 =	vld [tilespmem:s16+$0xFFFFFFD0]  }
0x49a: {  	[tilespmem:s10+$0x40] =	vst v45;
	v56 =	vld [tilespmem:s21+$0xFFFFFFD0]  }
0x49b: {  	v27 =	vmov v47;
	v45 =	vld [tilespmem:s16+$0x50];
	v47 =	vadd.f32 v62, v61  }
0x49c: {  	v57 =	vld [tilespmem:s21+$0x50];
	v48 =	vadd.f32 v60, v50  }
0x49d: {  	v49 =	vadd.f32 v63, v49;
	[tilespmem:s26+$0x60] =	vst v47;
	v47 =	vld [tilespmem:s8+$0x60]  }
0x49e: {  	v48 =	vadd.f32 v48, v30;
	v58 =	vld [tilespmem:s16+$0xF0]  }
0x49f: {  	v46 =	vadd.f32 v56, v46;
	[tilespmem:s6+$0x50] =	vst v49;
	v59 =	vld [tilespmem:s21+$0xF0]  }
0x4a0: {  	[tilespmem:s31+$0x10E00] =	vst v48;
	v49 =	vld [tilespmem:s16+$0xFFFFFF60]  }
0x4a1: {  	v45 =	vadd.f32 v57, v45;
	[tilespmem:s25+$0x50] =	vst v46;
	v60 =	vld [tilespmem:s21+$0xFFFFFF60]  }
0x4a2: {  	v46 =	vld [tilespmem:s16+$0xFFFFFFE0]  }
0x4a3: {  	[tilespmem:s10+$0x50] =	vst v45;
	v61 =	vld [tilespmem:s21+$0xFFFFFFE0]  }
0x4a4: {  	p0 =	por !p0, !p0;
	s3 =	simm.s32 $0x1;
	v45 =	vld [tilespmem:s16+$0x60];
	v48 =	vadd.f32 v59, v58  }
0x4a5: {  	s3 =	simm.s32 @!p0 $0x0;
	v62 =	vld [tilespmem:s21+$0x60]  }
0x4a6: {  	s3 =	sshll.u32 s3, $0x9;
	s8 =	sadd.s32 $0x200, s8;
	v63 =	vld [tilespmem:s9+$0x60];
	v49 =	vadd.f32 v60, v49;
	[tilespmem:s26+$0x70] =	vst v48  }
0x4a7: {  	s11 =	sadd.s32 s3, s18;
	s9 =	sadd.s32 $0x200, s9;
	v56 =	vld [tilespmem:s8+$0x80]  }
0x4a8: {  	s28 =	sadd.s32 $0x4, s28;
	s0 =	sadd.s32 s18, s0;
	s12 =	sor.u32 $0x410, s11;
	v46 =	vadd.f32 v61, v46;
	[tilespmem:s6+$0x60] =	vst v49;
	v57 =	vld [tilespmem:s9+$0x80]  }
0x4a9: {  	s5 =	sadd.s32 $0x100, s0;
	[smem:$0x7D6] =	sst s12;
	s12 =	sor.u32 $0x430, s11;
	v58 =	vld [tilespmem:s16+$0xFFFFFF70]  }
0x4aa: {  	s4 =	sor.u32 $0x430, s5;
	[smem:$0x7DC] =	sst s12;
	s12 =	sand.u32 $0x7, s28;
	v45 =	vadd.f32 v62, v45;
	[tilespmem:s25+$0x60] =	vst v46;
	v59 =	vld [tilespmem:s21+$0xFFFFFF70]  }
0x4ab: {  	[dreg:$0x1f] =	wrdreg s4;
	s4 =	sshll.u32 s12, $0x7;
	v46 =	vld [tilespmem:s16+$0xFFFFFFF0]  }
0x4ac: {  	s4 =	sadd.s32 s18, s4;
	[tilespmem:s10+$0x60] =	vst v45;
	v60 =	vld [tilespmem:s21+$0xFFFFFFF0]  }
0x4ad: {  	s29 =	sadd.s32 $0x180, s4;
	v45 =	vld [tilespmem:s16+$0x70];
	v49 =	vadd.f32 v57, v56  }
0x4ae: {  	s26 =	sor.u32 $0x400, s29;
	v61 =	vld [tilespmem:s21+$0x70]  }
0x4af: {  	v47 =	vadd.f32 v63, v47;
	v63 =	vld [tilespmem:s1+$0xFFFFFF70];
	v62 =	vadd.f32 v59, v58;
	[tilespmem:s26+$0x10E00] =	vst v49  }
0x4b0: {  	v54 =	vld [tilespmem:s8+$0x90]  }
0x4b1: {  	v46 =	vadd.f32 v60, v46;
	[tilespmem:s6+$0x70] =	vst v62;
	v55 =	vld [tilespmem:s9+$0x90]  }
0x4b2: {  	v47 =	vadd.f32 v47, v31;
	v56 =	vld [tilespmem:s8+$0xFFFFFF00]  }
0x4b3: {  	s20 =	sor.u32 $0x420, s11;
	v31 =	vmov v44;
	v44 =	vadd.f32 v61, v45;
	[tilespmem:s25+$0x70] =	vst v46;
	v50 =	vld [tilespmem:s9+$0xFFFFFF00]  }
0x4b4: {  	[smem:$0x7DA] =	sst s20;
	s19 =	sor.u32 $0x410, s5;
	[tilespmem:s14+$0x10E00] =	vst v47;
	v57 =	vld [tilespmem:s8+$0xFFFFFF80]  }
0x4b5: {  	[smem:$0x7D9] =	sst s19;
	s19 =	sor.u32 $0x440, s11;
	[tilespmem:s10+$0x70] =	vst v44;
	v46 =	vld [tilespmem:s9+$0xFFFFFF80]  }
0x4b6: {  	[dreg:$0x16] =	wrdreg s19;
	s19 =	sor.u32 $0x460, s5;
	v44 =	vld [tilespmem:s8+$0x0];
	v47 =	vadd.f32 v55, v54  }
0x4b7: {  	s0 =	sor.u32 $0x400, s5;
	s14 =	smov.u32 s19;
	s19 =	sor.u32 $0x410, s29;
	v58 =	vld [tilespmem:s9+$0x0]  }
0x4b8: {  	s20 =	sor.u32 $0x440, s5;
	s30 =	sor.u32 $0x450, s5;
	[smem:$0x7D5] =	sst s0;
	v59 =	vld [tilespmem:s7+$0xFFFFFF70];
	v48 =	vadd.f32 v50, v56;
	[tilespmem:s19+$0x10E00] =	vst v47  }
0x4b9: {  	s0 =	sor.u32 $0x400, s11;
	s24 =	sor.u32 $0x420, s5;
	s5 =	sor.u32 $0x470, s5;
	v60 =	vld [tilespmem:s8+$0xA0]  }
0x4ba: {  	[dreg:$0x1c] =	wrdreg s5;
	s5 =	sadd.s32 $0x80, s4;
	v45 =	vadd.f32 v46, v57;
	[tilespmem:s0+$0x10E00] =	vst v48;
	v61 =	vld [tilespmem:s9+$0xA0]  }
0x4bb: {  	s12 =	sor.u32 $0x400, s5;
	v48 =	vld [tilespmem:s8+$0xFFFFFF10]  }
0x4bc: {  	s25 =	sld [smem:$0x7D5];
	[tilespmem:s12+$0x10E00] =	vst v45;
	v62 =	vld [tilespmem:s9+$0xFFFFFF10]  }
0x4bd: {  	v44 =	vadd.f32 v58, v44;
	v45 =	vld [tilespmem:s8+$0xFFFFFF90]  }
0x4be: {  	v47 =	vadd.f32 v59, v63;
	v63 =	vld [tilespmem:s9+$0xFFFFFF90]  }
0x4bf: {  	[tilespmem:s25+$0x10E00] =	vst v44;
	v46 =	vadd.f32 v61, v60  }
0x4c0: {  	s6 =	sor.u32 $0x420, s29;
	v44 =	vld [tilespmem:s8+$0x10]  }
0x4c1: {  	s10 =	sld [smem:$0x7D6];
	v53 =	vld [tilespmem:s9+$0x10];
	[tilespmem:s6+$0x10E00] =	vst v46  }
0x4c2: {  	s3 =	sor.u32 $0x450, s11;
	[smem:$0x7DB] =	sst s24;
	v47 =	vadd.f32 v47, v23;
	v48 =	vadd.f32 v62, v48;
	v56 =	vld [tilespmem:s8+$0xB0]  }
0x4c3: {  	s24 =	sor.u32 $0x460, s11;
	s11 =	sor.u32 $0x470, s11;
	s12 =	sld [smem:$0x7D7];
	v45 =	vadd.f32 v63, v45;
	v57 =	vld [tilespmem:s9+$0xB0]  }
0x4c4: {  	[smem:$0x7D8] =	sst s11;
	s11 =	sor.u32 $0x410, s5;
	v55 =	vld [tilespmem:s1+$0xFFFFFFF0];
	v54 =	vadd.f32 v47, v26;
	[tilespmem:s10+$0x10E00] =	vst v48  }
0x4c5: {  	s25 =	sld [smem:$0x7D9];
	[tilespmem:s11+$0x10E00] =	vst v45;
	v58 =	vld [tilespmem:s8+$0xFFFFFF20]  }
0x4c6: {  	v23 =	vmov v42;
	v42 =	vadd.f32 v53, v44;
	[tilespmem:s12+$0x10E00] =	vst v54;
	v59 =	vld [tilespmem:s8+$0xFFFFFFA0]  }
0x4c7: {  	v46 =	vld [tilespmem:s9+$0xFFFFFF20]  }
0x4c8: {  	v26 =	vmov v43;
	[tilespmem:s25+$0x10E00] =	vst v42;
	v45 =	vld [tilespmem:s9+$0xFFFFFFA0];
	v43 =	vadd.f32 v57, v56  }
0x4c9: {  	s10 =	sor.u32 $0x430, s29;
	v42 =	vld [tilespmem:s8+$0x20]  }
0x4ca: {  	v60 =	vld [tilespmem:s9+$0x20];
	[tilespmem:s10+$0x10E00] =	vst v43  }
0x4cb: {  	s11 =	sld [smem:$0x7DA];
	v62 =	vld [tilespmem:s8+$0xC0]  }
0x4cc: {  	v46 =	vadd.f32 v46, v58;
	v63 =	vld [tilespmem:s9+$0xC0];
	_ =	sdelay $0x1  }
0x4cd: {  	v61 =	vld [tilespmem:s7+$0xFFFFFFF0];
	v44 =	vadd.f32 v45, v59;
	[tilespmem:s11+$0x10E00] =	vst v46  }
0x4ce: {  	s4 =	sor.u32 $0x420, s5;
	s12 =	sld [smem:$0x7DB];
	v46 =	vld [tilespmem:s8+$0xFFFFFF30]  }
0x4cf: {  	v42 =	vadd.f32 v60, v42;
	[tilespmem:s4+$0x10E00] =	vst v44;
	v52 =	vld [tilespmem:s9+$0xFFFFFF30]  }
0x4d0: {  	s19 =	sld [smem:$0x7D8];
	v54 =	vmul.f32 v12, v2;
	v44 =	vld [tilespmem:s8+$0xFFFFFFB0];
	v45 =	vadd.f32 v63, v62  }
0x4d1: {  	[tilespmem:s12+$0x10E00] =	vst v42;
	v53 =	vld [tilespmem:s9+$0xFFFFFFB0]  }
0x4d2: {  	v42 =	vld [tilespmem:s8+$0x30];
	v45 =	vadd.f32 v45, v54  }
0x4d3: {  	s6 =	smov.u32 s19;
	s19 =	sor.u32 $0x440, s29;
	s25 =	sld [smem:$0x7DC];
	v43 =	vadd.f32 v61, v55;
	v55 =	vld [tilespmem:s9+$0x30]  }
0x4d4: {  	v56 =	vld [tilespmem:s1+$0x70];
	v46 =	vadd.f32 v52, v46;
	[tilespmem:s19+$0x10E00] =	vst v45  }
0x4d5: {  	v43 =	vadd.f32 v43, v24;
	v59 =	vld [tilespmem:s8+$0xD0]  }
0x4d6: {  	v58 =	vadd.f32 v53, v44;
	[tilespmem:s25+$0x10E00] =	vst v46;
	v61 =	vld [tilespmem:s9+$0xD0]  }
0x4d7: {  	[dreg:$0xf] =	wrdreg s20;
	s15 =	smov.u32 s24;
	s24 =	sor.u32 $0x430, s5;
	v43 =	vadd.f32 v43, v25;
	v62 =	vld [tilespmem:s8+$0xFFFFFF40]  }
0x4d8: {  	s20 =	sor.u32 $0x440, s5;
	s4 =	rddreg [dreg:$0x13];
	[tilespmem:s24+$0x10E00] =	vst v58;
	v63 =	vld [tilespmem:s9+$0xFFFFFF40]  }
0x4d9: {  	s31 =	sor.u32 $0x460, s5;
	s26 =	sor.u32 $0x450, s5;
	s5 =	sor.u32 $0x470, s5;
	v57 =	vld [tilespmem:s7+$0x70];
	v60 =	vadd.f32 v55, v42;
	[tilespmem:s4+$0x10E00] =	vst v43  }
0x4da: {  	s10 =	smov.u32 s5;
	s5 =	rddreg [dreg:$0x1f];
	v49 =	vld [tilespmem:s8+$0xFFFFFFC0]  }
0x4db: {  	v24 =	vmov v41;
	v52 =	vmul.f32 v12, v3;
	[tilespmem:s5+$0x10E00] =	vst v60;
	v50 =	vld [tilespmem:s9+$0xFFFFFFC0];
	v41 =	vadd.f32 v61, v59  }
0x4dc: {  	v30 =	vmov v51;
	v51 =	vld [tilespmem:s8+$0x40]  }
0x4dd: {  	v53 =	vld [tilespmem:s9+$0x40];
	v54 =	vadd.f32 v63, v62;
	v41 =	vadd.f32 v41, v52  }
0x4de: {  	s11 =	sor.u32 $0x450, s29  }
0x4df: {  	v48 =	vadd.f32 v57, v56;
	v35 =	vadd.f32 v54, v35;
	[tilespmem:s11+$0x10E00] =	vst v41  }
0x4e0: {  	s24 =	rddreg [dreg:$0x16];
	v55 =	vadd.f32 v50, v49;
	v56 =	vld [tilespmem:s8+$0xE0]  }
0x4e1: {  	v25 =	vmov v40;
	v40 =	vadd.f32 v48, v28;
	[tilespmem:s24+$0x10E00] =	vst v35;
	v59 =	vld [tilespmem:s9+$0xE0]  }
0x4e2: {  	s13 =	sadd.s32 $0x4, s13;
	v58 =	vadd.f32 v53, v51;
	v57 =	vadd.f32 v55, v36;
	v60 =	vld [tilespmem:s8+$0xFFFFFF50]  }
0x4e3: {  	p1 =	slt.u32 s13, $0x7C;
	v40 =	vadd.f32 v40, v29;
	v61 =	vld [tilespmem:s9+$0xFFFFFF50]  }
.Ltmp6:
0x4e4: {  	s12 =	rddreg [dreg:$0xc];
	v36 =	vadd.f32 v58, v37;
	[tilespmem:s20+$0x10E00] =	vst v57;
	(pc) =	sbr.rel @p1 .LBB2_13-.Ltmp6, $4  }
0x4e5: {  	s25 =	rddreg [dreg:$0xf];
	[tilespmem:s12+$0x10E00] =	vst v40;
	v35 =	vld [tilespmem:s8+$0xFFFFFFD0]  }
0x4e6: {  	v63 =	vmul.f32 v12, v4;
	[tilespmem:s25+$0x10E00] =	vst v36;
	v37 =	vld [tilespmem:s9+$0xFFFFFFD0];
	v62 =	vadd.f32 v59, v56  }
0x4e7: {  	s16 =	sadd.s32 $0x200, s16;
	v29 =	vmov v38;
	s19 =	rddreg [dreg:$0x1c];
	v38 =	vld [tilespmem:s8+$0x50]  }
0x4e8: {  	s1 =	smov.u32 s8;
	s7 =	smov.u32 s9;
	v28 =	vmov v39;
	s4 =	smov.u32 s19;
	v39 =	vld [tilespmem:s9+$0x50];
	v40 =	vadd.f32 v61, v60;
	v36 =	vadd.f32 v62, v63  }
0x4e9: {  	_ =	sdelay $0x1  }
0x4ea: {  	v32 =	vadd.f32 v40, v32;
	v35 =	vadd.f32 v37, v35;
	_ =	sdelay $0x1  }
0x4eb: {  	[tilespmem:s3+$0x10E00] =	vst v32;
	v50 =	vadd.f32 v35, v33;
	v51 =	vadd.f32 v39, v38  }
0x4ec: {  	v52 =	vld [tilespmem:s8+$0xFFFFFF60]  }
0x4ed: {  	v54 =	vld [tilespmem:s9+$0xFFFFFF60];
	[tilespmem:s26+$0x10E00] =	vst v50;
	v53 =	vadd.f32 v51, v34  }
0x4ee: {  	v55 =	vld [tilespmem:s8+$0xFFFFFFE0]  }
0x4ef: {  	v56 =	vld [tilespmem:s9+$0xFFFFFFE0];
	[tilespmem:s30+$0x10E00] =	vst v53  }
0x4f0: {  	v57 =	vld [tilespmem:s8+$0x60]  }
0x4f1: {  	v58 =	vld [tilespmem:s9+$0x60]  }
0x4f2: {  	v33 =	vadd.f32 v54, v52  }
0x4f3: {  	s0 =	sor.u32 $0x460, s29  }
0x4f4: {  	[tilespmem:s0+$0x10E00] =	vst v36;
	v27 =	vadd.f32 v33, v27;
	v32 =	vadd.f32 v56, v55  }
0x4f5: {  	v59 =	vld [tilespmem:s8+$0xF0]  }
0x4f6: {  	v60 =	vld [tilespmem:s9+$0xF0];
	[tilespmem:s15+$0x10E00] =	vst v27;
	v27 =	vadd.f32 v32, v30;
	v30 =	vadd.f32 v58, v57  }
0x4f7: {  	v61 =	vld [tilespmem:s1+$0xFFFFFF70]  }
0x4f8: {  	[tilespmem:s31+$0x10E00] =	vst v27;
	v27 =	vadd.f32 v30, v31;
	v30 =	vld [tilespmem:s7+$0xFFFFFF70]  }
0x4f9: {  	v31 =	vld [tilespmem:s1+$0xFFFFFFF0]  }
0x4fa: {  	[tilespmem:s14+$0x10E00] =	vst v27;
	v27 =	vld [tilespmem:s7+$0xFFFFFFF0]  }
0x4fb: {  	v62 =	vld [tilespmem:s1+$0x70]  }
0x4fc: {  	v63 =	vld [tilespmem:s7+$0x70];
	_ =	sdelay $0x1  }
0x4fd: {  	v12 =	vmul.f32 v12, v1;
	v33 =	vadd.f32 v60, v59  }
0x4fe: {  	v30 =	vadd.f32 v30, v61  }
0x4ff: {  	v11 =	vmul.f32 v11, v0;
	v12 =	vadd.f32 v33, v12;
	v27 =	vadd.f32 v27, v31  }
0x500: {  	v23 =	vadd.f32 v30, v23;
	v30 =	vadd.f32 v63, v62  }
0x501: {  	v11 =	vadd.f32 v12, v11;
	v12 =	vadd.f32 v27, v24  }
0x502: {  	s29 =	sor.u32 $0x470, s29;
	v23 =	vadd.f32 v23, v26;
	v24 =	vadd.f32 v30, v28  }
0x503: {  	[tilespmem:s29+$0x10E00] =	vst v11;
	v11 =	vadd.f32 v12, v25  }
0x504: {  	[tilespmem:s6+$0x10E00] =	vst v23;
	v12 =	vadd.f32 v24, v29  }
0x505: {  	[tilespmem:s10+$0x10E00] =	vst v11  }
0x506: {  	[tilespmem:s4+$0x10E00] =	vst v12  }
0x507: {  	s31 =	sld [smem:$0x7DD]  }
0x508: {  	s30 =	simm.s32 $0x0  }
0x509: {  	s0 =	sand.u32 $0x380, s30  }
0x50a: {  	s1 =	sor.u32 s0, s31  }
0x50b: {  	s0 =	sadd.s32 $0x10E00, s1;
	v11 =	vld [tilespmem:s1+$0x10E00]  }
0x50c: {  	v12 =	vld [tilespmem:s0+$0x470]  }
0x50d: {  	v23 =	vld [tilespmem:s0+$0x10]  }
0x50e: {  	v24 =	vld [tilespmem:s0+$0x20]  }
0x50f: {  	v25 =	vld [tilespmem:s0+$0x30]  }
0x510: {  	v26 =	vld [tilespmem:s0+$0x40]  }
0x511: {  	v28 =	vld [tilespmem:s0+$0x50]  }
0x512: {  	v29 =	vld [tilespmem:s0+$0x60]  }
0x513: {  	v30 =	vld [tilespmem:s0+$0x70]  }
0x514: {  	v31 =	vld [tilespmem:s0+$0x400]  }
0x515: {  	v27 =	vld [tilespmem:s0+$0x410];
	v13 =	vadd.f32 v11, v13;
	v14 =	vadd.f32 v12, v14  }
0x516: {  	v15 =	vadd.f32 v23, v15;
	v17 =	vadd.f32 v24, v17;
	v23 =	vld [tilespmem:s0+$0x420]  }
0x517: {  	v16 =	vadd.f32 v25, v16;
	v18 =	vadd.f32 v26, v18;
	v24 =	vld [tilespmem:s0+$0x430]  }
0x518: {  	s2 =	simm.s32 $0x100;
	s1 =	simm.s32 $0x80;
	v19 =	vadd.f32 v28, v19;
	v20 =	vadd.f32 v29, v20;
	v29 =	vld [tilespmem:s0+$0x440]  }
0x519: {  	s3 =	sand.u32 $0x7800, s2;
	s2 =	simm.s32 $0x200;
	s4 =	sand.u32 $0x380, s1;
	v22 =	vadd.f32 v30, v22;
	v21 =	vadd.f32 v31, v21;
	v31 =	vld [tilespmem:s0+$0x450]  }
.LBB2_15:
0x51a: {  	p0 =	sne.s32 s2, $0x7F00;
	s3 =	sor.u32 s4, s3;
	v6 =	vadd.f32 v27, v6;
	v11 =	vld [tilespmem:s0+$0x460]  }
0x51b: {  	s0 =	sadd.s32 $0x10E00, s3;
	v12 =	vld [tilespmem:s3+$0x10E00];
	v5 =	vadd.f32 v23, v5  }
0x51c: {  	v23 =	vld [tilespmem:s0+$0x470];
	v7 =	vadd.f32 v24, v7  }
0x51d: {  	v24 =	vld [tilespmem:s0+$0x10];
	v8 =	vadd.f32 v29, v8  }
0x51e: {  	v25 =	vld [tilespmem:s0+$0x20];
	v9 =	vadd.f32 v31, v9  }
0x51f: {  	v26 =	vld [tilespmem:s0+$0x30];
	v10 =	vadd.f32 v11, v10  }
0x520: {  	v13 =	vadd.f32 v12, v13;
	v11 =	vld [tilespmem:s0+$0x40]  }
0x521: {  	v12 =	vld [tilespmem:s0+$0x50];
	v14 =	vadd.f32 v23, v14  }
0x522: {  	v15 =	vadd.f32 v24, v15;
	v24 =	vld [tilespmem:s0+$0x60]  }
0x523: {  	v17 =	vadd.f32 v25, v17;
	v25 =	vld [tilespmem:s0+$0x70]  }
0x524: {  	v16 =	vadd.f32 v26, v16;
	v26 =	vld [tilespmem:s0+$0x400]  }
.Ltmp7:
0x525: {  	v18 =	vadd.f32 v11, v18;
	v27 =	vld [tilespmem:s0+$0x410];
	(pc) =	sbr.rel @p0 .LBB2_15-.Ltmp7, $4  }
0x526: {  	v19 =	vadd.f32 v12, v19;
	v23 =	vld [tilespmem:s0+$0x420]  }
0x527: {  	v20 =	vadd.f32 v24, v20;
	v24 =	vld [tilespmem:s0+$0x430]  }
0x528: {  	s1 =	sadd.s32 $0x80, s1;
	v22 =	vadd.f32 v25, v22;
	v29 =	vld [tilespmem:s0+$0x440]  }
0x529: {  	s3 =	sand.u32 $0x7800, s2;
	s4 =	sand.u32 $0x380, s1;
	s2 =	sadd.s32 $0x100, s2;
	v21 =	vadd.f32 v26, v21;
	v31 =	vld [tilespmem:s0+$0x450]  }
0x52a: {  	s1 =	sor.u32 s4, s3;
	v46 =	vld [tilespmem:s0+$0x460]  }
0x52b: {  	s20 =	sadd.s32 $0x10E00, s1;
	v43 =	vld [tilespmem:s1+$0x10E00]  }
0x52c: {  	v44 =	vld [tilespmem:s20+$0x470]  }
0x52d: {  	v42 =	vld [tilespmem:s20+$0x10]  }
0x52e: {  	v40 =	vld [tilespmem:s20+$0x20]  }
0x52f: {  	v41 =	vld [tilespmem:s20+$0x30]  }
0x530: {  	v39 =	vld [tilespmem:s20+$0x40]  }
0x531: {  	v37 =	vld [tilespmem:s20+$0x50]  }
0x532: {  	v38 =	vld [tilespmem:s20+$0x60]  }
0x533: {  	v34 =	vld [tilespmem:s20+$0x70]  }
0x534: {  	v35 =	vld [tilespmem:s20+$0x400]  }
0x535: {  	v33 =	vld [tilespmem:s20+$0x410]  }
0x536: {  	v32 =	vld [tilespmem:s20+$0x420]  }
0x537: {  	s21 =	sld [smem:$0x7F9];
	v30 =	vld [tilespmem:s20+$0x430]  }
0x538: {  	v26 =	vld [tilespmem:s20+$0x440]  }
0x539: {  	s7 =	simm.s32 $0x0;
	s22 =	simm.s32 $0x10E00;
	s23 =	simm.s32 $0x2;
	v25 =	vld [tilespmem:s20+$0x450]  }
0x53a: {  	v28 =	vld [tilespmem:s20+$0x460];
	[hbm4b:s21+s7] =	stream.linear.scatter [tilespmem:s22], [sflag:$0x2], $0x8000, $0x38  }
0x53b: {  	_ =	swait.ge [sflag:s23], $0x8000  }
0x53c: {  	[sflag:s23] =	ssyncset.done $0x0  }
0x53d: {  	s24 =	simm.s32 $0x80;
	s26 =	sld [smem:$0x7F0];
	[sflag:s23] =	ssyncadd.s32 $0xFFFF8000  }
0x53e: {  	s2 =	simm.s32 $0xE00;
	s25 =	simm.s32 $0x280;
	s0 =	rddreg [dreg:$0x5]  }
0x53f: {  	[tilespmem:s2], [sflag:$0x1] =	stream.indirect.gather [hbm4b:s0+s24], $0x80, s25, s24, $0xb8;
	[tilespmem:$0x18F00] =	vst v63  }
0x540: {  	s3 =	simm.s32 $0x4E00;
	s4 =	simm.s32 $0x680  }
0x541: {  	[tilespmem:s3], [sflag:$0x1] =	stream.indirect.gather [hbm4b:s26+s24], $0x80, s4, s24, $0xb8;
	[tilespmem:$0x18F00] =	vst v63  }
0x542: {  	s5 =	simm.s32 $0x8E00;
	s6 =	simm.s32 $0x880;
	s8 =	sld [smem:$0x7F1]  }
0x543: {  	[tilespmem:s5], [sflag:$0x1] =	stream.indirect.gather [hbm4b:s26+s24], $0x80, s6, s24, $0xb8;
	[tilespmem:$0x18F00] =	vst v63  }
0x544: {  	s9 =	simm.s32 $0xCE00;
	s10 =	simm.s32 $0x480;
	s11 =	simm.s32 $0x1  }
0x545: {  	[tilespmem:s9], [sflag:$0x1] =	stream.indirect.gather [hbm4b:s8+s24], $0x80, s10, s24, $0xb8;
	[tilespmem:$0x18F00] =	vst v63  }
0x546: {  	_ =	swait.ge [sflag:s11], $0x4000  }
0x547: {  	[sflag:s11] =	ssyncset.done $0x0  }
0x548: {  	[sflag:s11] =	ssyncadd.s32 $0xFFFFC000  }
0x549: {  	_ =	swait.ge [sflag:s11], $0x4000  }
0x54a: {  	[sflag:s11] =	ssyncset.done $0x0  }
0x54b: {  	[sflag:s11] =	ssyncadd.s32 $0xFFFFC000  }
0x54c: {  	_ =	swait.ge [sflag:s11], $0x4000  }
0x54d: {  	[sflag:s11] =	ssyncset.done $0x0  }
0x54e: {  	[sflag:s11] =	ssyncadd.s32 $0xFFFFC000  }
0x54f: {  	_ =	swait.ge [sflag:s11], $0x4000  }
0x550: {  	[sflag:s11] =	ssyncset.done $0x0  }
0x551: {  	s12 =	simm.s32 $0xF00;
	[sflag:s11] =	ssyncadd.s32 $0xFFFFC000  }
0x552: {  	s21 =	simm.s32 $0x4F00;
	v11 =	vld [tilespmem:s12+$0x80]  }
0x553: {  	v12 =	vld [tilespmem:s21+$0x80]  }
0x554: {  	v48 =	vld [tilespmem:s12+$0xFFFFFF00]  }
0x555: {  	s13 =	sand.u32 $0x7800, s7;
	v51 =	vld [tilespmem:s21+$0xFFFFFF00]  }
0x556: {  	v52 =	vld [tilespmem:s12+$0xFFFFFF80];
	[smem:$0x7D4] =	sst s13  }
0x557: {  	v53 =	vld [tilespmem:s21+$0xFFFFFF80]  }
0x558: {  	s22 =	simm.s32 $0x180;
	v54 =	vld [tilespmem:s12+$0x0]  }
0x559: {  	s14 =	sadd.s32 $0x10E00, s13;
	s15 =	sand.u32 $0x380, s22;
	s2 =	simm.s32 $0xA83;
	v55 =	vld [tilespmem:s21+$0x0];
	v36 =	vadd.f32 v12, v11  }
0x55a: {  	s23 =	simm.s32 $0xD03;
	s5 =	sadd.s32 s15, s14;
	v12 =	vld.msk [tilespmem:s2+$0x0 ss:$0x0], $0xffff  }
0x55b: {  	v11 =	vld.msk [tilespmem:s23+$0x0 ss:$0x0], $0xffff;
	[tilespmem:s5+$0x0] =	vst v36  }
0x55c: {  	v36 =	vld [tilespmem:s12+$0x90]  }
0x55d: {  	v47 =	vld [tilespmem:s21+$0x90]  }
0x55e: {  	s16 =	simm.s32 $0x0;
	v50 =	vld.msk [tilespmem:s2+$0xFFFFFFFD ss:$0x0], $0xffff  }
0x55f: {  	s1 =	sand.u32 $0x200, s16;
	v45 =	vld.msk [tilespmem:s23+$0xFFFFFFFD ss:$0x0], $0xffff;
	v48 =	vadd.f32 v51, v48  }
0x560: {  	s1 =	sadd.s32 s1, s14;
	v49 =	vld.msk [tilespmem:s2+$0xFFFFFFFE ss:$0x0], $0xffff  }
0x561: {  	[tilespmem:s1+$0x0] =	vst v48;
	v48 =	vld.msk [tilespmem:s2+$0xFFFFFFFF ss:$0x0], $0xffff  }
0x562: {  	v52 =	vadd.f32 v53, v52;
	v53 =	vld [tilespmem:s12+$0xFFFFFF10];
	v56 =	vadd.f32 v47, v36  }
0x563: {  	s17 =	simm.s32 $0x80;
	v60 =	vld [tilespmem:s21+$0xFFFFFF10]  }
0x564: {  	s3 =	sand.u32 $0x280, s17;
	v47 =	vld.msk [tilespmem:s23+$0xFFFFFFFE ss:$0x0], $0xffff;
	[tilespmem:s5+$0x10] =	vst v56  }
0x565: {  	s3 =	sadd.s32 s3, s14;
	v63 =	vld [tilespmem:s12+$0xA0]  }
0x566: {  	s6 =	simm.s32 $0x100;
	[tilespmem:s3+$0x0] =	vst v52;
	v56 =	vld [tilespmem:s21+$0xA0]  }
0x567: {  	s6 =	sand.u32 $0x300, s6;
	v59 =	vadd.f32 v55, v54;
	v61 =	vld [tilespmem:s12+$0xFFFFFF90]  }
0x568: {  	s4 =	sadd.s32 s6, s14;
	v58 =	vadd.f32 v60, v53;
	v62 =	vld [tilespmem:s21+$0xFFFFFF90]  }
0x569: {  	v36 =	vld.msk [tilespmem:s23+$0xFFFFFFFF ss:$0x0], $0xffff;
	[tilespmem:s4+$0x0] =	vst v59  }
0x56a: {  	v57 =	vld [tilespmem:s21+$0x10];
	[tilespmem:s1+$0x10] =	vst v58  }
0x56b: {  	v52 =	vld [tilespmem:s12+$0xFFFFFF20];
	v51 =	vadd.f32 v56, v63  }
0x56c: {  	v63 =	vld [tilespmem:s12+$0x10]  }
0x56d: {  	v60 =	vld [tilespmem:s21+$0xFFFFFF20];
	v59 =	vadd.f32 v62, v61;
	[tilespmem:s5+$0x20] =	vst v51  }
0x56e: {  	v53 =	vld [tilespmem:s12+$0xB0]  }
0x56f: {  	[tilespmem:s3+$0x10] =	vst v59;
	v54 =	vld [tilespmem:s21+$0xB0]  }
0x570: {  	v62 =	vld [tilespmem:s12+$0xFFFFFFA0]  }
0x571: {  	v61 =	vadd.f32 v57, v63;
	v63 =	vld [tilespmem:s21+$0xFFFFFFA0];
	_ =	sdelay $0x1  }
0x572: {  	v59 =	vadd.f32 v60, v52;
	[tilespmem:s4+$0x10] =	vst v61  }
0x573: {  	v58 =	vadd.f32 v54, v53;
	v53 =	vld [tilespmem:s12+$0x20]  }
0x574: {  	[tilespmem:s1+$0x20] =	vst v59;
	v54 =	vld [tilespmem:s21+$0x20]  }
0x575: {  	v61 =	vadd.f32 v63, v62;
	v62 =	vld [tilespmem:s12+$0xFFFFFF30]  }
0x576: {  	[tilespmem:s5+$0x30] =	vst v58;
	v63 =	vld [tilespmem:s21+$0xFFFFFF30]  }
0x577: {  	v52 =	vld [tilespmem:s12+$0xC0]  }
0x578: {  	v60 =	vld [tilespmem:s21+$0xC0];
	[tilespmem:s3+$0x20] =	vst v61  }
0x579: {  	v58 =	vadd.f32 v54, v53;
	v53 =	vld [tilespmem:s12+$0xFFFFFFB0]  }
0x57a: {  	v54 =	vld [tilespmem:s21+$0xFFFFFFB0];
	_ =	sdelay $0x1  }
0x57b: {  	[tilespmem:s4+$0x20] =	vst v58;
	v61 =	vadd.f32 v63, v62  }
0x57c: {  	v59 =	vadd.f32 v60, v52;
	v52 =	vld [tilespmem:s12+$0x30]  }
0x57d: {  	v60 =	vld [tilespmem:s21+$0x30];
	[tilespmem:s1+$0x30] =	vst v61  }
0x57e: {  	v58 =	vadd.f32 v54, v53;
	v53 =	vld [tilespmem:s12+$0xFFFFFF40]  }
0x57f: {  	[tilespmem:s5+$0x40] =	vst v59;
	v54 =	vld [tilespmem:s21+$0xFFFFFF40]  }
0x580: {  	v62 =	vld [tilespmem:s12+$0xD0]  }
0x581: {  	v63 =	vld [tilespmem:s21+$0xD0];
	[tilespmem:s3+$0x30] =	vst v58  }
0x582: {  	v59 =	vadd.f32 v60, v52;
	v52 =	vld [tilespmem:s12+$0xFFFFFFC0]  }
0x583: {  	v60 =	vld [tilespmem:s21+$0xFFFFFFC0];
	_ =	sdelay $0x1  }
0x584: {  	[tilespmem:s4+$0x30] =	vst v59;
	v58 =	vadd.f32 v54, v53  }
0x585: {  	v61 =	vadd.f32 v63, v62;
	v62 =	vld [tilespmem:s12+$0x40]  }
0x586: {  	v63 =	vld [tilespmem:s21+$0x40];
	[tilespmem:s1+$0x40] =	vst v58  }
0x587: {  	v59 =	vadd.f32 v60, v52;
	v52 =	vld [tilespmem:s12+$0xFFFFFF50]  }
0x588: {  	[tilespmem:s5+$0x50] =	vst v61;
	v60 =	vld [tilespmem:s21+$0xFFFFFF50]  }
0x589: {  	v53 =	vld [tilespmem:s12+$0xE0]  }
0x58a: {  	v54 =	vld [tilespmem:s21+$0xE0];
	[tilespmem:s3+$0x40] =	vst v59  }
0x58b: {  	v61 =	vadd.f32 v63, v62;
	v62 =	vld [tilespmem:s12+$0xFFFFFFD0]  }
0x58c: {  	v63 =	vld [tilespmem:s21+$0xFFFFFFD0];
	_ =	sdelay $0x1  }
0x58d: {  	[tilespmem:s4+$0x40] =	vst v61;
	v59 =	vadd.f32 v60, v52  }
0x58e: {  	v58 =	vadd.f32 v54, v53;
	v53 =	vld [tilespmem:s12+$0x50]  }
0x58f: {  	v54 =	vld [tilespmem:s21+$0x50];
	[tilespmem:s1+$0x50] =	vst v59  }
0x590: {  	v61 =	vadd.f32 v63, v62;
	v62 =	vld [tilespmem:s12+$0xFFFFFF60]  }
0x591: {  	[tilespmem:s5+$0x60] =	vst v58;
	v63 =	vld [tilespmem:s21+$0xFFFFFF60]  }
0x592: {  	v52 =	vld [tilespmem:s12+$0xF0]  }
0x593: {  	v60 =	vld [tilespmem:s21+$0xF0];
	[tilespmem:s3+$0x50] =	vst v61  }
0x594: {  	v58 =	vadd.f32 v54, v53;
	v53 =	vld [tilespmem:s12+$0xFFFFFFE0]  }
0x595: {  	v54 =	vld [tilespmem:s21+$0xFFFFFFE0];
	_ =	sdelay $0x1  }
0x596: {  	[tilespmem:s4+$0x50] =	vst v58;
	v61 =	vadd.f32 v63, v62  }
0x597: {  	v59 =	vadd.f32 v60, v52;
	v52 =	vld [tilespmem:s12+$0x60]  }
0x598: {  	v60 =	vld [tilespmem:s21+$0x60];
	[tilespmem:s1+$0x60] =	vst v61  }
0x599: {  	v58 =	vadd.f32 v54, v53;
	v53 =	vld [tilespmem:s12+$0xFFFFFF70]  }
0x59a: {  	s8 =	simm.s32 $0xCF00;
	[tilespmem:s5+$0x70] =	vst v59;
	v54 =	vld [tilespmem:s21+$0xFFFFFF70]  }
0x59b: {  	s9 =	simm.s32 $0x8F00;
	v62 =	vld [tilespmem:s8+$0x80]  }
0x59c: {  	v63 =	vld [tilespmem:s9+$0x80];
	[tilespmem:s3+$0x60] =	vst v58  }
0x59d: {  	v59 =	vadd.f32 v60, v52;
	v52 =	vld [tilespmem:s12+$0xFFFFFFF0]  }
0x59e: {  	v60 =	vld [tilespmem:s21+$0xFFFFFFF0]  }
0x59f: {  	s18 =	sand.u32 $0x7, s7  }
0x5a0: {  	s5 =	sshll.u32 s18, $0x7;
	[tilespmem:s4+$0x60] =	vst v59;
	v58 =	vadd.f32 v54, v53  }
0x5a1: {  	s5 =	sadd.s32 $0x0, s5;
	v61 =	vadd.f32 v63, v62;
	v62 =	vld [tilespmem:s12+$0x70]  }
0x5a2: {  	s29 =	sadd.s32 $0x180, s5;
	v63 =	vld [tilespmem:s21+$0x70];
	[tilespmem:s1+$0x70] =	vst v58  }
0x5a3: {  	s19 =	sor.u32 $0x400, s29;
	v59 =	vadd.f32 v60, v52;
	v52 =	vld [tilespmem:s8+$0xFFFFFF00]  }
0x5a4: {  	[tilespmem:s19+$0x10E00] =	vst v61;
	v60 =	vld [tilespmem:s9+$0xFFFFFF00]  }
0x5a5: {  	v53 =	vld [tilespmem:s8+$0x90]  }
0x5a6: {  	v54 =	vld [tilespmem:s9+$0x90];
	[tilespmem:s3+$0x70] =	vst v59  }
0x5a7: {  	p0 =	por $0x0, $0x0;
	s0 =	simm.s32 $0x1;
	v61 =	vadd.f32 v63, v62;
	v62 =	vld [tilespmem:s8+$0xFFFFFF80]  }
0x5a8: {  	s0 =	simm.s32 @!p0 $0x0;
	v63 =	vld [tilespmem:s9+$0xFFFFFF80]  }
0x5a9: {  	s0 =	sshll.u32 s0, $0x9  }
0x5aa: {  	s0 =	sadd.s32 $0x0, s0;
	[tilespmem:s4+$0x70] =	vst v61;
	v59 =	vadd.f32 v60, v52  }
0x5ab: {  	s25 =	sor.u32 $0x400, s0;
	v58 =	vadd.f32 v54, v53;
	v53 =	vld [tilespmem:s8+$0x0]  }
0x5ac: {  	v54 =	vld [tilespmem:s9+$0x0];
	[tilespmem:s25+$0x10E00] =	vst v59  }
0x5ad: {  	s20 =	sor.u32 $0x410, s29;
	v61 =	vadd.f32 v63, v62;
	v62 =	vld [tilespmem:s8+$0xFFFFFF10]  }
0x5ae: {  	s1 =	sadd.s32 $0x80, s5;
	[tilespmem:s20+$0x10E00] =	vst v58;
	v63 =	vld [tilespmem:s9+$0xFFFFFF10]  }
0x5af: {  	s24 =	sand.u32 $0x3, s7;
	s5 =	sor.u32 $0x400, s1;
	v52 =	vld [tilespmem:s8+$0xA0]  }
0x5b0: {  	s26 =	sshll.u32 s24, $0x8;
	v60 =	vld [tilespmem:s9+$0xA0];
	[tilespmem:s5+$0x10E00] =	vst v61  }
0x5b1: {  	s4 =	sadd.s32 $0x0, s26;
	v59 =	vadd.f32 v54, v53;
	v53 =	vld [tilespmem:s8+$0xFFFFFF90]  }
0x5b2: {  	s4 =	sadd.s32 $0x100, s4;
	v54 =	vld [tilespmem:s9+$0xFFFFFF90]  }
0x5b3: {  	s3 =	sor.u32 $0x400, s4  }
0x5b4: {  	[tilespmem:s3+$0x10E00] =	vst v59;
	v61 =	vadd.f32 v63, v62  }
0x5b5: {  	s7 =	sor.u32 $0x410, s0;
	v60 =	vadd.f32 v60, v52;
	v52 =	vld [tilespmem:s8+$0x10]  }
0x5b6: {  	s6 =	sor.u32 $0x420, s29;
	v55 =	vld [tilespmem:s9+$0x10];
	[tilespmem:s7+$0x10E00] =	vst v61  }
0x5b7: {  	[tilespmem:s6+$0x10E00] =	vst v60;
	v60 =	vadd.f32 v54, v53;
	v53 =	vld [tilespmem:s8+$0xFFFFFF20]  }
0x5b8: {  	v54 =	vld [tilespmem:s9+$0xFFFFFF20]  }
0x5b9: {  	v62 =	vld [tilespmem:s8+$0xB0]  }
0x5ba: {  	s10 =	sor.u32 $0x410, s1;
	v63 =	vld [tilespmem:s9+$0xB0]  }
0x5bb: {  	[tilespmem:s10+$0x10E00] =	vst v60  }
0x5bc: {  	v61 =	vadd.f32 v55, v52;
	v52 =	vld [tilespmem:s8+$0xFFFFFFA0]  }
0x5bd: {  	s11 =	sor.u32 $0x410, s4;
	v55 =	vld [tilespmem:s9+$0xFFFFFFA0]  }
0x5be: {  	[tilespmem:s11+$0x10E00] =	vst v61;
	v53 =	vadd.f32 v54, v53  }
0x5bf: {  	s13 =	sor.u32 $0x420, s0;
	v62 =	vadd.f32 v63, v62;
	v63 =	vld [tilespmem:s8+$0x20]  }
0x5c0: {  	v60 =	vld [tilespmem:s9+$0x20];
	[tilespmem:s13+$0x10E00] =	vst v53  }
0x5c1: {  	s12 =	sor.u32 $0x430, s29;
	v53 =	vld [tilespmem:s8+$0xFFFFFF30]  }
0x5c2: {  	[tilespmem:s12+$0x10E00] =	vst v62;
	v52 =	vadd.f32 v55, v52;
	v55 =	vld [tilespmem:s9+$0xFFFFFF30]  }
0x5c3: {  	v51 =	vld [tilespmem:s8+$0xC0]  }
0x5c4: {  	v61 =	vld [tilespmem:s9+$0xC0];
	_ =	sdelay $0x1  }
0x5c5: {  	s14 =	sor.u32 $0x420, s1  }
0x5c6: {  	[tilespmem:s14+$0x10E00] =	vst v52;
	v62 =	vadd.f32 v60, v63  }
0x5c7: {  	v6 =	vadd.f32 v27, v6;
	s15 =	sor.u32 $0x420, s4;
	v60 =	vld [tilespmem:s8+$0xFFFFFFB0]  }
0x5c8: {  	v63 =	vmul.f32 v12, v2;
	[tilespmem:s15+$0x10E00] =	vst v62;
	v27 =	vadd.f32 v55, v53;
	v51 =	vadd.f32 v61, v51;
	v61 =	vld [tilespmem:s9+$0xFFFFFFB0]  }
0x5c9: {  	s17 =	sor.u32 $0x430, s0;
	v62 =	vld [tilespmem:s8+$0x30]  }
0x5ca: {  	[tilespmem:s17+$0x10E00] =	vst v27;
	v51 =	vadd.f32 v51, v63;
	v63 =	vld [tilespmem:s9+$0x30]  }
0x5cb: {  	v8 =	vadd.f32 v29, v8;
	s16 =	sor.u32 $0x440, s29;
	v29 =	vld [tilespmem:s8+$0xFFFFFF40]  }
0x5cc: {  	v9 =	vadd.f32 v31, v9;
	v31 =	vld [tilespmem:s9+$0xFFFFFF40];
	[tilespmem:s16+$0x10E00] =	vst v51  }
0x5cd: {  	v23 =	vadd.f32 v23, v5;
	v5 =	vld [tilespmem:s8+$0xD0]  }
0x5ce: {  	v7 =	vadd.f32 v24, v7;
	v24 =	vld [tilespmem:s9+$0xD0]  }
0x5cf: {  	v10 =	vadd.f32 v46, v10;
	v27 =	vadd.f32 v61, v60  }
0x5d0: {  	v13 =	vadd.f32 v43, v13;
	v14 =	vadd.f32 v44, v14;
	s18 =	sor.u32 $0x430, s1  }
0x5d1: {  	v15 =	vadd.f32 v42, v15;
	[tilespmem:s18+$0x10E00] =	vst v27;
	v27 =	vadd.f32 v63, v62  }
0x5d2: {  	v17 =	vadd.f32 v40, v17;
	s19 =	sor.u32 $0x430, s4;
	v55 =	vmul.f32 v50, v2;
	v29 =	vadd.f32 v31, v29;
	v53 =	vld [tilespmem:s8+$0xFFFFFFC0]  }
0x5d3: {  	v16 =	vadd.f32 v41, v16;
	[tilespmem:s19+$0x10E00] =	vst v27;
	v27 =	vld [tilespmem:s9+$0xFFFFFFC0];
	v5 =	vadd.f32 v24, v5;
	v24 =	vmul.f32 v12, v3  }
0x5d4: {  	v18 =	vadd.f32 v39, v18;
	v29 =	vadd.f32 v29, v55;
	v54 =	vld [tilespmem:s8+$0x40]  }
0x5d5: {  	v19 =	vadd.f32 v37, v19;
	s24 =	sor.u32 $0x440, s0;
	v56 =	vld [tilespmem:s9+$0x40];
	v24 =	vadd.f32 v5, v24  }
0x5d6: {  	v20 =	vadd.f32 v38, v20;
	v22 =	vadd.f32 v34, v22;
	s20 =	sor.u32 $0x450, s29;
	[tilespmem:s24+$0x10E00] =	vst v29  }
0x5d7: {  	v7 =	vadd.f32 v30, v7;
	v5 =	vadd.f32 v33, v6;
	v59 =	vld [tilespmem:s8+$0xFFFFFF50];
	[tilespmem:s20+$0x10E00] =	vst v24  }
0x5d8: {  	v6 =	vadd.f32 v32, v23;
	v23 =	vmul.f32 v49, v2;
	v24 =	vadd.f32 v27, v53;
	v31 =	vld [tilespmem:s8+$0xE0]  }
0x5d9: {  	v8 =	vadd.f32 v26, v8;
	v9 =	vadd.f32 v25, v9;
	v30 =	vmul.f32 v49, v4;
	v29 =	vld [tilespmem:s9+$0xE0]  }
0x5da: {  	v57 =	vmul.f32 v48, v2;
	v60 =	vld [tilespmem:s9+$0xFFFFFF50];
	v37 =	vadd.f32 v56, v54;
	v58 =	vadd.f32 v24, v23  }
0x5db: {  	s28 =	simm.s32 $0x0;
	v10 =	vadd.f32 v28, v10;
	v26 =	vmul.f32 v45, v0;
	v34 =	vmul.f32 v48, v3;
	s31 =	sor.u32 $0x460, s1;
	s26 =	sor.u32 $0x440, s1  }
0x5dc: {  	v28 =	vmul.f32 v48, v1;
	v25 =	vmul.f32 v47, v0;
	s25 =	sor.u32 $0x440, s4;
	s30 =	sor.u32 $0x450, s4;
	s3 =	sor.u32 $0x450, s0;
	v61 =	vadd.f32 v37, v57;
	[tilespmem:s26+$0x10E00] =	vst v58  }
0x5dd: {  	v21 =	vadd.f32 v35, v21;
	s7 =	simm.s32 $0x8F00;
	s6 =	sor.u32 $0x470, s0;
	s10 =	sor.u32 $0x470, s1;
	v63 =	vmul.f32 v12, v4;
	v32 =	vmul.f32 v50, v3;
	v35 =	vld [tilespmem:s8+$0xFFFFFFD0]  }
0x5de: {  	s13 =	simm.s32 $0x0;
	s14 =	sor.u32 $0x460, s4;
	s4 =	sor.u32 $0x470, s4;
	v33 =	vmul.f32 v49, v3;
	v27 =	vmul.f32 v50, v4;
	v37 =	vld [tilespmem:s9+$0xFFFFFFD0];
	[tilespmem:s25+$0x10E00] =	vst v61;
	v62 =	vadd.f32 v29, v31  }
0x5df: {  	s15 =	sor.u32 $0x460, s0;
	s17 =	simm.s32 $0x0;
	s16 =	simm.s32 $0x1100;
	v23 =	vmul.f32 v50, v1;
	v24 =	vmul.f32 v49, v1;
	v40 =	vadd.f32 v60, v59;
	v38 =	vld [tilespmem:s8+$0x50]  }
0x5e0: {  	s18 =	simm.s32 $0x0;
	s26 =	sor.u32 $0x450, s1;
	s1 =	simm.s32 $0xCF00;
	v31 =	vmul.f32 v48, v4;
	v29 =	vmul.f32 v36, v0;
	v39 =	vld [tilespmem:s9+$0x50];
	v36 =	vadd.f32 v62, v63  }
.LBB2_17:
0x5e1: {  	v41 =	vld [tilespmem:s16+$0x80];
	s0 =	sor.u32 $0x460, s29;
	s21 =	sadd.s32 $0x200, s21  }
0x5e2: {  	v42 =	vld [tilespmem:s21+$0x80];
	[tilespmem:s0+$0x10E00] =	vst v36  }
0x5e3: {  	v32 =	vadd.f32 v40, v32;
	v36 =	vld [tilespmem:s8+$0xF0]  }
0x5e4: {  	s2 =	sadd.s32 $0x4, s2;
	v47 =	vld [tilespmem:s9+$0xF0]  }
0x5e5: {  	v54 =	vmul.f32 v12, v1;
	v12 =	vld.msk [tilespmem:s2+$0x0 ss:$0x0], $0xffff;
	[tilespmem:s3+$0x10E00] =	vst v32;
	v35 =	vadd.f32 v37, v35  }
0x5e6: {  	v48 =	vld [tilespmem:s16+$0xFFFFFF00]  }
0x5e7: {  	s18 =	sadd.s32 $0x400, s18;
	v49 =	vld [tilespmem:s21+$0xFFFFFF00];
	v45 =	vadd.f32 v35, v33  }
0x5e8: {  	s22 =	sadd.s32 $0x200, s22;
	s23 =	sadd.s32 $0x4, s23;
	s24 =	sand.u32 $0x7800, s18;
	v59 =	vld.msk [tilespmem:s2+$0xFFFFFFFD ss:$0x0], $0xffff  }
0x5e9: {  	[dreg:$0xd] =	wrdreg s4;
	s5 =	sand.u32 $0x380, s22;
	s4 =	sadd.s32 $0x10E00, s24;
	v46 =	vadd.f32 v39, v38;
	v60 =	vld.msk [tilespmem:s23+$0xFFFFFFFD ss:$0x0], $0xffff;
	v53 =	vadd.f32 v42, v41;
	[tilespmem:s26+$0x10E00] =	vst v45  }
0x5ea: {  	s26 =	sadd.s32 s5, s4;
	v51 =	vld [tilespmem:s16+$0xFFFFFF80]  }
0x5eb: {  	v50 =	vadd.f32 v46, v34;
	v52 =	vld [tilespmem:s21+$0xFFFFFF80];
	[tilespmem:s26+$0x0] =	vst v53  }
0x5ec: {  	v56 =	vld [tilespmem:s16+$0x90]  }
0x5ed: {  	v35 =	vadd.f32 v47, v36;
	[tilespmem:s30+$0x10E00] =	vst v50;
	v57 =	vld [tilespmem:s21+$0x90]  }
0x5ee: {  	v32 =	vld [tilespmem:s16+$0x0]  }
0x5ef: {  	v55 =	vmul.f32 v11, v0;
	v35 =	vadd.f32 v35, v54;
	v58 =	vld [tilespmem:s21+$0x0]  }
0x5f0: {  	v61 =	vld.msk [tilespmem:s2+$0xFFFFFFFE ss:$0x0], $0xffff  }
0x5f1: {  	v44 =	vld.msk [tilespmem:s23+$0xFFFFFFFE ss:$0x0], $0xffff;
	v35 =	vadd.f32 v35, v55  }
0x5f2: {  	s24 =	sor.u32 $0x470, s29;
	v63 =	vld.msk [tilespmem:s23+$0xFFFFFFFF ss:$0x0], $0xffff;
	v62 =	vadd.f32 v57, v56  }
0x5f3: {  	s25 =	sadd.s32 $0xFFFFFE80, s22;
	v11 =	vld.msk [tilespmem:s23+$0x0 ss:$0x0], $0xffff;
	[tilespmem:s24+$0x10E00] =	vst v35  }
0x5f4: {  	[dreg:$0x14] =	wrdreg s10;
	s10 =	sand.u32 $0x200, s25;
	v37 =	vadd.f32 v49, v48;
	v45 =	vld.msk [tilespmem:s2+$0xFFFFFFFF ss:$0x0], $0xffff;
	[tilespmem:s26+$0x10] =	vst v62  }
0x5f5: {  	[smem:$0x7CD] =	sst s6;
	s12 =	sadd.s32 $0xFFFFFF00, s22;
	s6 =	sadd.s32 s10, s4;
	v46 =	vld [tilespmem:s16+$0xA0]  }
0x5f6: {  	s17 =	sadd.s32 $0x2, s17;
	s19 =	sand.u32 $0x280, s12;
	[tilespmem:s6+$0x0] =	vst v37;
	v33 =	vadd.f32 v52, v51;
	v48 =	vld [tilespmem:s21+$0xA0]  }
0x5f7: {  	s20 =	sand.u32 $0x3, s17;
	s11 =	sadd.s32 $0xFFFFFF80, s22;
	s25 =	sadd.s32 s19, s4;
	v49 =	vld [tilespmem:s16+$0xFFFFFF10]  }
0x5f8: {  	s0 =	sshll.u32 s20, $0x8;
	s20 =	sand.u32 $0x300, s11;
	v50 =	vld [tilespmem:s21+$0xFFFFFF10];
	v56 =	vadd.f32 v58, v32;
	[tilespmem:s25+$0x0] =	vst v33  }
0x5f9: {  	s10 =	sadd.s32 s20, s4;
	v47 =	vmul.f32 v59, v4;
	v42 =	vmul.f32 v59, v1;
	v52 =	vld [tilespmem:s16+$0xFFFFFF90]  }
0x5fa: {  	v43 =	vmul.f32 v60, v0;
	v35 =	vmul.f32 v59, v2;
	[tilespmem:s10+$0x0] =	vst v56;
	v53 =	vld [tilespmem:s21+$0xFFFFFF90]  }
0x5fb: {  	v40 =	vmul.f32 v44, v0;
	v37 =	vmul.f32 v45, v2;
	v54 =	vld [tilespmem:s16+$0x10];
	v57 =	vadd.f32 v48, v46  }
0x5fc: {  	v34 =	vmul.f32 v45, v3;
	v44 =	vmul.f32 v45, v4;
	v58 =	vld [tilespmem:s21+$0x10]  }
0x5fd: {  	v39 =	vmul.f32 v45, v1;
	v45 =	vld [tilespmem:s8+$0xFFFFFF60];
	v32 =	vmul.f32 v59, v3;
	v59 =	vadd.f32 v50, v49;
	[tilespmem:s26+$0x20] =	vst v57  }
0x5fe: {  	v36 =	vmul.f32 v61, v2;
	v51 =	vmul.f32 v61, v4;
	v60 =	vld [tilespmem:s16+$0xB0]  }
0x5ff: {  	v41 =	vmul.f32 v61, v1;
	v33 =	vmul.f32 v61, v3;
	[tilespmem:s6+$0x10] =	vst v59;
	v61 =	vadd.f32 v53, v52;
	v62 =	vld [tilespmem:s21+$0xB0]  }
0x600: {  	v38 =	vmul.f32 v63, v0;
	v63 =	vld [tilespmem:s16+$0xFFFFFF20]  }
0x601: {  	v46 =	vadd.f32 v58, v54;
	[tilespmem:s25+$0x10] =	vst v61;
	v57 =	vld [tilespmem:s21+$0xFFFFFF20]  }
0x602: {  	v48 =	vld [tilespmem:s16+$0xFFFFFFA0]  }
0x603: {  	v58 =	vld [tilespmem:s21+$0xFFFFFFA0];
	[tilespmem:s10+$0x10] =	vst v46  }
0x604: {  	v46 =	vld [tilespmem:s16+$0x20];
	v49 =	vadd.f32 v62, v60  }
0x605: {  	v59 =	vld [tilespmem:s21+$0x20]  }
0x606: {  	v52 =	vadd.f32 v57, v63;
	v60 =	vld [tilespmem:s9+$0xFFFFFF60];
	[tilespmem:s26+$0x30] =	vst v49  }
0x607: {  	v61 =	vld [tilespmem:s16+$0xC0]  }
0x608: {  	v48 =	vadd.f32 v58, v48;
	[tilespmem:s6+$0x20] =	vst v52;
	v62 =	vld [tilespmem:s21+$0xC0]  }
0x609: {  	v63 =	vld [tilespmem:s16+$0xFFFFFF30]  }
0x60a: {  	v46 =	vadd.f32 v59, v46;
	[tilespmem:s25+$0x20] =	vst v48;
	v55 =	vld [tilespmem:s21+$0xFFFFFF30]  }
0x60b: {  	v48 =	vld [tilespmem:s16+$0xFFFFFFB0]  }
0x60c: {  	v56 =	vld [tilespmem:s21+$0xFFFFFFB0];
	[tilespmem:s10+$0x20] =	vst v46;
	v45 =	vadd.f32 v60, v45  }
0x60d: {  	v46 =	vld [tilespmem:s16+$0x30];
	v57 =	vadd.f32 v62, v61  }
0x60e: {  	v58 =	vld [tilespmem:s21+$0x30];
	v45 =	vadd.f32 v45, v27  }
0x60f: {  	v50 =	vld [tilespmem:s8+$0xFFFFFFE0];
	v59 =	vadd.f32 v55, v63;
	[tilespmem:s26+$0x40] =	vst v57  }
0x610: {  	[tilespmem:s15+$0x10E00] =	vst v45;
	v60 =	vld [tilespmem:s16+$0xD0]  }
0x611: {  	v61 =	vadd.f32 v56, v48;
	[tilespmem:s6+$0x30] =	vst v59;
	v62 =	vld [tilespmem:s21+$0xD0]  }
0x612: {  	v63 =	vld [tilespmem:s16+$0xFFFFFF40]  }
0x613: {  	v56 =	vadd.f32 v58, v46;
	[tilespmem:s25+$0x30] =	vst v61;
	v52 =	vld [tilespmem:s21+$0xFFFFFF40]  }
0x614: {  	v57 =	vld [tilespmem:s16+$0xFFFFFFC0]  }
0x615: {  	[tilespmem:s10+$0x30] =	vst v56;
	v58 =	vld [tilespmem:s21+$0xFFFFFFC0]  }
0x616: {  	v45 =	vld [tilespmem:s16+$0x40];
	v48 =	vadd.f32 v62, v60  }
0x617: {  	v59 =	vld [tilespmem:s21+$0x40]  }
0x618: {  	v49 =	vadd.f32 v52, v63;
	v60 =	vld [tilespmem:s9+$0xFFFFFFE0];
	[tilespmem:s26+$0x50] =	vst v48  }
0x619: {  	v61 =	vld [tilespmem:s16+$0xE0]  }
0x61a: {  	v46 =	vadd.f32 v58, v57;
	[tilespmem:s6+$0x40] =	vst v49;
	v62 =	vld [tilespmem:s21+$0xE0]  }
0x61b: {  	v49 =	vld [tilespmem:s16+$0xFFFFFF50]  }
0x61c: {  	v45 =	vadd.f32 v59, v45;
	[tilespmem:s25+$0x40] =	vst v46;
	v63 =	vld [tilespmem:s21+$0xFFFFFF50]  }
0x61d: {  	v46 =	vld [tilespmem:s16+$0xFFFFFFD0]  }
0x61e: {  	[tilespmem:s10+$0x40] =	vst v45;
	v56 =	vld [tilespmem:s21+$0xFFFFFFD0]  }
0x61f: {  	v27 =	vmov v47;
	v45 =	vld [tilespmem:s16+$0x50];
	v47 =	vadd.f32 v62, v61  }
0x620: {  	v57 =	vld [tilespmem:s21+$0x50];
	v48 =	vadd.f32 v60, v50  }
0x621: {  	v49 =	vadd.f32 v63, v49;
	[tilespmem:s26+$0x60] =	vst v47;
	v47 =	vld [tilespmem:s8+$0x60]  }
0x622: {  	v48 =	vadd.f32 v48, v30;
	v58 =	vld [tilespmem:s16+$0xF0]  }
0x623: {  	v46 =	vadd.f32 v56, v46;
	[tilespmem:s6+$0x50] =	vst v49;
	v59 =	vld [tilespmem:s21+$0xF0]  }
0x624: {  	[tilespmem:s31+$0x10E00] =	vst v48;
	v49 =	vld [tilespmem:s16+$0xFFFFFF60]  }
0x625: {  	v45 =	vadd.f32 v57, v45;
	[tilespmem:s25+$0x50] =	vst v46;
	v60 =	vld [tilespmem:s21+$0xFFFFFF60]  }
0x626: {  	v46 =	vld [tilespmem:s16+$0xFFFFFFE0]  }
0x627: {  	[tilespmem:s10+$0x50] =	vst v45;
	v61 =	vld [tilespmem:s21+$0xFFFFFFE0]  }
0x628: {  	p0 =	por !p0, !p0;
	s3 =	simm.s32 $0x1;
	v45 =	vld [tilespmem:s16+$0x60];
	v48 =	vadd.f32 v59, v58  }
0x629: {  	s3 =	simm.s32 @!p0 $0x0;
	v62 =	vld [tilespmem:s21+$0x60]  }
0x62a: {  	s3 =	sshll.u32 s3, $0x9;
	s8 =	sadd.s32 $0x200, s8;
	v63 =	vld [tilespmem:s9+$0x60];
	v49 =	vadd.f32 v60, v49;
	[tilespmem:s26+$0x70] =	vst v48  }
0x62b: {  	s11 =	sadd.s32 s3, s18;
	s9 =	sadd.s32 $0x200, s9;
	v56 =	vld [tilespmem:s8+$0x80]  }
0x62c: {  	s28 =	sadd.s32 $0x4, s28;
	s0 =	sadd.s32 s18, s0;
	s12 =	sor.u32 $0x410, s11;
	v46 =	vadd.f32 v61, v46;
	[tilespmem:s6+$0x60] =	vst v49;
	v57 =	vld [tilespmem:s9+$0x80]  }
0x62d: {  	s5 =	sadd.s32 $0x100, s0;
	[smem:$0x7CC] =	sst s12;
	s12 =	sor.u32 $0x430, s11;
	v58 =	vld [tilespmem:s16+$0xFFFFFF70]  }
0x62e: {  	s4 =	sor.u32 $0x430, s5;
	[smem:$0x7D2] =	sst s12;
	s12 =	sand.u32 $0x7, s28;
	v45 =	vadd.f32 v62, v45;
	[tilespmem:s25+$0x60] =	vst v46;
	v59 =	vld [tilespmem:s21+$0xFFFFFF70]  }
0x62f: {  	[smem:$0x7D3] =	sst s4;
	s4 =	sshll.u32 s12, $0x7;
	v46 =	vld [tilespmem:s16+$0xFFFFFFF0]  }
0x630: {  	s4 =	sadd.s32 s18, s4;
	[tilespmem:s10+$0x60] =	vst v45;
	v60 =	vld [tilespmem:s21+$0xFFFFFFF0]  }
0x631: {  	s29 =	sadd.s32 $0x180, s4;
	v45 =	vld [tilespmem:s16+$0x70];
	v49 =	vadd.f32 v57, v56  }
0x632: {  	s26 =	sor.u32 $0x400, s29;
	v61 =	vld [tilespmem:s21+$0x70]  }
0x633: {  	v47 =	vadd.f32 v63, v47;
	v63 =	vld [tilespmem:s1+$0xFFFFFF70];
	v62 =	vadd.f32 v59, v58;
	[tilespmem:s26+$0x10E00] =	vst v49  }
0x634: {  	v54 =	vld [tilespmem:s8+$0x90]  }
0x635: {  	v46 =	vadd.f32 v60, v46;
	[tilespmem:s6+$0x70] =	vst v62;
	v55 =	vld [tilespmem:s9+$0x90]  }
0x636: {  	v47 =	vadd.f32 v47, v31;
	v56 =	vld [tilespmem:s8+$0xFFFFFF00]  }
0x637: {  	s20 =	sor.u32 $0x420, s11;
	v31 =	vmov v44;
	v44 =	vadd.f32 v61, v45;
	[tilespmem:s25+$0x70] =	vst v46;
	v50 =	vld [tilespmem:s9+$0xFFFFFF00]  }
0x638: {  	[smem:$0x7D0] =	sst s20;
	s19 =	sor.u32 $0x410, s5;
	[tilespmem:s14+$0x10E00] =	vst v47;
	v57 =	vld [tilespmem:s8+$0xFFFFFF80]  }
0x639: {  	[smem:$0x7CF] =	sst s19;
	s19 =	sor.u32 $0x440, s11;
	[tilespmem:s10+$0x70] =	vst v44;
	v46 =	vld [tilespmem:s9+$0xFFFFFF80]  }
0x63a: {  	[dreg:$0x17] =	wrdreg s19;
	s19 =	sor.u32 $0x460, s5;
	v44 =	vld [tilespmem:s8+$0x0];
	v47 =	vadd.f32 v55, v54  }
0x63b: {  	s0 =	sor.u32 $0x400, s5;
	s14 =	smov.u32 s19;
	s19 =	sor.u32 $0x410, s29;
	v58 =	vld [tilespmem:s9+$0x0]  }
0x63c: {  	s20 =	sor.u32 $0x440, s5;
	s30 =	sor.u32 $0x450, s5;
	[smem:$0x7CB] =	sst s0;
	v59 =	vld [tilespmem:s7+$0xFFFFFF70];
	v48 =	vadd.f32 v50, v56;
	[tilespmem:s19+$0x10E00] =	vst v47  }
0x63d: {  	s0 =	sor.u32 $0x400, s11;
	s24 =	sor.u32 $0x420, s5;
	s5 =	sor.u32 $0x470, s5;
	v60 =	vld [tilespmem:s8+$0xA0]  }
0x63e: {  	[dreg:$0x1d] =	wrdreg s5;
	s5 =	sadd.s32 $0x80, s4;
	v45 =	vadd.f32 v46, v57;
	[tilespmem:s0+$0x10E00] =	vst v48;
	v61 =	vld [tilespmem:s9+$0xA0]  }
0x63f: {  	s12 =	sor.u32 $0x400, s5;
	v48 =	vld [tilespmem:s8+$0xFFFFFF10]  }
0x640: {  	s25 =	sld [smem:$0x7CB];
	[tilespmem:s12+$0x10E00] =	vst v45;
	v62 =	vld [tilespmem:s9+$0xFFFFFF10]  }
0x641: {  	v44 =	vadd.f32 v58, v44;
	v45 =	vld [tilespmem:s8+$0xFFFFFF90]  }
0x642: {  	v47 =	vadd.f32 v59, v63;
	v63 =	vld [tilespmem:s9+$0xFFFFFF90]  }
0x643: {  	[tilespmem:s25+$0x10E00] =	vst v44;
	v46 =	vadd.f32 v61, v60  }
0x644: {  	s6 =	sor.u32 $0x420, s29;
	v44 =	vld [tilespmem:s8+$0x10]  }
0x645: {  	s10 =	sld [smem:$0x7CC];
	v53 =	vld [tilespmem:s9+$0x10];
	[tilespmem:s6+$0x10E00] =	vst v46  }
0x646: {  	s3 =	sor.u32 $0x450, s11;
	[smem:$0x7D1] =	sst s24;
	v47 =	vadd.f32 v47, v23;
	v48 =	vadd.f32 v62, v48;
	v56 =	vld [tilespmem:s8+$0xB0]  }
0x647: {  	s24 =	sor.u32 $0x460, s11;
	s11 =	sor.u32 $0x470, s11;
	s12 =	sld [smem:$0x7CD];
	v45 =	vadd.f32 v63, v45;
	v57 =	vld [tilespmem:s9+$0xB0]  }
0x648: {  	[smem:$0x7CE] =	sst s11;
	s11 =	sor.u32 $0x410, s5;
	v55 =	vld [tilespmem:s1+$0xFFFFFFF0];
	v54 =	vadd.f32 v47, v26;
	[tilespmem:s10+$0x10E00] =	vst v48  }
0x649: {  	s25 =	sld [smem:$0x7CF];
	[tilespmem:s11+$0x10E00] =	vst v45;
	v58 =	vld [tilespmem:s8+$0xFFFFFF20]  }
0x64a: {  	v23 =	vmov v42;
	v42 =	vadd.f32 v53, v44;
	[tilespmem:s12+$0x10E00] =	vst v54;
	v59 =	vld [tilespmem:s8+$0xFFFFFFA0]  }
0x64b: {  	v46 =	vld [tilespmem:s9+$0xFFFFFF20]  }
0x64c: {  	v26 =	vmov v43;
	[tilespmem:s25+$0x10E00] =	vst v42;
	v45 =	vld [tilespmem:s9+$0xFFFFFFA0];
	v43 =	vadd.f32 v57, v56  }
0x64d: {  	s10 =	sor.u32 $0x430, s29;
	v42 =	vld [tilespmem:s8+$0x20]  }
0x64e: {  	v60 =	vld [tilespmem:s9+$0x20];
	[tilespmem:s10+$0x10E00] =	vst v43  }
0x64f: {  	s11 =	sld [smem:$0x7D0];
	v62 =	vld [tilespmem:s8+$0xC0]  }
0x650: {  	v46 =	vadd.f32 v46, v58;
	v63 =	vld [tilespmem:s9+$0xC0];
	_ =	sdelay $0x1  }
0x651: {  	v61 =	vld [tilespmem:s7+$0xFFFFFFF0];
	v44 =	vadd.f32 v45, v59;
	[tilespmem:s11+$0x10E00] =	vst v46  }
0x652: {  	s4 =	sor.u32 $0x420, s5;
	s12 =	sld [smem:$0x7D1];
	v46 =	vld [tilespmem:s8+$0xFFFFFF30]  }
0x653: {  	v42 =	vadd.f32 v60, v42;
	[tilespmem:s4+$0x10E00] =	vst v44;
	v52 =	vld [tilespmem:s9+$0xFFFFFF30]  }
0x654: {  	s19 =	sld [smem:$0x7CE];
	v54 =	vmul.f32 v12, v2;
	v44 =	vld [tilespmem:s8+$0xFFFFFFB0];
	v45 =	vadd.f32 v63, v62  }
0x655: {  	[tilespmem:s12+$0x10E00] =	vst v42;
	v53 =	vld [tilespmem:s9+$0xFFFFFFB0]  }
0x656: {  	v42 =	vld [tilespmem:s8+$0x30];
	v45 =	vadd.f32 v45, v54  }
0x657: {  	s6 =	smov.u32 s19;
	s19 =	sor.u32 $0x440, s29;
	s25 =	sld [smem:$0x7D2];
	v43 =	vadd.f32 v61, v55;
	v55 =	vld [tilespmem:s9+$0x30]  }
0x658: {  	v56 =	vld [tilespmem:s1+$0x70];
	v46 =	vadd.f32 v52, v46;
	[tilespmem:s19+$0x10E00] =	vst v45  }
0x659: {  	[dreg:$0x10] =	wrdreg s20;
	s20 =	sor.u32 $0x440, s5;
	v43 =	vadd.f32 v43, v24;
	v59 =	vld [tilespmem:s8+$0xD0]  }
0x65a: {  	s15 =	smov.u32 s24;
	s24 =	sor.u32 $0x430, s5;
	s31 =	sor.u32 $0x460, s5;
	v58 =	vadd.f32 v53, v44;
	[tilespmem:s25+$0x10E00] =	vst v46;
	v61 =	vld [tilespmem:s9+$0xD0]  }
0x65b: {  	s26 =	sor.u32 $0x450, s5;
	s5 =	sor.u32 $0x470, s5;
	s4 =	rddreg [dreg:$0x14];
	v43 =	vadd.f32 v43, v25;
	v62 =	vld [tilespmem:s8+$0xFFFFFF40]  }
0x65c: {  	s10 =	smov.u32 s5;
	s5 =	sld [smem:$0x7D3];
	[tilespmem:s24+$0x10E00] =	vst v58;
	v63 =	vld [tilespmem:s9+$0xFFFFFF40]  }
0x65d: {  	v57 =	vld [tilespmem:s7+$0x70];
	v60 =	vadd.f32 v55, v42;
	[tilespmem:s4+$0x10E00] =	vst v43  }
0x65e: {  	v49 =	vld [tilespmem:s8+$0xFFFFFFC0]  }
0x65f: {  	v24 =	vmov v41;
	v52 =	vmul.f32 v12, v3;
	[tilespmem:s5+$0x10E00] =	vst v60;
	v50 =	vld [tilespmem:s9+$0xFFFFFFC0];
	v41 =	vadd.f32 v61, v59  }
0x660: {  	v30 =	vmov v51;
	v51 =	vld [tilespmem:s8+$0x40]  }
0x661: {  	v53 =	vld [tilespmem:s9+$0x40];
	v54 =	vadd.f32 v63, v62;
	v41 =	vadd.f32 v41, v52  }
0x662: {  	s11 =	sor.u32 $0x450, s29  }
0x663: {  	v48 =	vadd.f32 v57, v56;
	v35 =	vadd.f32 v54, v35;
	[tilespmem:s11+$0x10E00] =	vst v41  }
0x664: {  	s24 =	rddreg [dreg:$0x17];
	v55 =	vadd.f32 v50, v49;
	v56 =	vld [tilespmem:s8+$0xE0]  }
0x665: {  	v25 =	vmov v40;
	v40 =	vadd.f32 v48, v28;
	[tilespmem:s24+$0x10E00] =	vst v35;
	v59 =	vld [tilespmem:s9+$0xE0]  }
0x666: {  	s13 =	sadd.s32 $0x4, s13;
	v58 =	vadd.f32 v53, v51;
	v57 =	vadd.f32 v55, v36;
	v60 =	vld [tilespmem:s8+$0xFFFFFF50]  }
0x667: {  	p1 =	slt.u32 s13, $0x7C;
	v40 =	vadd.f32 v40, v29;
	v61 =	vld [tilespmem:s9+$0xFFFFFF50]  }
.Ltmp8:
0x668: {  	s12 =	rddreg [dreg:$0xd];
	v36 =	vadd.f32 v58, v37;
	[tilespmem:s20+$0x10E00] =	vst v57;
	(pc) =	sbr.rel @p1 .LBB2_17-.Ltmp8, $4  }
0x669: {  	s25 =	rddreg [dreg:$0x10];
	[tilespmem:s12+$0x10E00] =	vst v40;
	v35 =	vld [tilespmem:s8+$0xFFFFFFD0]  }
0x66a: {  	v63 =	vmul.f32 v12, v4;
	[tilespmem:s25+$0x10E00] =	vst v36;
	v37 =	vld [tilespmem:s9+$0xFFFFFFD0];
	v62 =	vadd.f32 v59, v56  }
0x66b: {  	s16 =	sadd.s32 $0x200, s16;
	v29 =	vmov v38;
	s19 =	rddreg [dreg:$0x1d];
	v38 =	vld [tilespmem:s8+$0x50]  }
0x66c: {  	s1 =	smov.u32 s8;
	s7 =	smov.u32 s9;
	v28 =	vmov v39;
	s4 =	smov.u32 s19;
	v39 =	vld [tilespmem:s9+$0x50];
	v40 =	vadd.f32 v61, v60;
	v36 =	vadd.f32 v62, v63  }
0x66d: {  	_ =	sdelay $0x1  }
0x66e: {  	v2 =	vadd.f32 v40, v32;
	v3 =	vadd.f32 v37, v35;
	_ =	sdelay $0x1  }
0x66f: {  	[tilespmem:s3+$0x10E00] =	vst v2;
	v2 =	vadd.f32 v3, v33;
	v3 =	vadd.f32 v39, v38  }
0x670: {  	v4 =	vld [tilespmem:s8+$0xFFFFFF60]  }
0x671: {  	[tilespmem:s26+$0x10E00] =	vst v2;
	v2 =	vadd.f32 v3, v34;
	v3 =	vld [tilespmem:s9+$0xFFFFFF60]  }
0x672: {  	v51 =	vld [tilespmem:s8+$0xFFFFFFE0]  }
0x673: {  	[tilespmem:s30+$0x10E00] =	vst v2;
	v2 =	vld [tilespmem:s9+$0xFFFFFFE0]  }
0x674: {  	v52 =	vld [tilespmem:s8+$0x60]  }
0x675: {  	v53 =	vld [tilespmem:s9+$0x60]  }
0x676: {  	v3 =	vadd.f32 v3, v4  }
0x677: {  	s0 =	sor.u32 $0x460, s29  }
0x678: {  	[tilespmem:s0+$0x10E00] =	vst v36;
	v3 =	vadd.f32 v3, v27;
	v2 =	vadd.f32 v2, v51  }
0x679: {  	v54 =	vld [tilespmem:s9+$0xF0]  }
0x67a: {  	v4 =	vld [tilespmem:s8+$0xF0];
	[tilespmem:s15+$0x10E00] =	vst v3;
	v2 =	vadd.f32 v2, v30;
	v3 =	vadd.f32 v53, v52  }
0x67b: {  	v55 =	vld [tilespmem:s1+$0xFFFFFF70]  }
0x67c: {  	[tilespmem:s31+$0x10E00] =	vst v2;
	v2 =	vadd.f32 v3, v31;
	v3 =	vld [tilespmem:s7+$0xFFFFFF70]  }
0x67d: {  	v56 =	vld [tilespmem:s1+$0xFFFFFFF0]  }
0x67e: {  	[tilespmem:s14+$0x10E00] =	vst v2;
	v2 =	vld [tilespmem:s7+$0xFFFFFFF0]  }
0x67f: {  	v57 =	vld [tilespmem:s1+$0x70]  }
0x680: {  	v58 =	vld [tilespmem:s7+$0x70];
	_ =	sdelay $0x1  }
0x681: {  	v1 =	vmul.f32 v12, v1;
	v4 =	vadd.f32 v54, v4  }
0x682: {  	v3 =	vadd.f32 v3, v55  }
0x683: {  	v0 =	vmul.f32 v11, v0;
	v1 =	vadd.f32 v4, v1;
	v2 =	vadd.f32 v2, v56  }
0x684: {  	v3 =	vadd.f32 v3, v23;
	v4 =	vadd.f32 v58, v57  }
0x685: {  	v0 =	vadd.f32 v1, v0;
	v1 =	vadd.f32 v2, v24  }
0x686: {  	s29 =	sor.u32 $0x470, s29;
	v2 =	vadd.f32 v3, v26;
	v3 =	vadd.f32 v4, v28  }
0x687: {  	[tilespmem:s29+$0x10E00] =	vst v0;
	v0 =	vadd.f32 v1, v25  }
0x688: {  	[tilespmem:s6+$0x10E00] =	vst v2;
	v1 =	vadd.f32 v3, v29  }
0x689: {  	[tilespmem:s10+$0x10E00] =	vst v0  }
0x68a: {  	[tilespmem:s4+$0x10E00] =	vst v1  }
0x68b: {  	s31 =	sld [smem:$0x7D4]  }
0x68c: {  	s30 =	simm.s32 $0x0  }
0x68d: {  	s0 =	sand.u32 $0x380, s30  }
0x68e: {  	s1 =	sor.u32 s0, s31  }
0x68f: {  	s0 =	sadd.s32 $0x10E00, s1;
	v0 =	vld [tilespmem:s1+$0x10E00]  }
0x690: {  	v1 =	vld [tilespmem:s0+$0x470]  }
0x691: {  	v2 =	vld [tilespmem:s0+$0x10]  }
0x692: {  	v3 =	vld [tilespmem:s0+$0x20]  }
0x693: {  	v12 =	vld [tilespmem:s0+$0x30]  }
0x694: {  	v59 =	vld [tilespmem:s0+$0x40]  }
0x695: {  	v60 =	vld [tilespmem:s0+$0x50]  }
0x696: {  	v61 =	vld [tilespmem:s0+$0x60]  }
0x697: {  	v62 =	vld [tilespmem:s0+$0x70]  }
0x698: {  	v63 =	vld [tilespmem:s0+$0x400]  }
0x699: {  	v23 =	vld [tilespmem:s0+$0x410];
	v4 =	vadd.f32 v0, v13;
	v0 =	vadd.f32 v1, v14  }
0x69a: {  	v15 =	vadd.f32 v2, v15;
	v11 =	vadd.f32 v3, v17;
	v17 =	vld [tilespmem:s0+$0x420]  }
0x69b: {  	v12 =	vadd.f32 v12, v16;
	v1 =	vadd.f32 v59, v18;
	v16 =	vld [tilespmem:s0+$0x430]  }
0x69c: {  	s2 =	simm.s32 $0x100;
	s1 =	simm.s32 $0x80;
	v13 =	vadd.f32 v60, v19;
	v2 =	vadd.f32 v61, v20;
	v18 =	vld [tilespmem:s0+$0x440]  }
0x69d: {  	s3 =	sand.u32 $0x7800, s2;
	s2 =	simm.s32 $0x200;
	s4 =	sand.u32 $0x380, s1;
	v3 =	vadd.f32 v62, v22;
	v14 =	vadd.f32 v63, v21;
	v19 =	vld [tilespmem:s0+$0x450]  }
.LBB2_19:
0x69e: {  	p0 =	sne.s32 s2, $0x7F00;
	s3 =	sor.u32 s4, s3;
	v5 =	vadd.f32 v23, v5;
	v20 =	vld [tilespmem:s0+$0x460]  }
0x69f: {  	s0 =	sadd.s32 $0x10E00, s3;
	v21 =	vld [tilespmem:s3+$0x10E00];
	v6 =	vadd.f32 v17, v6  }
0x6a0: {  	v17 =	vld [tilespmem:s0+$0x470];
	v7 =	vadd.f32 v16, v7  }
0x6a1: {  	v16 =	vld [tilespmem:s0+$0x10];
	v8 =	vadd.f32 v18, v8  }
0x6a2: {  	v18 =	vld [tilespmem:s0+$0x20];
	v9 =	vadd.f32 v19, v9  }
0x6a3: {  	v19 =	vld [tilespmem:s0+$0x30];
	v10 =	vadd.f32 v20, v10  }
0x6a4: {  	v4 =	vadd.f32 v21, v4;
	v20 =	vld [tilespmem:s0+$0x40]  }
0x6a5: {  	v21 =	vld [tilespmem:s0+$0x50];
	v0 =	vadd.f32 v17, v0  }
0x6a6: {  	v15 =	vadd.f32 v16, v15;
	v16 =	vld [tilespmem:s0+$0x60]  }
0x6a7: {  	v11 =	vadd.f32 v18, v11;
	v18 =	vld [tilespmem:s0+$0x70]  }
0x6a8: {  	v12 =	vadd.f32 v19, v12;
	v19 =	vld [tilespmem:s0+$0x400]  }
.Ltmp9:
0x6a9: {  	v1 =	vadd.f32 v20, v1;
	v23 =	vld [tilespmem:s0+$0x410];
	(pc) =	sbr.rel @p0 .LBB2_19-.Ltmp9, $4  }
0x6aa: {  	v13 =	vadd.f32 v21, v13;
	v17 =	vld [tilespmem:s0+$0x420]  }
0x6ab: {  	v2 =	vadd.f32 v16, v2;
	v16 =	vld [tilespmem:s0+$0x430]  }
0x6ac: {  	s1 =	sadd.s32 $0x80, s1;
	v3 =	vadd.f32 v18, v3;
	v18 =	vld [tilespmem:s0+$0x440]  }
0x6ad: {  	s3 =	sand.u32 $0x7800, s2;
	s4 =	sand.u32 $0x380, s1;
	s2 =	sadd.s32 $0x100, s2;
	v14 =	vadd.f32 v19, v14;
	v19 =	vld [tilespmem:s0+$0x450]  }
0x6ae: {  	s1 =	sor.u32 s4, s3;
	v20 =	vld [tilespmem:s0+$0x460]  }
0x6af: {  	s24 =	sadd.s32 $0x10E00, s1;
	v21 =	vld [tilespmem:s1+$0x10E00]  }
0x6b0: {  	v22 =	vld [tilespmem:s24+$0x470]  }
0x6b1: {  	v24 =	vld [tilespmem:s24+$0x10]  }
0x6b2: {  	v25 =	vld [tilespmem:s24+$0x20]  }
0x6b3: {  	v26 =	vld [tilespmem:s24+$0x30]  }
0x6b4: {  	v27 =	vld [tilespmem:s24+$0x40]  }
0x6b5: {  	v28 =	vld [tilespmem:s24+$0x50]  }
0x6b6: {  	v29 =	vld [tilespmem:s24+$0x60]  }
0x6b7: {  	v30 =	vld [tilespmem:s24+$0x70]  }
0x6b8: {  	v31 =	vld [tilespmem:s24+$0x400]  }
0x6b9: {  	v32 =	vld [tilespmem:s24+$0x410]  }
0x6ba: {  	v33 =	vld [tilespmem:s24+$0x420]  }
0x6bb: {  	s25 =	sld [smem:$0x7FB];
	v34 =	vld [tilespmem:s24+$0x430]  }
0x6bc: {  	v35 =	vld [tilespmem:s24+$0x440]  }
0x6bd: {  	s11 =	simm.s32 $0x0;
	s26 =	simm.s32 $0x10E00;
	s1 =	simm.s32 $0x2;
	v36 =	vld [tilespmem:s24+$0x450]  }
0x6be: {  	v37 =	vld [tilespmem:s24+$0x460];
	[hbm4b:s25+s11] =	stream.linear.scatter [tilespmem:s26], [sflag:$0x2], $0x8000, $0x38  }
0x6bf: {  	_ =	swait.ge [sflag:s1], $0x8000  }
0x6c0: {  	[sflag:s1] =	ssyncset.done $0x0;
	v4 =	vadd.f32 v21, v4  }
0x6c1: {  	[sflag:s1] =	ssyncadd.s32 $0xFFFF8000;
	v15 =	vadd.f32 v24, v15  }
0x6c2: {  	v11 =	vadd.f32 v25, v11;
	[tilespmem:$0x18E00] =	vst v4  }
0x6c3: {  	v54 =	vadd.f32 v26, v12;
	[tilespmem:$0x18E10] =	vst v15  }
0x6c4: {  	v1 =	vadd.f32 v27, v1;
	[tilespmem:$0x18E20] =	vst v11  }
0x6c5: {  	v55 =	vadd.f32 v28, v13;
	[tilespmem:$0x18E30] =	vst v54  }
0x6c6: {  	v2 =	vadd.f32 v29, v2;
	[tilespmem:$0x18E40] =	vst v1  }
0x6c7: {  	v61 =	vadd.f32 v19, v9;
	v3 =	vadd.f32 v30, v3;
	[tilespmem:$0x18E50] =	vst v55  }
0x6c8: {  	v58 =	vadd.f32 v31, v14;
	[tilespmem:$0x18E60] =	vst v2  }
0x6c9: {  	v57 =	vadd.f32 v17, v6;
	v63 =	vadd.f32 v36, v61;
	[tilespmem:$0x18E70] =	vst v3  }
0x6ca: {  	v56 =	vadd.f32 v23, v5;
	v0 =	vadd.f32 v22, v0;
	[tilespmem:$0x18E80] =	vst v58  }
0x6cb: {  	v59 =	vadd.f32 v16, v7;
	v4 =	vadd.f32 v33, v57;
	[tilespmem:$0x18ED0] =	vst v63  }
0x6cc: {  	v60 =	vadd.f32 v18, v8;
	v1 =	vadd.f32 v32, v56;
	[tilespmem:$0x18EF0] =	vst v0  }
0x6cd: {  	v62 =	vadd.f32 v20, v10;
	v2 =	vadd.f32 v34, v59;
	[tilespmem:$0x18EA0] =	vst v4  }
0x6ce: {  	v3 =	vadd.f32 v35, v60;
	[tilespmem:$0x18E90] =	vst v1  }
0x6cf: {  	s28 =	sld [smem:$0x7FC];
	[tilespmem:$0x18EB0] =	vst v2;
	v1 =	vadd.f32 v37, v62  }
0x6d0: {  	[tilespmem:$0x18EC0] =	vst v3  }
0x6d1: {  	s7 =	simm.s32 $0x80;
	s2 =	simm.s32 $0x400;
	s29 =	simm.s32 $0x18E00;
	[tilespmem:$0x18EE0] =	vst v1  }
0x6d2: {  	[hbm4b:s28+s7] =	stream.strided.scatter [tilespmem:s29], [sflag:$0x2], $0x100, s2, s7, $0x38;
	[tilespmem:$0x18F00] =	vst v63  }
0x6d3: {  	_ =	swait.ge [sflag:s1], $0x100  }
0x6d4: {  	s30 =	sld [smem:$0x7EF]  }
0x6d5: {  	s31 =	sld [smem:$0x7FD];
	_ =	sdelay $0x1  }
0x6d6: {  	s2 =	sadd.s32 $0x1, s30  }
0x6d7: {  	p0 =	sne.s32 s2, s31  }
.Ltmp10:
0x6d8: {  	_ = 	snop;
	(pc) =	sbr.rel @p0 .LBB2_1-.Ltmp10, $4  }
.Ltmp11:
0x6d9: {  	_ = 	snop;
	(pc) =	sbr.rel @!p0 .LBB2_21-.Ltmp11, $4  }
0x6da: {  	_ = 	snop  }
0x6db: {  	[sflag:s1] =	ssyncset.done $0x0  }
0x6dc: {  	[sflag:s1] =	ssyncadd.s32 $0xFFFFFF00  }
0x6dd: {  	_ = 	snop  }
.LBB2_4:
0x6de: {  	v15 =	vimm.f32 $0.0e+00  }
.Ltmp12:
0x6df: {  	v13 =	vimm.f32 $0.0e+00;
	v17 =	vimm.f32 $0.0e+00;
	v19 =	vimm.f32 $0.0e+00;
	(pc) =	sbr.rel .LBB2_8-.Ltmp12, $4  }
0x6e0: {  	v18 =	vimm.f32 $0.0e+00;
	v23 =	vimm.f32 $0.0e+00;
	v9 =	vimm.f32 $0.0e+00  }
0x6e1: {  	v14 =	vimm.f32 $0.0e+00;
	v10 =	vimm.f32 $0.0e+00;
	v6 =	vimm.f32 $0.0e+00  }
0x6e2: {  	v16 =	vimm.f32 $0.0e+00;
	v7 =	vimm.f32 $0.0e+00;
	v8 =	vimm.f32 $0.0e+00;
	s5 =	smov.u32 s0  }
0x6e3: {  	v20 =	vimm.f32 $0.0e+00;
	v21 =	vimm.f32 $0.0e+00;
	v22 =	vimm.f32 $0.0e+00;
	p1 =	por $0x0, $0x0;
	s6 =	simm.s32 $0x2;
	s7 =	simm.s32 $0x80  }
.LBB2_6:
.Ltmp13:
0x6e4: {  	(pc) =	sbr.rel .LBB2_8-.Ltmp13, $3  }
0x6e5: {  	_ =	sdelay $0x1  }
0x6e6: {  	v15 =	vimm.f32 $0.0e+00;
	v13 =	vimm.f32 $0.0e+00;
	v17 =	vimm.f32 $0.0e+00  }
0x6e7: {  	v19 =	vimm.f32 $0.0e+00;
	v18 =	vimm.f32 $0.0e+00;
	v23 =	vimm.f32 $0.0e+00  }
.LBB2_21:
0x6e8: {  	_ =	sfence.sel $0x180000  }
0x6e9: {  	[bflag:$0x0] =	sbarrier.arrive $0xFFFF  }
0x6ea: {  	_ =	strace $0x90000047  }
0x6eb: {  	s0 =	stileid.u32;
	[bflag:$0x2] =	sbarrier.arrive $0xFFFF  }
0x6ec: {  	p0 =	sne.s32 s0, $0x0;
	s0 =	rddreg [dreg:$0x8]  }
0x6ed: {  	s0 =	sadd.s32 @!p0 $0x100000, s0  }
0x6ee: {  	[sflag:s0] =	ssyncadd.tile.s32 @!p0 $0x1;
	_ =	shalt  }
.Lfunc_end2:
_tile_overlayer_lowered:
.L_overlay_start_2:
0x6ef: {  	(tag) =	ssettag $0x2  }
0x6f0: {  	s0 =	rddreg [dreg:$0x0];
	s2 =	stileid.u32  }
0x6f1: {  	s1 =	rddreg [dreg:$0x1];
	p0 =	sne.s32 s2, $0x0  }
0x6f2: {  	s3 =	rddreg [dreg:$0x2];
	[bflag:$0x3] =	sbarrier.arrive $0xFFFF;
	s2 =	simm.s32 @!p0 $0x1C02  }
0x6f3: {  	[timem:s3], [sflag:s2] =	dma.local @!p0 [hbm:s0], s1  }
0x6f4: {  	s0 =	simm.s32 @!p0 $0x2  }
0x6f5: {  	_ =	swait.ge @!p0 [sflag:s0], s1  }
0x6f6: {  	s1 =	ssub.s32 @!p0 $0x0, s1;
	[sflag:s0] =	ssyncset.done @!p0 $0x0  }
0x6f7: {  	[sflag:s0] =	ssyncadd.s32 @!p0 s1  }
0x6f8: {  	[bflag:$0x3] =	sbarrier.arrive $0xFFFF  }
0x6f9: {  	_ =	shalt  }

</sc_bundles>
